<compile_context>
chip_gen: v7x
topology: tpu7x:2x2x1
jax: 0.10.2.dev20260603
libtpu: 0.0.44.dev20260713+nightly
codegen_flags: <defaults>
</compile_context>

<pallas_src>
import functools

import jax
import jax.numpy as jnp
from jax import lax
from jax.experimental import pallas as pl
from jax.experimental.pallas import tpu as pltpu
from jax.experimental.pallas import tpu_sc as plsc

N_NODES = 10000
N_EDGES = 320000
D_FEAT = 128
D_HALF = 64
CH = 128
NS = 16
NC = 2
GB = 8
NG = 20
NCHUNK = NG * GB
PER_TILE = NCHUNK * CH
E_PAD = NS * PER_TILE
EP_ROWS = E_PAD // CH
ACC_R = 20480
RZ = ACC_R // NS
DUMMY = 2 * N_NODES
K0G = NG // 2


NBUF = 4


def _sc_layer_body(t_hbm, src_hbm, dstx_hbm, z64_hbm, out_hbm,
                   is2, id2, rows0, rows1, rows2, rows3, acc,
                   sg0, sg1, sg2, sg3, ss0, ss1, ss2, ss3):
    rows = (rows0, rows1, rows2, rows3)
    sem_g = (sg0, sg1, sg2, sg3)
    sem_s = (ss0, ss1, ss2, ss3)

    c = lax.axis_index("c")
    s = lax.axis_index("s")

    pltpu.sync_copy(z64_hbm, rows0)
    r0 = s * RZ
    for j in range(RZ // CH):
        pltpu.sync_copy(rows0, acc.at[pl.ds(r0 + j * CH, CH)])
    plsc.subcore_barrier()

    row_base = s * NCHUNK

    @pl.loop(0, NG)
    def _grp(g):
        rb = row_base + g * GB
        pltpu.sync_copy(src_hbm.at[c, pl.ds(rb, GB)], is2)
        pltpu.sync_copy(dstx_hbm.at[pl.ds(rb, GB)], id2)
        depth = NBUF - 2
        gd = [None] * NBUF
        sd = [None] * NBUF

        def consume(jj):
            bb = jj % NBUF
            gd[bb].wait()
            sd[bb] = pltpu.async_copy(rows[bb], acc.at[id2.at[jj]],
                                      sem_s[bb], add=True)

        for j in range(GB):
            b = j % NBUF
            if sd[b] is not None:
                sd[b].wait()
                sd[b] = None
            gd[b] = pltpu.async_copy(t_hbm.at[is2.at[j]], rows[b], sem_g[b])
            if j >= depth:
                consume(j - depth)
        for jj in range(GB - depth, GB):
            consume(jj)
        for d in sd:
            if d is not None:
                d.wait()

    plsc.subcore_barrier()

    for j in range(RZ // CH):
        sl = pl.ds(r0 + j * CH, CH)
        pltpu.sync_copy(acc.at[sl], rows0)
        pltpu.sync_copy(rows0, out_hbm.at[c, sl])


DEG_ROWS_PER_CORE = EP_ROWS // NC
DEG_RPT = DEG_ROWS_PER_CORE // NS
DEG_NG = DEG_RPT // GB


def _sc_deg_body(dstx_hbm, z16_hbm, ones16_hbm, dg_hbm,
                 id2, degt, onesb, dga):
    c = lax.axis_index("c")
    s = lax.axis_index("s")

    pltpu.sync_copy(z16_hbm, degt)
    pltpu.sync_copy(ones16_hbm, onesb)
    r0 = s * RZ
    for j in range(RZ // CH):
        pltpu.sync_copy(degt, dga.at[pl.ds(r0 + j * CH, CH)])
    plsc.subcore_barrier()

    row_base = c * DEG_ROWS_PER_CORE + s * DEG_RPT

    @pl.loop(0, DEG_NG)
    def _grp(g):
        pltpu.sync_copy(dstx_hbm.at[pl.ds(row_base + g * GB, GB)], id2)
        for j in range(GB):
            pltpu.sync_copy(onesb, dga.at[id2.at[j]], add=True)

    plsc.subcore_barrier()

    for j in range(RZ // CH):
        sl = pl.ds(r0 + j * CH, CH)
        pltpu.sync_copy(dga.at[sl], degt)
        pltpu.sync_copy(degt, dg_hbm.at[c, sl])


@functools.lru_cache(maxsize=None)
def _make_sc_layer():
    mesh = plsc.VectorSubcoreMesh(core_axis_name="c", subcore_axis_name="s")
    out_type = [jax.ShapeDtypeStruct((NC, ACC_R, D_HALF), jnp.float32)]
    scratch = [
        pltpu.VMEM((GB, CH), jnp.int32),
        pltpu.VMEM((GB, CH), jnp.int32),
    ] + [pltpu.VMEM((CH, D_HALF), jnp.float32)] * NBUF + [
        pltpu.VMEM_SHARED((ACC_R, D_HALF), jnp.float32),
    ] + [pltpu.SemaphoreType.DMA] * (2 * NBUF)
    return pl.kernel(
        _sc_layer_body,
        out_type=out_type,
        mesh=mesh,
        scratch_types=scratch,
        compiler_params=pltpu.CompilerParams(use_tc_tiling_on_sc=False),
        name="sc_curv_aggregate",
    )


@functools.lru_cache(maxsize=None)
def _make_sc_deg():
    mesh = plsc.VectorSubcoreMesh(core_axis_name="c", subcore_axis_name="s")
    out_type = [jax.ShapeDtypeStruct((NC, ACC_R, 16), jnp.float32)]
    scratch = [
        pltpu.VMEM((GB, CH), jnp.int32),
        pltpu.VMEM((CH, 16), jnp.float32),
        pltpu.VMEM((CH, 16), jnp.float32),
        pltpu.VMEM_SHARED((ACC_R, 16), jnp.float32),
    ]
    return pl.kernel(
        _sc_deg_body,
        out_type=out_type,
        mesh=mesh,
        scratch_types=scratch,
        compiler_params=pltpu.CompilerParams(use_tc_tiling_on_sc=False),
        name="sc_curv_degree",
    )


R_BLK = 2000
N_BLKS = N_NODES // R_BLK


def _tc_mix_body(a0p, a1p, a0q, a1q, dgp, dgq, Wp, Wn, bp, bn, wv, out):
    degp = jnp.maximum(dgp[:, 0:1], 1.0)
    degn = jnp.maximum(dgq[:, 0:1], 1.0)
    dot = functools.partial(jnp.dot, preferred_element_type=jnp.float32)
    hp = (dot(a0p[...] / degp, Wp[0:D_HALF, :])
          + dot(a1p[...] / degp, Wp[D_HALF:D_FEAT, :]) + bp[0:1, :])
    hn = (dot(a0q[...] / degn, Wn[0:D_HALF, :])
          + dot(a1q[...] / degn, Wn[D_HALF:D_FEAT, :]) + bn[0:1, :])
    out[...] = wv[0, 0] * hp + wv[0, 1] * hn


def _tc_bn_body(h_ref, gamma, beta, ht):
    h = h_ref[...]
    mean = jnp.mean(h, axis=0, keepdims=True)
    var = jnp.mean((h - mean) * (h - mean), axis=0, keepdims=True)
    h = (h - mean) * lax.rsqrt(var + 1e-5) * gamma[0:1, :] + beta[0:1, :]
    h = jnp.maximum(h, 0.0)
    ht[0, :, :] = h[:, 0:D_HALF]
    ht[1, :, :] = h[:, D_HALF:D_FEAT]


def _mk_mix():
    pblk = lambda: pl.BlockSpec((R_BLK, D_HALF), lambda k: (k, 0))
    qblk = lambda: pl.BlockSpec((R_BLK, D_HALF), lambda k: (k + N_BLKS, 0))
    wblk = lambda r, c: pl.BlockSpec((r, c), lambda k: (0, 0))
    return pl.pallas_call(
        _tc_mix_body,
        grid=(N_BLKS,),
        in_specs=[
            pblk(), pblk(), qblk(), qblk(),
            pl.BlockSpec((R_BLK, 16), lambda k: (k, 0)),
            pl.BlockSpec((R_BLK, 16), lambda k: (k + N_BLKS, 0)),
            wblk(D_FEAT, D_FEAT), wblk(D_FEAT, D_FEAT),
            wblk(1, D_FEAT), wblk(1, D_FEAT), wblk(1, 2),
        ],
        out_specs=pl.BlockSpec((R_BLK, D_FEAT), lambda k: (k, 0)),
        out_shape=jax.ShapeDtypeStruct((N_NODES, D_FEAT), jnp.float32),
    )


_tc_mix = _mk_mix()

_tc_bn = pl.pallas_call(
    _tc_bn_body,
    out_shape=jax.ShapeDtypeStruct((2, N_NODES, D_HALF), jnp.float32),
)


def kernel(x, edge_index, edge_curvature, edge_attr, W_pos0, b_pos0, W_neg0,
           b_neg0, W_pos1, b_pos1, W_neg1, b_neg1, cw0, cw1, bn_gamma,
           bn_beta):
    n = N_NODES
    src = edge_index[0].astype(jnp.int32)
    dst = edge_index[1].astype(jnp.int32)
    pos = edge_curvature > 0
    neg = edge_curvature < 0
    dstx = jnp.where(pos, dst, jnp.where(neg, dst + n, DUMMY))
    pad = E_PAD - N_EDGES
    src_p = jnp.concatenate([src, jnp.zeros((pad,), jnp.int32)])
    dstx_p = jnp.concatenate([dstx, jnp.full((pad,), DUMMY, jnp.int32)])
    src2 = jnp.stack([src_p, src_p + n]).reshape(NC, EP_ROWS, CH)
    dstx2 = dstx_p.reshape(EP_ROWS, CH)
    t0 = jnp.concatenate([x[:, :D_HALF], x[:, D_HALF:]], axis=0)

    z64 = jnp.zeros((CH, D_HALF), jnp.float32)
    z16 = jnp.zeros((CH, 16), jnp.float32)
    ones16 = z16.at[:, 0].set(1.0)

    (dg,) = _make_sc_deg()(dstx2, z16, ones16)
    (acc,) = _make_sc_layer()(t0, src2, dstx2, z64)
    dgs = dg[0] + dg[1]

    w0 = jax.nn.softmax(cw0).reshape(1, 2)
    w1 = jax.nn.softmax(cw1).reshape(1, 2)
    r1 = lambda v: v.reshape(1, -1)

    hpre = _tc_mix(acc[0], acc[1], acc[0], acc[1], dgs, dgs, W_pos0, W_neg0,
                   r1(b_pos0), r1(b_neg0), w0)
    ht = _tc_bn(hpre, r1(bn_gamma), r1(bn_beta)).reshape(2 * n, D_HALF)

    (acc1,) = _make_sc_layer()(ht, src2, dstx2, z64)

    out = _tc_mix(acc1[0], acc1[1], acc1[0], acc1[1], dgs, dgs, W_pos1,
                  W_neg1, r1(b_pos1), r1(b_neg1), w1)
    return out

# --- scband reference (transcript-rebuilt; emitter-appended) ---
"""Pipeline reference for scband-adaptive-curvature-gnn-30932354466365 (READ-ONLY COPY).

The authoritative reference and input builder live on the scoring server;
editing this copy changes nothing except your own understanding.
"""

import jax, jax.numpy as jnp
import numpy as np

N, E, D, H, O = 10000, 320000, 128, 128, 128

def setup_inputs(seed: int = 0):
    key = jax.random.key(seed)
    ks = jax.random.split(key, 12)
    x = jax.random.normal(ks[0], (N, D), dtype=jnp.float32)
    edge_index = jax.random.randint(ks[1], (2, E), 0, N).astype(jnp.int64)
    edge_curvature = jax.random.normal(ks[2], (E,), dtype=jnp.float32)
    edge_attr = jax.random.normal(ks[3], (E, 4), dtype=jnp.float32)
    def lin(k, i, o):
        return jax.random.normal(k, (i, o), dtype=jnp.float32) / np.sqrt(i)
    return {
        "x": x,
        "edge_index": edge_index,
        "edge_curvature": edge_curvature,
        "edge_attr": edge_attr,
        "W_pos0": lin(ks[4], D, H), "b_pos0": jnp.zeros((H,), jnp.float32),
        "W_neg0": lin(ks[5], D, H), "b_neg0": jnp.zeros((H,), jnp.float32),
        "W_pos1": lin(ks[6], H, O), "b_pos1": jnp.zeros((O,), jnp.float32),
        "W_neg1": lin(ks[7], H, O), "b_neg1": jnp.zeros((O,), jnp.float32),
        "cw0": jnp.array([0.5, 0.5], jnp.float32),
        "cw1": jnp.array([0.5, 0.5], jnp.float32),
        "bn_gamma": jnp.ones((H,), jnp.float32),
        "bn_beta": jnp.zeros((H,), jnp.float32),
    }

def reference(x, edge_index, edge_curvature, edge_attr, W_pos0, b_pos0, W_neg0, b_neg0, W_pos1, b_pos1, W_neg1, b_neg1, cw0, cw1, bn_gamma, bn_beta):
    src = edge_index[0]
    dst = edge_index[1]
    n = x.shape[0]

    def conv(h, W, b, mask):
        # curvature-constrained one-hop message passing: gather src feats,
        # mask edges by curvature sign, scatter-add to dst, degree-normalize, linear
        msg = h[src] * mask[:, None]
        agg = jnp.zeros((n, h.shape[1]), dtype=h.dtype).at[dst].add(msg)
        deg = jnp.zeros((n,), dtype=h.dtype).at[dst].add(mask)
        agg = agg / jnp.maximum(deg, 1.0)[:, None]
        return agg @ W + b

    pos_mask = (edge_curvature > 0).astype(x.dtype)
    neg_mask = (edge_curvature < 0).astype(x.dtype)

    # layer 0
    xp = conv(x, W_pos0, b_pos0, pos_mask)
    xn = conv(x, W_neg0, b_neg0, neg_mask)
    w = jax.nn.softmax(cw0)
    h = w[0] * xp + w[1] * xn
    # batch norm (training-mode batch statistics)
    mean = h.mean(axis=0)
    var = h.var(axis=0)
    h = (h - mean) / jnp.sqrt(var + 1e-5) * bn_gamma + bn_beta
    h = jax.nn.relu(h)
    # dropout is identity in eval mode

    # layer 1
    xp = conv(h, W_pos1, b_pos1, pos_mask)
    xn = conv(h, W_neg1, b_neg1, neg_mask)
    w = jax.nn.softmax(cw1)
    out = w[0] * xp + w[1] * xn
    return out

if __name__ == "__main__":
    import jax
    _d = setup_inputs()
    print(jax.jit(kernel)(*tuple(_d.values())))

</pallas_src>

<mosaic_0001>
#map = affine_map<(d0, d1) -> (0, 0)>
#map1 = affine_map<(d0, d1) -> (0, 0, 0)>
module attributes {stable_mosaic.version = 14 : i64} {
  func.func @sc_curv_degree(%arg0: i32, %arg1: i32, %arg2: memref<2560x128xi32, #tpu.memory_space<hbm>>, %arg3: memref<128x16xf32, #tpu.memory_space<hbm>>, %arg4: memref<128x16xf32, #tpu.memory_space<hbm>>, %arg5: memref<2x20480x16xf32, #tpu.memory_space<hbm>>, %arg6: memref<8x128xi32, #tpu.memory_space<vmem>>, %arg7: memref<128x16xf32, #tpu.memory_space<vmem>>, %arg8: memref<128x16xf32, #tpu.memory_space<vmem>>, %arg9: memref<20480x16xf32, #tpu.memory_space<vmem_shared>>) attributes {dimension_semantics = [#tpu.dimension_semantics<core_parallel>, #tpu.dimension_semantics<subcore_parallel>], iteration_bounds = array<i64: 2, 16>, scalar_prefetch = 0 : i64, scratch_operands = 4 : i64, tpu.core_type = #tpu.core_type<sc_vector_subcore>, window_params = [{transform_indices = #map}, {transform_indices = #map}, {transform_indices = #map}, {transform_indices = #map1}]} {
    "tpu.region"() ({
      %run_scoped3A = tpu.sem_alloc : memref<!tpu.dma_semaphore, #tpu.memory_space<semaphore_mem>>
      tpu.enqueue_dma source(%arg3 : memref<128x16xf32, #tpu.memory_space<hbm>>) target(%arg7 : memref<128x16xf32, #tpu.memory_space<vmem>>) target_semaphore(%run_scoped3A : memref<!tpu.dma_semaphore, #tpu.memory_space<semaphore_mem>>)
      tpu.wait_dma2 semaphore(%run_scoped3A : memref<!tpu.dma_semaphore, #tpu.memory_space<semaphore_mem>>) src(%arg3 : memref<128x16xf32, #tpu.memory_space<hbm>>) dst(%arg7 : memref<128x16xf32, #tpu.memory_space<vmem>>)
      tpu.yield
    }) : () -> ()
    "tpu.region"() ({
      %run_scoped3A = tpu.sem_alloc : memref<!tpu.dma_semaphore, #tpu.memory_space<semaphore_mem>>
      tpu.enqueue_dma source(%arg4 : memref<128x16xf32, #tpu.memory_space<hbm>>) target(%arg8 : memref<128x16xf32, #tpu.memory_space<vmem>>) target_semaphore(%run_scoped3A : memref<!tpu.dma_semaphore, #tpu.memory_space<semaphore_mem>>)
      tpu.wait_dma2 semaphore(%run_scoped3A : memref<!tpu.dma_semaphore, #tpu.memory_space<semaphore_mem>>) src(%arg4 : memref<128x16xf32, #tpu.memory_space<hbm>>) dst(%arg8 : memref<128x16xf32, #tpu.memory_space<vmem>>)
      tpu.yield
    }) : () -> ()
    %mul3A = arith.constant 1280 : i32
    %mul3A_0 = arith.muli %arg1, %mul3A : i32
    %add3A = arith.constant 0 : i32
    %add3A_1 = arith.addi %mul3A_0, %add3A : i32
    "tpu.region"() ({
      %run_scoped3A = tpu.sem_alloc : memref<!tpu.dma_semaphore, #tpu.memory_space<semaphore_mem>>
      %dma_start3A = arith.constant 0 : i32
      %dma_start3A_50 = tpu.memref_slice %arg9[%add3A_1, %dma_start3A] : memref<20480x16xf32, #tpu.memory_space<vmem_shared>> -> memref<128x16xf32, #tpu.memory_space<vmem_shared>>
      %dma_start3A_51 = arith.constant 0 : i32
      %dma_start3A_52 = tpu.memref_slice %arg9[%add3A_1, %dma_start3A_51] : memref<20480x16xf32, #tpu.memory_space<vmem_shared>> -> memref<128x16xf32, #tpu.memory_space<vmem_shared>>
      tpu.enqueue_dma source(%arg7 : memref<128x16xf32, #tpu.memory_space<vmem>>) target(%dma_start3A_52 : memref<128x16xf32, #tpu.memory_space<vmem_shared>>) target_semaphore(%run_scoped3A : memref<!tpu.dma_semaphore, #tpu.memory_space<semaphore_mem>>)
      %dma_wait3A = arith.constant 0 : i32
      %dma_wait3A_53 = tpu.memref_slice %arg9[%add3A_1, %dma_wait3A] : memref<20480x16xf32, #tpu.memory_space<vmem_shared>> -> memref<128x16xf32, #tpu.memory_space<vmem_shared>>
      %dma_wait3A_54 = arith.constant 0 : i32
      %dma_wait3A_55 = tpu.memref_slice %arg9[%add3A_1, %dma_wait3A_54] : memref<20480x16xf32, #tpu.memory_space<vmem_shared>> -> memref<128x16xf32, #tpu.memory_space<vmem_shared>>
      tpu.wait_dma2 semaphore(%run_scoped3A : memref<!tpu.dma_semaphore, #tpu.memory_space<semaphore_mem>>) src(%arg7 : memref<128x16xf32, #tpu.memory_space<vmem>>) dst(%dma_wait3A_55 : memref<128x16xf32, #tpu.memory_space<vmem_shared>>)
      tpu.yield
    }) : () -> ()
    %add3A_2 = arith.constant 128 : i32
    %add3A_3 = arith.addi %mul3A_0, %add3A_2 : i32
    "tpu.region"() ({
      %run_scoped3A = tpu.sem_alloc : memref<!tpu.dma_semaphore, #tpu.memory_space<semaphore_mem>>
      %dma_start3A = arith.constant 0 : i32
      %dma_start3A_50 = tpu.memref_slice %arg9[%add3A_3, %dma_start3A] : memref<20480x16xf32, #tpu.memory_space<vmem_shared>> -> memref<128x16xf32, #tpu.memory_space<vmem_shared>>
      %dma_start3A_51 = arith.constant 0 : i32
      %dma_start3A_52 = tpu.memref_slice %arg9[%add3A_3, %dma_start3A_51] : memref<20480x16xf32, #tpu.memory_space<vmem_shared>> -> memref<128x16xf32, #tpu.memory_space<vmem_shared>>
      tpu.enqueue_dma source(%arg7 : memref<128x16xf32, #tpu.memory_space<vmem>>) target(%dma_start3A_52 : memref<128x16xf32, #tpu.memory_space<vmem_shared>>) target_semaphore(%run_scoped3A : memref<!tpu.dma_semaphore, #tpu.memory_space<semaphore_mem>>)
      %dma_wait3A = arith.constant 0 : i32
      %dma_wait3A_53 = tpu.memref_slice %arg9[%add3A_3, %dma_wait3A] : memref<20480x16xf32, #tpu.memory_space<vmem_shared>> -> memref<128x16xf32, #tpu.memory_space<vmem_shared>>
      %dma_wait3A_54 = arith.constant 0 : i32
      %dma_wait3A_55 = tpu.memref_slice %arg9[%add3A_3, %dma_wait3A_54] : memref<20480x16xf32, #tpu.memory_space<vmem_shared>> -> memref<128x16xf32, #tpu.memory_space<vmem_shared>>
      tpu.wait_dma2 semaphore(%run_scoped3A : memref<!tpu.dma_semaphore, #tpu.memory_space<semaphore_mem>>) src(%arg7 : memref<128x16xf32, #tpu.memory_space<vmem>>) dst(%dma_wait3A_55 : memref<128x16xf32, #tpu.memory_space<vmem_shared>>)
      tpu.yield
    }) : () -> ()
    %add3A_4 = arith.constant 256 : i32
    %add3A_5 = arith.addi %mul3A_0, %add3A_4 : i32
    "tpu.region"() ({
      %run_scoped3A = tpu.sem_alloc : memref<!tpu.dma_semaphore, #tpu.memory_space<semaphore_mem>>
      %dma_start3A = arith.constant 0 : i32
      %dma_start3A_50 = tpu.memref_slice %arg9[%add3A_5, %dma_start3A] : memref<20480x16xf32, #tpu.memory_space<vmem_shared>> -> memref<128x16xf32, #tpu.memory_space<vmem_shared>>
      %dma_start3A_51 = arith.constant 0 : i32
      %dma_start3A_52 = tpu.memref_slice %arg9[%add3A_5, %dma_start3A_51] : memref<20480x16xf32, #tpu.memory_space<vmem_shared>> -> memref<128x16xf32, #tpu.memory_space<vmem_shared>>
      tpu.enqueue_dma source(%arg7 : memref<128x16xf32, #tpu.memory_space<vmem>>) target(%dma_start3A_52 : memref<128x16xf32, #tpu.memory_space<vmem_shared>>) target_semaphore(%run_scoped3A : memref<!tpu.dma_semaphore, #tpu.memory_space<semaphore_mem>>)
      %dma_wait3A = arith.constant 0 : i32
      %dma_wait3A_53 = tpu.memref_slice %arg9[%add3A_5, %dma_wait3A] : memref<20480x16xf32, #tpu.memory_space<vmem_shared>> -> memref<128x16xf32, #tpu.memory_space<vmem_shared>>
      %dma_wait3A_54 = arith.constant 0 : i32
      %dma_wait3A_55 = tpu.memref_slice %arg9[%add3A_5, %dma_wait3A_54] : memref<20480x16xf32, #tpu.memory_space<vmem_shared>> -> memref<128x16xf32, #tpu.memory_space<vmem_shared>>
      tpu.wait_dma2 semaphore(%run_scoped3A : memref<!tpu.dma_semaphore, #tpu.memory_space<semaphore_mem>>) src(%arg7 : memref<128x16xf32, #tpu.memory_space<vmem>>) dst(%dma_wait3A_55 : memref<128x16xf32, #tpu.memory_space<vmem_shared>>)
      tpu.yield
    }) : () -> ()
    %add3A_6 = arith.constant 384 : i32
    %add3A_7 = arith.addi %mul3A_0, %add3A_6 : i32
    "tpu.region"() ({
      %run_scoped3A = tpu.sem_alloc : memref<!tpu.dma_semaphore, #tpu.memory_space<semaphore_mem>>
      %dma_start3A = arith.constant 0 : i32
      %dma_start3A_50 = tpu.memref_slice %arg9[%add3A_7, %dma_start3A] : memref<20480x16xf32, #tpu.memory_space<vmem_shared>> -> memref<128x16xf32, #tpu.memory_space<vmem_shared>>
      %dma_start3A_51 = arith.constant 0 : i32
      %dma_start3A_52 = tpu.memref_slice %arg9[%add3A_7, %dma_start3A_51] : memref<20480x16xf32, #tpu.memory_space<vmem_shared>> -> memref<128x16xf32, #tpu.memory_space<vmem_shared>>
      tpu.enqueue_dma source(%arg7 : memref<128x16xf32, #tpu.memory_space<vmem>>) target(%dma_start3A_52 : memref<128x16xf32, #tpu.memory_space<vmem_shared>>) target_semaphore(%run_scoped3A : memref<!tpu.dma_semaphore, #tpu.memory_space<semaphore_mem>>)
      %dma_wait3A = arith.constant 0 : i32
      %dma_wait3A_53 = tpu.memref_slice %arg9[%add3A_7, %dma_wait3A] : memref<20480x16xf32, #tpu.memory_space<vmem_shared>> -> memref<128x16xf32, #tpu.memory_space<vmem_shared>>
      %dma_wait3A_54 = arith.constant 0 : i32
      %dma_wait3A_55 = tpu.memref_slice %arg9[%add3A_7, %dma_wait3A_54] : memref<20480x16xf32, #tpu.memory_space<vmem_shared>> -> memref<128x16xf32, #tpu.memory_space<vmem_shared>>
      tpu.wait_dma2 semaphore(%run_scoped3A : memref<!tpu.dma_semaphore, #tpu.memory_space<semaphore_mem>>) src(%arg7 : memref<128x16xf32, #tpu.memory_space<vmem>>) dst(%dma_wait3A_55 : memref<128x16xf32, #tpu.memory_space<vmem_shared>>)
      tpu.yield
    }) : () -> ()
    %add3A_8 = arith.constant 512 : i32
    %add3A_9 = arith.addi %mul3A_0, %add3A_8 : i32
    "tpu.region"() ({
      %run_scoped3A = tpu.sem_alloc : memref<!tpu.dma_semaphore, #tpu.memory_space<semaphore_mem>>
      %dma_start3A = arith.constant 0 : i32
      %dma_start3A_50 = tpu.memref_slice %arg9[%add3A_9, %dma_start3A] : memref<20480x16xf32, #tpu.memory_space<vmem_shared>> -> memref<128x16xf32, #tpu.memory_space<vmem_shared>>
      %dma_start3A_51 = arith.constant 0 : i32
      %dma_start3A_52 = tpu.memref_slice %arg9[%add3A_9, %dma_start3A_51] : memref<20480x16xf32, #tpu.memory_space<vmem_shared>> -> memref<128x16xf32, #tpu.memory_space<vmem_shared>>
      tpu.enqueue_dma source(%arg7 : memref<128x16xf32, #tpu.memory_space<vmem>>) target(%dma_start3A_52 : memref<128x16xf32, #tpu.memory_space<vmem_shared>>) target_semaphore(%run_scoped3A : memref<!tpu.dma_semaphore, #tpu.memory_space<semaphore_mem>>)
      %dma_wait3A = arith.constant 0 : i32
      %dma_wait3A_53 = tpu.memref_slice %arg9[%add3A_9, %dma_wait3A] : memref<20480x16xf32, #tpu.memory_space<vmem_shared>> -> memref<128x16xf32, #tpu.memory_space<vmem_shared>>
      %dma_wait3A_54 = arith.constant 0 : i32
      %dma_wait3A_55 = tpu.memref_slice %arg9[%add3A_9, %dma_wait3A_54] : memref<20480x16xf32, #tpu.memory_space<vmem_shared>> -> memref<128x16xf32, #tpu.memory_space<vmem_shared>>
      tpu.wait_dma2 semaphore(%run_scoped3A : memref<!tpu.dma_semaphore, #tpu.memory_space<semaphore_mem>>) src(%arg7 : memref<128x16xf32, #tpu.memory_space<vmem>>) dst(%dma_wait3A_55 : memref<128x16xf32, #tpu.memory_space<vmem_shared>>)
      tpu.yield
    }) : () -> ()
    %add3A_10 = arith.constant 640 : i32
    %add3A_11 = arith.addi %mul3A_0, %add3A_10 : i32
    "tpu.region"() ({
      %run_scoped3A = tpu.sem_alloc : memref<!tpu.dma_semaphore, #tpu.memory_space<semaphore_mem>>
      %dma_start3A = arith.constant 0 : i32
      %dma_start3A_50 = tpu.memref_slice %arg9[%add3A_11, %dma_start3A] : memref<20480x16xf32, #tpu.memory_space<vmem_shared>> -> memref<128x16xf32, #tpu.memory_space<vmem_shared>>
      %dma_start3A_51 = arith.constant 0 : i32
      %dma_start3A_52 = tpu.memref_slice %arg9[%add3A_11, %dma_start3A_51] : memref<20480x16xf32, #tpu.memory_space<vmem_shared>> -> memref<128x16xf32, #tpu.memory_space<vmem_shared>>
      tpu.enqueue_dma source(%arg7 : memref<128x16xf32, #tpu.memory_space<vmem>>) target(%dma_start3A_52 : memref<128x16xf32, #tpu.memory_space<vmem_shared>>) target_semaphore(%run_scoped3A : memref<!tpu.dma_semaphore, #tpu.memory_space<semaphore_mem>>)
      %dma_wait3A = arith.constant 0 : i32
      %dma_wait3A_53 = tpu.memref_slice %arg9[%add3A_11, %dma_wait3A] : memref<20480x16xf32, #tpu.memory_space<vmem_shared>> -> memref<128x16xf32, #tpu.memory_space<vmem_shared>>
      %dma_wait3A_54 = arith.constant 0 : i32
      %dma_wait3A_55 = tpu.memref_slice %arg9[%add3A_11, %dma_wait3A_54] : memref<20480x16xf32, #tpu.memory_space<vmem_shared>> -> memref<128x16xf32, #tpu.memory_space<vmem_shared>>
      tpu.wait_dma2 semaphore(%run_scoped3A : memref<!tpu.dma_semaphore, #tpu.memory_space<semaphore_mem>>) src(%arg7 : memref<128x16xf32, #tpu.memory_space<vmem>>) dst(%dma_wait3A_55 : memref<128x16xf32, #tpu.memory_space<vmem_shared>>)
      tpu.yield
    }) : () -> ()
    %add3A_12 = arith.constant 768 : i32
    %add3A_13 = arith.addi %mul3A_0, %add3A_12 : i32
    "tpu.region"() ({
      %run_scoped3A = tpu.sem_alloc : memref<!tpu.dma_semaphore, #tpu.memory_space<semaphore_mem>>
      %dma_start3A = arith.constant 0 : i32
      %dma_start3A_50 = tpu.memref_slice %arg9[%add3A_13, %dma_start3A] : memref<20480x16xf32, #tpu.memory_space<vmem_shared>> -> memref<128x16xf32, #tpu.memory_space<vmem_shared>>
      %dma_start3A_51 = arith.constant 0 : i32
      %dma_start3A_52 = tpu.memref_slice %arg9[%add3A_13, %dma_start3A_51] : memref<20480x16xf32, #tpu.memory_space<vmem_shared>> -> memref<128x16xf32, #tpu.memory_space<vmem_shared>>
      tpu.enqueue_dma source(%arg7 : memref<128x16xf32, #tpu.memory_space<vmem>>) target(%dma_start3A_52 : memref<128x16xf32, #tpu.memory_space<vmem_shared>>) target_semaphore(%run_scoped3A : memref<!tpu.dma_semaphore, #tpu.memory_space<semaphore_mem>>)
      %dma_wait3A = arith.constant 0 : i32
      %dma_wait3A_53 = tpu.memref_slice %arg9[%add3A_13, %dma_wait3A] : memref<20480x16xf32, #tpu.memory_space<vmem_shared>> -> memref<128x16xf32, #tpu.memory_space<vmem_shared>>
      %dma_wait3A_54 = arith.constant 0 : i32
      %dma_wait3A_55 = tpu.memref_slice %arg9[%add3A_13, %dma_wait3A_54] : memref<20480x16xf32, #tpu.memory_space<vmem_shared>> -> memref<128x16xf32, #tpu.memory_space<vmem_shared>>
      tpu.wait_dma2 semaphore(%run_scoped3A : memref<!tpu.dma_semaphore, #tpu.memory_space<semaphore_mem>>) src(%arg7 : memref<128x16xf32, #tpu.memory_space<vmem>>) dst(%dma_wait3A_55 : memref<128x16xf32, #tpu.memory_space<vmem_shared>>)
      tpu.yield
    }) : () -> ()
    %add3A_14 = arith.constant 896 : i32
    %add3A_15 = arith.addi %mul3A_0, %add3A_14 : i32
    "tpu.region"() ({
      %run_scoped3A = tpu.sem_alloc : memref<!tpu.dma_semaphore, #tpu.memory_space<semaphore_mem>>
      %dma_start3A = arith.constant 0 : i32
      %dma_start3A_50 = tpu.memref_slice %arg9[%add3A_15, %dma_start3A] : memref<20480x16xf32, #tpu.memory_space<vmem_shared>> -> memref<128x16xf32, #tpu.memory_space<vmem_shared>>
      %dma_start3A_51 = arith.constant 0 : i32
      %dma_start3A_52 = tpu.memref_slice %arg9[%add3A_15, %dma_start3A_51] : memref<20480x16xf32, #tpu.memory_space<vmem_shared>> -> memref<128x16xf32, #tpu.memory_space<vmem_shared>>
      tpu.enqueue_dma source(%arg7 : memref<128x16xf32, #tpu.memory_space<vmem>>) target(%dma_start3A_52 : memref<128x16xf32, #tpu.memory_space<vmem_shared>>) target_semaphore(%run_scoped3A : memref<!tpu.dma_semaphore, #tpu.memory_space<semaphore_mem>>)
      %dma_wait3A = arith.constant 0 : i32
      %dma_wait3A_53 = tpu.memref_slice %arg9[%add3A_15, %dma_wait3A] : memref<20480x16xf32, #tpu.memory_space<vmem_shared>> -> memref<128x16xf32, #tpu.memory_space<vmem_shared>>
      %dma_wait3A_54 = arith.constant 0 : i32
      %dma_wait3A_55 = tpu.memref_slice %arg9[%add3A_15, %dma_wait3A_54] : memref<20480x16xf32, #tpu.memory_space<vmem_shared>> -> memref<128x16xf32, #tpu.memory_space<vmem_shared>>
      tpu.wait_dma2 semaphore(%run_scoped3A : memref<!tpu.dma_semaphore, #tpu.memory_space<semaphore_mem>>) src(%arg7 : memref<128x16xf32, #tpu.memory_space<vmem>>) dst(%dma_wait3A_55 : memref<128x16xf32, #tpu.memory_space<vmem_shared>>)
      tpu.yield
    }) : () -> ()
    %add3A_16 = arith.constant 1024 : i32
    %add3A_17 = arith.addi %mul3A_0, %add3A_16 : i32
    "tpu.region"() ({
      %run_scoped3A = tpu.sem_alloc : memref<!tpu.dma_semaphore, #tpu.memory_space<semaphore_mem>>
      %dma_start3A = arith.constant 0 : i32
      %dma_start3A_50 = tpu.memref_slice %arg9[%add3A_17, %dma_start3A] : memref<20480x16xf32, #tpu.memory_space<vmem_shared>> -> memref<128x16xf32, #tpu.memory_space<vmem_shared>>
      %dma_start3A_51 = arith.constant 0 : i32
      %dma_start3A_52 = tpu.memref_slice %arg9[%add3A_17, %dma_start3A_51] : memref<20480x16xf32, #tpu.memory_space<vmem_shared>> -> memref<128x16xf32, #tpu.memory_space<vmem_shared>>
      tpu.enqueue_dma source(%arg7 : memref<128x16xf32, #tpu.memory_space<vmem>>) target(%dma_start3A_52 : memref<128x16xf32, #tpu.memory_space<vmem_shared>>) target_semaphore(%run_scoped3A : memref<!tpu.dma_semaphore, #tpu.memory_space<semaphore_mem>>)
      %dma_wait3A = arith.constant 0 : i32
      %dma_wait3A_53 = tpu.memref_slice %arg9[%add3A_17, %dma_wait3A] : memref<20480x16xf32, #tpu.memory_space<vmem_shared>> -> memref<128x16xf32, #tpu.memory_space<vmem_shared>>
      %dma_wait3A_54 = arith.constant 0 : i32
      %dma_wait3A_55 = tpu.memref_slice %arg9[%add3A_17, %dma_wait3A_54] : memref<20480x16xf32, #tpu.memory_space<vmem_shared>> -> memref<128x16xf32, #tpu.memory_space<vmem_shared>>
      tpu.wait_dma2 semaphore(%run_scoped3A : memref<!tpu.dma_semaphore, #tpu.memory_space<semaphore_mem>>) src(%arg7 : memref<128x16xf32, #tpu.memory_space<vmem>>) dst(%dma_wait3A_55 : memref<128x16xf32, #tpu.memory_space<vmem_shared>>)
      tpu.yield
    }) : () -> ()
    %add3A_18 = arith.constant 1152 : i32
    %add3A_19 = arith.addi %mul3A_0, %add3A_18 : i32
    "tpu.region"() ({
      %run_scoped3A = tpu.sem_alloc : memref<!tpu.dma_semaphore, #tpu.memory_space<semaphore_mem>>
      %dma_start3A = arith.constant 0 : i32
      %dma_start3A_50 = tpu.memref_slice %arg9[%add3A_19, %dma_start3A] : memref<20480x16xf32, #tpu.memory_space<vmem_shared>> -> memref<128x16xf32, #tpu.memory_space<vmem_shared>>
      %dma_start3A_51 = arith.constant 0 : i32
      %dma_start3A_52 = tpu.memref_slice %arg9[%add3A_19, %dma_start3A_51] : memref<20480x16xf32, #tpu.memory_space<vmem_shared>> -> memref<128x16xf32, #tpu.memory_space<vmem_shared>>
      tpu.enqueue_dma source(%arg7 : memref<128x16xf32, #tpu.memory_space<vmem>>) target(%dma_start3A_52 : memref<128x16xf32, #tpu.memory_space<vmem_shared>>) target_semaphore(%run_scoped3A : memref<!tpu.dma_semaphore, #tpu.memory_space<semaphore_mem>>)
      %dma_wait3A = arith.constant 0 : i32
      %dma_wait3A_53 = tpu.memref_slice %arg9[%add3A_19, %dma_wait3A] : memref<20480x16xf32, #tpu.memory_space<vmem_shared>> -> memref<128x16xf32, #tpu.memory_space<vmem_shared>>
      %dma_wait3A_54 = arith.constant 0 : i32
      %dma_wait3A_55 = tpu.memref_slice %arg9[%add3A_19, %dma_wait3A_54] : memref<20480x16xf32, #tpu.memory_space<vmem_shared>> -> memref<128x16xf32, #tpu.memory_space<vmem_shared>>
      tpu.wait_dma2 semaphore(%run_scoped3A : memref<!tpu.dma_semaphore, #tpu.memory_space<semaphore_mem>>) src(%arg7 : memref<128x16xf32, #tpu.memory_space<vmem>>) dst(%dma_wait3A_55 : memref<128x16xf32, #tpu.memory_space<vmem_shared>>)
      tpu.yield
    }) : () -> ()
    %barrier3A = arith.constant 0 : index
    tpu.barrier barrier_id(%barrier3A)
    %mul3A_20 = arith.constant 1280 : i32
    %mul3A_21 = arith.muli %arg0, %mul3A_20 : i32
    %mul3A_22 = arith.constant 80 : i32
    %mul3A_23 = arith.muli %arg1, %mul3A_22 : i32
    %add3A_24 = arith.addi %mul3A_21, %mul3A_23 : i32
    %scan3A = arith.constant 0 : i32
    %scan3A_25 = arith.constant 10 : i32
    %scan3A_26 = arith.addi %scan3A, %scan3A_25 : i32
    %scan3A_27 = arith.constant 1 : i32
    scf.for %scan3A_50 = %scan3A to %scan3A_26 step %scan3A_27  : i32 {
      %mul3A_51 = arith.constant 1 : i32
      %mul3A_52 = arith.muli %scan3A_50, %mul3A_51 : i32
      %add3A_53 = arith.constant 0 : i32
      %add3A_54 = arith.addi %add3A_53, %mul3A_52 : i32
      %mul3A_55 = arith.constant 8 : i32
      %mul3A_56 = arith.muli %add3A_54, %mul3A_55 : i32
      %add3A_57 = arith.addi %add3A_24, %mul3A_56 : i32
      "tpu.region"() ({
        %run_scoped3A_65 = tpu.sem_alloc : memref<!tpu.dma_semaphore, #tpu.memory_space<semaphore_mem>>
        %dma_start3A = arith.constant 0 : i32
        %dma_start3A_66 = tpu.memref_slice %arg2[%add3A_57, %dma_start3A] : memref<2560x128xi32, #tpu.memory_space<hbm>> -> memref<8x128xi32, #tpu.memory_space<hbm>>
        %dma_start3A_67 = arith.constant 0 : i32
        %dma_start3A_68 = tpu.memref_slice %arg2[%add3A_57, %dma_start3A_67] : memref<2560x128xi32, #tpu.memory_space<hbm>> -> memref<8x128xi32, #tpu.memory_space<hbm>>
        tpu.enqueue_dma source(%dma_start3A_68 : memref<8x128xi32, #tpu.memory_space<hbm>>) target(%arg6 : memref<8x128xi32, #tpu.memory_space<vmem>>) target_semaphore(%run_scoped3A_65 : memref<!tpu.dma_semaphore, #tpu.memory_space<semaphore_mem>>)
        %dma_wait3A = arith.constant 0 : i32
        %dma_wait3A_69 = tpu.memref_slice %arg2[%add3A_57, %dma_wait3A] : memref<2560x128xi32, #tpu.memory_space<hbm>> -> memref<8x128xi32, #tpu.memory_space<hbm>>
        %dma_wait3A_70 = arith.constant 0 : i32
        %dma_wait3A_71 = tpu.memref_slice %arg2[%add3A_57, %dma_wait3A_70] : memref<2560x128xi32, #tpu.memory_space<hbm>> -> memref<8x128xi32, #tpu.memory_space<hbm>>
        tpu.wait_dma2 semaphore(%run_scoped3A_65 : memref<!tpu.dma_semaphore, #tpu.memory_space<semaphore_mem>>) src(%dma_wait3A_71 : memref<8x128xi32, #tpu.memory_space<hbm>>) dst(%arg6 : memref<8x128xi32, #tpu.memory_space<vmem>>)
        tpu.yield
      }) : () -> ()
      %run_scoped3A = arith.constant 0 : i32
      "tpu.region"() ({
        %run_scoped3A_65 = tpu.sem_alloc : memref<!tpu.dma_semaphore, #tpu.memory_space<semaphore_mem>>
        %dma_start3A = arith.constant 0 : i32
        %dma_start3A_66 = tpu.memref_slice %arg6[%run_scoped3A, %dma_start3A] : memref<8x128xi32, #tpu.memory_space<vmem>> -> memref<1x128xi32, #tpu.memory_space<vmem>>
        %dma_start3A_67 = tpu.memref_squeeze %dma_start3A_66 : memref<1x128xi32, #tpu.memory_space<vmem>> -> memref<128xi32, #tpu.memory_space<vmem>>
        %dma_start3A_68 = arith.constant 0 : i32
        %dma_start3A_69 = arith.constant 0 : i32
        %dma_start3A_70 = tpu.memref_slice %arg9[%dma_start3A_68, %dma_start3A_69] : memref<20480x16xf32, #tpu.memory_space<vmem_shared>> -> memref<20480x16xf32, #tpu.memory_space<vmem_shared>>
        tpu.enqueue_indirect_dma source(%arg8 : memref<128x16xf32, #tpu.memory_space<vmem>>) target(%dma_start3A_70 : memref<20480x16xf32, #tpu.memory_space<vmem_shared>>) offsets(%dma_start3A_67 : memref<128xi32, #tpu.memory_space<vmem>>) semaphore(%run_scoped3A_65 : memref<!tpu.dma_semaphore, #tpu.memory_space<semaphore_mem>>) {add = true}
        %dma_wait3A = arith.constant 0 : i32
        %dma_wait3A_71 = tpu.memref_slice %arg6[%run_scoped3A, %dma_wait3A] : memref<8x128xi32, #tpu.memory_space<vmem>> -> memref<1x128xi32, #tpu.memory_space<vmem>>
        %dma_wait3A_72 = tpu.memref_squeeze %dma_wait3A_71 : memref<1x128xi32, #tpu.memory_space<vmem>> -> memref<128xi32, #tpu.memory_space<vmem>>
        %dma_wait3A_73 = arith.constant 0 : i32
        %dma_wait3A_74 = arith.constant 0 : i32
        %dma_wait3A_75 = tpu.memref_slice %arg9[%dma_wait3A_73, %dma_wait3A_74] : memref<20480x16xf32, #tpu.memory_space<vmem_shared>> -> memref<20480x16xf32, #tpu.memory_space<vmem_shared>>
        tpu.wait_indirect_dma semaphore(%run_scoped3A_65 : memref<!tpu.dma_semaphore, #tpu.memory_space<semaphore_mem>>) src(%arg8 : memref<128x16xf32, #tpu.memory_space<vmem>>) dst(%dma_wait3A_75 : memref<20480x16xf32, #tpu.memory_space<vmem_shared>>)
        tpu.yield
      }) : () -> ()
      %run_scoped3A_58 = arith.constant 1 : i32
      "tpu.region"() ({
        %run_scoped3A_65 = tpu.sem_alloc : memref<!tpu.dma_semaphore, #tpu.memory_space<semaphore_mem>>
        %dma_start3A = arith.constant 0 : i32
        %dma_start3A_66 = tpu.memref_slice %arg6[%run_scoped3A_58, %dma_start3A] : memref<8x128xi32, #tpu.memory_space<vmem>> -> memref<1x128xi32, #tpu.memory_space<vmem>>
        %dma_start3A_67 = tpu.memref_squeeze %dma_start3A_66 : memref<1x128xi32, #tpu.memory_space<vmem>> -> memref<128xi32, #tpu.memory_space<vmem>>
        %dma_start3A_68 = arith.constant 0 : i32
        %dma_start3A_69 = arith.constant 0 : i32
        %dma_start3A_70 = tpu.memref_slice %arg9[%dma_start3A_68, %dma_start3A_69] : memref<20480x16xf32, #tpu.memory_space<vmem_shared>> -> memref<20480x16xf32, #tpu.memory_space<vmem_shared>>
        tpu.enqueue_indirect_dma source(%arg8 : memref<128x16xf32, #tpu.memory_space<vmem>>) target(%dma_start3A_70 : memref<20480x16xf32, #tpu.memory_space<vmem_shared>>) offsets(%dma_start3A_67 : memref<128xi32, #tpu.memory_space<vmem>>) semaphore(%run_scoped3A_65 : memref<!tpu.dma_semaphore, #tpu.memory_space<semaphore_mem>>) {add = true}
        %dma_wait3A = arith.constant 0 : i32
        %dma_wait3A_71 = tpu.memref_slice %arg6[%run_scoped3A_58, %dma_wait3A] : memref<8x128xi32, #tpu.memory_space<vmem>> -> memref<1x128xi32, #tpu.memory_space<vmem>>
        %dma_wait3A_72 = tpu.memref_squeeze %dma_wait3A_71 : memref<1x128xi32, #tpu.memory_space<vmem>> -> memref<128xi32, #tpu.memory_space<vmem>>
        %dma_wait3A_73 = arith.constant 0 : i32
        %dma_wait3A_74 = arith.constant 0 : i32
        %dma_wait3A_75 = tpu.memref_slice %arg9[%dma_wait3A_73, %dma_wait3A_74] : memref<20480x16xf32, #tpu.memory_space<vmem_shared>> -> memref<20480x16xf32, #tpu.memory_space<vmem_shared>>
        tpu.wait_indirect_dma semaphore(%run_scoped3A_65 : memref<!tpu.dma_semaphore, #tpu.memory_space<semaphore_mem>>) src(%arg8 : memref<128x16xf32, #tpu.memory_space<vmem>>) dst(%dma_wait3A_75 : memref<20480x16xf32, #tpu.memory_space<vmem_shared>>)
        tpu.yield
      }) : () -> ()
      %run_scoped3A_59 = arith.constant 2 : i32
      "tpu.region"() ({
        %run_scoped3A_65 = tpu.sem_alloc : memref<!tpu.dma_semaphore, #tpu.memory_space<semaphore_mem>>
        %dma_start3A = arith.constant 0 : i32
        %dma_start3A_66 = tpu.memref_slice %arg6[%run_scoped3A_59, %dma_start3A] : memref<8x128xi32, #tpu.memory_space<vmem>> -> memref<1x128xi32, #tpu.memory_space<vmem>>
        %dma_start3A_67 = tpu.memref_squeeze %dma_start3A_66 : memref<1x128xi32, #tpu.memory_space<vmem>> -> memref<128xi32, #tpu.memory_space<vmem>>
        %dma_start3A_68 = arith.constant 0 : i32
        %dma_start3A_69 = arith.constant 0 : i32
        %dma_start3A_70 = tpu.memref_slice %arg9[%dma_start3A_68, %dma_start3A_69] : memref<20480x16xf32, #tpu.memory_space<vmem_shared>> -> memref<20480x16xf32, #tpu.memory_space<vmem_shared>>
        tpu.enqueue_indirect_dma source(%arg8 : memref<128x16xf32, #tpu.memory_space<vmem>>) target(%dma_start3A_70 : memref<20480x16xf32, #tpu.memory_space<vmem_shared>>) offsets(%dma_start3A_67 : memref<128xi32, #tpu.memory_space<vmem>>) semaphore(%run_scoped3A_65 : memref<!tpu.dma_semaphore, #tpu.memory_space<semaphore_mem>>) {add = true}
        %dma_wait3A = arith.constant 0 : i32
        %dma_wait3A_71 = tpu.memref_slice %arg6[%run_scoped3A_59, %dma_wait3A] : memref<8x128xi32, #tpu.memory_space<vmem>> -> memref<1x128xi32, #tpu.memory_space<vmem>>
        %dma_wait3A_72 = tpu.memref_squeeze %dma_wait3A_71 : memref<1x128xi32, #tpu.memory_space<vmem>> -> memref<128xi32, #tpu.memory_space<vmem>>
        %dma_wait3A_73 = arith.constant 0 : i32
        %dma_wait3A_74 = arith.constant 0 : i32
        %dma_wait3A_75 = tpu.memref_slice %arg9[%dma_wait3A_73, %dma_wait3A_74] : memref<20480x16xf32, #tpu.memory_space<vmem_shared>> -> memref<20480x16xf32, #tpu.memory_space<vmem_shared>>
        tpu.wait_indirect_dma semaphore(%run_scoped3A_65 : memref<!tpu.dma_semaphore, #tpu.memory_space<semaphore_mem>>) src(%arg8 : memref<128x16xf32, #tpu.memory_space<vmem>>) dst(%dma_wait3A_75 : memref<20480x16xf32, #tpu.memory_space<vmem_shared>>)
        tpu.yield
      }) : () -> ()
      %run_scoped3A_60 = arith.constant 3 : i32
      "tpu.region"() ({
        %run_scoped3A_65 = tpu.sem_alloc : memref<!tpu.dma_semaphore, #tpu.memory_space<semaphore_mem>>
        %dma_start3A = arith.constant 0 : i32
        %dma_start3A_66 = tpu.memref_slice %arg6[%run_scoped3A_60, %dma_start3A] : memref<8x128xi32, #tpu.memory_space<vmem>> -> memref<1x128xi32, #tpu.memory_space<vmem>>
        %dma_start3A_67 = tpu.memref_squeeze %dma_start3A_66 : memref<1x128xi32, #tpu.memory_space<vmem>> -> memref<128xi32, #tpu.memory_space<vmem>>
        %dma_start3A_68 = arith.constant 0 : i32
        %dma_start3A_69 = arith.constant 0 : i32
        %dma_start3A_70 = tpu.memref_slice %arg9[%dma_start3A_68, %dma_start3A_69] : memref<20480x16xf32, #tpu.memory_space<vmem_shared>> -> memref<20480x16xf32, #tpu.memory_space<vmem_shared>>
        tpu.enqueue_indirect_dma source(%arg8 : memref<128x16xf32, #tpu.memory_space<vmem>>) target(%dma_start3A_70 : memref<20480x16xf32, #tpu.memory_space<vmem_shared>>) offsets(%dma_start3A_67 : memref<128xi32, #tpu.memory_space<vmem>>) semaphore(%run_scoped3A_65 : memref<!tpu.dma_semaphore, #tpu.memory_space<semaphore_mem>>) {add = true}
        %dma_wait3A = arith.constant 0 : i32
        %dma_wait3A_71 = tpu.memref_slice %arg6[%run_scoped3A_60, %dma_wait3A] : memref<8x128xi32, #tpu.memory_space<vmem>> -> memref<1x128xi32, #tpu.memory_space<vmem>>
        %dma_wait3A_72 = tpu.memref_squeeze %dma_wait3A_71 : memref<1x128xi32, #tpu.memory_space<vmem>> -> memref<128xi32, #tpu.memory_space<vmem>>
        %dma_wait3A_73 = arith.constant 0 : i32
        %dma_wait3A_74 = arith.constant 0 : i32
        %dma_wait3A_75 = tpu.memref_slice %arg9[%dma_wait3A_73, %dma_wait3A_74] : memref<20480x16xf32, #tpu.memory_space<vmem_shared>> -> memref<20480x16xf32, #tpu.memory_space<vmem_shared>>
        tpu.wait_indirect_dma semaphore(%run_scoped3A_65 : memref<!tpu.dma_semaphore, #tpu.memory_space<semaphore_mem>>) src(%arg8 : memref<128x16xf32, #tpu.memory_space<vmem>>) dst(%dma_wait3A_75 : memref<20480x16xf32, #tpu.memory_space<vmem_shared>>)
        tpu.yield
      }) : () -> ()
      %run_scoped3A_61 = arith.constant 4 : i32
      "tpu.region"() ({
        %run_scoped3A_65 = tpu.sem_alloc : memref<!tpu.dma_semaphore, #tpu.memory_space<semaphore_mem>>
        %dma_start3A = arith.constant 0 : i32
        %dma_start3A_66 = tpu.memref_slice %arg6[%run_scoped3A_61, %dma_start3A] : memref<8x128xi32, #tpu.memory_space<vmem>> -> memref<1x128xi32, #tpu.memory_space<vmem>>
        %dma_start3A_67 = tpu.memref_squeeze %dma_start3A_66 : memref<1x128xi32, #tpu.memory_space<vmem>> -> memref<128xi32, #tpu.memory_space<vmem>>
        %dma_start3A_68 = arith.constant 0 : i32
        %dma_start3A_69 = arith.constant 0 : i32
        %dma_start3A_70 = tpu.memref_slice %arg9[%dma_start3A_68, %dma_start3A_69] : memref<20480x16xf32, #tpu.memory_space<vmem_shared>> -> memref<20480x16xf32, #tpu.memory_space<vmem_shared>>
        tpu.enqueue_indirect_dma source(%arg8 : memref<128x16xf32, #tpu.memory_space<vmem>>) target(%dma_start3A_70 : memref<20480x16xf32, #tpu.memory_space<vmem_shared>>) offsets(%dma_start3A_67 : memref<128xi32, #tpu.memory_space<vmem>>) semaphore(%run_scoped3A_65 : memref<!tpu.dma_semaphore, #tpu.memory_space<semaphore_mem>>) {add = true}
        %dma_wait3A = arith.constant 0 : i32
        %dma_wait3A_71 = tpu.memref_slice %arg6[%run_scoped3A_61, %dma_wait3A] : memref<8x128xi32, #tpu.memory_space<vmem>> -> memref<1x128xi32, #tpu.memory_space<vmem>>
        %dma_wait3A_72 = tpu.memref_squeeze %dma_wait3A_71 : memref<1x128xi32, #tpu.memory_space<vmem>> -> memref<128xi32, #tpu.memory_space<vmem>>
        %dma_wait3A_73 = arith.constant 0 : i32
        %dma_wait3A_74 = arith.constant 0 : i32
        %dma_wait3A_75 = tpu.memref_slice %arg9[%dma_wait3A_73, %dma_wait3A_74] : memref<20480x16xf32, #tpu.memory_space<vmem_shared>> -> memref<20480x16xf32, #tpu.memory_space<vmem_shared>>
        tpu.wait_indirect_dma semaphore(%run_scoped3A_65 : memref<!tpu.dma_semaphore, #tpu.memory_space<semaphore_mem>>) src(%arg8 : memref<128x16xf32, #tpu.memory_space<vmem>>) dst(%dma_wait3A_75 : memref<20480x16xf32, #tpu.memory_space<vmem_shared>>)
        tpu.yield
      }) : () -> ()
      %run_scoped3A_62 = arith.constant 5 : i32
      "tpu.region"() ({
        %run_scoped3A_65 = tpu.sem_alloc : memref<!tpu.dma_semaphore, #tpu.memory_space<semaphore_mem>>
        %dma_start3A = arith.constant 0 : i32
        %dma_start3A_66 = tpu.memref_slice %arg6[%run_scoped3A_62, %dma_start3A] : memref<8x128xi32, #tpu.memory_space<vmem>> -> memref<1x128xi32, #tpu.memory_space<vmem>>
        %dma_start3A_67 = tpu.memref_squeeze %dma_start3A_66 : memref<1x128xi32, #tpu.memory_space<vmem>> -> memref<128xi32, #tpu.memory_space<vmem>>
        %dma_start3A_68 = arith.constant 0 : i32
        %dma_start3A_69 = arith.constant 0 : i32
        %dma_start3A_70 = tpu.memref_slice %arg9[%dma_start3A_68, %dma_start3A_69] : memref<20480x16xf32, #tpu.memory_space<vmem_shared>> -> memref<20480x16xf32, #tpu.memory_space<vmem_shared>>
        tpu.enqueue_indirect_dma source(%arg8 : memref<128x16xf32, #tpu.memory_space<vmem>>) target(%dma_start3A_70 : memref<20480x16xf32, #tpu.memory_space<vmem_shared>>) offsets(%dma_start3A_67 : memref<128xi32, #tpu.memory_space<vmem>>) semaphore(%run_scoped3A_65 : memref<!tpu.dma_semaphore, #tpu.memory_space<semaphore_mem>>) {add = true}
        %dma_wait3A = arith.constant 0 : i32
        %dma_wait3A_71 = tpu.memref_slice %arg6[%run_scoped3A_62, %dma_wait3A] : memref<8x128xi32, #tpu.memory_space<vmem>> -> memref<1x128xi32, #tpu.memory_space<vmem>>
        %dma_wait3A_72 = tpu.memref_squeeze %dma_wait3A_71 : memref<1x128xi32, #tpu.memory_space<vmem>> -> memref<128xi32, #tpu.memory_space<vmem>>
        %dma_wait3A_73 = arith.constant 0 : i32
        %dma_wait3A_74 = arith.constant 0 : i32
        %dma_wait3A_75 = tpu.memref_slice %arg9[%dma_wait3A_73, %dma_wait3A_74] : memref<20480x16xf32, #tpu.memory_space<vmem_shared>> -> memref<20480x16xf32, #tpu.memory_space<vmem_shared>>
        tpu.wait_indirect_dma semaphore(%run_scoped3A_65 : memref<!tpu.dma_semaphore, #tpu.memory_space<semaphore_mem>>) src(%arg8 : memref<128x16xf32, #tpu.memory_space<vmem>>) dst(%dma_wait3A_75 : memref<20480x16xf32, #tpu.memory_space<vmem_shared>>)
        tpu.yield
      }) : () -> ()
      %run_scoped3A_63 = arith.constant 6 : i32
      "tpu.region"() ({
        %run_scoped3A_65 = tpu.sem_alloc : memref<!tpu.dma_semaphore, #tpu.memory_space<semaphore_mem>>
        %dma_start3A = arith.constant 0 : i32
        %dma_start3A_66 = tpu.memref_slice %arg6[%run_scoped3A_63, %dma_start3A] : memref<8x128xi32, #tpu.memory_space<vmem>> -> memref<1x128xi32, #tpu.memory_space<vmem>>
        %dma_start3A_67 = tpu.memref_squeeze %dma_start3A_66 : memref<1x128xi32, #tpu.memory_space<vmem>> -> memref<128xi32, #tpu.memory_space<vmem>>
        %dma_start3A_68 = arith.constant 0 : i32
        %dma_start3A_69 = arith.constant 0 : i32
        %dma_start3A_70 = tpu.memref_slice %arg9[%dma_start3A_68, %dma_start3A_69] : memref<20480x16xf32, #tpu.memory_space<vmem_shared>> -> memref<20480x16xf32, #tpu.memory_space<vmem_shared>>
        tpu.enqueue_indirect_dma source(%arg8 : memref<128x16xf32, #tpu.memory_space<vmem>>) target(%dma_start3A_70 : memref<20480x16xf32, #tpu.memory_space<vmem_shared>>) offsets(%dma_start3A_67 : memref<128xi32, #tpu.memory_space<vmem>>) semaphore(%run_scoped3A_65 : memref<!tpu.dma_semaphore, #tpu.memory_space<semaphore_mem>>) {add = true}
        %dma_wait3A = arith.constant 0 : i32
        %dma_wait3A_71 = tpu.memref_slice %arg6[%run_scoped3A_63, %dma_wait3A] : memref<8x128xi32, #tpu.memory_space<vmem>> -> memref<1x128xi32, #tpu.memory_space<vmem>>
        %dma_wait3A_72 = tpu.memref_squeeze %dma_wait3A_71 : memref<1x128xi32, #tpu.memory_space<vmem>> -> memref<128xi32, #tpu.memory_space<vmem>>
        %dma_wait3A_73 = arith.constant 0 : i32
        %dma_wait3A_74 = arith.constant 0 : i32
        %dma_wait3A_75 = tpu.memref_slice %arg9[%dma_wait3A_73, %dma_wait3A_74] : memref<20480x16xf32, #tpu.memory_space<vmem_shared>> -> memref<20480x16xf32, #tpu.memory_space<vmem_shared>>
        tpu.wait_indirect_dma semaphore(%run_scoped3A_65 : memref<!tpu.dma_semaphore, #tpu.memory_space<semaphore_mem>>) src(%arg8 : memref<128x16xf32, #tpu.memory_space<vmem>>) dst(%dma_wait3A_75 : memref<20480x16xf32, #tpu.memory_space<vmem_shared>>)
        tpu.yield
      }) : () -> ()
      %run_scoped3A_64 = arith.constant 7 : i32
      "tpu.region"() ({
        %run_scoped3A_65 = tpu.sem_alloc : memref<!tpu.dma_semaphore, #tpu.memory_space<semaphore_mem>>
        %dma_start3A = arith.constant 0 : i32
        %dma_start3A_66 = tpu.memref_slice %arg6[%run_scoped3A_64, %dma_start3A] : memref<8x128xi32, #tpu.memory_space<vmem>> -> memref<1x128xi32, #tpu.memory_space<vmem>>
        %dma_start3A_67 = tpu.memref_squeeze %dma_start3A_66 : memref<1x128xi32, #tpu.memory_space<vmem>> -> memref<128xi32, #tpu.memory_space<vmem>>
        %dma_start3A_68 = arith.constant 0 : i32
        %dma_start3A_69 = arith.constant 0 : i32
        %dma_start3A_70 = tpu.memref_slice %arg9[%dma_start3A_68, %dma_start3A_69] : memref<20480x16xf32, #tpu.memory_space<vmem_shared>> -> memref<20480x16xf32, #tpu.memory_space<vmem_shared>>
        tpu.enqueue_indirect_dma source(%arg8 : memref<128x16xf32, #tpu.memory_space<vmem>>) target(%dma_start3A_70 : memref<20480x16xf32, #tpu.memory_space<vmem_shared>>) offsets(%dma_start3A_67 : memref<128xi32, #tpu.memory_space<vmem>>) semaphore(%run_scoped3A_65 : memref<!tpu.dma_semaphore, #tpu.memory_space<semaphore_mem>>) {add = true}
        %dma_wait3A = arith.constant 0 : i32
        %dma_wait3A_71 = tpu.memref_slice %arg6[%run_scoped3A_64, %dma_wait3A] : memref<8x128xi32, #tpu.memory_space<vmem>> -> memref<1x128xi32, #tpu.memory_space<vmem>>
        %dma_wait3A_72 = tpu.memref_squeeze %dma_wait3A_71 : memref<1x128xi32, #tpu.memory_space<vmem>> -> memref<128xi32, #tpu.memory_space<vmem>>
        %dma_wait3A_73 = arith.constant 0 : i32
        %dma_wait3A_74 = arith.constant 0 : i32
        %dma_wait3A_75 = tpu.memref_slice %arg9[%dma_wait3A_73, %dma_wait3A_74] : memref<20480x16xf32, #tpu.memory_space<vmem_shared>> -> memref<20480x16xf32, #tpu.memory_space<vmem_shared>>
        tpu.wait_indirect_dma semaphore(%run_scoped3A_65 : memref<!tpu.dma_semaphore, #tpu.memory_space<semaphore_mem>>) src(%arg8 : memref<128x16xf32, #tpu.memory_space<vmem>>) dst(%dma_wait3A_75 : memref<20480x16xf32, #tpu.memory_space<vmem_shared>>)
        tpu.yield
      }) : () -> ()
    }
    %scan3A_28 = arith.constant 10 : i32
    %barrier3A_29 = arith.constant 0 : index
    tpu.barrier barrier_id(%barrier3A_29)
    %add3A_30 = arith.constant 0 : i32
    %add3A_31 = arith.addi %mul3A_0, %add3A_30 : i32
    "tpu.region"() ({
      %run_scoped3A = tpu.sem_alloc : memref<!tpu.dma_semaphore, #tpu.memory_space<semaphore_mem>>
      %dma_start3A = arith.constant 0 : i32
      %dma_start3A_50 = tpu.memref_slice %arg9[%add3A_31, %dma_start3A] : memref<20480x16xf32, #tpu.memory_space<vmem_shared>> -> memref<128x16xf32, #tpu.memory_space<vmem_shared>>
      %dma_start3A_51 = arith.constant 0 : i32
      %dma_start3A_52 = tpu.memref_slice %arg9[%add3A_31, %dma_start3A_51] : memref<20480x16xf32, #tpu.memory_space<vmem_shared>> -> memref<128x16xf32, #tpu.memory_space<vmem_shared>>
      tpu.enqueue_dma source(%dma_start3A_52 : memref<128x16xf32, #tpu.memory_space<vmem_shared>>) target(%arg7 : memref<128x16xf32, #tpu.memory_space<vmem>>) target_semaphore(%run_scoped3A : memref<!tpu.dma_semaphore, #tpu.memory_space<semaphore_mem>>)
      %dma_wait3A = arith.constant 0 : i32
      %dma_wait3A_53 = tpu.memref_slice %arg9[%add3A_31, %dma_wait3A] : memref<20480x16xf32, #tpu.memory_space<vmem_shared>> -> memref<128x16xf32, #tpu.memory_space<vmem_shared>>
      %dma_wait3A_54 = arith.constant 0 : i32
      %dma_wait3A_55 = tpu.memref_slice %arg9[%add3A_31, %dma_wait3A_54] : memref<20480x16xf32, #tpu.memory_space<vmem_shared>> -> memref<128x16xf32, #tpu.memory_space<vmem_shared>>
      tpu.wait_dma2 semaphore(%run_scoped3A : memref<!tpu.dma_semaphore, #tpu.memory_space<semaphore_mem>>) src(%dma_wait3A_55 : memref<128x16xf32, #tpu.memory_space<vmem_shared>>) dst(%arg7 : memref<128x16xf32, #tpu.memory_space<vmem>>)
      tpu.yield
    }) : () -> ()
    "tpu.region"() ({
      %run_scoped3A = tpu.sem_alloc : memref<!tpu.dma_semaphore, #tpu.memory_space<semaphore_mem>>
      %dma_start3A = arith.constant 0 : i32
      %dma_start3A_50 = tpu.memref_slice %arg5[%arg0, %add3A_31, %dma_start3A] : memref<2x20480x16xf32, #tpu.memory_space<hbm>> -> memref<1x128x16xf32, #tpu.memory_space<hbm>>
      %dma_start3A_51 = tpu.memref_squeeze %dma_start3A_50 : memref<1x128x16xf32, #tpu.memory_space<hbm>> -> memref<128x16xf32, #tpu.memory_space<hbm>>
      %dma_start3A_52 = arith.constant 0 : i32
      %dma_start3A_53 = tpu.memref_slice %arg5[%arg0, %add3A_31, %dma_start3A_52] : memref<2x20480x16xf32, #tpu.memory_space<hbm>> -> memref<1x128x16xf32, #tpu.memory_space<hbm>>
      %dma_start3A_54 = tpu.memref_squeeze %dma_start3A_53 : memref<1x128x16xf32, #tpu.memory_space<hbm>> -> memref<128x16xf32, #tpu.memory_space<hbm>>
      tpu.enqueue_dma source(%arg7 : memref<128x16xf32, #tpu.memory_space<vmem>>) target(%dma_start3A_54 : memref<128x16xf32, #tpu.memory_space<hbm>>) target_semaphore(%run_scoped3A : memref<!tpu.dma_semaphore, #tpu.memory_space<semaphore_mem>>)
      %dma_wait3A = arith.constant 0 : i32
      %dma_wait3A_55 = tpu.memref_slice %arg5[%arg0, %add3A_31, %dma_wait3A] : memref<2x20480x16xf32, #tpu.memory_space<hbm>> -> memref<1x128x16xf32, #tpu.memory_space<hbm>>
      %dma_wait3A_56 = tpu.memref_squeeze %dma_wait3A_55 : memref<1x128x16xf32, #tpu.memory_space<hbm>> -> memref<128x16xf32, #tpu.memory_space<hbm>>
      %dma_wait3A_57 = arith.constant 0 : i32
      %dma_wait3A_58 = tpu.memref_slice %arg5[%arg0, %add3A_31, %dma_wait3A_57] : memref<2x20480x16xf32, #tpu.memory_space<hbm>> -> memref<1x128x16xf32, #tpu.memory_space<hbm>>
      %dma_wait3A_59 = tpu.memref_squeeze %dma_wait3A_58 : memref<1x128x16xf32, #tpu.memory_space<hbm>> -> memref<128x16xf32, #tpu.memory_space<hbm>>
      tpu.wait_dma2 semaphore(%run_scoped3A : memref<!tpu.dma_semaphore, #tpu.memory_space<semaphore_mem>>) src(%arg7 : memref<128x16xf32, #tpu.memory_space<vmem>>) dst(%dma_wait3A_59 : memref<128x16xf32, #tpu.memory_space<hbm>>)
      tpu.yield
    }) : () -> ()
    %add3A_32 = arith.constant 128 : i32
    %add3A_33 = arith.addi %mul3A_0, %add3A_32 : i32
    "tpu.region"() ({
      %run_scoped3A = tpu.sem_alloc : memref<!tpu.dma_semaphore, #tpu.memory_space<semaphore_mem>>
      %dma_start3A = arith.constant 0 : i32
      %dma_start3A_50 = tpu.memref_slice %arg9[%add3A_33, %dma_start3A] : memref<20480x16xf32, #tpu.memory_space<vmem_shared>> -> memref<128x16xf32, #tpu.memory_space<vmem_shared>>
      %dma_start3A_51 = arith.constant 0 : i32
      %dma_start3A_52 = tpu.memref_slice %arg9[%add3A_33, %dma_start3A_51] : memref<20480x16xf32, #tpu.memory_space<vmem_shared>> -> memref<128x16xf32, #tpu.memory_space<vmem_shared>>
      tpu.enqueue_dma source(%dma_start3A_52 : memref<128x16xf32, #tpu.memory_space<vmem_shared>>) target(%arg7 : memref<128x16xf32, #tpu.memory_space<vmem>>) target_semaphore(%run_scoped3A : memref<!tpu.dma_semaphore, #tpu.memory_space<semaphore_mem>>)
      %dma_wait3A = arith.constant 0 : i32
      %dma_wait3A_53 = tpu.memref_slice %arg9[%add3A_33, %dma_wait3A] : memref<20480x16xf32, #tpu.memory_space<vmem_shared>> -> memref<128x16xf32, #tpu.memory_space<vmem_shared>>
      %dma_wait3A_54 = arith.constant 0 : i32
      %dma_wait3A_55 = tpu.memref_slice %arg9[%add3A_33, %dma_wait3A_54] : memref<20480x16xf32, #tpu.memory_space<vmem_shared>> -> memref<128x16xf32, #tpu.memory_space<vmem_shared>>
      tpu.wait_dma2 semaphore(%run_scoped3A : memref<!tpu.dma_semaphore, #tpu.memory_space<semaphore_mem>>) src(%dma_wait3A_55 : memref<128x16xf32, #tpu.memory_space<vmem_shared>>) dst(%arg7 : memref<128x16xf32, #tpu.memory_space<vmem>>)
      tpu.yield
    }) : () -> ()
    "tpu.region"() ({
      %run_scoped3A = tpu.sem_alloc : memref<!tpu.dma_semaphore, #tpu.memory_space<semaphore_mem>>
      %dma_start3A = arith.constant 0 : i32
      %dma_start3A_50 = tpu.memref_slice %arg5[%arg0, %add3A_33, %dma_start3A] : memref<2x20480x16xf32, #tpu.memory_space<hbm>> -> memref<1x128x16xf32, #tpu.memory_space<hbm>>
      %dma_start3A_51 = tpu.memref_squeeze %dma_start3A_50 : memref<1x128x16xf32, #tpu.memory_space<hbm>> -> memref<128x16xf32, #tpu.memory_space<hbm>>
      %dma_start3A_52 = arith.constant 0 : i32
      %dma_start3A_53 = tpu.memref_slice %arg5[%arg0, %add3A_33, %dma_start3A_52] : memref<2x20480x16xf32, #tpu.memory_space<hbm>> -> memref<1x128x16xf32, #tpu.memory_space<hbm>>
      %dma_start3A_54 = tpu.memref_squeeze %dma_start3A_53 : memref<1x128x16xf32, #tpu.memory_space<hbm>> -> memref<128x16xf32, #tpu.memory_space<hbm>>
      tpu.enqueue_dma source(%arg7 : memref<128x16xf32, #tpu.memory_space<vmem>>) target(%dma_start3A_54 : memref<128x16xf32, #tpu.memory_space<hbm>>) target_semaphore(%run_scoped3A : memref<!tpu.dma_semaphore, #tpu.memory_space<semaphore_mem>>)
      %dma_wait3A = arith.constant 0 : i32
      %dma_wait3A_55 = tpu.memref_slice %arg5[%arg0, %add3A_33, %dma_wait3A] : memref<2x20480x16xf32, #tpu.memory_space<hbm>> -> memref<1x128x16xf32, #tpu.memory_space<hbm>>
      %dma_wait3A_56 = tpu.memref_squeeze %dma_wait3A_55 : memref<1x128x16xf32, #tpu.memory_space<hbm>> -> memref<128x16xf32, #tpu.memory_space<hbm>>
      %dma_wait3A_57 = arith.constant 0 : i32
      %dma_wait3A_58 = tpu.memref_slice %arg5[%arg0, %add3A_33, %dma_wait3A_57] : memref<2x20480x16xf32, #tpu.memory_space<hbm>> -> memref<1x128x16xf32, #tpu.memory_space<hbm>>
      %dma_wait3A_59 = tpu.memref_squeeze %dma_wait3A_58 : memref<1x128x16xf32, #tpu.memory_space<hbm>> -> memref<128x16xf32, #tpu.memory_space<hbm>>
      tpu.wait_dma2 semaphore(%run_scoped3A : memref<!tpu.dma_semaphore, #tpu.memory_space<semaphore_mem>>) src(%arg7 : memref<128x16xf32, #tpu.memory_space<vmem>>) dst(%dma_wait3A_59 : memref<128x16xf32, #tpu.memory_space<hbm>>)
      tpu.yield
    }) : () -> ()
    %add3A_34 = arith.constant 256 : i32
    %add3A_35 = arith.addi %mul3A_0, %add3A_34 : i32
    "tpu.region"() ({
      %run_scoped3A = tpu.sem_alloc : memref<!tpu.dma_semaphore, #tpu.memory_space<semaphore_mem>>
      %dma_start3A = arith.constant 0 : i32
      %dma_start3A_50 = tpu.memref_slice %arg9[%add3A_35, %dma_start3A] : memref<20480x16xf32, #tpu.memory_space<vmem_shared>> -> memref<128x16xf32, #tpu.memory_space<vmem_shared>>
      %dma_start3A_51 = arith.constant 0 : i32
      %dma_start3A_52 = tpu.memref_slice %arg9[%add3A_35, %dma_start3A_51] : memref<20480x16xf32, #tpu.memory_space<vmem_shared>> -> memref<128x16xf32, #tpu.memory_space<vmem_shared>>
      tpu.enqueue_dma source(%dma_start3A_52 : memref<128x16xf32, #tpu.memory_space<vmem_shared>>) target(%arg7 : memref<128x16xf32, #tpu.memory_space<vmem>>) target_semaphore(%run_scoped3A : memref<!tpu.dma_semaphore, #tpu.memory_space<semaphore_mem>>)
      %dma_wait3A = arith.constant 0 : i32
      %dma_wait3A_53 = tpu.memref_slice %arg9[%add3A_35, %dma_wait3A] : memref<20480x16xf32, #tpu.memory_space<vmem_shared>> -> memref<128x16xf32, #tpu.memory_space<vmem_shared>>
      %dma_wait3A_54 = arith.constant 0 : i32
      %dma_wait3A_55 = tpu.memref_slice %arg9[%add3A_35, %dma_wait3A_54] : memref<20480x16xf32, #tpu.memory_space<vmem_shared>> -> memref<128x16xf32, #tpu.memory_space<vmem_shared>>
      tpu.wait_dma2 semaphore(%run_scoped3A : memref<!tpu.dma_semaphore, #tpu.memory_space<semaphore_mem>>) src(%dma_wait3A_55 : memref<128x16xf32, #tpu.memory_space<vmem_shared>>) dst(%arg7 : memref<128x16xf32, #tpu.memory_space<vmem>>)
      tpu.yield
    }) : () -> ()
    "tpu.region"() ({
      %run_scoped3A = tpu.sem_alloc : memref<!tpu.dma_semaphore, #tpu.memory_space<semaphore_mem>>
      %dma_start3A = arith.constant 0 : i32
      %dma_start3A_50 = tpu.memref_slice %arg5[%arg0, %add3A_35, %dma_start3A] : memref<2x20480x16xf32, #tpu.memory_space<hbm>> -> memref<1x128x16xf32, #tpu.memory_space<hbm>>
      %dma_start3A_51 = tpu.memref_squeeze %dma_start3A_50 : memref<1x128x16xf32, #tpu.memory_space<hbm>> -> memref<128x16xf32, #tpu.memory_space<hbm>>
      %dma_start3A_52 = arith.constant 0 : i32
      %dma_start3A_53 = tpu.memref_slice %arg5[%arg0, %add3A_35, %dma_start3A_52] : memref<2x20480x16xf32, #tpu.memory_space<hbm>> -> memref<1x128x16xf32, #tpu.memory_space<hbm>>
      %dma_start3A_54 = tpu.memref_squeeze %dma_start3A_53 : memref<1x128x16xf32, #tpu.memory_space<hbm>> -> memref<128x16xf32, #tpu.memory_space<hbm>>
      tpu.enqueue_dma source(%arg7 : memref<128x16xf32, #tpu.memory_space<vmem>>) target(%dma_start3A_54 : memref<128x16xf32, #tpu.memory_space<hbm>>) target_semaphore(%run_scoped3A : memref<!tpu.dma_semaphore, #tpu.memory_space<semaphore_mem>>)
      %dma_wait3A = arith.constant 0 : i32
      %dma_wait3A_55 = tpu.memref_slice %arg5[%arg0, %add3A_35, %dma_wait3A] : memref<2x20480x16xf32, #tpu.memory_space<hbm>> -> memref<1x128x16xf32, #tpu.memory_space<hbm>>
      %dma_wait3A_56 = tpu.memref_squeeze %dma_wait3A_55 : memref<1x128x16xf32, #tpu.memory_space<hbm>> -> memref<128x16xf32, #tpu.memory_space<hbm>>
      %dma_wait3A_57 = arith.constant 0 : i32
      %dma_wait3A_58 = tpu.memref_slice %arg5[%arg0, %add3A_35, %dma_wait3A_57] : memref<2x20480x16xf32, #tpu.memory_space<hbm>> -> memref<1x128x16xf32, #tpu.memory_space<hbm>>
      %dma_wait3A_59 = tpu.memref_squeeze %dma_wait3A_58 : memref<1x128x16xf32, #tpu.memory_space<hbm>> -> memref<128x16xf32, #tpu.memory_space<hbm>>
      tpu.wait_dma2 semaphore(%run_scoped3A : memref<!tpu.dma_semaphore, #tpu.memory_space<semaphore_mem>>) src(%arg7 : memref<128x16xf32, #tpu.memory_space<vmem>>) dst(%dma_wait3A_59 : memref<128x16xf32, #tpu.memory_space<hbm>>)
      tpu.yield
    }) : () -> ()
    %add3A_36 = arith.constant 384 : i32
    %add3A_37 = arith.addi %mul3A_0, %add3A_36 : i32
    "tpu.region"() ({
      %run_scoped3A = tpu.sem_alloc : memref<!tpu.dma_semaphore, #tpu.memory_space<semaphore_mem>>
      %dma_start3A = arith.constant 0 : i32
      %dma_start3A_50 = tpu.memref_slice %arg9[%add3A_37, %dma_start3A] : memref<20480x16xf32, #tpu.memory_space<vmem_shared>> -> memref<128x16xf32, #tpu.memory_space<vmem_shared>>
      %dma_start3A_51 = arith.constant 0 : i32
      %dma_start3A_52 = tpu.memref_slice %arg9[%add3A_37, %dma_start3A_51] : memref<20480x16xf32, #tpu.memory_space<vmem_shared>> -> memref<128x16xf32, #tpu.memory_space<vmem_shared>>
      tpu.enqueue_dma source(%dma_start3A_52 : memref<128x16xf32, #tpu.memory_space<vmem_shared>>) target(%arg7 : memref<128x16xf32, #tpu.memory_space<vmem>>) target_semaphore(%run_scoped3A : memref<!tpu.dma_semaphore, #tpu.memory_space<semaphore_mem>>)
      %dma_wait3A = arith.constant 0 : i32
      %dma_wait3A_53 = tpu.memref_slice %arg9[%add3A_37, %dma_wait3A] : memref<20480x16xf32, #tpu.memory_space<vmem_shared>> -> memref<128x16xf32, #tpu.memory_space<vmem_shared>>
      %dma_wait3A_54 = arith.constant 0 : i32
      %dma_wait3A_55 = tpu.memref_slice %arg9[%add3A_37, %dma_wait3A_54] : memref<20480x16xf32, #tpu.memory_space<vmem_shared>> -> memref<128x16xf32, #tpu.memory_space<vmem_shared>>
      tpu.wait_dma2 semaphore(%run_scoped3A : memref<!tpu.dma_semaphore, #tpu.memory_space<semaphore_mem>>) src(%dma_wait3A_55 : memref<128x16xf32, #tpu.memory_space<vmem_shared>>) dst(%arg7 : memref<128x16xf32, #tpu.memory_space<vmem>>)
      tpu.yield
    }) : () -> ()
    "tpu.region"() ({
      %run_scoped3A = tpu.sem_alloc : memref<!tpu.dma_semaphore, #tpu.memory_space<semaphore_mem>>
      %dma_start3A = arith.constant 0 : i32
      %dma_start3A_50 = tpu.memref_slice %arg5[%arg0, %add3A_37, %dma_start3A] : memref<2x20480x16xf32, #tpu.memory_space<hbm>> -> memref<1x128x16xf32, #tpu.memory_space<hbm>>
      %dma_start3A_51 = tpu.memref_squeeze %dma_start3A_50 : memref<1x128x16xf32, #tpu.memory_space<hbm>> -> memref<128x16xf32, #tpu.memory_space<hbm>>
      %dma_start3A_52 = arith.constant 0 : i32
      %dma_start3A_53 = tpu.memref_slice %arg5[%arg0, %add3A_37, %dma_start3A_52] : memref<2x20480x16xf32, #tpu.memory_space<hbm>> -> memref<1x128x16xf32, #tpu.memory_space<hbm>>
      %dma_start3A_54 = tpu.memref_squeeze %dma_start3A_53 : memref<1x128x16xf32, #tpu.memory_space<hbm>> -> memref<128x16xf32, #tpu.memory_space<hbm>>
      tpu.enqueue_dma source(%arg7 : memref<128x16xf32, #tpu.memory_space<vmem>>) target(%dma_start3A_54 : memref<128x16xf32, #tpu.memory_space<hbm>>) target_semaphore(%run_scoped3A : memref<!tpu.dma_semaphore, #tpu.memory_space<semaphore_mem>>)
      %dma_wait3A = arith.constant 0 : i32
      %dma_wait3A_55 = tpu.memref_slice %arg5[%arg0, %add3A_37, %dma_wait3A] : memref<2x20480x16xf32, #tpu.memory_space<hbm>> -> memref<1x128x16xf32, #tpu.memory_space<hbm>>
      %dma_wait3A_56 = tpu.memref_squeeze %dma_wait3A_55 : memref<1x128x16xf32, #tpu.memory_space<hbm>> -> memref<128x16xf32, #tpu.memory_space<hbm>>
      %dma_wait3A_57 = arith.constant 0 : i32
      %dma_wait3A_58 = tpu.memref_slice %arg5[%arg0, %add3A_37, %dma_wait3A_57] : memref<2x20480x16xf32, #tpu.memory_space<hbm>> -> memref<1x128x16xf32, #tpu.memory_space<hbm>>
      %dma_wait3A_59 = tpu.memref_squeeze %dma_wait3A_58 : memref<1x128x16xf32, #tpu.memory_space<hbm>> -> memref<128x16xf32, #tpu.memory_space<hbm>>
      tpu.wait_dma2 semaphore(%run_scoped3A : memref<!tpu.dma_semaphore, #tpu.memory_space<semaphore_mem>>) src(%arg7 : memref<128x16xf32, #tpu.memory_space<vmem>>) dst(%dma_wait3A_59 : memref<128x16xf32, #tpu.memory_space<hbm>>)
      tpu.yield
    }) : () -> ()
    %add3A_38 = arith.constant 512 : i32
    %add3A_39 = arith.addi %mul3A_0, %add3A_38 : i32
    "tpu.region"() ({
      %run_scoped3A = tpu.sem_alloc : memref<!tpu.dma_semaphore, #tpu.memory_space<semaphore_mem>>
      %dma_start3A = arith.constant 0 : i32
      %dma_start3A_50 = tpu.memref_slice %arg9[%add3A_39, %dma_start3A] : memref<20480x16xf32, #tpu.memory_space<vmem_shared>> -> memref<128x16xf32, #tpu.memory_space<vmem_shared>>
      %dma_start3A_51 = arith.constant 0 : i32
      %dma_start3A_52 = tpu.memref_slice %arg9[%add3A_39, %dma_start3A_51] : memref<20480x16xf32, #tpu.memory_space<vmem_shared>> -> memref<128x16xf32, #tpu.memory_space<vmem_shared>>
      tpu.enqueue_dma source(%dma_start3A_52 : memref<128x16xf32, #tpu.memory_space<vmem_shared>>) target(%arg7 : memref<128x16xf32, #tpu.memory_space<vmem>>) target_semaphore(%run_scoped3A : memref<!tpu.dma_semaphore, #tpu.memory_space<semaphore_mem>>)
      %dma_wait3A = arith.constant 0 : i32
      %dma_wait3A_53 = tpu.memref_slice %arg9[%add3A_39, %dma_wait3A] : memref<20480x16xf32, #tpu.memory_space<vmem_shared>> -> memref<128x16xf32, #tpu.memory_space<vmem_shared>>
      %dma_wait3A_54 = arith.constant 0 : i32
      %dma_wait3A_55 = tpu.memref_slice %arg9[%add3A_39, %dma_wait3A_54] : memref<20480x16xf32, #tpu.memory_space<vmem_shared>> -> memref<128x16xf32, #tpu.memory_space<vmem_shared>>
      tpu.wait_dma2 semaphore(%run_scoped3A : memref<!tpu.dma_semaphore, #tpu.memory_space<semaphore_mem>>) src(%dma_wait3A_55 : memref<128x16xf32, #tpu.memory_space<vmem_shared>>) dst(%arg7 : memref<128x16xf32, #tpu.memory_space<vmem>>)
      tpu.yield
    }) : () -> ()
    "tpu.region"() ({
      %run_scoped3A = tpu.sem_alloc : memref<!tpu.dma_semaphore, #tpu.memory_space<semaphore_mem>>
      %dma_start3A = arith.constant 0 : i32
      %dma_start3A_50 = tpu.memref_slice %arg5[%arg0, %add3A_39, %dma_start3A] : memref<2x20480x16xf32, #tpu.memory_space<hbm>> -> memref<1x128x16xf32, #tpu.memory_space<hbm>>
      %dma_start3A_51 = tpu.memref_squeeze %dma_start3A_50 : memref<1x128x16xf32, #tpu.memory_space<hbm>> -> memref<128x16xf32, #tpu.memory_space<hbm>>
      %dma_start3A_52 = arith.constant 0 : i32
      %dma_start3A_53 = tpu.memref_slice %arg5[%arg0, %add3A_39, %dma_start3A_52] : memref<2x20480x16xf32, #tpu.memory_space<hbm>> -> memref<1x128x16xf32, #tpu.memory_space<hbm>>
      %dma_start3A_54 = tpu.memref_squeeze %dma_start3A_53 : memref<1x128x16xf32, #tpu.memory_space<hbm>> -> memref<128x16xf32, #tpu.memory_space<hbm>>
      tpu.enqueue_dma source(%arg7 : memref<128x16xf32, #tpu.memory_space<vmem>>) target(%dma_start3A_54 : memref<128x16xf32, #tpu.memory_space<hbm>>) target_semaphore(%run_scoped3A : memref<!tpu.dma_semaphore, #tpu.memory_space<semaphore_mem>>)
      %dma_wait3A = arith.constant 0 : i32
      %dma_wait3A_55 = tpu.memref_slice %arg5[%arg0, %add3A_39, %dma_wait3A] : memref<2x20480x16xf32, #tpu.memory_space<hbm>> -> memref<1x128x16xf32, #tpu.memory_space<hbm>>
      %dma_wait3A_56 = tpu.memref_squeeze %dma_wait3A_55 : memref<1x128x16xf32, #tpu.memory_space<hbm>> -> memref<128x16xf32, #tpu.memory_space<hbm>>
      %dma_wait3A_57 = arith.constant 0 : i32
      %dma_wait3A_58 = tpu.memref_slice %arg5[%arg0, %add3A_39, %dma_wait3A_57] : memref<2x20480x16xf32, #tpu.memory_space<hbm>> -> memref<1x128x16xf32, #tpu.memory_space<hbm>>
      %dma_wait3A_59 = tpu.memref_squeeze %dma_wait3A_58 : memref<1x128x16xf32, #tpu.memory_space<hbm>> -> memref<128x16xf32, #tpu.memory_space<hbm>>
      tpu.wait_dma2 semaphore(%run_scoped3A : memref<!tpu.dma_semaphore, #tpu.memory_space<semaphore_mem>>) src(%arg7 : memref<128x16xf32, #tpu.memory_space<vmem>>) dst(%dma_wait3A_59 : memref<128x16xf32, #tpu.memory_space<hbm>>)
      tpu.yield
    }) : () -> ()
    %add3A_40 = arith.constant 640 : i32
    %add3A_41 = arith.addi %mul3A_0, %add3A_40 : i32
    "tpu.region"() ({
      %run_scoped3A = tpu.sem_alloc : memref<!tpu.dma_semaphore, #tpu.memory_space<semaphore_mem>>
      %dma_start3A = arith.constant 0 : i32
      %dma_start3A_50 = tpu.memref_slice %arg9[%add3A_41, %dma_start3A] : memref<20480x16xf32, #tpu.memory_space<vmem_shared>> -> memref<128x16xf32, #tpu.memory_space<vmem_shared>>
      %dma_start3A_51 = arith.constant 0 : i32
      %dma_start3A_52 = tpu.memref_slice %arg9[%add3A_41, %dma_start3A_51] : memref<20480x16xf32, #tpu.memory_space<vmem_shared>> -> memref<128x16xf32, #tpu.memory_space<vmem_shared>>
      tpu.enqueue_dma source(%dma_start3A_52 : memref<128x16xf32, #tpu.memory_space<vmem_shared>>) target(%arg7 : memref<128x16xf32, #tpu.memory_space<vmem>>) target_semaphore(%run_scoped3A : memref<!tpu.dma_semaphore, #tpu.memory_space<semaphore_mem>>)
      %dma_wait3A = arith.constant 0 : i32
      %dma_wait3A_53 = tpu.memref_slice %arg9[%add3A_41, %dma_wait3A] : memref<20480x16xf32, #tpu.memory_space<vmem_shared>> -> memref<128x16xf32, #tpu.memory_space<vmem_shared>>
      %dma_wait3A_54 = arith.constant 0 : i32
      %dma_wait3A_55 = tpu.memref_slice %arg9[%add3A_41, %dma_wait3A_54] : memref<20480x16xf32, #tpu.memory_space<vmem_shared>> -> memref<128x16xf32, #tpu.memory_space<vmem_shared>>
      tpu.wait_dma2 semaphore(%run_scoped3A : memref<!tpu.dma_semaphore, #tpu.memory_space<semaphore_mem>>) src(%dma_wait3A_55 : memref<128x16xf32, #tpu.memory_space<vmem_shared>>) dst(%arg7 : memref<128x16xf32, #tpu.memory_space<vmem>>)
      tpu.yield
    }) : () -> ()
    "tpu.region"() ({
      %run_scoped3A = tpu.sem_alloc : memref<!tpu.dma_semaphore, #tpu.memory_space<semaphore_mem>>
      %dma_start3A = arith.constant 0 : i32
      %dma_start3A_50 = tpu.memref_slice %arg5[%arg0, %add3A_41, %dma_start3A] : memref<2x20480x16xf32, #tpu.memory_space<hbm>> -> memref<1x128x16xf32, #tpu.memory_space<hbm>>
      %dma_start3A_51 = tpu.memref_squeeze %dma_start3A_50 : memref<1x128x16xf32, #tpu.memory_space<hbm>> -> memref<128x16xf32, #tpu.memory_space<hbm>>
      %dma_start3A_52 = arith.constant 0 : i32
      %dma_start3A_53 = tpu.memref_slice %arg5[%arg0, %add3A_41, %dma_start3A_52] : memref<2x20480x16xf32, #tpu.memory_space<hbm>> -> memref<1x128x16xf32, #tpu.memory_space<hbm>>
      %dma_start3A_54 = tpu.memref_squeeze %dma_start3A_53 : memref<1x128x16xf32, #tpu.memory_space<hbm>> -> memref<128x16xf32, #tpu.memory_space<hbm>>
      tpu.enqueue_dma source(%arg7 : memref<128x16xf32, #tpu.memory_space<vmem>>) target(%dma_start3A_54 : memref<128x16xf32, #tpu.memory_space<hbm>>) target_semaphore(%run_scoped3A : memref<!tpu.dma_semaphore, #tpu.memory_space<semaphore_mem>>)
      %dma_wait3A = arith.constant 0 : i32
      %dma_wait3A_55 = tpu.memref_slice %arg5[%arg0, %add3A_41, %dma_wait3A] : memref<2x20480x16xf32, #tpu.memory_space<hbm>> -> memref<1x128x16xf32, #tpu.memory_space<hbm>>
      %dma_wait3A_56 = tpu.memref_squeeze %dma_wait3A_55 : memref<1x128x16xf32, #tpu.memory_space<hbm>> -> memref<128x16xf32, #tpu.memory_space<hbm>>
      %dma_wait3A_57 = arith.constant 0 : i32
      %dma_wait3A_58 = tpu.memref_slice %arg5[%arg0, %add3A_41, %dma_wait3A_57] : memref<2x20480x16xf32, #tpu.memory_space<hbm>> -> memref<1x128x16xf32, #tpu.memory_space<hbm>>
      %dma_wait3A_59 = tpu.memref_squeeze %dma_wait3A_58 : memref<1x128x16xf32, #tpu.memory_space<hbm>> -> memref<128x16xf32, #tpu.memory_space<hbm>>
      tpu.wait_dma2 semaphore(%run_scoped3A : memref<!tpu.dma_semaphore, #tpu.memory_space<semaphore_mem>>) src(%arg7 : memref<128x16xf32, #tpu.memory_space<vmem>>) dst(%dma_wait3A_59 : memref<128x16xf32, #tpu.memory_space<hbm>>)
      tpu.yield
    }) : () -> ()
    %add3A_42 = arith.constant 768 : i32
    %add3A_43 = arith.addi %mul3A_0, %add3A_42 : i32
    "tpu.region"() ({
      %run_scoped3A = tpu.sem_alloc : memref<!tpu.dma_semaphore, #tpu.memory_space<semaphore_mem>>
      %dma_start3A = arith.constant 0 : i32
      %dma_start3A_50 = tpu.memref_slice %arg9[%add3A_43, %dma_start3A] : memref<20480x16xf32, #tpu.memory_space<vmem_shared>> -> memref<128x16xf32, #tpu.memory_space<vmem_shared>>
      %dma_start3A_51 = arith.constant 0 : i32
      %dma_start3A_52 = tpu.memref_slice %arg9[%add3A_43, %dma_start3A_51] : memref<20480x16xf32, #tpu.memory_space<vmem_shared>> -> memref<128x16xf32, #tpu.memory_space<vmem_shared>>
      tpu.enqueue_dma source(%dma_start3A_52 : memref<128x16xf32, #tpu.memory_space<vmem_shared>>) target(%arg7 : memref<128x16xf32, #tpu.memory_space<vmem>>) target_semaphore(%run_scoped3A : memref<!tpu.dma_semaphore, #tpu.memory_space<semaphore_mem>>)
      %dma_wait3A = arith.constant 0 : i32
      %dma_wait3A_53 = tpu.memref_slice %arg9[%add3A_43, %dma_wait3A] : memref<20480x16xf32, #tpu.memory_space<vmem_shared>> -> memref<128x16xf32, #tpu.memory_space<vmem_shared>>
      %dma_wait3A_54 = arith.constant 0 : i32
      %dma_wait3A_55 = tpu.memref_slice %arg9[%add3A_43, %dma_wait3A_54] : memref<20480x16xf32, #tpu.memory_space<vmem_shared>> -> memref<128x16xf32, #tpu.memory_space<vmem_shared>>
      tpu.wait_dma2 semaphore(%run_scoped3A : memref<!tpu.dma_semaphore, #tpu.memory_space<semaphore_mem>>) src(%dma_wait3A_55 : memref<128x16xf32, #tpu.memory_space<vmem_shared>>) dst(%arg7 : memref<128x16xf32, #tpu.memory_space<vmem>>)
      tpu.yield
    }) : () -> ()
    "tpu.region"() ({
      %run_scoped3A = tpu.sem_alloc : memref<!tpu.dma_semaphore, #tpu.memory_space<semaphore_mem>>
      %dma_start3A = arith.constant 0 : i32
      %dma_start3A_50 = tpu.memref_slice %arg5[%arg0, %add3A_43, %dma_start3A] : memref<2x20480x16xf32, #tpu.memory_space<hbm>> -> memref<1x128x16xf32, #tpu.memory_space<hbm>>
      %dma_start3A_51 = tpu.memref_squeeze %dma_start3A_50 : memref<1x128x16xf32, #tpu.memory_space<hbm>> -> memref<128x16xf32, #tpu.memory_space<hbm>>
      %dma_start3A_52 = arith.constant 0 : i32
      %dma_start3A_53 = tpu.memref_slice %arg5[%arg0, %add3A_43, %dma_start3A_52] : memref<2x20480x16xf32, #tpu.memory_space<hbm>> -> memref<1x128x16xf32, #tpu.memory_space<hbm>>
      %dma_start3A_54 = tpu.memref_squeeze %dma_start3A_53 : memref<1x128x16xf32, #tpu.memory_space<hbm>> -> memref<128x16xf32, #tpu.memory_space<hbm>>
      tpu.enqueue_dma source(%arg7 : memref<128x16xf32, #tpu.memory_space<vmem>>) target(%dma_start3A_54 : memref<128x16xf32, #tpu.memory_space<hbm>>) target_semaphore(%run_scoped3A : memref<!tpu.dma_semaphore, #tpu.memory_space<semaphore_mem>>)
      %dma_wait3A = arith.constant 0 : i32
      %dma_wait3A_55 = tpu.memref_slice %arg5[%arg0, %add3A_43, %dma_wait3A] : memref<2x20480x16xf32, #tpu.memory_space<hbm>> -> memref<1x128x16xf32, #tpu.memory_space<hbm>>
      %dma_wait3A_56 = tpu.memref_squeeze %dma_wait3A_55 : memref<1x128x16xf32, #tpu.memory_space<hbm>> -> memref<128x16xf32, #tpu.memory_space<hbm>>
      %dma_wait3A_57 = arith.constant 0 : i32
      %dma_wait3A_58 = tpu.memref_slice %arg5[%arg0, %add3A_43, %dma_wait3A_57] : memref<2x20480x16xf32, #tpu.memory_space<hbm>> -> memref<1x128x16xf32, #tpu.memory_space<hbm>>
      %dma_wait3A_59 = tpu.memref_squeeze %dma_wait3A_58 : memref<1x128x16xf32, #tpu.memory_space<hbm>> -> memref<128x16xf32, #tpu.memory_space<hbm>>
      tpu.wait_dma2 semaphore(%run_scoped3A : memref<!tpu.dma_semaphore, #tpu.memory_space<semaphore_mem>>) src(%arg7 : memref<128x16xf32, #tpu.memory_space<vmem>>) dst(%dma_wait3A_59 : memref<128x16xf32, #tpu.memory_space<hbm>>)
      tpu.yield
    }) : () -> ()
    %add3A_44 = arith.constant 896 : i32
    %add3A_45 = arith.addi %mul3A_0, %add3A_44 : i32
    "tpu.region"() ({
      %run_scoped3A = tpu.sem_alloc : memref<!tpu.dma_semaphore, #tpu.memory_space<semaphore_mem>>
      %dma_start3A = arith.constant 0 : i32
      %dma_start3A_50 = tpu.memref_slice %arg9[%add3A_45, %dma_start3A] : memref<20480x16xf32, #tpu.memory_space<vmem_shared>> -> memref<128x16xf32, #tpu.memory_space<vmem_shared>>
      %dma_start3A_51 = arith.constant 0 : i32
      %dma_start3A_52 = tpu.memref_slice %arg9[%add3A_45, %dma_start3A_51] : memref<20480x16xf32, #tpu.memory_space<vmem_shared>> -> memref<128x16xf32, #tpu.memory_space<vmem_shared>>
      tpu.enqueue_dma source(%dma_start3A_52 : memref<128x16xf32, #tpu.memory_space<vmem_shared>>) target(%arg7 : memref<128x16xf32, #tpu.memory_space<vmem>>) target_semaphore(%run_scoped3A : memref<!tpu.dma_semaphore, #tpu.memory_space<semaphore_mem>>)
      %dma_wait3A = arith.constant 0 : i32
      %dma_wait3A_53 = tpu.memref_slice %arg9[%add3A_45, %dma_wait3A] : memref<20480x16xf32, #tpu.memory_space<vmem_shared>> -> memref<128x16xf32, #tpu.memory_space<vmem_shared>>
      %dma_wait3A_54 = arith.constant 0 : i32
      %dma_wait3A_55 = tpu.memref_slice %arg9[%add3A_45, %dma_wait3A_54] : memref<20480x16xf32, #tpu.memory_space<vmem_shared>> -> memref<128x16xf32, #tpu.memory_space<vmem_shared>>
      tpu.wait_dma2 semaphore(%run_scoped3A : memref<!tpu.dma_semaphore, #tpu.memory_space<semaphore_mem>>) src(%dma_wait3A_55 : memref<128x16xf32, #tpu.memory_space<vmem_shared>>) dst(%arg7 : memref<128x16xf32, #tpu.memory_space<vmem>>)
      tpu.yield
    }) : () -> ()
    "tpu.region"() ({
      %run_scoped3A = tpu.sem_alloc : memref<!tpu.dma_semaphore, #tpu.memory_space<semaphore_mem>>
      %dma_start3A = arith.constant 0 : i32
      %dma_start3A_50 = tpu.memref_slice %arg5[%arg0, %add3A_45, %dma_start3A] : memref<2x20480x16xf32, #tpu.memory_space<hbm>> -> memref<1x128x16xf32, #tpu.memory_space<hbm>>
      %dma_start3A_51 = tpu.memref_squeeze %dma_start3A_50 : memref<1x128x16xf32, #tpu.memory_space<hbm>> -> memref<128x16xf32, #tpu.memory_space<hbm>>
      %dma_start3A_52 = arith.constant 0 : i32
      %dma_start3A_53 = tpu.memref_slice %arg5[%arg0, %add3A_45, %dma_start3A_52] : memref<2x20480x16xf32, #tpu.memory_space<hbm>> -> memref<1x128x16xf32, #tpu.memory_space<hbm>>
      %dma_start3A_54 = tpu.memref_squeeze %dma_start3A_53 : memref<1x128x16xf32, #tpu.memory_space<hbm>> -> memref<128x16xf32, #tpu.memory_space<hbm>>
      tpu.enqueue_dma source(%arg7 : memref<128x16xf32, #tpu.memory_space<vmem>>) target(%dma_start3A_54 : memref<128x16xf32, #tpu.memory_space<hbm>>) target_semaphore(%run_scoped3A : memref<!tpu.dma_semaphore, #tpu.memory_space<semaphore_mem>>)
      %dma_wait3A = arith.constant 0 : i32
      %dma_wait3A_55 = tpu.memref_slice %arg5[%arg0, %add3A_45, %dma_wait3A] : memref<2x20480x16xf32, #tpu.memory_space<hbm>> -> memref<1x128x16xf32, #tpu.memory_space<hbm>>
      %dma_wait3A_56 = tpu.memref_squeeze %dma_wait3A_55 : memref<1x128x16xf32, #tpu.memory_space<hbm>> -> memref<128x16xf32, #tpu.memory_space<hbm>>
      %dma_wait3A_57 = arith.constant 0 : i32
      %dma_wait3A_58 = tpu.memref_slice %arg5[%arg0, %add3A_45, %dma_wait3A_57] : memref<2x20480x16xf32, #tpu.memory_space<hbm>> -> memref<1x128x16xf32, #tpu.memory_space<hbm>>
      %dma_wait3A_59 = tpu.memref_squeeze %dma_wait3A_58 : memref<1x128x16xf32, #tpu.memory_space<hbm>> -> memref<128x16xf32, #tpu.memory_space<hbm>>
      tpu.wait_dma2 semaphore(%run_scoped3A : memref<!tpu.dma_semaphore, #tpu.memory_space<semaphore_mem>>) src(%arg7 : memref<128x16xf32, #tpu.memory_space<vmem>>) dst(%dma_wait3A_59 : memref<128x16xf32, #tpu.memory_space<hbm>>)
      tpu.yield
    }) : () -> ()
    %add3A_46 = arith.constant 1024 : i32
    %add3A_47 = arith.addi %mul3A_0, %add3A_46 : i32
    "tpu.region"() ({
      %run_scoped3A = tpu.sem_alloc : memref<!tpu.dma_semaphore, #tpu.memory_space<semaphore_mem>>
      %dma_start3A = arith.constant 0 : i32
      %dma_start3A_50 = tpu.memref_slice %arg9[%add3A_47, %dma_start3A] : memref<20480x16xf32, #tpu.memory_space<vmem_shared>> -> memref<128x16xf32, #tpu.memory_space<vmem_shared>>
      %dma_start3A_51 = arith.constant 0 : i32
      %dma_start3A_52 = tpu.memref_slice %arg9[%add3A_47, %dma_start3A_51] : memref<20480x16xf32, #tpu.memory_space<vmem_shared>> -> memref<128x16xf32, #tpu.memory_space<vmem_shared>>
      tpu.enqueue_dma source(%dma_start3A_52 : memref<128x16xf32, #tpu.memory_space<vmem_shared>>) target(%arg7 : memref<128x16xf32, #tpu.memory_space<vmem>>) target_semaphore(%run_scoped3A : memref<!tpu.dma_semaphore, #tpu.memory_space<semaphore_mem>>)
      %dma_wait3A = arith.constant 0 : i32
      %dma_wait3A_53 = tpu.memref_slice %arg9[%add3A_47, %dma_wait3A] : memref<20480x16xf32, #tpu.memory_space<vmem_shared>> -> memref<128x16xf32, #tpu.memory_space<vmem_shared>>
      %dma_wait3A_54 = arith.constant 0 : i32
      %dma_wait3A_55 = tpu.memref_slice %arg9[%add3A_47, %dma_wait3A_54] : memref<20480x16xf32, #tpu.memory_space<vmem_shared>> -> memref<128x16xf32, #tpu.memory_space<vmem_shared>>
      tpu.wait_dma2 semaphore(%run_scoped3A : memref<!tpu.dma_semaphore, #tpu.memory_space<semaphore_mem>>) src(%dma_wait3A_55 : memref<128x16xf32, #tpu.memory_space<vmem_shared>>) dst(%arg7 : memref<128x16xf32, #tpu.memory_space<vmem>>)
      tpu.yield
    }) : () -> ()
    "tpu.region"() ({
      %run_scoped3A = tpu.sem_alloc : memref<!tpu.dma_semaphore, #tpu.memory_space<semaphore_mem>>
      %dma_start3A = arith.constant 0 : i32
      %dma_start3A_50 = tpu.memref_slice %arg5[%arg0, %add3A_47, %dma_start3A] : memref<2x20480x16xf32, #tpu.memory_space<hbm>> -> memref<1x128x16xf32, #tpu.memory_space<hbm>>
      %dma_start3A_51 = tpu.memref_squeeze %dma_start3A_50 : memref<1x128x16xf32, #tpu.memory_space<hbm>> -> memref<128x16xf32, #tpu.memory_space<hbm>>
      %dma_start3A_52 = arith.constant 0 : i32
      %dma_start3A_53 = tpu.memref_slice %arg5[%arg0, %add3A_47, %dma_start3A_52] : memref<2x20480x16xf32, #tpu.memory_space<hbm>> -> memref<1x128x16xf32, #tpu.memory_space<hbm>>
      %dma_start3A_54 = tpu.memref_squeeze %dma_start3A_53 : memref<1x128x16xf32, #tpu.memory_space<hbm>> -> memref<128x16xf32, #tpu.memory_space<hbm>>
      tpu.enqueue_dma source(%arg7 : memref<128x16xf32, #tpu.memory_space<vmem>>) target(%dma_start3A_54 : memref<128x16xf32, #tpu.memory_space<hbm>>) target_semaphore(%run_scoped3A : memref<!tpu.dma_semaphore, #tpu.memory_space<semaphore_mem>>)
      %dma_wait3A = arith.constant 0 : i32
      %dma_wait3A_55 = tpu.memref_slice %arg5[%arg0, %add3A_47, %dma_wait3A] : memref<2x20480x16xf32, #tpu.memory_space<hbm>> -> memref<1x128x16xf32, #tpu.memory_space<hbm>>
      %dma_wait3A_56 = tpu.memref_squeeze %dma_wait3A_55 : memref<1x128x16xf32, #tpu.memory_space<hbm>> -> memref<128x16xf32, #tpu.memory_space<hbm>>
      %dma_wait3A_57 = arith.constant 0 : i32
      %dma_wait3A_58 = tpu.memref_slice %arg5[%arg0, %add3A_47, %dma_wait3A_57] : memref<2x20480x16xf32, #tpu.memory_space<hbm>> -> memref<1x128x16xf32, #tpu.memory_space<hbm>>
      %dma_wait3A_59 = tpu.memref_squeeze %dma_wait3A_58 : memref<1x128x16xf32, #tpu.memory_space<hbm>> -> memref<128x16xf32, #tpu.memory_space<hbm>>
      tpu.wait_dma2 semaphore(%run_scoped3A : memref<!tpu.dma_semaphore, #tpu.memory_space<semaphore_mem>>) src(%arg7 : memref<128x16xf32, #tpu.memory_space<vmem>>) dst(%dma_wait3A_59 : memref<128x16xf32, #tpu.memory_space<hbm>>)
      tpu.yield
    }) : () -> ()
    %add3A_48 = arith.constant 1152 : i32
    %add3A_49 = arith.addi %mul3A_0, %add3A_48 : i32
    "tpu.region"() ({
      %run_scoped3A = tpu.sem_alloc : memref<!tpu.dma_semaphore, #tpu.memory_space<semaphore_mem>>
      %dma_start3A = arith.constant 0 : i32
      %dma_start3A_50 = tpu.memref_slice %arg9[%add3A_49, %dma_start3A] : memref<20480x16xf32, #tpu.memory_space<vmem_shared>> -> memref<128x16xf32, #tpu.memory_space<vmem_shared>>
      %dma_start3A_51 = arith.constant 0 : i32
      %dma_start3A_52 = tpu.memref_slice %arg9[%add3A_49, %dma_start3A_51] : memref<20480x16xf32, #tpu.memory_space<vmem_shared>> -> memref<128x16xf32, #tpu.memory_space<vmem_shared>>
      tpu.enqueue_dma source(%dma_start3A_52 : memref<128x16xf32, #tpu.memory_space<vmem_shared>>) target(%arg7 : memref<128x16xf32, #tpu.memory_space<vmem>>) target_semaphore(%run_scoped3A : memref<!tpu.dma_semaphore, #tpu.memory_space<semaphore_mem>>)
      %dma_wait3A = arith.constant 0 : i32
      %dma_wait3A_53 = tpu.memref_slice %arg9[%add3A_49, %dma_wait3A] : memref<20480x16xf32, #tpu.memory_space<vmem_shared>> -> memref<128x16xf32, #tpu.memory_space<vmem_shared>>
      %dma_wait3A_54 = arith.constant 0 : i32
      %dma_wait3A_55 = tpu.memref_slice %arg9[%add3A_49, %dma_wait3A_54] : memref<20480x16xf32, #tpu.memory_space<vmem_shared>> -> memref<128x16xf32, #tpu.memory_space<vmem_shared>>
      tpu.wait_dma2 semaphore(%run_scoped3A : memref<!tpu.dma_semaphore, #tpu.memory_space<semaphore_mem>>) src(%dma_wait3A_55 : memref<128x16xf32, #tpu.memory_space<vmem_shared>>) dst(%arg7 : memref<128x16xf32, #tpu.memory_space<vmem>>)
      tpu.yield
    }) : () -> ()
    "tpu.region"() ({
      %run_scoped3A = tpu.sem_alloc : memref<!tpu.dma_semaphore, #tpu.memory_space<semaphore_mem>>
      %dma_start3A = arith.constant 0 : i32
      %dma_start3A_50 = tpu.memref_slice %arg5[%arg0, %add3A_49, %dma_start3A] : memref<2x20480x16xf32, #tpu.memory_space<hbm>> -> memref<1x128x16xf32, #tpu.memory_space<hbm>>
      %dma_start3A_51 = tpu.memref_squeeze %dma_start3A_50 : memref<1x128x16xf32, #tpu.memory_space<hbm>> -> memref<128x16xf32, #tpu.memory_space<hbm>>
      %dma_start3A_52 = arith.constant 0 : i32
      %dma_start3A_53 = tpu.memref_slice %arg5[%arg0, %add3A_49, %dma_start3A_52] : memref<2x20480x16xf32, #tpu.memory_space<hbm>> -> memref<1x128x16xf32, #tpu.memory_space<hbm>>
      %dma_start3A_54 = tpu.memref_squeeze %dma_start3A_53 : memref<1x128x16xf32, #tpu.memory_space<hbm>> -> memref<128x16xf32, #tpu.memory_space<hbm>>
      tpu.enqueue_dma source(%arg7 : memref<128x16xf32, #tpu.memory_space<vmem>>) target(%dma_start3A_54 : memref<128x16xf32, #tpu.memory_space<hbm>>) target_semaphore(%run_scoped3A : memref<!tpu.dma_semaphore, #tpu.memory_space<semaphore_mem>>)
      %dma_wait3A = arith.constant 0 : i32
      %dma_wait3A_55 = tpu.memref_slice %arg5[%arg0, %add3A_49, %dma_wait3A] : memref<2x20480x16xf32, #tpu.memory_space<hbm>> -> memref<1x128x16xf32, #tpu.memory_space<hbm>>
      %dma_wait3A_56 = tpu.memref_squeeze %dma_wait3A_55 : memref<1x128x16xf32, #tpu.memory_space<hbm>> -> memref<128x16xf32, #tpu.memory_space<hbm>>
      %dma_wait3A_57 = arith.constant 0 : i32
      %dma_wait3A_58 = tpu.memref_slice %arg5[%arg0, %add3A_49, %dma_wait3A_57] : memref<2x20480x16xf32, #tpu.memory_space<hbm>> -> memref<1x128x16xf32, #tpu.memory_space<hbm>>
      %dma_wait3A_59 = tpu.memref_squeeze %dma_wait3A_58 : memref<1x128x16xf32, #tpu.memory_space<hbm>> -> memref<128x16xf32, #tpu.memory_space<hbm>>
      tpu.wait_dma2 semaphore(%run_scoped3A : memref<!tpu.dma_semaphore, #tpu.memory_space<semaphore_mem>>) src(%arg7 : memref<128x16xf32, #tpu.memory_space<vmem>>) dst(%dma_wait3A_59 : memref<128x16xf32, #tpu.memory_space<hbm>>)
      tpu.yield
    }) : () -> ()
    return
  }
}

#map = affine_map<(d0, d1) -> (0, 0)>
#map1 = affine_map<(d0, d1) -> (0, 0, 0)>
module attributes {stable_mosaic.version = 14 : i64} {
  func.func @sc_curv_aggregate(%arg0: i32, %arg1: i32, %arg2: memref<20000x64xf32, #tpu.memory_space<hbm>>, %arg3: memref<2x2560x128xi32, #tpu.memory_space<hbm>>, %arg4: memref<2560x128xi32, #tpu.memory_space<hbm>>, %arg5: memref<128x64xf32, #tpu.memory_space<hbm>>, %arg6: memref<2x20480x64xf32, #tpu.memory_space<hbm>>, %arg7: memref<8x128xi32, #tpu.memory_space<vmem>>, %arg8: memref<8x128xi32, #tpu.memory_space<vmem>>, %arg9: memref<128x64xf32, #tpu.memory_space<vmem>>, %arg10: memref<128x64xf32, #tpu.memory_space<vmem>>, %arg11: memref<128x64xf32, #tpu.memory_space<vmem>>, %arg12: memref<128x64xf32, #tpu.memory_space<vmem>>, %arg13: memref<20480x64xf32, #tpu.memory_space<vmem_shared>>, %arg14: memref<!tpu.dma_semaphore, #tpu.memory_space<semaphore_mem>>, %arg15: memref<!tpu.dma_semaphore, #tpu.memory_space<semaphore_mem>>, %arg16: memref<!tpu.dma_semaphore, #tpu.memory_space<semaphore_mem>>, %arg17: memref<!tpu.dma_semaphore, #tpu.memory_space<semaphore_mem>>, %arg18: memref<!tpu.dma_semaphore, #tpu.memory_space<semaphore_mem>>, %arg19: memref<!tpu.dma_semaphore, #tpu.memory_space<semaphore_mem>>, %arg20: memref<!tpu.dma_semaphore, #tpu.memory_space<semaphore_mem>>, %arg21: memref<!tpu.dma_semaphore, #tpu.memory_space<semaphore_mem>>) attributes {dimension_semantics = [#tpu.dimension_semantics<core_parallel>, #tpu.dimension_semantics<subcore_parallel>], iteration_bounds = array<i64: 2, 16>, scalar_prefetch = 0 : i64, scratch_operands = 15 : i64, tpu.core_type = #tpu.core_type<sc_vector_subcore>, window_params = [{transform_indices = #map}, {transform_indices = #map1}, {transform_indices = #map}, {transform_indices = #map}, {transform_indices = #map1}]} {
    "tpu.region"() ({
      %run_scoped3A = tpu.sem_alloc : memref<!tpu.dma_semaphore, #tpu.memory_space<semaphore_mem>>
      tpu.enqueue_dma source(%arg5 : memref<128x64xf32, #tpu.memory_space<hbm>>) target(%arg9 : memref<128x64xf32, #tpu.memory_space<vmem>>) target_semaphore(%run_scoped3A : memref<!tpu.dma_semaphore, #tpu.memory_space<semaphore_mem>>)
      tpu.wait_dma2 semaphore(%run_scoped3A : memref<!tpu.dma_semaphore, #tpu.memory_space<semaphore_mem>>) src(%arg5 : memref<128x64xf32, #tpu.memory_space<hbm>>) dst(%arg9 : memref<128x64xf32, #tpu.memory_space<vmem>>)
      tpu.yield
    }) : () -> ()
    %mul3A = arith.constant 1280 : i32
    %mul3A_0 = arith.muli %arg1, %mul3A : i32
    %add3A = arith.constant 0 : i32
    %add3A_1 = arith.addi %mul3A_0, %add3A : i32
    "tpu.region"() ({
      %run_scoped3A = tpu.sem_alloc : memref<!tpu.dma_semaphore, #tpu.memory_space<semaphore_mem>>
      %dma_start3A = arith.constant 0 : i32
      %dma_start3A_47 = tpu.memref_slice %arg13[%add3A_1, %dma_start3A] : memref<20480x64xf32, #tpu.memory_space<vmem_shared>> -> memref<128x64xf32, #tpu.memory_space<vmem_shared>>
      %dma_start3A_48 = arith.constant 0 : i32
      %dma_start3A_49 = tpu.memref_slice %arg13[%add3A_1, %dma_start3A_48] : memref<20480x64xf32, #tpu.memory_space<vmem_shared>> -> memref<128x64xf32, #tpu.memory_space<vmem_shared>>
      tpu.enqueue_dma source(%arg9 : memref<128x64xf32, #tpu.memory_space<vmem>>) target(%dma_start3A_49 : memref<128x64xf32, #tpu.memory_space<vmem_shared>>) target_semaphore(%run_scoped3A : memref<!tpu.dma_semaphore, #tpu.memory_space<semaphore_mem>>)
      %dma_wait3A = arith.constant 0 : i32
      %dma_wait3A_50 = tpu.memref_slice %arg13[%add3A_1, %dma_wait3A] : memref<20480x64xf32, #tpu.memory_space<vmem_shared>> -> memref<128x64xf32, #tpu.memory_space<vmem_shared>>
      %dma_wait3A_51 = arith.constant 0 : i32
      %dma_wait3A_52 = tpu.memref_slice %arg13[%add3A_1, %dma_wait3A_51] : memref<20480x64xf32, #tpu.memory_space<vmem_shared>> -> memref<128x64xf32, #tpu.memory_space<vmem_shared>>
      tpu.wait_dma2 semaphore(%run_scoped3A : memref<!tpu.dma_semaphore, #tpu.memory_space<semaphore_mem>>) src(%arg9 : memref<128x64xf32, #tpu.memory_space<vmem>>) dst(%dma_wait3A_52 : memref<128x64xf32, #tpu.memory_space<vmem_shared>>)
      tpu.yield
    }) : () -> ()
    %add3A_2 = arith.constant 128 : i32
    %add3A_3 = arith.addi %mul3A_0, %add3A_2 : i32
    "tpu.region"() ({
      %run_scoped3A = tpu.sem_alloc : memref<!tpu.dma_semaphore, #tpu.memory_space<semaphore_mem>>
      %dma_start3A = arith.constant 0 : i32
      %dma_start3A_47 = tpu.memref_slice %arg13[%add3A_3, %dma_start3A] : memref<20480x64xf32, #tpu.memory_space<vmem_shared>> -> memref<128x64xf32, #tpu.memory_space<vmem_shared>>
      %dma_start3A_48 = arith.constant 0 : i32
      %dma_start3A_49 = tpu.memref_slice %arg13[%add3A_3, %dma_start3A_48] : memref<20480x64xf32, #tpu.memory_space<vmem_shared>> -> memref<128x64xf32, #tpu.memory_space<vmem_shared>>
      tpu.enqueue_dma source(%arg9 : memref<128x64xf32, #tpu.memory_space<vmem>>) target(%dma_start3A_49 : memref<128x64xf32, #tpu.memory_space<vmem_shared>>) target_semaphore(%run_scoped3A : memref<!tpu.dma_semaphore, #tpu.memory_space<semaphore_mem>>)
      %dma_wait3A = arith.constant 0 : i32
      %dma_wait3A_50 = tpu.memref_slice %arg13[%add3A_3, %dma_wait3A] : memref<20480x64xf32, #tpu.memory_space<vmem_shared>> -> memref<128x64xf32, #tpu.memory_space<vmem_shared>>
      %dma_wait3A_51 = arith.constant 0 : i32
      %dma_wait3A_52 = tpu.memref_slice %arg13[%add3A_3, %dma_wait3A_51] : memref<20480x64xf32, #tpu.memory_space<vmem_shared>> -> memref<128x64xf32, #tpu.memory_space<vmem_shared>>
      tpu.wait_dma2 semaphore(%run_scoped3A : memref<!tpu.dma_semaphore, #tpu.memory_space<semaphore_mem>>) src(%arg9 : memref<128x64xf32, #tpu.memory_space<vmem>>) dst(%dma_wait3A_52 : memref<128x64xf32, #tpu.memory_space<vmem_shared>>)
      tpu.yield
    }) : () -> ()
    %add3A_4 = arith.constant 256 : i32
    %add3A_5 = arith.addi %mul3A_0, %add3A_4 : i32
    "tpu.region"() ({
      %run_scoped3A = tpu.sem_alloc : memref<!tpu.dma_semaphore, #tpu.memory_space<semaphore_mem>>
      %dma_start3A = arith.constant 0 : i32
      %dma_start3A_47 = tpu.memref_slice %arg13[%add3A_5, %dma_start3A] : memref<20480x64xf32, #tpu.memory_space<vmem_shared>> -> memref<128x64xf32, #tpu.memory_space<vmem_shared>>
      %dma_start3A_48 = arith.constant 0 : i32
      %dma_start3A_49 = tpu.memref_slice %arg13[%add3A_5, %dma_start3A_48] : memref<20480x64xf32, #tpu.memory_space<vmem_shared>> -> memref<128x64xf32, #tpu.memory_space<vmem_shared>>
      tpu.enqueue_dma source(%arg9 : memref<128x64xf32, #tpu.memory_space<vmem>>) target(%dma_start3A_49 : memref<128x64xf32, #tpu.memory_space<vmem_shared>>) target_semaphore(%run_scoped3A : memref<!tpu.dma_semaphore, #tpu.memory_space<semaphore_mem>>)
      %dma_wait3A = arith.constant 0 : i32
      %dma_wait3A_50 = tpu.memref_slice %arg13[%add3A_5, %dma_wait3A] : memref<20480x64xf32, #tpu.memory_space<vmem_shared>> -> memref<128x64xf32, #tpu.memory_space<vmem_shared>>
      %dma_wait3A_51 = arith.constant 0 : i32
      %dma_wait3A_52 = tpu.memref_slice %arg13[%add3A_5, %dma_wait3A_51] : memref<20480x64xf32, #tpu.memory_space<vmem_shared>> -> memref<128x64xf32, #tpu.memory_space<vmem_shared>>
      tpu.wait_dma2 semaphore(%run_scoped3A : memref<!tpu.dma_semaphore, #tpu.memory_space<semaphore_mem>>) src(%arg9 : memref<128x64xf32, #tpu.memory_space<vmem>>) dst(%dma_wait3A_52 : memref<128x64xf32, #tpu.memory_space<vmem_shared>>)
      tpu.yield
    }) : () -> ()
    %add3A_6 = arith.constant 384 : i32
    %add3A_7 = arith.addi %mul3A_0, %add3A_6 : i32
    "tpu.region"() ({
      %run_scoped3A = tpu.sem_alloc : memref<!tpu.dma_semaphore, #tpu.memory_space<semaphore_mem>>
      %dma_start3A = arith.constant 0 : i32
      %dma_start3A_47 = tpu.memref_slice %arg13[%add3A_7, %dma_start3A] : memref<20480x64xf32, #tpu.memory_space<vmem_shared>> -> memref<128x64xf32, #tpu.memory_space<vmem_shared>>
      %dma_start3A_48 = arith.constant 0 : i32
      %dma_start3A_49 = tpu.memref_slice %arg13[%add3A_7, %dma_start3A_48] : memref<20480x64xf32, #tpu.memory_space<vmem_shared>> -> memref<128x64xf32, #tpu.memory_space<vmem_shared>>
      tpu.enqueue_dma source(%arg9 : memref<128x64xf32, #tpu.memory_space<vmem>>) target(%dma_start3A_49 : memref<128x64xf32, #tpu.memory_space<vmem_shared>>) target_semaphore(%run_scoped3A : memref<!tpu.dma_semaphore, #tpu.memory_space<semaphore_mem>>)
      %dma_wait3A = arith.constant 0 : i32
      %dma_wait3A_50 = tpu.memref_slice %arg13[%add3A_7, %dma_wait3A] : memref<20480x64xf32, #tpu.memory_space<vmem_shared>> -> memref<128x64xf32, #tpu.memory_space<vmem_shared>>
      %dma_wait3A_51 = arith.constant 0 : i32
      %dma_wait3A_52 = tpu.memref_slice %arg13[%add3A_7, %dma_wait3A_51] : memref<20480x64xf32, #tpu.memory_space<vmem_shared>> -> memref<128x64xf32, #tpu.memory_space<vmem_shared>>
      tpu.wait_dma2 semaphore(%run_scoped3A : memref<!tpu.dma_semaphore, #tpu.memory_space<semaphore_mem>>) src(%arg9 : memref<128x64xf32, #tpu.memory_space<vmem>>) dst(%dma_wait3A_52 : memref<128x64xf32, #tpu.memory_space<vmem_shared>>)
      tpu.yield
    }) : () -> ()
    %add3A_8 = arith.constant 512 : i32
    %add3A_9 = arith.addi %mul3A_0, %add3A_8 : i32
    "tpu.region"() ({
      %run_scoped3A = tpu.sem_alloc : memref<!tpu.dma_semaphore, #tpu.memory_space<semaphore_mem>>
      %dma_start3A = arith.constant 0 : i32
      %dma_start3A_47 = tpu.memref_slice %arg13[%add3A_9, %dma_start3A] : memref<20480x64xf32, #tpu.memory_space<vmem_shared>> -> memref<128x64xf32, #tpu.memory_space<vmem_shared>>
      %dma_start3A_48 = arith.constant 0 : i32
      %dma_start3A_49 = tpu.memref_slice %arg13[%add3A_9, %dma_start3A_48] : memref<20480x64xf32, #tpu.memory_space<vmem_shared>> -> memref<128x64xf32, #tpu.memory_space<vmem_shared>>
      tpu.enqueue_dma source(%arg9 : memref<128x64xf32, #tpu.memory_space<vmem>>) target(%dma_start3A_49 : memref<128x64xf32, #tpu.memory_space<vmem_shared>>) target_semaphore(%run_scoped3A : memref<!tpu.dma_semaphore, #tpu.memory_space<semaphore_mem>>)
      %dma_wait3A = arith.constant 0 : i32
      %dma_wait3A_50 = tpu.memref_slice %arg13[%add3A_9, %dma_wait3A] : memref<20480x64xf32, #tpu.memory_space<vmem_shared>> -> memref<128x64xf32, #tpu.memory_space<vmem_shared>>
      %dma_wait3A_51 = arith.constant 0 : i32
      %dma_wait3A_52 = tpu.memref_slice %arg13[%add3A_9, %dma_wait3A_51] : memref<20480x64xf32, #tpu.memory_space<vmem_shared>> -> memref<128x64xf32, #tpu.memory_space<vmem_shared>>
      tpu.wait_dma2 semaphore(%run_scoped3A : memref<!tpu.dma_semaphore, #tpu.memory_space<semaphore_mem>>) src(%arg9 : memref<128x64xf32, #tpu.memory_space<vmem>>) dst(%dma_wait3A_52 : memref<128x64xf32, #tpu.memory_space<vmem_shared>>)
      tpu.yield
    }) : () -> ()
    %add3A_10 = arith.constant 640 : i32
    %add3A_11 = arith.addi %mul3A_0, %add3A_10 : i32
    "tpu.region"() ({
      %run_scoped3A = tpu.sem_alloc : memref<!tpu.dma_semaphore, #tpu.memory_space<semaphore_mem>>
      %dma_start3A = arith.constant 0 : i32
      %dma_start3A_47 = tpu.memref_slice %arg13[%add3A_11, %dma_start3A] : memref<20480x64xf32, #tpu.memory_space<vmem_shared>> -> memref<128x64xf32, #tpu.memory_space<vmem_shared>>
      %dma_start3A_48 = arith.constant 0 : i32
      %dma_start3A_49 = tpu.memref_slice %arg13[%add3A_11, %dma_start3A_48] : memref<20480x64xf32, #tpu.memory_space<vmem_shared>> -> memref<128x64xf32, #tpu.memory_space<vmem_shared>>
      tpu.enqueue_dma source(%arg9 : memref<128x64xf32, #tpu.memory_space<vmem>>) target(%dma_start3A_49 : memref<128x64xf32, #tpu.memory_space<vmem_shared>>) target_semaphore(%run_scoped3A : memref<!tpu.dma_semaphore, #tpu.memory_space<semaphore_mem>>)
      %dma_wait3A = arith.constant 0 : i32
      %dma_wait3A_50 = tpu.memref_slice %arg13[%add3A_11, %dma_wait3A] : memref<20480x64xf32, #tpu.memory_space<vmem_shared>> -> memref<128x64xf32, #tpu.memory_space<vmem_shared>>
      %dma_wait3A_51 = arith.constant 0 : i32
      %dma_wait3A_52 = tpu.memref_slice %arg13[%add3A_11, %dma_wait3A_51] : memref<20480x64xf32, #tpu.memory_space<vmem_shared>> -> memref<128x64xf32, #tpu.memory_space<vmem_shared>>
      tpu.wait_dma2 semaphore(%run_scoped3A : memref<!tpu.dma_semaphore, #tpu.memory_space<semaphore_mem>>) src(%arg9 : memref<128x64xf32, #tpu.memory_space<vmem>>) dst(%dma_wait3A_52 : memref<128x64xf32, #tpu.memory_space<vmem_shared>>)
      tpu.yield
    }) : () -> ()
    %add3A_12 = arith.constant 768 : i32
    %add3A_13 = arith.addi %mul3A_0, %add3A_12 : i32
    "tpu.region"() ({
      %run_scoped3A = tpu.sem_alloc : memref<!tpu.dma_semaphore, #tpu.memory_space<semaphore_mem>>
      %dma_start3A = arith.constant 0 : i32
      %dma_start3A_47 = tpu.memref_slice %arg13[%add3A_13, %dma_start3A] : memref<20480x64xf32, #tpu.memory_space<vmem_shared>> -> memref<128x64xf32, #tpu.memory_space<vmem_shared>>
      %dma_start3A_48 = arith.constant 0 : i32
      %dma_start3A_49 = tpu.memref_slice %arg13[%add3A_13, %dma_start3A_48] : memref<20480x64xf32, #tpu.memory_space<vmem_shared>> -> memref<128x64xf32, #tpu.memory_space<vmem_shared>>
      tpu.enqueue_dma source(%arg9 : memref<128x64xf32, #tpu.memory_space<vmem>>) target(%dma_start3A_49 : memref<128x64xf32, #tpu.memory_space<vmem_shared>>) target_semaphore(%run_scoped3A : memref<!tpu.dma_semaphore, #tpu.memory_space<semaphore_mem>>)
      %dma_wait3A = arith.constant 0 : i32
      %dma_wait3A_50 = tpu.memref_slice %arg13[%add3A_13, %dma_wait3A] : memref<20480x64xf32, #tpu.memory_space<vmem_shared>> -> memref<128x64xf32, #tpu.memory_space<vmem_shared>>
      %dma_wait3A_51 = arith.constant 0 : i32
      %dma_wait3A_52 = tpu.memref_slice %arg13[%add3A_13, %dma_wait3A_51] : memref<20480x64xf32, #tpu.memory_space<vmem_shared>> -> memref<128x64xf32, #tpu.memory_space<vmem_shared>>
      tpu.wait_dma2 semaphore(%run_scoped3A : memref<!tpu.dma_semaphore, #tpu.memory_space<semaphore_mem>>) src(%arg9 : memref<128x64xf32, #tpu.memory_space<vmem>>) dst(%dma_wait3A_52 : memref<128x64xf32, #tpu.memory_space<vmem_shared>>)
      tpu.yield
    }) : () -> ()
    %add3A_14 = arith.constant 896 : i32
    %add3A_15 = arith.addi %mul3A_0, %add3A_14 : i32
    "tpu.region"() ({
      %run_scoped3A = tpu.sem_alloc : memref<!tpu.dma_semaphore, #tpu.memory_space<semaphore_mem>>
      %dma_start3A = arith.constant 0 : i32
      %dma_start3A_47 = tpu.memref_slice %arg13[%add3A_15, %dma_start3A] : memref<20480x64xf32, #tpu.memory_space<vmem_shared>> -> memref<128x64xf32, #tpu.memory_space<vmem_shared>>
      %dma_start3A_48 = arith.constant 0 : i32
      %dma_start3A_49 = tpu.memref_slice %arg13[%add3A_15, %dma_start3A_48] : memref<20480x64xf32, #tpu.memory_space<vmem_shared>> -> memref<128x64xf32, #tpu.memory_space<vmem_shared>>
      tpu.enqueue_dma source(%arg9 : memref<128x64xf32, #tpu.memory_space<vmem>>) target(%dma_start3A_49 : memref<128x64xf32, #tpu.memory_space<vmem_shared>>) target_semaphore(%run_scoped3A : memref<!tpu.dma_semaphore, #tpu.memory_space<semaphore_mem>>)
      %dma_wait3A = arith.constant 0 : i32
      %dma_wait3A_50 = tpu.memref_slice %arg13[%add3A_15, %dma_wait3A] : memref<20480x64xf32, #tpu.memory_space<vmem_shared>> -> memref<128x64xf32, #tpu.memory_space<vmem_shared>>
      %dma_wait3A_51 = arith.constant 0 : i32
      %dma_wait3A_52 = tpu.memref_slice %arg13[%add3A_15, %dma_wait3A_51] : memref<20480x64xf32, #tpu.memory_space<vmem_shared>> -> memref<128x64xf32, #tpu.memory_space<vmem_shared>>
      tpu.wait_dma2 semaphore(%run_scoped3A : memref<!tpu.dma_semaphore, #tpu.memory_space<semaphore_mem>>) src(%arg9 : memref<128x64xf32, #tpu.memory_space<vmem>>) dst(%dma_wait3A_52 : memref<128x64xf32, #tpu.memory_space<vmem_shared>>)
      tpu.yield
    }) : () -> ()
    %add3A_16 = arith.constant 1024 : i32
    %add3A_17 = arith.addi %mul3A_0, %add3A_16 : i32
    "tpu.region"() ({
      %run_scoped3A = tpu.sem_alloc : memref<!tpu.dma_semaphore, #tpu.memory_space<semaphore_mem>>
      %dma_start3A = arith.constant 0 : i32
      %dma_start3A_47 = tpu.memref_slice %arg13[%add3A_17, %dma_start3A] : memref<20480x64xf32, #tpu.memory_space<vmem_shared>> -> memref<128x64xf32, #tpu.memory_space<vmem_shared>>
      %dma_start3A_48 = arith.constant 0 : i32
      %dma_start3A_49 = tpu.memref_slice %arg13[%add3A_17, %dma_start3A_48] : memref<20480x64xf32, #tpu.memory_space<vmem_shared>> -> memref<128x64xf32, #tpu.memory_space<vmem_shared>>
      tpu.enqueue_dma source(%arg9 : memref<128x64xf32, #tpu.memory_space<vmem>>) target(%dma_start3A_49 : memref<128x64xf32, #tpu.memory_space<vmem_shared>>) target_semaphore(%run_scoped3A : memref<!tpu.dma_semaphore, #tpu.memory_space<semaphore_mem>>)
      %dma_wait3A = arith.constant 0 : i32
      %dma_wait3A_50 = tpu.memref_slice %arg13[%add3A_17, %dma_wait3A] : memref<20480x64xf32, #tpu.memory_space<vmem_shared>> -> memref<128x64xf32, #tpu.memory_space<vmem_shared>>
      %dma_wait3A_51 = arith.constant 0 : i32
      %dma_wait3A_52 = tpu.memref_slice %arg13[%add3A_17, %dma_wait3A_51] : memref<20480x64xf32, #tpu.memory_space<vmem_shared>> -> memref<128x64xf32, #tpu.memory_space<vmem_shared>>
      tpu.wait_dma2 semaphore(%run_scoped3A : memref<!tpu.dma_semaphore, #tpu.memory_space<semaphore_mem>>) src(%arg9 : memref<128x64xf32, #tpu.memory_space<vmem>>) dst(%dma_wait3A_52 : memref<128x64xf32, #tpu.memory_space<vmem_shared>>)
      tpu.yield
    }) : () -> ()
    %add3A_18 = arith.constant 1152 : i32
    %add3A_19 = arith.addi %mul3A_0, %add3A_18 : i32
    "tpu.region"() ({
      %run_scoped3A = tpu.sem_alloc : memref<!tpu.dma_semaphore, #tpu.memory_space<semaphore_mem>>
      %dma_start3A = arith.constant 0 : i32
      %dma_start3A_47 = tpu.memref_slice %arg13[%add3A_19, %dma_start3A] : memref<20480x64xf32, #tpu.memory_space<vmem_shared>> -> memref<128x64xf32, #tpu.memory_space<vmem_shared>>
      %dma_start3A_48 = arith.constant 0 : i32
      %dma_start3A_49 = tpu.memref_slice %arg13[%add3A_19, %dma_start3A_48] : memref<20480x64xf32, #tpu.memory_space<vmem_shared>> -> memref<128x64xf32, #tpu.memory_space<vmem_shared>>
      tpu.enqueue_dma source(%arg9 : memref<128x64xf32, #tpu.memory_space<vmem>>) target(%dma_start3A_49 : memref<128x64xf32, #tpu.memory_space<vmem_shared>>) target_semaphore(%run_scoped3A : memref<!tpu.dma_semaphore, #tpu.memory_space<semaphore_mem>>)
      %dma_wait3A = arith.constant 0 : i32
      %dma_wait3A_50 = tpu.memref_slice %arg13[%add3A_19, %dma_wait3A] : memref<20480x64xf32, #tpu.memory_space<vmem_shared>> -> memref<128x64xf32, #tpu.memory_space<vmem_shared>>
      %dma_wait3A_51 = arith.constant 0 : i32
      %dma_wait3A_52 = tpu.memref_slice %arg13[%add3A_19, %dma_wait3A_51] : memref<20480x64xf32, #tpu.memory_space<vmem_shared>> -> memref<128x64xf32, #tpu.memory_space<vmem_shared>>
      tpu.wait_dma2 semaphore(%run_scoped3A : memref<!tpu.dma_semaphore, #tpu.memory_space<semaphore_mem>>) src(%arg9 : memref<128x64xf32, #tpu.memory_space<vmem>>) dst(%dma_wait3A_52 : memref<128x64xf32, #tpu.memory_space<vmem_shared>>)
      tpu.yield
    }) : () -> ()
    %barrier3A = arith.constant 0 : index
    tpu.barrier barrier_id(%barrier3A)
    %mul3A_20 = arith.constant 160 : i32
    %mul3A_21 = arith.muli %arg1, %mul3A_20 : i32
    %scan3A = arith.constant 0 : i32
    %scan3A_22 = arith.constant 20 : i32
    %scan3A_23 = arith.addi %scan3A, %scan3A_22 : i32
    %scan3A_24 = arith.constant 1 : i32
    scf.for %scan3A_47 = %scan3A to %scan3A_23 step %scan3A_24  : i32 {
      %mul3A_48 = arith.constant 1 : i32
      %mul3A_49 = arith.muli %scan3A_47, %mul3A_48 : i32
      %add3A_50 = arith.constant 0 : i32
      %add3A_51 = arith.addi %add3A_50, %mul3A_49 : i32
      %mul3A_52 = arith.constant 8 : i32
      %mul3A_53 = arith.muli %add3A_51, %mul3A_52 : i32
      %add3A_54 = arith.addi %mul3A_21, %mul3A_53 : i32
      "tpu.region"() ({
        %run_scoped3A = tpu.sem_alloc : memref<!tpu.dma_semaphore, #tpu.memory_space<semaphore_mem>>
        %dma_start3A_277 = arith.constant 0 : i32
        %dma_start3A_278 = tpu.memref_slice %arg3[%arg0, %add3A_54, %dma_start3A_277] : memref<2x2560x128xi32, #tpu.memory_space<hbm>> -> memref<1x8x128xi32, #tpu.memory_space<hbm>>
        %dma_start3A_279 = tpu.memref_squeeze %dma_start3A_278 : memref<1x8x128xi32, #tpu.memory_space<hbm>> -> memref<8x128xi32, #tpu.memory_space<hbm>>
        %dma_start3A_280 = arith.constant 0 : i32
        %dma_start3A_281 = tpu.memref_slice %arg3[%arg0, %add3A_54, %dma_start3A_280] : memref<2x2560x128xi32, #tpu.memory_space<hbm>> -> memref<1x8x128xi32, #tpu.memory_space<hbm>>
        %dma_start3A_282 = tpu.memref_squeeze %dma_start3A_281 : memref<1x8x128xi32, #tpu.memory_space<hbm>> -> memref<8x128xi32, #tpu.memory_space<hbm>>
        tpu.enqueue_dma source(%dma_start3A_282 : memref<8x128xi32, #tpu.memory_space<hbm>>) target(%arg7 : memref<8x128xi32, #tpu.memory_space<vmem>>) target_semaphore(%run_scoped3A : memref<!tpu.dma_semaphore, #tpu.memory_space<semaphore_mem>>)
        %dma_wait3A_283 = arith.constant 0 : i32
        %dma_wait3A_284 = tpu.memref_slice %arg3[%arg0, %add3A_54, %dma_wait3A_283] : memref<2x2560x128xi32, #tpu.memory_space<hbm>> -> memref<1x8x128xi32, #tpu.memory_space<hbm>>
        %dma_wait3A_285 = tpu.memref_squeeze %dma_wait3A_284 : memref<1x8x128xi32, #tpu.memory_space<hbm>> -> memref<8x128xi32, #tpu.memory_space<hbm>>
        %dma_wait3A_286 = arith.constant 0 : i32
        %dma_wait3A_287 = tpu.memref_slice %arg3[%arg0, %add3A_54, %dma_wait3A_286] : memref<2x2560x128xi32, #tpu.memory_space<hbm>> -> memref<1x8x128xi32, #tpu.memory_space<hbm>>
        %dma_wait3A_288 = tpu.memref_squeeze %dma_wait3A_287 : memref<1x8x128xi32, #tpu.memory_space<hbm>> -> memref<8x128xi32, #tpu.memory_space<hbm>>
        tpu.wait_dma2 semaphore(%run_scoped3A : memref<!tpu.dma_semaphore, #tpu.memory_space<semaphore_mem>>) src(%dma_wait3A_288 : memref<8x128xi32, #tpu.memory_space<hbm>>) dst(%arg7 : memref<8x128xi32, #tpu.memory_space<vmem>>)
        tpu.yield
      }) : () -> ()
      "tpu.region"() ({
        %run_scoped3A = tpu.sem_alloc : memref<!tpu.dma_semaphore, #tpu.memory_space<semaphore_mem>>
        %dma_start3A_277 = arith.constant 0 : i32
        %dma_start3A_278 = tpu.memref_slice %arg4[%add3A_54, %dma_start3A_277] : memref<2560x128xi32, #tpu.memory_space<hbm>> -> memref<8x128xi32, #tpu.memory_space<hbm>>
        %dma_start3A_279 = arith.constant 0 : i32
        %dma_start3A_280 = tpu.memref_slice %arg4[%add3A_54, %dma_start3A_279] : memref<2560x128xi32, #tpu.memory_space<hbm>> -> memref<8x128xi32, #tpu.memory_space<hbm>>
        tpu.enqueue_dma source(%dma_start3A_280 : memref<8x128xi32, #tpu.memory_space<hbm>>) target(%arg8 : memref<8x128xi32, #tpu.memory_space<vmem>>) target_semaphore(%run_scoped3A : memref<!tpu.dma_semaphore, #tpu.memory_space<semaphore_mem>>)
        %dma_wait3A_281 = arith.constant 0 : i32
        %dma_wait3A_282 = tpu.memref_slice %arg4[%add3A_54, %dma_wait3A_281] : memref<2560x128xi32, #tpu.memory_space<hbm>> -> memref<8x128xi32, #tpu.memory_space<hbm>>
        %dma_wait3A_283 = arith.constant 0 : i32
        %dma_wait3A_284 = tpu.memref_slice %arg4[%add3A_54, %dma_wait3A_283] : memref<2560x128xi32, #tpu.memory_space<hbm>> -> memref<8x128xi32, #tpu.memory_space<hbm>>
        tpu.wait_dma2 semaphore(%run_scoped3A : memref<!tpu.dma_semaphore, #tpu.memory_space<semaphore_mem>>) src(%dma_wait3A_284 : memref<8x128xi32, #tpu.memory_space<hbm>>) dst(%arg8 : memref<8x128xi32, #tpu.memory_space<vmem>>)
        tpu.yield
      }) : () -> ()
      %dma_start3A = arith.constant 0 : i32
      %dma_start3A_55 = arith.constant 0 : i32
      %dma_start3A_56 = tpu.memref_slice %arg7[%dma_start3A, %dma_start3A_55] : memref<8x128xi32, #tpu.memory_space<vmem>> -> memref<1x128xi32, #tpu.memory_space<vmem>>
      %dma_start3A_57 = tpu.memref_squeeze %dma_start3A_56 : memref<1x128xi32, #tpu.memory_space<vmem>> -> memref<128xi32, #tpu.memory_space<vmem>>
      %dma_start3A_58 = arith.constant 0 : i32
      %dma_start3A_59 = arith.constant 0 : i32
      %dma_start3A_60 = tpu.memref_slice %arg2[%dma_start3A_58, %dma_start3A_59] : memref<20000x64xf32, #tpu.memory_space<hbm>> -> memref<20000x64xf32, #tpu.memory_space<hbm>>
      tpu.enqueue_indirect_dma source(%dma_start3A_60 : memref<20000x64xf32, #tpu.memory_space<hbm>>) target(%arg9 : memref<128x64xf32, #tpu.memory_space<vmem>>) offsets(%dma_start3A_57 : memref<128xi32, #tpu.memory_space<vmem>>) semaphore(%arg14 : memref<!tpu.dma_semaphore, #tpu.memory_space<semaphore_mem>>)
      %dma_start3A_61 = arith.constant 1 : i32
      %dma_start3A_62 = arith.constant 0 : i32
      %dma_start3A_63 = tpu.memref_slice %arg7[%dma_start3A_61, %dma_start3A_62] : memref<8x128xi32, #tpu.memory_space<vmem>> -> memref<1x128xi32, #tpu.memory_space<vmem>>
      %dma_start3A_64 = tpu.memref_squeeze %dma_start3A_63 : memref<1x128xi32, #tpu.memory_space<vmem>> -> memref<128xi32, #tpu.memory_space<vmem>>
      %dma_start3A_65 = arith.constant 0 : i32
      %dma_start3A_66 = arith.constant 0 : i32
      %dma_start3A_67 = tpu.memref_slice %arg2[%dma_start3A_65, %dma_start3A_66] : memref<20000x64xf32, #tpu.memory_space<hbm>> -> memref<20000x64xf32, #tpu.memory_space<hbm>>
      tpu.enqueue_indirect_dma source(%dma_start3A_67 : memref<20000x64xf32, #tpu.memory_space<hbm>>) target(%arg10 : memref<128x64xf32, #tpu.memory_space<vmem>>) offsets(%dma_start3A_64 : memref<128xi32, #tpu.memory_space<vmem>>) semaphore(%arg15 : memref<!tpu.dma_semaphore, #tpu.memory_space<semaphore_mem>>)
      %dma_start3A_68 = arith.constant 2 : i32
      %dma_start3A_69 = arith.constant 0 : i32
      %dma_start3A_70 = tpu.memref_slice %arg7[%dma_start3A_68, %dma_start3A_69] : memref<8x128xi32, #tpu.memory_space<vmem>> -> memref<1x128xi32, #tpu.memory_space<vmem>>
      %dma_start3A_71 = tpu.memref_squeeze %dma_start3A_70 : memref<1x128xi32, #tpu.memory_space<vmem>> -> memref<128xi32, #tpu.memory_space<vmem>>
      %dma_start3A_72 = arith.constant 0 : i32
      %dma_start3A_73 = arith.constant 0 : i32
      %dma_start3A_74 = tpu.memref_slice %arg2[%dma_start3A_72, %dma_start3A_73] : memref<20000x64xf32, #tpu.memory_space<hbm>> -> memref<20000x64xf32, #tpu.memory_space<hbm>>
      tpu.enqueue_indirect_dma source(%dma_start3A_74 : memref<20000x64xf32, #tpu.memory_space<hbm>>) target(%arg11 : memref<128x64xf32, #tpu.memory_space<vmem>>) offsets(%dma_start3A_71 : memref<128xi32, #tpu.memory_space<vmem>>) semaphore(%arg16 : memref<!tpu.dma_semaphore, #tpu.memory_space<semaphore_mem>>)
      %dma_wait3A = arith.constant 0 : i32
      %dma_wait3A_75 = arith.constant 0 : i32
      %dma_wait3A_76 = tpu.memref_slice %arg7[%dma_wait3A, %dma_wait3A_75] : memref<8x128xi32, #tpu.memory_space<vmem>> -> memref<1x128xi32, #tpu.memory_space<vmem>>
      %dma_wait3A_77 = tpu.memref_squeeze %dma_wait3A_76 : memref<1x128xi32, #tpu.memory_space<vmem>> -> memref<128xi32, #tpu.memory_space<vmem>>
      %dma_wait3A_78 = arith.constant 0 : i32
      %dma_wait3A_79 = arith.constant 0 : i32
      %dma_wait3A_80 = tpu.memref_slice %arg2[%dma_wait3A_78, %dma_wait3A_79] : memref<20000x64xf32, #tpu.memory_space<hbm>> -> memref<20000x64xf32, #tpu.memory_space<hbm>>
      tpu.wait_indirect_dma semaphore(%arg14 : memref<!tpu.dma_semaphore, #tpu.memory_space<semaphore_mem>>) src(%dma_wait3A_80 : memref<20000x64xf32, #tpu.memory_space<hbm>>) dst(%arg9 : memref<128x64xf32, #tpu.memory_space<vmem>>)
      %dma_start3A_81 = arith.constant 0 : i32
      %dma_start3A_82 = arith.constant 0 : i32
      %dma_start3A_83 = tpu.memref_slice %arg8[%dma_start3A_81, %dma_start3A_82] : memref<8x128xi32, #tpu.memory_space<vmem>> -> memref<1x128xi32, #tpu.memory_space<vmem>>
      %dma_start3A_84 = tpu.memref_squeeze %dma_start3A_83 : memref<1x128xi32, #tpu.memory_space<vmem>> -> memref<128xi32, #tpu.memory_space<vmem>>
      %dma_start3A_85 = arith.constant 0 : i32
      %dma_start3A_86 = arith.constant 0 : i32
      %dma_start3A_87 = tpu.memref_slice %arg13[%dma_start3A_85, %dma_start3A_86] : memref<20480x64xf32, #tpu.memory_space<vmem_shared>> -> memref<20480x64xf32, #tpu.memory_space<vmem_shared>>
      tpu.enqueue_indirect_dma source(%arg9 : memref<128x64xf32, #tpu.memory_space<vmem>>) target(%dma_start3A_87 : memref<20480x64xf32, #tpu.memory_space<vmem_shared>>) offsets(%dma_start3A_84 : memref<128xi32, #tpu.memory_space<vmem>>) semaphore(%arg18 : memref<!tpu.dma_semaphore, #tpu.memory_space<semaphore_mem>>) {add = true}
      %dma_start3A_88 = arith.constant 3 : i32
      %dma_start3A_89 = arith.constant 0 : i32
      %dma_start3A_90 = tpu.memref_slice %arg7[%dma_start3A_88, %dma_start3A_89] : memref<8x128xi32, #tpu.memory_space<vmem>> -> memref<1x128xi32, #tpu.memory_space<vmem>>
      %dma_start3A_91 = tpu.memref_squeeze %dma_start3A_90 : memref<1x128xi32, #tpu.memory_space<vmem>> -> memref<128xi32, #tpu.memory_space<vmem>>
      %dma_start3A_92 = arith.constant 0 : i32
      %dma_start3A_93 = arith.constant 0 : i32
      %dma_start3A_94 = tpu.memref_slice %arg2[%dma_start3A_92, %dma_start3A_93] : memref<20000x64xf32, #tpu.memory_space<hbm>> -> memref<20000x64xf32, #tpu.memory_space<hbm>>
      tpu.enqueue_indirect_dma source(%dma_start3A_94 : memref<20000x64xf32, #tpu.memory_space<hbm>>) target(%arg12 : memref<128x64xf32, #tpu.memory_space<vmem>>) offsets(%dma_start3A_91 : memref<128xi32, #tpu.memory_space<vmem>>) semaphore(%arg17 : memref<!tpu.dma_semaphore, #tpu.memory_space<semaphore_mem>>)
      %dma_wait3A_95 = arith.constant 1 : i32
      %dma_wait3A_96 = arith.constant 0 : i32
      %dma_wait3A_97 = tpu.memref_slice %arg7[%dma_wait3A_95, %dma_wait3A_96] : memref<8x128xi32, #tpu.memory_space<vmem>> -> memref<1x128xi32, #tpu.memory_space<vmem>>
      %dma_wait3A_98 = tpu.memref_squeeze %dma_wait3A_97 : memref<1x128xi32, #tpu.memory_space<vmem>> -> memref<128xi32, #tpu.memory_space<vmem>>
      %dma_wait3A_99 = arith.constant 0 : i32
      %dma_wait3A_100 = arith.constant 0 : i32
      %dma_wait3A_101 = tpu.memref_slice %arg2[%dma_wait3A_99, %dma_wait3A_100] : memref<20000x64xf32, #tpu.memory_space<hbm>> -> memref<20000x64xf32, #tpu.memory_space<hbm>>
      tpu.wait_indirect_dma semaphore(%arg15 : memref<!tpu.dma_semaphore, #tpu.memory_space<semaphore_mem>>) src(%dma_wait3A_101 : memref<20000x64xf32, #tpu.memory_space<hbm>>) dst(%arg10 : memref<128x64xf32, #tpu.memory_space<vmem>>)
      %dma_start3A_102 = arith.constant 1 : i32
      %dma_start3A_103 = arith.constant 0 : i32
      %dma_start3A_104 = tpu.memref_slice %arg8[%dma_start3A_102, %dma_start3A_103] : memref<8x128xi32, #tpu.memory_space<vmem>> -> memref<1x128xi32, #tpu.memory_space<vmem>>
      %dma_start3A_105 = tpu.memref_squeeze %dma_start3A_104 : memref<1x128xi32, #tpu.memory_space<vmem>> -> memref<128xi32, #tpu.memory_space<vmem>>
      %dma_start3A_106 = arith.constant 0 : i32
      %dma_start3A_107 = arith.constant 0 : i32
      %dma_start3A_108 = tpu.memref_slice %arg13[%dma_start3A_106, %dma_start3A_107] : memref<20480x64xf32, #tpu.memory_space<vmem_shared>> -> memref<20480x64xf32, #tpu.memory_space<vmem_shared>>
      tpu.enqueue_indirect_dma source(%arg10 : memref<128x64xf32, #tpu.memory_space<vmem>>) target(%dma_start3A_108 : memref<20480x64xf32, #tpu.memory_space<vmem_shared>>) offsets(%dma_start3A_105 : memref<128xi32, #tpu.memory_space<vmem>>) semaphore(%arg19 : memref<!tpu.dma_semaphore, #tpu.memory_space<semaphore_mem>>) {add = true}
      %dma_wait3A_109 = arith.constant 0 : i32
      %dma_wait3A_110 = arith.constant 0 : i32
      %dma_wait3A_111 = tpu.memref_slice %arg8[%dma_wait3A_109, %dma_wait3A_110] : memref<8x128xi32, #tpu.memory_space<vmem>> -> memref<1x128xi32, #tpu.memory_space<vmem>>
      %dma_wait3A_112 = tpu.memref_squeeze %dma_wait3A_111 : memref<1x128xi32, #tpu.memory_space<vmem>> -> memref<128xi32, #tpu.memory_space<vmem>>
      %dma_wait3A_113 = arith.constant 0 : i32
      %dma_wait3A_114 = arith.constant 0 : i32
      %dma_wait3A_115 = tpu.memref_slice %arg13[%dma_wait3A_113, %dma_wait3A_114] : memref<20480x64xf32, #tpu.memory_space<vmem_shared>> -> memref<20480x64xf32, #tpu.memory_space<vmem_shared>>
      tpu.wait_indirect_dma semaphore(%arg18 : memref<!tpu.dma_semaphore, #tpu.memory_space<semaphore_mem>>) src(%arg9 : memref<128x64xf32, #tpu.memory_space<vmem>>) dst(%dma_wait3A_115 : memref<20480x64xf32, #tpu.memory_space<vmem_shared>>)
      %dma_start3A_116 = arith.constant 4 : i32
      %dma_start3A_117 = arith.constant 0 : i32
      %dma_start3A_118 = tpu.memref_slice %arg7[%dma_start3A_116, %dma_start3A_117] : memref<8x128xi32, #tpu.memory_space<vmem>> -> memref<1x128xi32, #tpu.memory_space<vmem>>
      %dma_start3A_119 = tpu.memref_squeeze %dma_start3A_118 : memref<1x128xi32, #tpu.memory_space<vmem>> -> memref<128xi32, #tpu.memory_space<vmem>>
      %dma_start3A_120 = arith.constant 0 : i32
      %dma_start3A_121 = arith.constant 0 : i32
      %dma_start3A_122 = tpu.memref_slice %arg2[%dma_start3A_120, %dma_start3A_121] : memref<20000x64xf32, #tpu.memory_space<hbm>> -> memref<20000x64xf32, #tpu.memory_space<hbm>>
      tpu.enqueue_indirect_dma source(%dma_start3A_122 : memref<20000x64xf32, #tpu.memory_space<hbm>>) target(%arg9 : memref<128x64xf32, #tpu.memory_space<vmem>>) offsets(%dma_start3A_119 : memref<128xi32, #tpu.memory_space<vmem>>) semaphore(%arg14 : memref<!tpu.dma_semaphore, #tpu.memory_space<semaphore_mem>>)
      %dma_wait3A_123 = arith.constant 2 : i32
      %dma_wait3A_124 = arith.constant 0 : i32
      %dma_wait3A_125 = tpu.memref_slice %arg7[%dma_wait3A_123, %dma_wait3A_124] : memref<8x128xi32, #tpu.memory_space<vmem>> -> memref<1x128xi32, #tpu.memory_space<vmem>>
      %dma_wait3A_126 = tpu.memref_squeeze %dma_wait3A_125 : memref<1x128xi32, #tpu.memory_space<vmem>> -> memref<128xi32, #tpu.memory_space<vmem>>
      %dma_wait3A_127 = arith.constant 0 : i32
      %dma_wait3A_128 = arith.constant 0 : i32
      %dma_wait3A_129 = tpu.memref_slice %arg2[%dma_wait3A_127, %dma_wait3A_128] : memref<20000x64xf32, #tpu.memory_space<hbm>> -> memref<20000x64xf32, #tpu.memory_space<hbm>>
      tpu.wait_indirect_dma semaphore(%arg16 : memref<!tpu.dma_semaphore, #tpu.memory_space<semaphore_mem>>) src(%dma_wait3A_129 : memref<20000x64xf32, #tpu.memory_space<hbm>>) dst(%arg11 : memref<128x64xf32, #tpu.memory_space<vmem>>)
      %dma_start3A_130 = arith.constant 2 : i32
      %dma_start3A_131 = arith.constant 0 : i32
      %dma_start3A_132 = tpu.memref_slice %arg8[%dma_start3A_130, %dma_start3A_131] : memref<8x128xi32, #tpu.memory_space<vmem>> -> memref<1x128xi32, #tpu.memory_space<vmem>>
      %dma_start3A_133 = tpu.memref_squeeze %dma_start3A_132 : memref<1x128xi32, #tpu.memory_space<vmem>> -> memref<128xi32, #tpu.memory_space<vmem>>
      %dma_start3A_134 = arith.constant 0 : i32
      %dma_start3A_135 = arith.constant 0 : i32
      %dma_start3A_136 = tpu.memref_slice %arg13[%dma_start3A_134, %dma_start3A_135] : memref<20480x64xf32, #tpu.memory_space<vmem_shared>> -> memref<20480x64xf32, #tpu.memory_space<vmem_shared>>
      tpu.enqueue_indirect_dma source(%arg11 : memref<128x64xf32, #tpu.memory_space<vmem>>) target(%dma_start3A_136 : memref<20480x64xf32, #tpu.memory_space<vmem_shared>>) offsets(%dma_start3A_133 : memref<128xi32, #tpu.memory_space<vmem>>) semaphore(%arg20 : memref<!tpu.dma_semaphore, #tpu.memory_space<semaphore_mem>>) {add = true}
      %dma_wait3A_137 = arith.constant 1 : i32
      %dma_wait3A_138 = arith.constant 0 : i32
      %dma_wait3A_139 = tpu.memref_slice %arg8[%dma_wait3A_137, %dma_wait3A_138] : memref<8x128xi32, #tpu.memory_space<vmem>> -> memref<1x128xi32, #tpu.memory_space<vmem>>
      %dma_wait3A_140 = tpu.memref_squeeze %dma_wait3A_139 : memref<1x128xi32, #tpu.memory_space<vmem>> -> memref<128xi32, #tpu.memory_space<vmem>>
      %dma_wait3A_141 = arith.constant 0 : i32
      %dma_wait3A_142 = arith.constant 0 : i32
      %dma_wait3A_143 = tpu.memref_slice %arg13[%dma_wait3A_141, %dma_wait3A_142] : memref<20480x64xf32, #tpu.memory_space<vmem_shared>> -> memref<20480x64xf32, #tpu.memory_space<vmem_shared>>
      tpu.wait_indirect_dma semaphore(%arg19 : memref<!tpu.dma_semaphore, #tpu.memory_space<semaphore_mem>>) src(%arg10 : memref<128x64xf32, #tpu.memory_space<vmem>>) dst(%dma_wait3A_143 : memref<20480x64xf32, #tpu.memory_space<vmem_shared>>)
      %dma_start3A_144 = arith.constant 5 : i32
      %dma_start3A_145 = arith.constant 0 : i32
      %dma_start3A_146 = tpu.memref_slice %arg7[%dma_start3A_144, %dma_start3A_145] : memref<8x128xi32, #tpu.memory_space<vmem>> -> memref<1x128xi32, #tpu.memory_space<vmem>>
      %dma_start3A_147 = tpu.memref_squeeze %dma_start3A_146 : memref<1x128xi32, #tpu.memory_space<vmem>> -> memref<128xi32, #tpu.memory_space<vmem>>
      %dma_start3A_148 = arith.constant 0 : i32
      %dma_start3A_149 = arith.constant 0 : i32
      %dma_start3A_150 = tpu.memref_slice %arg2[%dma_start3A_148, %dma_start3A_149] : memref<20000x64xf32, #tpu.memory_space<hbm>> -> memref<20000x64xf32, #tpu.memory_space<hbm>>
      tpu.enqueue_indirect_dma source(%dma_start3A_150 : memref<20000x64xf32, #tpu.memory_space<hbm>>) target(%arg10 : memref<128x64xf32, #tpu.memory_space<vmem>>) offsets(%dma_start3A_147 : memref<128xi32, #tpu.memory_space<vmem>>) semaphore(%arg15 : memref<!tpu.dma_semaphore, #tpu.memory_space<semaphore_mem>>)
      %dma_wait3A_151 = arith.constant 3 : i32
      %dma_wait3A_152 = arith.constant 0 : i32
      %dma_wait3A_153 = tpu.memref_slice %arg7[%dma_wait3A_151, %dma_wait3A_152] : memref<8x128xi32, #tpu.memory_space<vmem>> -> memref<1x128xi32, #tpu.memory_space<vmem>>
      %dma_wait3A_154 = tpu.memref_squeeze %dma_wait3A_153 : memref<1x128xi32, #tpu.memory_space<vmem>> -> memref<128xi32, #tpu.memory_space<vmem>>
      %dma_wait3A_155 = arith.constant 0 : i32
      %dma_wait3A_156 = arith.constant 0 : i32
      %dma_wait3A_157 = tpu.memref_slice %arg2[%dma_wait3A_155, %dma_wait3A_156] : memref<20000x64xf32, #tpu.memory_space<hbm>> -> memref<20000x64xf32, #tpu.memory_space<hbm>>
      tpu.wait_indirect_dma semaphore(%arg17 : memref<!tpu.dma_semaphore, #tpu.memory_space<semaphore_mem>>) src(%dma_wait3A_157 : memref<20000x64xf32, #tpu.memory_space<hbm>>) dst(%arg12 : memref<128x64xf32, #tpu.memory_space<vmem>>)
      %dma_start3A_158 = arith.constant 3 : i32
      %dma_start3A_159 = arith.constant 0 : i32
      %dma_start3A_160 = tpu.memref_slice %arg8[%dma_start3A_158, %dma_start3A_159] : memref<8x128xi32, #tpu.memory_space<vmem>> -> memref<1x128xi32, #tpu.memory_space<vmem>>
      %dma_start3A_161 = tpu.memref_squeeze %dma_start3A_160 : memref<1x128xi32, #tpu.memory_space<vmem>> -> memref<128xi32, #tpu.memory_space<vmem>>
      %dma_start3A_162 = arith.constant 0 : i32
      %dma_start3A_163 = arith.constant 0 : i32
      %dma_start3A_164 = tpu.memref_slice %arg13[%dma_start3A_162, %dma_start3A_163] : memref<20480x64xf32, #tpu.memory_space<vmem_shared>> -> memref<20480x64xf32, #tpu.memory_space<vmem_shared>>
      tpu.enqueue_indirect_dma source(%arg12 : memref<128x64xf32, #tpu.memory_space<vmem>>) target(%dma_start3A_164 : memref<20480x64xf32, #tpu.memory_space<vmem_shared>>) offsets(%dma_start3A_161 : memref<128xi32, #tpu.memory_space<vmem>>) semaphore(%arg21 : memref<!tpu.dma_semaphore, #tpu.memory_space<semaphore_mem>>) {add = true}
      %dma_wait3A_165 = arith.constant 2 : i32
      %dma_wait3A_166 = arith.constant 0 : i32
      %dma_wait3A_167 = tpu.memref_slice %arg8[%dma_wait3A_165, %dma_wait3A_166] : memref<8x128xi32, #tpu.memory_space<vmem>> -> memref<1x128xi32, #tpu.memory_space<vmem>>
      %dma_wait3A_168 = tpu.memref_squeeze %dma_wait3A_167 : memref<1x128xi32, #tpu.memory_space<vmem>> -> memref<128xi32, #tpu.memory_space<vmem>>
      %dma_wait3A_169 = arith.constant 0 : i32
      %dma_wait3A_170 = arith.constant 0 : i32
      %dma_wait3A_171 = tpu.memref_slice %arg13[%dma_wait3A_169, %dma_wait3A_170] : memref<20480x64xf32, #tpu.memory_space<vmem_shared>> -> memref<20480x64xf32, #tpu.memory_space<vmem_shared>>
      tpu.wait_indirect_dma semaphore(%arg20 : memref<!tpu.dma_semaphore, #tpu.memory_space<semaphore_mem>>) src(%arg11 : memref<128x64xf32, #tpu.memory_space<vmem>>) dst(%dma_wait3A_171 : memref<20480x64xf32, #tpu.memory_space<vmem_shared>>)
      %dma_start3A_172 = arith.constant 6 : i32
      %dma_start3A_173 = arith.constant 0 : i32
      %dma_start3A_174 = tpu.memref_slice %arg7[%dma_start3A_172, %dma_start3A_173] : memref<8x128xi32, #tpu.memory_space<vmem>> -> memref<1x128xi32, #tpu.memory_space<vmem>>
      %dma_start3A_175 = tpu.memref_squeeze %dma_start3A_174 : memref<1x128xi32, #tpu.memory_space<vmem>> -> memref<128xi32, #tpu.memory_space<vmem>>
      %dma_start3A_176 = arith.constant 0 : i32
      %dma_start3A_177 = arith.constant 0 : i32
      %dma_start3A_178 = tpu.memref_slice %arg2[%dma_start3A_176, %dma_start3A_177] : memref<20000x64xf32, #tpu.memory_space<hbm>> -> memref<20000x64xf32, #tpu.memory_space<hbm>>
      tpu.enqueue_indirect_dma source(%dma_start3A_178 : memref<20000x64xf32, #tpu.memory_space<hbm>>) target(%arg11 : memref<128x64xf32, #tpu.memory_space<vmem>>) offsets(%dma_start3A_175 : memref<128xi32, #tpu.memory_space<vmem>>) semaphore(%arg16 : memref<!tpu.dma_semaphore, #tpu.memory_space<semaphore_mem>>)
      %dma_wait3A_179 = arith.constant 4 : i32
      %dma_wait3A_180 = arith.constant 0 : i32
      %dma_wait3A_181 = tpu.memref_slice %arg7[%dma_wait3A_179, %dma_wait3A_180] : memref<8x128xi32, #tpu.memory_space<vmem>> -> memref<1x128xi32, #tpu.memory_space<vmem>>
      %dma_wait3A_182 = tpu.memref_squeeze %dma_wait3A_181 : memref<1x128xi32, #tpu.memory_space<vmem>> -> memref<128xi32, #tpu.memory_space<vmem>>
      %dma_wait3A_183 = arith.constant 0 : i32
      %dma_wait3A_184 = arith.constant 0 : i32
      %dma_wait3A_185 = tpu.memref_slice %arg2[%dma_wait3A_183, %dma_wait3A_184] : memref<20000x64xf32, #tpu.memory_space<hbm>> -> memref<20000x64xf32, #tpu.memory_space<hbm>>
      tpu.wait_indirect_dma semaphore(%arg14 : memref<!tpu.dma_semaphore, #tpu.memory_space<semaphore_mem>>) src(%dma_wait3A_185 : memref<20000x64xf32, #tpu.memory_space<hbm>>) dst(%arg9 : memref<128x64xf32, #tpu.memory_space<vmem>>)
      %dma_start3A_186 = arith.constant 4 : i32
      %dma_start3A_187 = arith.constant 0 : i32
      %dma_start3A_188 = tpu.memref_slice %arg8[%dma_start3A_186, %dma_start3A_187] : memref<8x128xi32, #tpu.memory_space<vmem>> -> memref<1x128xi32, #tpu.memory_space<vmem>>
      %dma_start3A_189 = tpu.memref_squeeze %dma_start3A_188 : memref<1x128xi32, #tpu.memory_space<vmem>> -> memref<128xi32, #tpu.memory_space<vmem>>
      %dma_start3A_190 = arith.constant 0 : i32
      %dma_start3A_191 = arith.constant 0 : i32
      %dma_start3A_192 = tpu.memref_slice %arg13[%dma_start3A_190, %dma_start3A_191] : memref<20480x64xf32, #tpu.memory_space<vmem_shared>> -> memref<20480x64xf32, #tpu.memory_space<vmem_shared>>
      tpu.enqueue_indirect_dma source(%arg9 : memref<128x64xf32, #tpu.memory_space<vmem>>) target(%dma_start3A_192 : memref<20480x64xf32, #tpu.memory_space<vmem_shared>>) offsets(%dma_start3A_189 : memref<128xi32, #tpu.memory_space<vmem>>) semaphore(%arg18 : memref<!tpu.dma_semaphore, #tpu.memory_space<semaphore_mem>>) {add = true}
      %dma_wait3A_193 = arith.constant 3 : i32
      %dma_wait3A_194 = arith.constant 0 : i32
      %dma_wait3A_195 = tpu.memref_slice %arg8[%dma_wait3A_193, %dma_wait3A_194] : memref<8x128xi32, #tpu.memory_space<vmem>> -> memref<1x128xi32, #tpu.memory_space<vmem>>
      %dma_wait3A_196 = tpu.memref_squeeze %dma_wait3A_195 : memref<1x128xi32, #tpu.memory_space<vmem>> -> memref<128xi32, #tpu.memory_space<vmem>>
      %dma_wait3A_197 = arith.constant 0 : i32
      %dma_wait3A_198 = arith.constant 0 : i32
      %dma_wait3A_199 = tpu.memref_slice %arg13[%dma_wait3A_197, %dma_wait3A_198] : memref<20480x64xf32, #tpu.memory_space<vmem_shared>> -> memref<20480x64xf32, #tpu.memory_space<vmem_shared>>
      tpu.wait_indirect_dma semaphore(%arg21 : memref<!tpu.dma_semaphore, #tpu.memory_space<semaphore_mem>>) src(%arg12 : memref<128x64xf32, #tpu.memory_space<vmem>>) dst(%dma_wait3A_199 : memref<20480x64xf32, #tpu.memory_space<vmem_shared>>)
      %dma_start3A_200 = arith.constant 7 : i32
      %dma_start3A_201 = arith.constant 0 : i32
      %dma_start3A_202 = tpu.memref_slice %arg7[%dma_start3A_200, %dma_start3A_201] : memref<8x128xi32, #tpu.memory_space<vmem>> -> memref<1x128xi32, #tpu.memory_space<vmem>>
      %dma_start3A_203 = tpu.memref_squeeze %dma_start3A_202 : memref<1x128xi32, #tpu.memory_space<vmem>> -> memref<128xi32, #tpu.memory_space<vmem>>
      %dma_start3A_204 = arith.constant 0 : i32
      %dma_start3A_205 = arith.constant 0 : i32
      %dma_start3A_206 = tpu.memref_slice %arg2[%dma_start3A_204, %dma_start3A_205] : memref<20000x64xf32, #tpu.memory_space<hbm>> -> memref<20000x64xf32, #tpu.memory_space<hbm>>
      tpu.enqueue_indirect_dma source(%dma_start3A_206 : memref<20000x64xf32, #tpu.memory_space<hbm>>) target(%arg12 : memref<128x64xf32, #tpu.memory_space<vmem>>) offsets(%dma_start3A_203 : memref<128xi32, #tpu.memory_space<vmem>>) semaphore(%arg17 : memref<!tpu.dma_semaphore, #tpu.memory_space<semaphore_mem>>)
      %dma_wait3A_207 = arith.constant 5 : i32
      %dma_wait3A_208 = arith.constant 0 : i32
      %dma_wait3A_209 = tpu.memref_slice %arg7[%dma_wait3A_207, %dma_wait3A_208] : memref<8x128xi32, #tpu.memory_space<vmem>> -> memref<1x128xi32, #tpu.memory_space<vmem>>
      %dma_wait3A_210 = tpu.memref_squeeze %dma_wait3A_209 : memref<1x128xi32, #tpu.memory_space<vmem>> -> memref<128xi32, #tpu.memory_space<vmem>>
      %dma_wait3A_211 = arith.constant 0 : i32
      %dma_wait3A_212 = arith.constant 0 : i32
      %dma_wait3A_213 = tpu.memref_slice %arg2[%dma_wait3A_211, %dma_wait3A_212] : memref<20000x64xf32, #tpu.memory_space<hbm>> -> memref<20000x64xf32, #tpu.memory_space<hbm>>
      tpu.wait_indirect_dma semaphore(%arg15 : memref<!tpu.dma_semaphore, #tpu.memory_space<semaphore_mem>>) src(%dma_wait3A_213 : memref<20000x64xf32, #tpu.memory_space<hbm>>) dst(%arg10 : memref<128x64xf32, #tpu.memory_space<vmem>>)
      %dma_start3A_214 = arith.constant 5 : i32
      %dma_start3A_215 = arith.constant 0 : i32
      %dma_start3A_216 = tpu.memref_slice %arg8[%dma_start3A_214, %dma_start3A_215] : memref<8x128xi32, #tpu.memory_space<vmem>> -> memref<1x128xi32, #tpu.memory_space<vmem>>
      %dma_start3A_217 = tpu.memref_squeeze %dma_start3A_216 : memref<1x128xi32, #tpu.memory_space<vmem>> -> memref<128xi32, #tpu.memory_space<vmem>>
      %dma_start3A_218 = arith.constant 0 : i32
      %dma_start3A_219 = arith.constant 0 : i32
      %dma_start3A_220 = tpu.memref_slice %arg13[%dma_start3A_218, %dma_start3A_219] : memref<20480x64xf32, #tpu.memory_space<vmem_shared>> -> memref<20480x64xf32, #tpu.memory_space<vmem_shared>>
      tpu.enqueue_indirect_dma source(%arg10 : memref<128x64xf32, #tpu.memory_space<vmem>>) target(%dma_start3A_220 : memref<20480x64xf32, #tpu.memory_space<vmem_shared>>) offsets(%dma_start3A_217 : memref<128xi32, #tpu.memory_space<vmem>>) semaphore(%arg19 : memref<!tpu.dma_semaphore, #tpu.memory_space<semaphore_mem>>) {add = true}
      %dma_wait3A_221 = arith.constant 6 : i32
      %dma_wait3A_222 = arith.constant 0 : i32
      %dma_wait3A_223 = tpu.memref_slice %arg7[%dma_wait3A_221, %dma_wait3A_222] : memref<8x128xi32, #tpu.memory_space<vmem>> -> memref<1x128xi32, #tpu.memory_space<vmem>>
      %dma_wait3A_224 = tpu.memref_squeeze %dma_wait3A_223 : memref<1x128xi32, #tpu.memory_space<vmem>> -> memref<128xi32, #tpu.memory_space<vmem>>
      %dma_wait3A_225 = arith.constant 0 : i32
      %dma_wait3A_226 = arith.constant 0 : i32
      %dma_wait3A_227 = tpu.memref_slice %arg2[%dma_wait3A_225, %dma_wait3A_226] : memref<20000x64xf32, #tpu.memory_space<hbm>> -> memref<20000x64xf32, #tpu.memory_space<hbm>>
      tpu.wait_indirect_dma semaphore(%arg16 : memref<!tpu.dma_semaphore, #tpu.memory_space<semaphore_mem>>) src(%dma_wait3A_227 : memref<20000x64xf32, #tpu.memory_space<hbm>>) dst(%arg11 : memref<128x64xf32, #tpu.memory_space<vmem>>)
      %dma_start3A_228 = arith.constant 6 : i32
      %dma_start3A_229 = arith.constant 0 : i32
      %dma_start3A_230 = tpu.memref_slice %arg8[%dma_start3A_228, %dma_start3A_229] : memref<8x128xi32, #tpu.memory_space<vmem>> -> memref<1x128xi32, #tpu.memory_space<vmem>>
      %dma_start3A_231 = tpu.memref_squeeze %dma_start3A_230 : memref<1x128xi32, #tpu.memory_space<vmem>> -> memref<128xi32, #tpu.memory_space<vmem>>
      %dma_start3A_232 = arith.constant 0 : i32
      %dma_start3A_233 = arith.constant 0 : i32
      %dma_start3A_234 = tpu.memref_slice %arg13[%dma_start3A_232, %dma_start3A_233] : memref<20480x64xf32, #tpu.memory_space<vmem_shared>> -> memref<20480x64xf32, #tpu.memory_space<vmem_shared>>
      tpu.enqueue_indirect_dma source(%arg11 : memref<128x64xf32, #tpu.memory_space<vmem>>) target(%dma_start3A_234 : memref<20480x64xf32, #tpu.memory_space<vmem_shared>>) offsets(%dma_start3A_231 : memref<128xi32, #tpu.memory_space<vmem>>) semaphore(%arg20 : memref<!tpu.dma_semaphore, #tpu.memory_space<semaphore_mem>>) {add = true}
      %dma_wait3A_235 = arith.constant 7 : i32
      %dma_wait3A_236 = arith.constant 0 : i32
      %dma_wait3A_237 = tpu.memref_slice %arg7[%dma_wait3A_235, %dma_wait3A_236] : memref<8x128xi32, #tpu.memory_space<vmem>> -> memref<1x128xi32, #tpu.memory_space<vmem>>
      %dma_wait3A_238 = tpu.memref_squeeze %dma_wait3A_237 : memref<1x128xi32, #tpu.memory_space<vmem>> -> memref<128xi32, #tpu.memory_space<vmem>>
      %dma_wait3A_239 = arith.constant 0 : i32
      %dma_wait3A_240 = arith.constant 0 : i32
      %dma_wait3A_241 = tpu.memref_slice %arg2[%dma_wait3A_239, %dma_wait3A_240] : memref<20000x64xf32, #tpu.memory_space<hbm>> -> memref<20000x64xf32, #tpu.memory_space<hbm>>
      tpu.wait_indirect_dma semaphore(%arg17 : memref<!tpu.dma_semaphore, #tpu.memory_space<semaphore_mem>>) src(%dma_wait3A_241 : memref<20000x64xf32, #tpu.memory_space<hbm>>) dst(%arg12 : memref<128x64xf32, #tpu.memory_space<vmem>>)
      %dma_start3A_242 = arith.constant 7 : i32
      %dma_start3A_243 = arith.constant 0 : i32
      %dma_start3A_244 = tpu.memref_slice %arg8[%dma_start3A_242, %dma_start3A_243] : memref<8x128xi32, #tpu.memory_space<vmem>> -> memref<1x128xi32, #tpu.memory_space<vmem>>
      %dma_start3A_245 = tpu.memref_squeeze %dma_start3A_244 : memref<1x128xi32, #tpu.memory_space<vmem>> -> memref<128xi32, #tpu.memory_space<vmem>>
      %dma_start3A_246 = arith.constant 0 : i32
      %dma_start3A_247 = arith.constant 0 : i32
      %dma_start3A_248 = tpu.memref_slice %arg13[%dma_start3A_246, %dma_start3A_247] : memref<20480x64xf32, #tpu.memory_space<vmem_shared>> -> memref<20480x64xf32, #tpu.memory_space<vmem_shared>>
      tpu.enqueue_indirect_dma source(%arg12 : memref<128x64xf32, #tpu.memory_space<vmem>>) target(%dma_start3A_248 : memref<20480x64xf32, #tpu.memory_space<vmem_shared>>) offsets(%dma_start3A_245 : memref<128xi32, #tpu.memory_space<vmem>>) semaphore(%arg21 : memref<!tpu.dma_semaphore, #tpu.memory_space<semaphore_mem>>) {add = true}
      %dma_wait3A_249 = arith.constant 4 : i32
      %dma_wait3A_250 = arith.constant 0 : i32
      %dma_wait3A_251 = tpu.memref_slice %arg8[%dma_wait3A_249, %dma_wait3A_250] : memref<8x128xi32, #tpu.memory_space<vmem>> -> memref<1x128xi32, #tpu.memory_space<vmem>>
      %dma_wait3A_252 = tpu.memref_squeeze %dma_wait3A_251 : memref<1x128xi32, #tpu.memory_space<vmem>> -> memref<128xi32, #tpu.memory_space<vmem>>
      %dma_wait3A_253 = arith.constant 0 : i32
      %dma_wait3A_254 = arith.constant 0 : i32
      %dma_wait3A_255 = tpu.memref_slice %arg13[%dma_wait3A_253, %dma_wait3A_254] : memref<20480x64xf32, #tpu.memory_space<vmem_shared>> -> memref<20480x64xf32, #tpu.memory_space<vmem_shared>>
      tpu.wait_indirect_dma semaphore(%arg18 : memref<!tpu.dma_semaphore, #tpu.memory_space<semaphore_mem>>) src(%arg9 : memref<128x64xf32, #tpu.memory_space<vmem>>) dst(%dma_wait3A_255 : memref<20480x64xf32, #tpu.memory_space<vmem_shared>>)
      %dma_wait3A_256 = arith.constant 5 : i32
      %dma_wait3A_257 = arith.constant 0 : i32
      %dma_wait3A_258 = tpu.memref_slice %arg8[%dma_wait3A_256, %dma_wait3A_257] : memref<8x128xi32, #tpu.memory_space<vmem>> -> memref<1x128xi32, #tpu.memory_space<vmem>>
      %dma_wait3A_259 = tpu.memref_squeeze %dma_wait3A_258 : memref<1x128xi32, #tpu.memory_space<vmem>> -> memref<128xi32, #tpu.memory_space<vmem>>
      %dma_wait3A_260 = arith.constant 0 : i32
      %dma_wait3A_261 = arith.constant 0 : i32
      %dma_wait3A_262 = tpu.memref_slice %arg13[%dma_wait3A_260, %dma_wait3A_261] : memref<20480x64xf32, #tpu.memory_space<vmem_shared>> -> memref<20480x64xf32, #tpu.memory_space<vmem_shared>>
      tpu.wait_indirect_dma semaphore(%arg19 : memref<!tpu.dma_semaphore, #tpu.memory_space<semaphore_mem>>) src(%arg10 : memref<128x64xf32, #tpu.memory_space<vmem>>) dst(%dma_wait3A_262 : memref<20480x64xf32, #tpu.memory_space<vmem_shared>>)
      %dma_wait3A_263 = arith.constant 6 : i32
      %dma_wait3A_264 = arith.constant 0 : i32
      %dma_wait3A_265 = tpu.memref_slice %arg8[%dma_wait3A_263, %dma_wait3A_264] : memref<8x128xi32, #tpu.memory_space<vmem>> -> memref<1x128xi32, #tpu.memory_space<vmem>>
      %dma_wait3A_266 = tpu.memref_squeeze %dma_wait3A_265 : memref<1x128xi32, #tpu.memory_space<vmem>> -> memref<128xi32, #tpu.memory_space<vmem>>
      %dma_wait3A_267 = arith.constant 0 : i32
      %dma_wait3A_268 = arith.constant 0 : i32
      %dma_wait3A_269 = tpu.memref_slice %arg13[%dma_wait3A_267, %dma_wait3A_268] : memref<20480x64xf32, #tpu.memory_space<vmem_shared>> -> memref<20480x64xf32, #tpu.memory_space<vmem_shared>>
      tpu.wait_indirect_dma semaphore(%arg20 : memref<!tpu.dma_semaphore, #tpu.memory_space<semaphore_mem>>) src(%arg11 : memref<128x64xf32, #tpu.memory_space<vmem>>) dst(%dma_wait3A_269 : memref<20480x64xf32, #tpu.memory_space<vmem_shared>>)
      %dma_wait3A_270 = arith.constant 7 : i32
      %dma_wait3A_271 = arith.constant 0 : i32
      %dma_wait3A_272 = tpu.memref_slice %arg8[%dma_wait3A_270, %dma_wait3A_271] : memref<8x128xi32, #tpu.memory_space<vmem>> -> memref<1x128xi32, #tpu.memory_space<vmem>>
      %dma_wait3A_273 = tpu.memref_squeeze %dma_wait3A_272 : memref<1x128xi32, #tpu.memory_space<vmem>> -> memref<128xi32, #tpu.memory_space<vmem>>
      %dma_wait3A_274 = arith.constant 0 : i32
      %dma_wait3A_275 = arith.constant 0 : i32
      %dma_wait3A_276 = tpu.memref_slice %arg13[%dma_wait3A_274, %dma_wait3A_275] : memref<20480x64xf32, #tpu.memory_space<vmem_shared>> -> memref<20480x64xf32, #tpu.memory_space<vmem_shared>>
      tpu.wait_indirect_dma semaphore(%arg21 : memref<!tpu.dma_semaphore, #tpu.memory_space<semaphore_mem>>) src(%arg12 : memref<128x64xf32, #tpu.memory_space<vmem>>) dst(%dma_wait3A_276 : memref<20480x64xf32, #tpu.memory_space<vmem_shared>>)
    }
    %scan3A_25 = arith.constant 20 : i32
    %barrier3A_26 = arith.constant 0 : index
    tpu.barrier barrier_id(%barrier3A_26)
    %add3A_27 = arith.constant 0 : i32
    %add3A_28 = arith.addi %mul3A_0, %add3A_27 : i32
    "tpu.region"() ({
      %run_scoped3A = tpu.sem_alloc : memref<!tpu.dma_semaphore, #tpu.memory_space<semaphore_mem>>
      %dma_start3A = arith.constant 0 : i32
      %dma_start3A_47 = tpu.memref_slice %arg13[%add3A_28, %dma_start3A] : memref<20480x64xf32, #tpu.memory_space<vmem_shared>> -> memref<128x64xf32, #tpu.memory_space<vmem_shared>>
      %dma_start3A_48 = arith.constant 0 : i32
      %dma_start3A_49 = tpu.memref_slice %arg13[%add3A_28, %dma_start3A_48] : memref<20480x64xf32, #tpu.memory_space<vmem_shared>> -> memref<128x64xf32, #tpu.memory_space<vmem_shared>>
      tpu.enqueue_dma source(%dma_start3A_49 : memref<128x64xf32, #tpu.memory_space<vmem_shared>>) target(%arg9 : memref<128x64xf32, #tpu.memory_space<vmem>>) target_semaphore(%run_scoped3A : memref<!tpu.dma_semaphore, #tpu.memory_space<semaphore_mem>>)
      %dma_wait3A = arith.constant 0 : i32
      %dma_wait3A_50 = tpu.memref_slice %arg13[%add3A_28, %dma_wait3A] : memref<20480x64xf32, #tpu.memory_space<vmem_shared>> -> memref<128x64xf32, #tpu.memory_space<vmem_shared>>
      %dma_wait3A_51 = arith.constant 0 : i32
      %dma_wait3A_52 = tpu.memref_slice %arg13[%add3A_28, %dma_wait3A_51] : memref<20480x64xf32, #tpu.memory_space<vmem_shared>> -> memref<128x64xf32, #tpu.memory_space<vmem_shared>>
      tpu.wait_dma2 semaphore(%run_scoped3A : memref<!tpu.dma_semaphore, #tpu.memory_space<semaphore_mem>>) src(%dma_wait3A_52 : memref<128x64xf32, #tpu.memory_space<vmem_shared>>) dst(%arg9 : memref<128x64xf32, #tpu.memory_space<vmem>>)
      tpu.yield
    }) : () -> ()
    "tpu.region"() ({
      %run_scoped3A = tpu.sem_alloc : memref<!tpu.dma_semaphore, #tpu.memory_space<semaphore_mem>>
      %dma_start3A = arith.constant 0 : i32
      %dma_start3A_47 = tpu.memref_slice %arg6[%arg0, %add3A_28, %dma_start3A] : memref<2x20480x64xf32, #tpu.memory_space<hbm>> -> memref<1x128x64xf32, #tpu.memory_space<hbm>>
      %dma_start3A_48 = tpu.memref_squeeze %dma_start3A_47 : memref<1x128x64xf32, #tpu.memory_space<hbm>> -> memref<128x64xf32, #tpu.memory_space<hbm>>
      %dma_start3A_49 = arith.constant 0 : i32
      %dma_start3A_50 = tpu.memref_slice %arg6[%arg0, %add3A_28, %dma_start3A_49] : memref<2x20480x64xf32, #tpu.memory_space<hbm>> -> memref<1x128x64xf32, #tpu.memory_space<hbm>>
      %dma_start3A_51 = tpu.memref_squeeze %dma_start3A_50 : memref<1x128x64xf32, #tpu.memory_space<hbm>> -> memref<128x64xf32, #tpu.memory_space<hbm>>
      tpu.enqueue_dma source(%arg9 : memref<128x64xf32, #tpu.memory_space<vmem>>) target(%dma_start3A_51 : memref<128x64xf32, #tpu.memory_space<hbm>>) target_semaphore(%run_scoped3A : memref<!tpu.dma_semaphore, #tpu.memory_space<semaphore_mem>>)
      %dma_wait3A = arith.constant 0 : i32
      %dma_wait3A_52 = tpu.memref_slice %arg6[%arg0, %add3A_28, %dma_wait3A] : memref<2x20480x64xf32, #tpu.memory_space<hbm>> -> memref<1x128x64xf32, #tpu.memory_space<hbm>>
      %dma_wait3A_53 = tpu.memref_squeeze %dma_wait3A_52 : memref<1x128x64xf32, #tpu.memory_space<hbm>> -> memref<128x64xf32, #tpu.memory_space<hbm>>
      %dma_wait3A_54 = arith.constant 0 : i32
      %dma_wait3A_55 = tpu.memref_slice %arg6[%arg0, %add3A_28, %dma_wait3A_54] : memref<2x20480x64xf32, #tpu.memory_space<hbm>> -> memref<1x128x64xf32, #tpu.memory_space<hbm>>
      %dma_wait3A_56 = tpu.memref_squeeze %dma_wait3A_55 : memref<1x128x64xf32, #tpu.memory_space<hbm>> -> memref<128x64xf32, #tpu.memory_space<hbm>>
      tpu.wait_dma2 semaphore(%run_scoped3A : memref<!tpu.dma_semaphore, #tpu.memory_space<semaphore_mem>>) src(%arg9 : memref<128x64xf32, #tpu.memory_space<vmem>>) dst(%dma_wait3A_56 : memref<128x64xf32, #tpu.memory_space<hbm>>)
      tpu.yield
    }) : () -> ()
    %add3A_29 = arith.constant 128 : i32
    %add3A_30 = arith.addi %mul3A_0, %add3A_29 : i32
    "tpu.region"() ({
      %run_scoped3A = tpu.sem_alloc : memref<!tpu.dma_semaphore, #tpu.memory_space<semaphore_mem>>
      %dma_start3A = arith.constant 0 : i32
      %dma_start3A_47 = tpu.memref_slice %arg13[%add3A_30, %dma_start3A] : memref<20480x64xf32, #tpu.memory_space<vmem_shared>> -> memref<128x64xf32, #tpu.memory_space<vmem_shared>>
      %dma_start3A_48 = arith.constant 0 : i32
      %dma_start3A_49 = tpu.memref_slice %arg13[%add3A_30, %dma_start3A_48] : memref<20480x64xf32, #tpu.memory_space<vmem_shared>> -> memref<128x64xf32, #tpu.memory_space<vmem_shared>>
      tpu.enqueue_dma source(%dma_start3A_49 : memref<128x64xf32, #tpu.memory_space<vmem_shared>>) target(%arg9 : memref<128x64xf32, #tpu.memory_space<vmem>>) target_semaphore(%run_scoped3A : memref<!tpu.dma_semaphore, #tpu.memory_space<semaphore_mem>>)
      %dma_wait3A = arith.constant 0 : i32
      %dma_wait3A_50 = tpu.memref_slice %arg13[%add3A_30, %dma_wait3A] : memref<20480x64xf32, #tpu.memory_space<vmem_shared>> -> memref<128x64xf32, #tpu.memory_space<vmem_shared>>
      %dma_wait3A_51 = arith.constant 0 : i32
      %dma_wait3A_52 = tpu.memref_slice %arg13[%add3A_30, %dma_wait3A_51] : memref<20480x64xf32, #tpu.memory_space<vmem_shared>> -> memref<128x64xf32, #tpu.memory_space<vmem_shared>>
      tpu.wait_dma2 semaphore(%run_scoped3A : memref<!tpu.dma_semaphore, #tpu.memory_space<semaphore_mem>>) src(%dma_wait3A_52 : memref<128x64xf32, #tpu.memory_space<vmem_shared>>) dst(%arg9 : memref<128x64xf32, #tpu.memory_space<vmem>>)
      tpu.yield
    }) : () -> ()
    "tpu.region"() ({
      %run_scoped3A = tpu.sem_alloc : memref<!tpu.dma_semaphore, #tpu.memory_space<semaphore_mem>>
      %dma_start3A = arith.constant 0 : i32
      %dma_start3A_47 = tpu.memref_slice %arg6[%arg0, %add3A_30, %dma_start3A] : memref<2x20480x64xf32, #tpu.memory_space<hbm>> -> memref<1x128x64xf32, #tpu.memory_space<hbm>>
      %dma_start3A_48 = tpu.memref_squeeze %dma_start3A_47 : memref<1x128x64xf32, #tpu.memory_space<hbm>> -> memref<128x64xf32, #tpu.memory_space<hbm>>
      %dma_start3A_49 = arith.constant 0 : i32
      %dma_start3A_50 = tpu.memref_slice %arg6[%arg0, %add3A_30, %dma_start3A_49] : memref<2x20480x64xf32, #tpu.memory_space<hbm>> -> memref<1x128x64xf32, #tpu.memory_space<hbm>>
      %dma_start3A_51 = tpu.memref_squeeze %dma_start3A_50 : memref<1x128x64xf32, #tpu.memory_space<hbm>> -> memref<128x64xf32, #tpu.memory_space<hbm>>
      tpu.enqueue_dma source(%arg9 : memref<128x64xf32, #tpu.memory_space<vmem>>) target(%dma_start3A_51 : memref<128x64xf32, #tpu.memory_space<hbm>>) target_semaphore(%run_scoped3A : memref<!tpu.dma_semaphore, #tpu.memory_space<semaphore_mem>>)
      %dma_wait3A = arith.constant 0 : i32
      %dma_wait3A_52 = tpu.memref_slice %arg6[%arg0, %add3A_30, %dma_wait3A] : memref<2x20480x64xf32, #tpu.memory_space<hbm>> -> memref<1x128x64xf32, #tpu.memory_space<hbm>>
      %dma_wait3A_53 = tpu.memref_squeeze %dma_wait3A_52 : memref<1x128x64xf32, #tpu.memory_space<hbm>> -> memref<128x64xf32, #tpu.memory_space<hbm>>
      %dma_wait3A_54 = arith.constant 0 : i32
      %dma_wait3A_55 = tpu.memref_slice %arg6[%arg0, %add3A_30, %dma_wait3A_54] : memref<2x20480x64xf32, #tpu.memory_space<hbm>> -> memref<1x128x64xf32, #tpu.memory_space<hbm>>
      %dma_wait3A_56 = tpu.memref_squeeze %dma_wait3A_55 : memref<1x128x64xf32, #tpu.memory_space<hbm>> -> memref<128x64xf32, #tpu.memory_space<hbm>>
      tpu.wait_dma2 semaphore(%run_scoped3A : memref<!tpu.dma_semaphore, #tpu.memory_space<semaphore_mem>>) src(%arg9 : memref<128x64xf32, #tpu.memory_space<vmem>>) dst(%dma_wait3A_56 : memref<128x64xf32, #tpu.memory_space<hbm>>)
      tpu.yield
    }) : () -> ()
    %add3A_31 = arith.constant 256 : i32
    %add3A_32 = arith.addi %mul3A_0, %add3A_31 : i32
    "tpu.region"() ({
      %run_scoped3A = tpu.sem_alloc : memref<!tpu.dma_semaphore, #tpu.memory_space<semaphore_mem>>
      %dma_start3A = arith.constant 0 : i32
      %dma_start3A_47 = tpu.memref_slice %arg13[%add3A_32, %dma_start3A] : memref<20480x64xf32, #tpu.memory_space<vmem_shared>> -> memref<128x64xf32, #tpu.memory_space<vmem_shared>>
      %dma_start3A_48 = arith.constant 0 : i32
      %dma_start3A_49 = tpu.memref_slice %arg13[%add3A_32, %dma_start3A_48] : memref<20480x64xf32, #tpu.memory_space<vmem_shared>> -> memref<128x64xf32, #tpu.memory_space<vmem_shared>>
      tpu.enqueue_dma source(%dma_start3A_49 : memref<128x64xf32, #tpu.memory_space<vmem_shared>>) target(%arg9 : memref<128x64xf32, #tpu.memory_space<vmem>>) target_semaphore(%run_scoped3A : memref<!tpu.dma_semaphore, #tpu.memory_space<semaphore_mem>>)
      %dma_wait3A = arith.constant 0 : i32
      %dma_wait3A_50 = tpu.memref_slice %arg13[%add3A_32, %dma_wait3A] : memref<20480x64xf32, #tpu.memory_space<vmem_shared>> -> memref<128x64xf32, #tpu.memory_space<vmem_shared>>
      %dma_wait3A_51 = arith.constant 0 : i32
      %dma_wait3A_52 = tpu.memref_slice %arg13[%add3A_32, %dma_wait3A_51] : memref<20480x64xf32, #tpu.memory_space<vmem_shared>> -> memref<128x64xf32, #tpu.memory_space<vmem_shared>>
      tpu.wait_dma2 semaphore(%run_scoped3A : memref<!tpu.dma_semaphore, #tpu.memory_space<semaphore_mem>>) src(%dma_wait3A_52 : memref<128x64xf32, #tpu.memory_space<vmem_shared>>) dst(%arg9 : memref<128x64xf32, #tpu.memory_space<vmem>>)
      tpu.yield
    }) : () -> ()
    "tpu.region"() ({
      %run_scoped3A = tpu.sem_alloc : memref<!tpu.dma_semaphore, #tpu.memory_space<semaphore_mem>>
      %dma_start3A = arith.constant 0 : i32
      %dma_start3A_47 = tpu.memref_slice %arg6[%arg0, %add3A_32, %dma_start3A] : memref<2x20480x64xf32, #tpu.memory_space<hbm>> -> memref<1x128x64xf32, #tpu.memory_space<hbm>>
      %dma_start3A_48 = tpu.memref_squeeze %dma_start3A_47 : memref<1x128x64xf32, #tpu.memory_space<hbm>> -> memref<128x64xf32, #tpu.memory_space<hbm>>
      %dma_start3A_49 = arith.constant 0 : i32
      %dma_start3A_50 = tpu.memref_slice %arg6[%arg0, %add3A_32, %dma_start3A_49] : memref<2x20480x64xf32, #tpu.memory_space<hbm>> -> memref<1x128x64xf32, #tpu.memory_space<hbm>>
      %dma_start3A_51 = tpu.memref_squeeze %dma_start3A_50 : memref<1x128x64xf32, #tpu.memory_space<hbm>> -> memref<128x64xf32, #tpu.memory_space<hbm>>
      tpu.enqueue_dma source(%arg9 : memref<128x64xf32, #tpu.memory_space<vmem>>) target(%dma_start3A_51 : memref<128x64xf32, #tpu.memory_space<hbm>>) target_semaphore(%run_scoped3A : memref<!tpu.dma_semaphore, #tpu.memory_space<semaphore_mem>>)
      %dma_wait3A = arith.constant 0 : i32
      %dma_wait3A_52 = tpu.memref_slice %arg6[%arg0, %add3A_32, %dma_wait3A] : memref<2x20480x64xf32, #tpu.memory_space<hbm>> -> memref<1x128x64xf32, #tpu.memory_space<hbm>>
      %dma_wait3A_53 = tpu.memref_squeeze %dma_wait3A_52 : memref<1x128x64xf32, #tpu.memory_space<hbm>> -> memref<128x64xf32, #tpu.memory_space<hbm>>
      %dma_wait3A_54 = arith.constant 0 : i32
      %dma_wait3A_55 = tpu.memref_slice %arg6[%arg0, %add3A_32, %dma_wait3A_54] : memref<2x20480x64xf32, #tpu.memory_space<hbm>> -> memref<1x128x64xf32, #tpu.memory_space<hbm>>
      %dma_wait3A_56 = tpu.memref_squeeze %dma_wait3A_55 : memref<1x128x64xf32, #tpu.memory_space<hbm>> -> memref<128x64xf32, #tpu.memory_space<hbm>>
      tpu.wait_dma2 semaphore(%run_scoped3A : memref<!tpu.dma_semaphore, #tpu.memory_space<semaphore_mem>>) src(%arg9 : memref<128x64xf32, #tpu.memory_space<vmem>>) dst(%dma_wait3A_56 : memref<128x64xf32, #tpu.memory_space<hbm>>)
      tpu.yield
    }) : () -> ()
    %add3A_33 = arith.constant 384 : i32
    %add3A_34 = arith.addi %mul3A_0, %add3A_33 : i32
    "tpu.region"() ({
      %run_scoped3A = tpu.sem_alloc : memref<!tpu.dma_semaphore, #tpu.memory_space<semaphore_mem>>
      %dma_start3A = arith.constant 0 : i32
      %dma_start3A_47 = tpu.memref_slice %arg13[%add3A_34, %dma_start3A] : memref<20480x64xf32, #tpu.memory_space<vmem_shared>> -> memref<128x64xf32, #tpu.memory_space<vmem_shared>>
      %dma_start3A_48 = arith.constant 0 : i32
      %dma_start3A_49 = tpu.memref_slice %arg13[%add3A_34, %dma_start3A_48] : memref<20480x64xf32, #tpu.memory_space<vmem_shared>> -> memref<128x64xf32, #tpu.memory_space<vmem_shared>>
      tpu.enqueue_dma source(%dma_start3A_49 : memref<128x64xf32, #tpu.memory_space<vmem_shared>>) target(%arg9 : memref<128x64xf32, #tpu.memory_space<vmem>>) target_semaphore(%run_scoped3A : memref<!tpu.dma_semaphore, #tpu.memory_space<semaphore_mem>>)
      %dma_wait3A = arith.constant 0 : i32
      %dma_wait3A_50 = tpu.memref_slice %arg13[%add3A_34, %dma_wait3A] : memref<20480x64xf32, #tpu.memory_space<vmem_shared>> -> memref<128x64xf32, #tpu.memory_space<vmem_shared>>
      %dma_wait3A_51 = arith.constant 0 : i32
      %dma_wait3A_52 = tpu.memref_slice %arg13[%add3A_34, %dma_wait3A_51] : memref<20480x64xf32, #tpu.memory_space<vmem_shared>> -> memref<128x64xf32, #tpu.memory_space<vmem_shared>>
      tpu.wait_dma2 semaphore(%run_scoped3A : memref<!tpu.dma_semaphore, #tpu.memory_space<semaphore_mem>>) src(%dma_wait3A_52 : memref<128x64xf32, #tpu.memory_space<vmem_shared>>) dst(%arg9 : memref<128x64xf32, #tpu.memory_space<vmem>>)
      tpu.yield
    }) : () -> ()
    "tpu.region"() ({
      %run_scoped3A = tpu.sem_alloc : memref<!tpu.dma_semaphore, #tpu.memory_space<semaphore_mem>>
      %dma_start3A = arith.constant 0 : i32
      %dma_start3A_47 = tpu.memref_slice %arg6[%arg0, %add3A_34, %dma_start3A] : memref<2x20480x64xf32, #tpu.memory_space<hbm>> -> memref<1x128x64xf32, #tpu.memory_space<hbm>>
      %dma_start3A_48 = tpu.memref_squeeze %dma_start3A_47 : memref<1x128x64xf32, #tpu.memory_space<hbm>> -> memref<128x64xf32, #tpu.memory_space<hbm>>
      %dma_start3A_49 = arith.constant 0 : i32
      %dma_start3A_50 = tpu.memref_slice %arg6[%arg0, %add3A_34, %dma_start3A_49] : memref<2x20480x64xf32, #tpu.memory_space<hbm>> -> memref<1x128x64xf32, #tpu.memory_space<hbm>>
      %dma_start3A_51 = tpu.memref_squeeze %dma_start3A_50 : memref<1x128x64xf32, #tpu.memory_space<hbm>> -> memref<128x64xf32, #tpu.memory_space<hbm>>
      tpu.enqueue_dma source(%arg9 : memref<128x64xf32, #tpu.memory_space<vmem>>) target(%dma_start3A_51 : memref<128x64xf32, #tpu.memory_space<hbm>>) target_semaphore(%run_scoped3A : memref<!tpu.dma_semaphore, #tpu.memory_space<semaphore_mem>>)
      %dma_wait3A = arith.constant 0 : i32
      %dma_wait3A_52 = tpu.memref_slice %arg6[%arg0, %add3A_34, %dma_wait3A] : memref<2x20480x64xf32, #tpu.memory_space<hbm>> -> memref<1x128x64xf32, #tpu.memory_space<hbm>>
      %dma_wait3A_53 = tpu.memref_squeeze %dma_wait3A_52 : memref<1x128x64xf32, #tpu.memory_space<hbm>> -> memref<128x64xf32, #tpu.memory_space<hbm>>
      %dma_wait3A_54 = arith.constant 0 : i32
      %dma_wait3A_55 = tpu.memref_slice %arg6[%arg0, %add3A_34, %dma_wait3A_54] : memref<2x20480x64xf32, #tpu.memory_space<hbm>> -> memref<1x128x64xf32, #tpu.memory_space<hbm>>
      %dma_wait3A_56 = tpu.memref_squeeze %dma_wait3A_55 : memref<1x128x64xf32, #tpu.memory_space<hbm>> -> memref<128x64xf32, #tpu.memory_space<hbm>>
      tpu.wait_dma2 semaphore(%run_scoped3A : memref<!tpu.dma_semaphore, #tpu.memory_space<semaphore_mem>>) src(%arg9 : memref<128x64xf32, #tpu.memory_space<vmem>>) dst(%dma_wait3A_56 : memref<128x64xf32, #tpu.memory_space<hbm>>)
      tpu.yield
    }) : () -> ()
    %add3A_35 = arith.constant 512 : i32
    %add3A_36 = arith.addi %mul3A_0, %add3A_35 : i32
    "tpu.region"() ({
      %run_scoped3A = tpu.sem_alloc : memref<!tpu.dma_semaphore, #tpu.memory_space<semaphore_mem>>
      %dma_start3A = arith.constant 0 : i32
      %dma_start3A_47 = tpu.memref_slice %arg13[%add3A_36, %dma_start3A] : memref<20480x64xf32, #tpu.memory_space<vmem_shared>> -> memref<128x64xf32, #tpu.memory_space<vmem_shared>>
      %dma_start3A_48 = arith.constant 0 : i32
      %dma_start3A_49 = tpu.memref_slice %arg13[%add3A_36, %dma_start3A_48] : memref<20480x64xf32, #tpu.memory_space<vmem_shared>> -> memref<128x64xf32, #tpu.memory_space<vmem_shared>>
      tpu.enqueue_dma source(%dma_start3A_49 : memref<128x64xf32, #tpu.memory_space<vmem_shared>>) target(%arg9 : memref<128x64xf32, #tpu.memory_space<vmem>>) target_semaphore(%run_scoped3A : memref<!tpu.dma_semaphore, #tpu.memory_space<semaphore_mem>>)
      %dma_wait3A = arith.constant 0 : i32
      %dma_wait3A_50 = tpu.memref_slice %arg13[%add3A_36, %dma_wait3A] : memref<20480x64xf32, #tpu.memory_space<vmem_shared>> -> memref<128x64xf32, #tpu.memory_space<vmem_shared>>
      %dma_wait3A_51 = arith.constant 0 : i32
      %dma_wait3A_52 = tpu.memref_slice %arg13[%add3A_36, %dma_wait3A_51] : memref<20480x64xf32, #tpu.memory_space<vmem_shared>> -> memref<128x64xf32, #tpu.memory_space<vmem_shared>>
      tpu.wait_dma2 semaphore(%run_scoped3A : memref<!tpu.dma_semaphore, #tpu.memory_space<semaphore_mem>>) src(%dma_wait3A_52 : memref<128x64xf32, #tpu.memory_space<vmem_shared>>) dst(%arg9 : memref<128x64xf32, #tpu.memory_space<vmem>>)
      tpu.yield
    }) : () -> ()
    "tpu.region"() ({
      %run_scoped3A = tpu.sem_alloc : memref<!tpu.dma_semaphore, #tpu.memory_space<semaphore_mem>>
      %dma_start3A = arith.constant 0 : i32
      %dma_start3A_47 = tpu.memref_slice %arg6[%arg0, %add3A_36, %dma_start3A] : memref<2x20480x64xf32, #tpu.memory_space<hbm>> -> memref<1x128x64xf32, #tpu.memory_space<hbm>>
      %dma_start3A_48 = tpu.memref_squeeze %dma_start3A_47 : memref<1x128x64xf32, #tpu.memory_space<hbm>> -> memref<128x64xf32, #tpu.memory_space<hbm>>
      %dma_start3A_49 = arith.constant 0 : i32
      %dma_start3A_50 = tpu.memref_slice %arg6[%arg0, %add3A_36, %dma_start3A_49] : memref<2x20480x64xf32, #tpu.memory_space<hbm>> -> memref<1x128x64xf32, #tpu.memory_space<hbm>>
      %dma_start3A_51 = tpu.memref_squeeze %dma_start3A_50 : memref<1x128x64xf32, #tpu.memory_space<hbm>> -> memref<128x64xf32, #tpu.memory_space<hbm>>
      tpu.enqueue_dma source(%arg9 : memref<128x64xf32, #tpu.memory_space<vmem>>) target(%dma_start3A_51 : memref<128x64xf32, #tpu.memory_space<hbm>>) target_semaphore(%run_scoped3A : memref<!tpu.dma_semaphore, #tpu.memory_space<semaphore_mem>>)
      %dma_wait3A = arith.constant 0 : i32
      %dma_wait3A_52 = tpu.memref_slice %arg6[%arg0, %add3A_36, %dma_wait3A] : memref<2x20480x64xf32, #tpu.memory_space<hbm>> -> memref<1x128x64xf32, #tpu.memory_space<hbm>>
      %dma_wait3A_53 = tpu.memref_squeeze %dma_wait3A_52 : memref<1x128x64xf32, #tpu.memory_space<hbm>> -> memref<128x64xf32, #tpu.memory_space<hbm>>
      %dma_wait3A_54 = arith.constant 0 : i32
      %dma_wait3A_55 = tpu.memref_slice %arg6[%arg0, %add3A_36, %dma_wait3A_54] : memref<2x20480x64xf32, #tpu.memory_space<hbm>> -> memref<1x128x64xf32, #tpu.memory_space<hbm>>
      %dma_wait3A_56 = tpu.memref_squeeze %dma_wait3A_55 : memref<1x128x64xf32, #tpu.memory_space<hbm>> -> memref<128x64xf32, #tpu.memory_space<hbm>>
      tpu.wait_dma2 semaphore(%run_scoped3A : memref<!tpu.dma_semaphore, #tpu.memory_space<semaphore_mem>>) src(%arg9 : memref<128x64xf32, #tpu.memory_space<vmem>>) dst(%dma_wait3A_56 : memref<128x64xf32, #tpu.memory_space<hbm>>)
      tpu.yield
    }) : () -> ()
    %add3A_37 = arith.constant 640 : i32
    %add3A_38 = arith.addi %mul3A_0, %add3A_37 : i32
    "tpu.region"() ({
      %run_scoped3A = tpu.sem_alloc : memref<!tpu.dma_semaphore, #tpu.memory_space<semaphore_mem>>
      %dma_start3A = arith.constant 0 : i32
      %dma_start3A_47 = tpu.memref_slice %arg13[%add3A_38, %dma_start3A] : memref<20480x64xf32, #tpu.memory_space<vmem_shared>> -> memref<128x64xf32, #tpu.memory_space<vmem_shared>>
      %dma_start3A_48 = arith.constant 0 : i32
      %dma_start3A_49 = tpu.memref_slice %arg13[%add3A_38, %dma_start3A_48] : memref<20480x64xf32, #tpu.memory_space<vmem_shared>> -> memref<128x64xf32, #tpu.memory_space<vmem_shared>>
      tpu.enqueue_dma source(%dma_start3A_49 : memref<128x64xf32, #tpu.memory_space<vmem_shared>>) target(%arg9 : memref<128x64xf32, #tpu.memory_space<vmem>>) target_semaphore(%run_scoped3A : memref<!tpu.dma_semaphore, #tpu.memory_space<semaphore_mem>>)
      %dma_wait3A = arith.constant 0 : i32
      %dma_wait3A_50 = tpu.memref_slice %arg13[%add3A_38, %dma_wait3A] : memref<20480x64xf32, #tpu.memory_space<vmem_shared>> -> memref<128x64xf32, #tpu.memory_space<vmem_shared>>
      %dma_wait3A_51 = arith.constant 0 : i32
      %dma_wait3A_52 = tpu.memref_slice %arg13[%add3A_38, %dma_wait3A_51] : memref<20480x64xf32, #tpu.memory_space<vmem_shared>> -> memref<128x64xf32, #tpu.memory_space<vmem_shared>>
      tpu.wait_dma2 semaphore(%run_scoped3A : memref<!tpu.dma_semaphore, #tpu.memory_space<semaphore_mem>>) src(%dma_wait3A_52 : memref<128x64xf32, #tpu.memory_space<vmem_shared>>) dst(%arg9 : memref<128x64xf32, #tpu.memory_space<vmem>>)
      tpu.yield
    }) : () -> ()
    "tpu.region"() ({
      %run_scoped3A = tpu.sem_alloc : memref<!tpu.dma_semaphore, #tpu.memory_space<semaphore_mem>>
      %dma_start3A = arith.constant 0 : i32
      %dma_start3A_47 = tpu.memref_slice %arg6[%arg0, %add3A_38, %dma_start3A] : memref<2x20480x64xf32, #tpu.memory_space<hbm>> -> memref<1x128x64xf32, #tpu.memory_space<hbm>>
      %dma_start3A_48 = tpu.memref_squeeze %dma_start3A_47 : memref<1x128x64xf32, #tpu.memory_space<hbm>> -> memref<128x64xf32, #tpu.memory_space<hbm>>
      %dma_start3A_49 = arith.constant 0 : i32
      %dma_start3A_50 = tpu.memref_slice %arg6[%arg0, %add3A_38, %dma_start3A_49] : memref<2x20480x64xf32, #tpu.memory_space<hbm>> -> memref<1x128x64xf32, #tpu.memory_space<hbm>>
      %dma_start3A_51 = tpu.memref_squeeze %dma_start3A_50 : memref<1x128x64xf32, #tpu.memory_space<hbm>> -> memref<128x64xf32, #tpu.memory_space<hbm>>
      tpu.enqueue_dma source(%arg9 : memref<128x64xf32, #tpu.memory_space<vmem>>) target(%dma_start3A_51 : memref<128x64xf32, #tpu.memory_space<hbm>>) target_semaphore(%run_scoped3A : memref<!tpu.dma_semaphore, #tpu.memory_space<semaphore_mem>>)
      %dma_wait3A = arith.constant 0 : i32
      %dma_wait3A_52 = tpu.memref_slice %arg6[%arg0, %add3A_38, %dma_wait3A] : memref<2x20480x64xf32, #tpu.memory_space<hbm>> -> memref<1x128x64xf32, #tpu.memory_space<hbm>>
      %dma_wait3A_53 = tpu.memref_squeeze %dma_wait3A_52 : memref<1x128x64xf32, #tpu.memory_space<hbm>> -> memref<128x64xf32, #tpu.memory_space<hbm>>
      %dma_wait3A_54 = arith.constant 0 : i32
      %dma_wait3A_55 = tpu.memref_slice %arg6[%arg0, %add3A_38, %dma_wait3A_54] : memref<2x20480x64xf32, #tpu.memory_space<hbm>> -> memref<1x128x64xf32, #tpu.memory_space<hbm>>
      %dma_wait3A_56 = tpu.memref_squeeze %dma_wait3A_55 : memref<1x128x64xf32, #tpu.memory_space<hbm>> -> memref<128x64xf32, #tpu.memory_space<hbm>>
      tpu.wait_dma2 semaphore(%run_scoped3A : memref<!tpu.dma_semaphore, #tpu.memory_space<semaphore_mem>>) src(%arg9 : memref<128x64xf32, #tpu.memory_space<vmem>>) dst(%dma_wait3A_56 : memref<128x64xf32, #tpu.memory_space<hbm>>)
      tpu.yield
    }) : () -> ()
    %add3A_39 = arith.constant 768 : i32
    %add3A_40 = arith.addi %mul3A_0, %add3A_39 : i32
    "tpu.region"() ({
      %run_scoped3A = tpu.sem_alloc : memref<!tpu.dma_semaphore, #tpu.memory_space<semaphore_mem>>
      %dma_start3A = arith.constant 0 : i32
      %dma_start3A_47 = tpu.memref_slice %arg13[%add3A_40, %dma_start3A] : memref<20480x64xf32, #tpu.memory_space<vmem_shared>> -> memref<128x64xf32, #tpu.memory_space<vmem_shared>>
      %dma_start3A_48 = arith.constant 0 : i32
      %dma_start3A_49 = tpu.memref_slice %arg13[%add3A_40, %dma_start3A_48] : memref<20480x64xf32, #tpu.memory_space<vmem_shared>> -> memref<128x64xf32, #tpu.memory_space<vmem_shared>>
      tpu.enqueue_dma source(%dma_start3A_49 : memref<128x64xf32, #tpu.memory_space<vmem_shared>>) target(%arg9 : memref<128x64xf32, #tpu.memory_space<vmem>>) target_semaphore(%run_scoped3A : memref<!tpu.dma_semaphore, #tpu.memory_space<semaphore_mem>>)
      %dma_wait3A = arith.constant 0 : i32
      %dma_wait3A_50 = tpu.memref_slice %arg13[%add3A_40, %dma_wait3A] : memref<20480x64xf32, #tpu.memory_space<vmem_shared>> -> memref<128x64xf32, #tpu.memory_space<vmem_shared>>
      %dma_wait3A_51 = arith.constant 0 : i32
      %dma_wait3A_52 = tpu.memref_slice %arg13[%add3A_40, %dma_wait3A_51] : memref<20480x64xf32, #tpu.memory_space<vmem_shared>> -> memref<128x64xf32, #tpu.memory_space<vmem_shared>>
      tpu.wait_dma2 semaphore(%run_scoped3A : memref<!tpu.dma_semaphore, #tpu.memory_space<semaphore_mem>>) src(%dma_wait3A_52 : memref<128x64xf32, #tpu.memory_space<vmem_shared>>) dst(%arg9 : memref<128x64xf32, #tpu.memory_space<vmem>>)
      tpu.yield
    }) : () -> ()
    "tpu.region"() ({
      %run_scoped3A = tpu.sem_alloc : memref<!tpu.dma_semaphore, #tpu.memory_space<semaphore_mem>>
      %dma_start3A = arith.constant 0 : i32
      %dma_start3A_47 = tpu.memref_slice %arg6[%arg0, %add3A_40, %dma_start3A] : memref<2x20480x64xf32, #tpu.memory_space<hbm>> -> memref<1x128x64xf32, #tpu.memory_space<hbm>>
      %dma_start3A_48 = tpu.memref_squeeze %dma_start3A_47 : memref<1x128x64xf32, #tpu.memory_space<hbm>> -> memref<128x64xf32, #tpu.memory_space<hbm>>
      %dma_start3A_49 = arith.constant 0 : i32
      %dma_start3A_50 = tpu.memref_slice %arg6[%arg0, %add3A_40, %dma_start3A_49] : memref<2x20480x64xf32, #tpu.memory_space<hbm>> -> memref<1x128x64xf32, #tpu.memory_space<hbm>>
      %dma_start3A_51 = tpu.memref_squeeze %dma_start3A_50 : memref<1x128x64xf32, #tpu.memory_space<hbm>> -> memref<128x64xf32, #tpu.memory_space<hbm>>
      tpu.enqueue_dma source(%arg9 : memref<128x64xf32, #tpu.memory_space<vmem>>) target(%dma_start3A_51 : memref<128x64xf32, #tpu.memory_space<hbm>>) target_semaphore(%run_scoped3A : memref<!tpu.dma_semaphore, #tpu.memory_space<semaphore_mem>>)
      %dma_wait3A = arith.constant 0 : i32
      %dma_wait3A_52 = tpu.memref_slice %arg6[%arg0, %add3A_40, %dma_wait3A] : memref<2x20480x64xf32, #tpu.memory_space<hbm>> -> memref<1x128x64xf32, #tpu.memory_space<hbm>>
      %dma_wait3A_53 = tpu.memref_squeeze %dma_wait3A_52 : memref<1x128x64xf32, #tpu.memory_space<hbm>> -> memref<128x64xf32, #tpu.memory_space<hbm>>
      %dma_wait3A_54 = arith.constant 0 : i32
      %dma_wait3A_55 = tpu.memref_slice %arg6[%arg0, %add3A_40, %dma_wait3A_54] : memref<2x20480x64xf32, #tpu.memory_space<hbm>> -> memref<1x128x64xf32, #tpu.memory_space<hbm>>
      %dma_wait3A_56 = tpu.memref_squeeze %dma_wait3A_55 : memref<1x128x64xf32, #tpu.memory_space<hbm>> -> memref<128x64xf32, #tpu.memory_space<hbm>>
      tpu.wait_dma2 semaphore(%run_scoped3A : memref<!tpu.dma_semaphore, #tpu.memory_space<semaphore_mem>>) src(%arg9 : memref<128x64xf32, #tpu.memory_space<vmem>>) dst(%dma_wait3A_56 : memref<128x64xf32, #tpu.memory_space<hbm>>)
      tpu.yield
    }) : () -> ()
    %add3A_41 = arith.constant 896 : i32
    %add3A_42 = arith.addi %mul3A_0, %add3A_41 : i32
    "tpu.region"() ({
      %run_scoped3A = tpu.sem_alloc : memref<!tpu.dma_semaphore, #tpu.memory_space<semaphore_mem>>
      %dma_start3A = arith.constant 0 : i32
      %dma_start3A_47 = tpu.memref_slice %arg13[%add3A_42, %dma_start3A] : memref<20480x64xf32, #tpu.memory_space<vmem_shared>> -> memref<128x64xf32, #tpu.memory_space<vmem_shared>>
      %dma_start3A_48 = arith.constant 0 : i32
      %dma_start3A_49 = tpu.memref_slice %arg13[%add3A_42, %dma_start3A_48] : memref<20480x64xf32, #tpu.memory_space<vmem_shared>> -> memref<128x64xf32, #tpu.memory_space<vmem_shared>>
      tpu.enqueue_dma source(%dma_start3A_49 : memref<128x64xf32, #tpu.memory_space<vmem_shared>>) target(%arg9 : memref<128x64xf32, #tpu.memory_space<vmem>>) target_semaphore(%run_scoped3A : memref<!tpu.dma_semaphore, #tpu.memory_space<semaphore_mem>>)
      %dma_wait3A = arith.constant 0 : i32
      %dma_wait3A_50 = tpu.memref_slice %arg13[%add3A_42, %dma_wait3A] : memref<20480x64xf32, #tpu.memory_space<vmem_shared>> -> memref<128x64xf32, #tpu.memory_space<vmem_shared>>
      %dma_wait3A_51 = arith.constant 0 : i32
      %dma_wait3A_52 = tpu.memref_slice %arg13[%add3A_42, %dma_wait3A_51] : memref<20480x64xf32, #tpu.memory_space<vmem_shared>> -> memref<128x64xf32, #tpu.memory_space<vmem_shared>>
      tpu.wait_dma2 semaphore(%run_scoped3A : memref<!tpu.dma_semaphore, #tpu.memory_space<semaphore_mem>>) src(%dma_wait3A_52 : memref<128x64xf32, #tpu.memory_space<vmem_shared>>) dst(%arg9 : memref<128x64xf32, #tpu.memory_space<vmem>>)
      tpu.yield
    }) : () -> ()
    "tpu.region"() ({
      %run_scoped3A = tpu.sem_alloc : memref<!tpu.dma_semaphore, #tpu.memory_space<semaphore_mem>>
      %dma_start3A = arith.constant 0 : i32
      %dma_start3A_47 = tpu.memref_slice %arg6[%arg0, %add3A_42, %dma_start3A] : memref<2x20480x64xf32, #tpu.memory_space<hbm>> -> memref<1x128x64xf32, #tpu.memory_space<hbm>>
      %dma_start3A_48 = tpu.memref_squeeze %dma_start3A_47 : memref<1x128x64xf32, #tpu.memory_space<hbm>> -> memref<128x64xf32, #tpu.memory_space<hbm>>
      %dma_start3A_49 = arith.constant 0 : i32
      %dma_start3A_50 = tpu.memref_slice %arg6[%arg0, %add3A_42, %dma_start3A_49] : memref<2x20480x64xf32, #tpu.memory_space<hbm>> -> memref<1x128x64xf32, #tpu.memory_space<hbm>>
      %dma_start3A_51 = tpu.memref_squeeze %dma_start3A_50 : memref<1x128x64xf32, #tpu.memory_space<hbm>> -> memref<128x64xf32, #tpu.memory_space<hbm>>
      tpu.enqueue_dma source(%arg9 : memref<128x64xf32, #tpu.memory_space<vmem>>) target(%dma_start3A_51 : memref<128x64xf32, #tpu.memory_space<hbm>>) target_semaphore(%run_scoped3A : memref<!tpu.dma_semaphore, #tpu.memory_space<semaphore_mem>>)
      %dma_wait3A = arith.constant 0 : i32
      %dma_wait3A_52 = tpu.memref_slice %arg6[%arg0, %add3A_42, %dma_wait3A] : memref<2x20480x64xf32, #tpu.memory_space<hbm>> -> memref<1x128x64xf32, #tpu.memory_space<hbm>>
      %dma_wait3A_53 = tpu.memref_squeeze %dma_wait3A_52 : memref<1x128x64xf32, #tpu.memory_space<hbm>> -> memref<128x64xf32, #tpu.memory_space<hbm>>
      %dma_wait3A_54 = arith.constant 0 : i32
      %dma_wait3A_55 = tpu.memref_slice %arg6[%arg0, %add3A_42, %dma_wait3A_54] : memref<2x20480x64xf32, #tpu.memory_space<hbm>> -> memref<1x128x64xf32, #tpu.memory_space<hbm>>
      %dma_wait3A_56 = tpu.memref_squeeze %dma_wait3A_55 : memref<1x128x64xf32, #tpu.memory_space<hbm>> -> memref<128x64xf32, #tpu.memory_space<hbm>>
      tpu.wait_dma2 semaphore(%run_scoped3A : memref<!tpu.dma_semaphore, #tpu.memory_space<semaphore_mem>>) src(%arg9 : memref<128x64xf32, #tpu.memory_space<vmem>>) dst(%dma_wait3A_56 : memref<128x64xf32, #tpu.memory_space<hbm>>)
      tpu.yield
    }) : () -> ()
    %add3A_43 = arith.constant 1024 : i32
    %add3A_44 = arith.addi %mul3A_0, %add3A_43 : i32
    "tpu.region"() ({
      %run_scoped3A = tpu.sem_alloc : memref<!tpu.dma_semaphore, #tpu.memory_space<semaphore_mem>>
      %dma_start3A = arith.constant 0 : i32
      %dma_start3A_47 = tpu.memref_slice %arg13[%add3A_44, %dma_start3A] : memref<20480x64xf32, #tpu.memory_space<vmem_shared>> -> memref<128x64xf32, #tpu.memory_space<vmem_shared>>
      %dma_start3A_48 = arith.constant 0 : i32
      %dma_start3A_49 = tpu.memref_slice %arg13[%add3A_44, %dma_start3A_48] : memref<20480x64xf32, #tpu.memory_space<vmem_shared>> -> memref<128x64xf32, #tpu.memory_space<vmem_shared>>
      tpu.enqueue_dma source(%dma_start3A_49 : memref<128x64xf32, #tpu.memory_space<vmem_shared>>) target(%arg9 : memref<128x64xf32, #tpu.memory_space<vmem>>) target_semaphore(%run_scoped3A : memref<!tpu.dma_semaphore, #tpu.memory_space<semaphore_mem>>)
      %dma_wait3A = arith.constant 0 : i32
      %dma_wait3A_50 = tpu.memref_slice %arg13[%add3A_44, %dma_wait3A] : memref<20480x64xf32, #tpu.memory_space<vmem_shared>> -> memref<128x64xf32, #tpu.memory_space<vmem_shared>>
      %dma_wait3A_51 = arith.constant 0 : i32
      %dma_wait3A_52 = tpu.memref_slice %arg13[%add3A_44, %dma_wait3A_51] : memref<20480x64xf32, #tpu.memory_space<vmem_shared>> -> memref<128x64xf32, #tpu.memory_space<vmem_shared>>
      tpu.wait_dma2 semaphore(%run_scoped3A : memref<!tpu.dma_semaphore, #tpu.memory_space<semaphore_mem>>) src(%dma_wait3A_52 : memref<128x64xf32, #tpu.memory_space<vmem_shared>>) dst(%arg9 : memref<128x64xf32, #tpu.memory_space<vmem>>)
      tpu.yield
    }) : () -> ()
    "tpu.region"() ({
      %run_scoped3A = tpu.sem_alloc : memref<!tpu.dma_semaphore, #tpu.memory_space<semaphore_mem>>
      %dma_start3A = arith.constant 0 : i32
      %dma_start3A_47 = tpu.memref_slice %arg6[%arg0, %add3A_44, %dma_start3A] : memref<2x20480x64xf32, #tpu.memory_space<hbm>> -> memref<1x128x64xf32, #tpu.memory_space<hbm>>
      %dma_start3A_48 = tpu.memref_squeeze %dma_start3A_47 : memref<1x128x64xf32, #tpu.memory_space<hbm>> -> memref<128x64xf32, #tpu.memory_space<hbm>>
      %dma_start3A_49 = arith.constant 0 : i32
      %dma_start3A_50 = tpu.memref_slice %arg6[%arg0, %add3A_44, %dma_start3A_49] : memref<2x20480x64xf32, #tpu.memory_space<hbm>> -> memref<1x128x64xf32, #tpu.memory_space<hbm>>
      %dma_start3A_51 = tpu.memref_squeeze %dma_start3A_50 : memref<1x128x64xf32, #tpu.memory_space<hbm>> -> memref<128x64xf32, #tpu.memory_space<hbm>>
      tpu.enqueue_dma source(%arg9 : memref<128x64xf32, #tpu.memory_space<vmem>>) target(%dma_start3A_51 : memref<128x64xf32, #tpu.memory_space<hbm>>) target_semaphore(%run_scoped3A : memref<!tpu.dma_semaphore, #tpu.memory_space<semaphore_mem>>)
      %dma_wait3A = arith.constant 0 : i32
      %dma_wait3A_52 = tpu.memref_slice %arg6[%arg0, %add3A_44, %dma_wait3A] : memref<2x20480x64xf32, #tpu.memory_space<hbm>> -> memref<1x128x64xf32, #tpu.memory_space<hbm>>
      %dma_wait3A_53 = tpu.memref_squeeze %dma_wait3A_52 : memref<1x128x64xf32, #tpu.memory_space<hbm>> -> memref<128x64xf32, #tpu.memory_space<hbm>>
      %dma_wait3A_54 = arith.constant 0 : i32
      %dma_wait3A_55 = tpu.memref_slice %arg6[%arg0, %add3A_44, %dma_wait3A_54] : memref<2x20480x64xf32, #tpu.memory_space<hbm>> -> memref<1x128x64xf32, #tpu.memory_space<hbm>>
      %dma_wait3A_56 = tpu.memref_squeeze %dma_wait3A_55 : memref<1x128x64xf32, #tpu.memory_space<hbm>> -> memref<128x64xf32, #tpu.memory_space<hbm>>
      tpu.wait_dma2 semaphore(%run_scoped3A : memref<!tpu.dma_semaphore, #tpu.memory_space<semaphore_mem>>) src(%arg9 : memref<128x64xf32, #tpu.memory_space<vmem>>) dst(%dma_wait3A_56 : memref<128x64xf32, #tpu.memory_space<hbm>>)
      tpu.yield
    }) : () -> ()
    %add3A_45 = arith.constant 1152 : i32
    %add3A_46 = arith.addi %mul3A_0, %add3A_45 : i32
    "tpu.region"() ({
      %run_scoped3A = tpu.sem_alloc : memref<!tpu.dma_semaphore, #tpu.memory_space<semaphore_mem>>
      %dma_start3A = arith.constant 0 : i32
      %dma_start3A_47 = tpu.memref_slice %arg13[%add3A_46, %dma_start3A] : memref<20480x64xf32, #tpu.memory_space<vmem_shared>> -> memref<128x64xf32, #tpu.memory_space<vmem_shared>>
      %dma_start3A_48 = arith.constant 0 : i32
      %dma_start3A_49 = tpu.memref_slice %arg13[%add3A_46, %dma_start3A_48] : memref<20480x64xf32, #tpu.memory_space<vmem_shared>> -> memref<128x64xf32, #tpu.memory_space<vmem_shared>>
      tpu.enqueue_dma source(%dma_start3A_49 : memref<128x64xf32, #tpu.memory_space<vmem_shared>>) target(%arg9 : memref<128x64xf32, #tpu.memory_space<vmem>>) target_semaphore(%run_scoped3A : memref<!tpu.dma_semaphore, #tpu.memory_space<semaphore_mem>>)
      %dma_wait3A = arith.constant 0 : i32
      %dma_wait3A_50 = tpu.memref_slice %arg13[%add3A_46, %dma_wait3A] : memref<20480x64xf32, #tpu.memory_space<vmem_shared>> -> memref<128x64xf32, #tpu.memory_space<vmem_shared>>
      %dma_wait3A_51 = arith.constant 0 : i32
      %dma_wait3A_52 = tpu.memref_slice %arg13[%add3A_46, %dma_wait3A_51] : memref<20480x64xf32, #tpu.memory_space<vmem_shared>> -> memref<128x64xf32, #tpu.memory_space<vmem_shared>>
      tpu.wait_dma2 semaphore(%run_scoped3A : memref<!tpu.dma_semaphore, #tpu.memory_space<semaphore_mem>>) src(%dma_wait3A_52 : memref<128x64xf32, #tpu.memory_space<vmem_shared>>) dst(%arg9 : memref<128x64xf32, #tpu.memory_space<vmem>>)
      tpu.yield
    }) : () -> ()
    "tpu.region"() ({
      %run_scoped3A = tpu.sem_alloc : memref<!tpu.dma_semaphore, #tpu.memory_space<semaphore_mem>>
      %dma_start3A = arith.constant 0 : i32
      %dma_start3A_47 = tpu.memref_slice %arg6[%arg0, %add3A_46, %dma_start3A] : memref<2x20480x64xf32, #tpu.memory_space<hbm>> -> memref<1x128x64xf32, #tpu.memory_space<hbm>>
      %dma_start3A_48 = tpu.memref_squeeze %dma_start3A_47 : memref<1x128x64xf32, #tpu.memory_space<hbm>> -> memref<128x64xf32, #tpu.memory_space<hbm>>
      %dma_start3A_49 = arith.constant 0 : i32
      %dma_start3A_50 = tpu.memref_slice %arg6[%arg0, %add3A_46, %dma_start3A_49] : memref<2x20480x64xf32, #tpu.memory_space<hbm>> -> memref<1x128x64xf32, #tpu.memory_space<hbm>>
      %dma_start3A_51 = tpu.memref_squeeze %dma_start3A_50 : memref<1x128x64xf32, #tpu.memory_space<hbm>> -> memref<128x64xf32, #tpu.memory_space<hbm>>
      tpu.enqueue_dma source(%arg9 : memref<128x64xf32, #tpu.memory_space<vmem>>) target(%dma_start3A_51 : memref<128x64xf32, #tpu.memory_space<hbm>>) target_semaphore(%run_scoped3A : memref<!tpu.dma_semaphore, #tpu.memory_space<semaphore_mem>>)
      %dma_wait3A = arith.constant 0 : i32
      %dma_wait3A_52 = tpu.memref_slice %arg6[%arg0, %add3A_46, %dma_wait3A] : memref<2x20480x64xf32, #tpu.memory_space<hbm>> -> memref<1x128x64xf32, #tpu.memory_space<hbm>>
      %dma_wait3A_53 = tpu.memref_squeeze %dma_wait3A_52 : memref<1x128x64xf32, #tpu.memory_space<hbm>> -> memref<128x64xf32, #tpu.memory_space<hbm>>
      %dma_wait3A_54 = arith.constant 0 : i32
      %dma_wait3A_55 = tpu.memref_slice %arg6[%arg0, %add3A_46, %dma_wait3A_54] : memref<2x20480x64xf32, #tpu.memory_space<hbm>> -> memref<1x128x64xf32, #tpu.memory_space<hbm>>
      %dma_wait3A_56 = tpu.memref_squeeze %dma_wait3A_55 : memref<1x128x64xf32, #tpu.memory_space<hbm>> -> memref<128x64xf32, #tpu.memory_space<hbm>>
      tpu.wait_dma2 semaphore(%run_scoped3A : memref<!tpu.dma_semaphore, #tpu.memory_space<semaphore_mem>>) src(%arg9 : memref<128x64xf32, #tpu.memory_space<vmem>>) dst(%dma_wait3A_56 : memref<128x64xf32, #tpu.memory_space<hbm>>)
      tpu.yield
    }) : () -> ()
    return
  }
}

#map = affine_map<(d0, d1) -> (0, 0)>
#map1 = affine_map<(d0, d1) -> (0, 0, 0)>
module attributes {stable_mosaic.version = 14 : i64} {
  func.func @sc_curv_aggregate(%arg0: i32, %arg1: i32, %arg2: memref<20000x64xf32, #tpu.memory_space<hbm>>, %arg3: memref<2x2560x128xi32, #tpu.memory_space<hbm>>, %arg4: memref<2560x128xi32, #tpu.memory_space<hbm>>, %arg5: memref<128x64xf32, #tpu.memory_space<hbm>>, %arg6: memref<2x20480x64xf32, #tpu.memory_space<hbm>>, %arg7: memref<8x128xi32, #tpu.memory_space<vmem>>, %arg8: memref<8x128xi32, #tpu.memory_space<vmem>>, %arg9: memref<128x64xf32, #tpu.memory_space<vmem>>, %arg10: memref<128x64xf32, #tpu.memory_space<vmem>>, %arg11: memref<128x64xf32, #tpu.memory_space<vmem>>, %arg12: memref<128x64xf32, #tpu.memory_space<vmem>>, %arg13: memref<20480x64xf32, #tpu.memory_space<vmem_shared>>, %arg14: memref<!tpu.dma_semaphore, #tpu.memory_space<semaphore_mem>>, %arg15: memref<!tpu.dma_semaphore, #tpu.memory_space<semaphore_mem>>, %arg16: memref<!tpu.dma_semaphore, #tpu.memory_space<semaphore_mem>>, %arg17: memref<!tpu.dma_semaphore, #tpu.memory_space<semaphore_mem>>, %arg18: memref<!tpu.dma_semaphore, #tpu.memory_space<semaphore_mem>>, %arg19: memref<!tpu.dma_semaphore, #tpu.memory_space<semaphore_mem>>, %arg20: memref<!tpu.dma_semaphore, #tpu.memory_space<semaphore_mem>>, %arg21: memref<!tpu.dma_semaphore, #tpu.memory_space<semaphore_mem>>) attributes {dimension_semantics = [#tpu.dimension_semantics<core_parallel>, #tpu.dimension_semantics<subcore_parallel>], iteration_bounds = array<i64: 2, 16>, scalar_prefetch = 0 : i64, scratch_operands = 15 : i64, tpu.core_type = #tpu.core_type<sc_vector_subcore>, window_params = [{transform_indices = #map}, {transform_indices = #map1}, {transform_indices = #map}, {transform_indices = #map}, {transform_indices = #map1}]} {
    "tpu.region"() ({
      %run_scoped3A = tpu.sem_alloc : memref<!tpu.dma_semaphore, #tpu.memory_space<semaphore_mem>>
      tpu.enqueue_dma source(%arg5 : memref<128x64xf32, #tpu.memory_space<hbm>>) target(%arg9 : memref<128x64xf32, #tpu.memory_space<vmem>>) target_semaphore(%run_scoped3A : memref<!tpu.dma_semaphore, #tpu.memory_space<semaphore_mem>>)
      tpu.wait_dma2 semaphore(%run_scoped3A : memref<!tpu.dma_semaphore, #tpu.memory_space<semaphore_mem>>) src(%arg5 : memref<128x64xf32, #tpu.memory_space<hbm>>) dst(%arg9 : memref<128x64xf32, #tpu.memory_space<vmem>>)
      tpu.yield
    }) : () -> ()
    %mul3A = arith.constant 1280 : i32
    %mul3A_0 = arith.muli %arg1, %mul3A : i32
    %add3A = arith.constant 0 : i32
    %add3A_1 = arith.addi %mul3A_0, %add3A : i32
    "tpu.region"() ({
      %run_scoped3A = tpu.sem_alloc : memref<!tpu.dma_semaphore, #tpu.memory_space<semaphore_mem>>
      %dma_start3A = arith.constant 0 : i32
      %dma_start3A_47 = tpu.memref_slice %arg13[%add3A_1, %dma_start3A] : memref<20480x64xf32, #tpu.memory_space<vmem_shared>> -> memref<128x64xf32, #tpu.memory_space<vmem_shared>>
      %dma_start3A_48 = arith.constant 0 : i32
      %dma_start3A_49 = tpu.memref_slice %arg13[%add3A_1, %dma_start3A_48] : memref<20480x64xf32, #tpu.memory_space<vmem_shared>> -> memref<128x64xf32, #tpu.memory_space<vmem_shared>>
      tpu.enqueue_dma source(%arg9 : memref<128x64xf32, #tpu.memory_space<vmem>>) target(%dma_start3A_49 : memref<128x64xf32, #tpu.memory_space<vmem_shared>>) target_semaphore(%run_scoped3A : memref<!tpu.dma_semaphore, #tpu.memory_space<semaphore_mem>>)
      %dma_wait3A = arith.constant 0 : i32
      %dma_wait3A_50 = tpu.memref_slice %arg13[%add3A_1, %dma_wait3A] : memref<20480x64xf32, #tpu.memory_space<vmem_shared>> -> memref<128x64xf32, #tpu.memory_space<vmem_shared>>
      %dma_wait3A_51 = arith.constant 0 : i32
      %dma_wait3A_52 = tpu.memref_slice %arg13[%add3A_1, %dma_wait3A_51] : memref<20480x64xf32, #tpu.memory_space<vmem_shared>> -> memref<128x64xf32, #tpu.memory_space<vmem_shared>>
      tpu.wait_dma2 semaphore(%run_scoped3A : memref<!tpu.dma_semaphore, #tpu.memory_space<semaphore_mem>>) src(%arg9 : memref<128x64xf32, #tpu.memory_space<vmem>>) dst(%dma_wait3A_52 : memref<128x64xf32, #tpu.memory_space<vmem_shared>>)
      tpu.yield
    }) : () -> ()
    %add3A_2 = arith.constant 128 : i32
    %add3A_3 = arith.addi %mul3A_0, %add3A_2 : i32
    "tpu.region"() ({
      %run_scoped3A = tpu.sem_alloc : memref<!tpu.dma_semaphore, #tpu.memory_space<semaphore_mem>>
      %dma_start3A = arith.constant 0 : i32
      %dma_start3A_47 = tpu.memref_slice %arg13[%add3A_3, %dma_start3A] : memref<20480x64xf32, #tpu.memory_space<vmem_shared>> -> memref<128x64xf32, #tpu.memory_space<vmem_shared>>
      %dma_start3A_48 = arith.constant 0 : i32
      %dma_start3A_49 = tpu.memref_slice %arg13[%add3A_3, %dma_start3A_48] : memref<20480x64xf32, #tpu.memory_space<vmem_shared>> -> memref<128x64xf32, #tpu.memory_space<vmem_shared>>
      tpu.enqueue_dma source(%arg9 : memref<128x64xf32, #tpu.memory_space<vmem>>) target(%dma_start3A_49 : memref<128x64xf32, #tpu.memory_space<vmem_shared>>) target_semaphore(%run_scoped3A : memref<!tpu.dma_semaphore, #tpu.memory_space<semaphore_mem>>)
      %dma_wait3A = arith.constant 0 : i32
      %dma_wait3A_50 = tpu.memref_slice %arg13[%add3A_3, %dma_wait3A] : memref<20480x64xf32, #tpu.memory_space<vmem_shared>> -> memref<128x64xf32, #tpu.memory_space<vmem_shared>>
      %dma_wait3A_51 = arith.constant 0 : i32
      %dma_wait3A_52 = tpu.memref_slice %arg13[%add3A_3, %dma_wait3A_51] : memref<20480x64xf32, #tpu.memory_space<vmem_shared>> -> memref<128x64xf32, #tpu.memory_space<vmem_shared>>
      tpu.wait_dma2 semaphore(%run_scoped3A : memref<!tpu.dma_semaphore, #tpu.memory_space<semaphore_mem>>) src(%arg9 : memref<128x64xf32, #tpu.memory_space<vmem>>) dst(%dma_wait3A_52 : memref<128x64xf32, #tpu.memory_space<vmem_shared>>)
      tpu.yield
    }) : () -> ()
    %add3A_4 = arith.constant 256 : i32
    %add3A_5 = arith.addi %mul3A_0, %add3A_4 : i32
    "tpu.region"() ({
      %run_scoped3A = tpu.sem_alloc : memref<!tpu.dma_semaphore, #tpu.memory_space<semaphore_mem>>
      %dma_start3A = arith.constant 0 : i32
      %dma_start3A_47 = tpu.memref_slice %arg13[%add3A_5, %dma_start3A] : memref<20480x64xf32, #tpu.memory_space<vmem_shared>> -> memref<128x64xf32, #tpu.memory_space<vmem_shared>>
      %dma_start3A_48 = arith.constant 0 : i32
      %dma_start3A_49 = tpu.memref_slice %arg13[%add3A_5, %dma_start3A_48] : memref<20480x64xf32, #tpu.memory_space<vmem_shared>> -> memref<128x64xf32, #tpu.memory_space<vmem_shared>>
      tpu.enqueue_dma source(%arg9 : memref<128x64xf32, #tpu.memory_space<vmem>>) target(%dma_start3A_49 : memref<128x64xf32, #tpu.memory_space<vmem_shared>>) target_semaphore(%run_scoped3A : memref<!tpu.dma_semaphore, #tpu.memory_space<semaphore_mem>>)
      %dma_wait3A = arith.constant 0 : i32
      %dma_wait3A_50 = tpu.memref_slice %arg13[%add3A_5, %dma_wait3A] : memref<20480x64xf32, #tpu.memory_space<vmem_shared>> -> memref<128x64xf32, #tpu.memory_space<vmem_shared>>
      %dma_wait3A_51 = arith.constant 0 : i32
      %dma_wait3A_52 = tpu.memref_slice %arg13[%add3A_5, %dma_wait3A_51] : memref<20480x64xf32, #tpu.memory_space<vmem_shared>> -> memref<128x64xf32, #tpu.memory_space<vmem_shared>>
      tpu.wait_dma2 semaphore(%run_scoped3A : memref<!tpu.dma_semaphore, #tpu.memory_space<semaphore_mem>>) src(%arg9 : memref<128x64xf32, #tpu.memory_space<vmem>>) dst(%dma_wait3A_52 : memref<128x64xf32, #tpu.memory_space<vmem_shared>>)
      tpu.yield
    }) : () -> ()
    %add3A_6 = arith.constant 384 : i32
    %add3A_7 = arith.addi %mul3A_0, %add3A_6 : i32
    "tpu.region"() ({
      %run_scoped3A = tpu.sem_alloc : memref<!tpu.dma_semaphore, #tpu.memory_space<semaphore_mem>>
      %dma_start3A = arith.constant 0 : i32
      %dma_start3A_47 = tpu.memref_slice %arg13[%add3A_7, %dma_start3A] : memref<20480x64xf32, #tpu.memory_space<vmem_shared>> -> memref<128x64xf32, #tpu.memory_space<vmem_shared>>
      %dma_start3A_48 = arith.constant 0 : i32
      %dma_start3A_49 = tpu.memref_slice %arg13[%add3A_7, %dma_start3A_48] : memref<20480x64xf32, #tpu.memory_space<vmem_shared>> -> memref<128x64xf32, #tpu.memory_space<vmem_shared>>
      tpu.enqueue_dma source(%arg9 : memref<128x64xf32, #tpu.memory_space<vmem>>) target(%dma_start3A_49 : memref<128x64xf32, #tpu.memory_space<vmem_shared>>) target_semaphore(%run_scoped3A : memref<!tpu.dma_semaphore, #tpu.memory_space<semaphore_mem>>)
      %dma_wait3A = arith.constant 0 : i32
      %dma_wait3A_50 = tpu.memref_slice %arg13[%add3A_7, %dma_wait3A] : memref<20480x64xf32, #tpu.memory_space<vmem_shared>> -> memref<128x64xf32, #tpu.memory_space<vmem_shared>>
      %dma_wait3A_51 = arith.constant 0 : i32
      %dma_wait3A_52 = tpu.memref_slice %arg13[%add3A_7, %dma_wait3A_51] : memref<20480x64xf32, #tpu.memory_space<vmem_shared>> -> memref<128x64xf32, #tpu.memory_space<vmem_shared>>
      tpu.wait_dma2 semaphore(%run_scoped3A : memref<!tpu.dma_semaphore, #tpu.memory_space<semaphore_mem>>) src(%arg9 : memref<128x64xf32, #tpu.memory_space<vmem>>) dst(%dma_wait3A_52 : memref<128x64xf32, #tpu.memory_space<vmem_shared>>)
      tpu.yield
    }) : () -> ()
    %add3A_8 = arith.constant 512 : i32
    %add3A_9 = arith.addi %mul3A_0, %add3A_8 : i32
    "tpu.region"() ({
      %run_scoped3A = tpu.sem_alloc : memref<!tpu.dma_semaphore, #tpu.memory_space<semaphore_mem>>
      %dma_start3A = arith.constant 0 : i32
      %dma_start3A_47 = tpu.memref_slice %arg13[%add3A_9, %dma_start3A] : memref<20480x64xf32, #tpu.memory_space<vmem_shared>> -> memref<128x64xf32, #tpu.memory_space<vmem_shared>>
      %dma_start3A_48 = arith.constant 0 : i32
      %dma_start3A_49 = tpu.memref_slice %arg13[%add3A_9, %dma_start3A_48] : memref<20480x64xf32, #tpu.memory_space<vmem_shared>> -> memref<128x64xf32, #tpu.memory_space<vmem_shared>>
      tpu.enqueue_dma source(%arg9 : memref<128x64xf32, #tpu.memory_space<vmem>>) target(%dma_start3A_49 : memref<128x64xf32, #tpu.memory_space<vmem_shared>>) target_semaphore(%run_scoped3A : memref<!tpu.dma_semaphore, #tpu.memory_space<semaphore_mem>>)
      %dma_wait3A = arith.constant 0 : i32
      %dma_wait3A_50 = tpu.memref_slice %arg13[%add3A_9, %dma_wait3A] : memref<20480x64xf32, #tpu.memory_space<vmem_shared>> -> memref<128x64xf32, #tpu.memory_space<vmem_shared>>
      %dma_wait3A_51 = arith.constant 0 : i32
      %dma_wait3A_52 = tpu.memref_slice %arg13[%add3A_9, %dma_wait3A_51] : memref<20480x64xf32, #tpu.memory_space<vmem_shared>> -> memref<128x64xf32, #tpu.memory_space<vmem_shared>>
      tpu.wait_dma2 semaphore(%run_scoped3A : memref<!tpu.dma_semaphore, #tpu.memory_space<semaphore_mem>>) src(%arg9 : memref<128x64xf32, #tpu.memory_space<vmem>>) dst(%dma_wait3A_52 : memref<128x64xf32, #tpu.memory_space<vmem_shared>>)
      tpu.yield
    }) : () -> ()
    %add3A_10 = arith.constant 640 : i32
    %add3A_11 = arith.addi %mul3A_0, %add3A_10 : i32
    "tpu.region"() ({
      %run_scoped3A = tpu.sem_alloc : memref<!tpu.dma_semaphore, #tpu.memory_space<semaphore_mem>>
      %dma_start3A = arith.constant 0 : i32
      %dma_start3A_47 = tpu.memref_slice %arg13[%add3A_11, %dma_start3A] : memref<20480x64xf32, #tpu.memory_space<vmem_shared>> -> memref<128x64xf32, #tpu.memory_space<vmem_shared>>
      %dma_start3A_48 = arith.constant 0 : i32
      %dma_start3A_49 = tpu.memref_slice %arg13[%add3A_11, %dma_start3A_48] : memref<20480x64xf32, #tpu.memory_space<vmem_shared>> -> memref<128x64xf32, #tpu.memory_space<vmem_shared>>
      tpu.enqueue_dma source(%arg9 : memref<128x64xf32, #tpu.memory_space<vmem>>) target(%dma_start3A_49 : memref<128x64xf32, #tpu.memory_space<vmem_shared>>) target_semaphore(%run_scoped3A : memref<!tpu.dma_semaphore, #tpu.memory_space<semaphore_mem>>)
      %dma_wait3A = arith.constant 0 : i32
      %dma_wait3A_50 = tpu.memref_slice %arg13[%add3A_11, %dma_wait3A] : memref<20480x64xf32, #tpu.memory_space<vmem_shared>> -> memref<128x64xf32, #tpu.memory_space<vmem_shared>>
      %dma_wait3A_51 = arith.constant 0 : i32
      %dma_wait3A_52 = tpu.memref_slice %arg13[%add3A_11, %dma_wait3A_51] : memref<20480x64xf32, #tpu.memory_space<vmem_shared>> -> memref<128x64xf32, #tpu.memory_space<vmem_shared>>
      tpu.wait_dma2 semaphore(%run_scoped3A : memref<!tpu.dma_semaphore, #tpu.memory_space<semaphore_mem>>) src(%arg9 : memref<128x64xf32, #tpu.memory_space<vmem>>) dst(%dma_wait3A_52 : memref<128x64xf32, #tpu.memory_space<vmem_shared>>)
      tpu.yield
    }) : () -> ()
    %add3A_12 = arith.constant 768 : i32
    %add3A_13 = arith.addi %mul3A_0, %add3A_12 : i32
    "tpu.region"() ({
      %run_scoped3A = tpu.sem_alloc : memref<!tpu.dma_semaphore, #tpu.memory_space<semaphore_mem>>
      %dma_start3A = arith.constant 0 : i32
      %dma_start3A_47 = tpu.memref_slice %arg13[%add3A_13, %dma_start3A] : memref<20480x64xf32, #tpu.memory_space<vmem_shared>> -> memref<128x64xf32, #tpu.memory_space<vmem_shared>>
      %dma_start3A_48 = arith.constant 0 : i32
      %dma_start3A_49 = tpu.memref_slice %arg13[%add3A_13, %dma_start3A_48] : memref<20480x64xf32, #tpu.memory_space<vmem_shared>> -> memref<128x64xf32, #tpu.memory_space<vmem_shared>>
      tpu.enqueue_dma source(%arg9 : memref<128x64xf32, #tpu.memory_space<vmem>>) target(%dma_start3A_49 : memref<128x64xf32, #tpu.memory_space<vmem_shared>>) target_semaphore(%run_scoped3A : memref<!tpu.dma_semaphore, #tpu.memory_space<semaphore_mem>>)
      %dma_wait3A = arith.constant 0 : i32
      %dma_wait3A_50 = tpu.memref_slice %arg13[%add3A_13, %dma_wait3A] : memref<20480x64xf32, #tpu.memory_space<vmem_shared>> -> memref<128x64xf32, #tpu.memory_space<vmem_shared>>
      %dma_wait3A_51 = arith.constant 0 : i32
      %dma_wait3A_52 = tpu.memref_slice %arg13[%add3A_13, %dma_wait3A_51] : memref<20480x64xf32, #tpu.memory_space<vmem_shared>> -> memref<128x64xf32, #tpu.memory_space<vmem_shared>>
      tpu.wait_dma2 semaphore(%run_scoped3A : memref<!tpu.dma_semaphore, #tpu.memory_space<semaphore_mem>>) src(%arg9 : memref<128x64xf32, #tpu.memory_space<vmem>>) dst(%dma_wait3A_52 : memref<128x64xf32, #tpu.memory_space<vmem_shared>>)
      tpu.yield
    }) : () -> ()
    %add3A_14 = arith.constant 896 : i32
    %add3A_15 = arith.addi %mul3A_0, %add3A_14 : i32
    "tpu.region"() ({
      %run_scoped3A = tpu.sem_alloc : memref<!tpu.dma_semaphore, #tpu.memory_space<semaphore_mem>>
      %dma_start3A = arith.constant 0 : i32
      %dma_start3A_47 = tpu.memref_slice %arg13[%add3A_15, %dma_start3A] : memref<20480x64xf32, #tpu.memory_space<vmem_shared>> -> memref<128x64xf32, #tpu.memory_space<vmem_shared>>
      %dma_start3A_48 = arith.constant 0 : i32
      %dma_start3A_49 = tpu.memref_slice %arg13[%add3A_15, %dma_start3A_48] : memref<20480x64xf32, #tpu.memory_space<vmem_shared>> -> memref<128x64xf32, #tpu.memory_space<vmem_shared>>
      tpu.enqueue_dma source(%arg9 : memref<128x64xf32, #tpu.memory_space<vmem>>) target(%dma_start3A_49 : memref<128x64xf32, #tpu.memory_space<vmem_shared>>) target_semaphore(%run_scoped3A : memref<!tpu.dma_semaphore, #tpu.memory_space<semaphore_mem>>)
      %dma_wait3A = arith.constant 0 : i32
      %dma_wait3A_50 = tpu.memref_slice %arg13[%add3A_15, %dma_wait3A] : memref<20480x64xf32, #tpu.memory_space<vmem_shared>> -> memref<128x64xf32, #tpu.memory_space<vmem_shared>>
      %dma_wait3A_51 = arith.constant 0 : i32
      %dma_wait3A_52 = tpu.memref_slice %arg13[%add3A_15, %dma_wait3A_51] : memref<20480x64xf32, #tpu.memory_space<vmem_shared>> -> memref<128x64xf32, #tpu.memory_space<vmem_shared>>
      tpu.wait_dma2 semaphore(%run_scoped3A : memref<!tpu.dma_semaphore, #tpu.memory_space<semaphore_mem>>) src(%arg9 : memref<128x64xf32, #tpu.memory_space<vmem>>) dst(%dma_wait3A_52 : memref<128x64xf32, #tpu.memory_space<vmem_shared>>)
      tpu.yield
    }) : () -> ()
    %add3A_16 = arith.constant 1024 : i32
    %add3A_17 = arith.addi %mul3A_0, %add3A_16 : i32
    "tpu.region"() ({
      %run_scoped3A = tpu.sem_alloc : memref<!tpu.dma_semaphore, #tpu.memory_space<semaphore_mem>>
      %dma_start3A = arith.constant 0 : i32
      %dma_start3A_47 = tpu.memref_slice %arg13[%add3A_17, %dma_start3A] : memref<20480x64xf32, #tpu.memory_space<vmem_shared>> -> memref<128x64xf32, #tpu.memory_space<vmem_shared>>
      %dma_start3A_48 = arith.constant 0 : i32
      %dma_start3A_49 = tpu.memref_slice %arg13[%add3A_17, %dma_start3A_48] : memref<20480x64xf32, #tpu.memory_space<vmem_shared>> -> memref<128x64xf32, #tpu.memory_space<vmem_shared>>
      tpu.enqueue_dma source(%arg9 : memref<128x64xf32, #tpu.memory_space<vmem>>) target(%dma_start3A_49 : memref<128x64xf32, #tpu.memory_space<vmem_shared>>) target_semaphore(%run_scoped3A : memref<!tpu.dma_semaphore, #tpu.memory_space<semaphore_mem>>)
      %dma_wait3A = arith.constant 0 : i32
      %dma_wait3A_50 = tpu.memref_slice %arg13[%add3A_17, %dma_wait3A] : memref<20480x64xf32, #tpu.memory_space<vmem_shared>> -> memref<128x64xf32, #tpu.memory_space<vmem_shared>>
      %dma_wait3A_51 = arith.constant 0 : i32
      %dma_wait3A_52 = tpu.memref_slice %arg13[%add3A_17, %dma_wait3A_51] : memref<20480x64xf32, #tpu.memory_space<vmem_shared>> -> memref<128x64xf32, #tpu.memory_space<vmem_shared>>
      tpu.wait_dma2 semaphore(%run_scoped3A : memref<!tpu.dma_semaphore, #tpu.memory_space<semaphore_mem>>) src(%arg9 : memref<128x64xf32, #tpu.memory_space<vmem>>) dst(%dma_wait3A_52 : memref<128x64xf32, #tpu.memory_space<vmem_shared>>)
      tpu.yield
    }) : () -> ()
    %add3A_18 = arith.constant 1152 : i32
    %add3A_19 = arith.addi %mul3A_0, %add3A_18 : i32
    "tpu.region"() ({
      %run_scoped3A = tpu.sem_alloc : memref<!tpu.dma_semaphore, #tpu.memory_space<semaphore_mem>>
      %dma_start3A = arith.constant 0 : i32
      %dma_start3A_47 = tpu.memref_slice %arg13[%add3A_19, %dma_start3A] : memref<20480x64xf32, #tpu.memory_space<vmem_shared>> -> memref<128x64xf32, #tpu.memory_space<vmem_shared>>
      %dma_start3A_48 = arith.constant 0 : i32
      %dma_start3A_49 = tpu.memref_slice %arg13[%add3A_19, %dma_start3A_48] : memref<20480x64xf32, #tpu.memory_space<vmem_shared>> -> memref<128x64xf32, #tpu.memory_space<vmem_shared>>
      tpu.enqueue_dma source(%arg9 : memref<128x64xf32, #tpu.memory_space<vmem>>) target(%dma_start3A_49 : memref<128x64xf32, #tpu.memory_space<vmem_shared>>) target_semaphore(%run_scoped3A : memref<!tpu.dma_semaphore, #tpu.memory_space<semaphore_mem>>)
      %dma_wait3A = arith.constant 0 : i32
      %dma_wait3A_50 = tpu.memref_slice %arg13[%add3A_19, %dma_wait3A] : memref<20480x64xf32, #tpu.memory_space<vmem_shared>> -> memref<128x64xf32, #tpu.memory_space<vmem_shared>>
      %dma_wait3A_51 = arith.constant 0 : i32
      %dma_wait3A_52 = tpu.memref_slice %arg13[%add3A_19, %dma_wait3A_51] : memref<20480x64xf32, #tpu.memory_space<vmem_shared>> -> memref<128x64xf32, #tpu.memory_space<vmem_shared>>
      tpu.wait_dma2 semaphore(%run_scoped3A : memref<!tpu.dma_semaphore, #tpu.memory_space<semaphore_mem>>) src(%arg9 : memref<128x64xf32, #tpu.memory_space<vmem>>) dst(%dma_wait3A_52 : memref<128x64xf32, #tpu.memory_space<vmem_shared>>)
      tpu.yield
    }) : () -> ()
    %barrier3A = arith.constant 0 : index
    tpu.barrier barrier_id(%barrier3A)
    %mul3A_20 = arith.constant 160 : i32
    %mul3A_21 = arith.muli %arg1, %mul3A_20 : i32
    %scan3A = arith.constant 0 : i32
    %scan3A_22 = arith.constant 20 : i32
    %scan3A_23 = arith.addi %scan3A, %scan3A_22 : i32
    %scan3A_24 = arith.constant 1 : i32
    scf.for %scan3A_47 = %scan3A to %scan3A_23 step %scan3A_24  : i32 {
      %mul3A_48 = arith.constant 1 : i32
      %mul3A_49 = arith.muli %scan3A_47, %mul3A_48 : i32
      %add3A_50 = arith.constant 0 : i32
      %add3A_51 = arith.addi %add3A_50, %mul3A_49 : i32
      %mul3A_52 = arith.constant 8 : i32
      %mul3A_53 = arith.muli %add3A_51, %mul3A_52 : i32
      %add3A_54 = arith.addi %mul3A_21, %mul3A_53 : i32
      "tpu.region"() ({
        %run_scoped3A = tpu.sem_alloc : memref<!tpu.dma_semaphore, #tpu.memory_space<semaphore_mem>>
        %dma_start3A_277 = arith.constant 0 : i32
        %dma_start3A_278 = tpu.memref_slice %arg3[%arg0, %add3A_54, %dma_start3A_277] : memref<2x2560x128xi32, #tpu.memory_space<hbm>> -> memref<1x8x128xi32, #tpu.memory_space<hbm>>
        %dma_start3A_279 = tpu.memref_squeeze %dma_start3A_278 : memref<1x8x128xi32, #tpu.memory_space<hbm>> -> memref<8x128xi32, #tpu.memory_space<hbm>>
        %dma_start3A_280 = arith.constant 0 : i32
        %dma_start3A_281 = tpu.memref_slice %arg3[%arg0, %add3A_54, %dma_start3A_280] : memref<2x2560x128xi32, #tpu.memory_space<hbm>> -> memref<1x8x128xi32, #tpu.memory_space<hbm>>
        %dma_start3A_282 = tpu.memref_squeeze %dma_start3A_281 : memref<1x8x128xi32, #tpu.memory_space<hbm>> -> memref<8x128xi32, #tpu.memory_space<hbm>>
        tpu.enqueue_dma source(%dma_start3A_282 : memref<8x128xi32, #tpu.memory_space<hbm>>) target(%arg7 : memref<8x128xi32, #tpu.memory_space<vmem>>) target_semaphore(%run_scoped3A : memref<!tpu.dma_semaphore, #tpu.memory_space<semaphore_mem>>)
        %dma_wait3A_283 = arith.constant 0 : i32
        %dma_wait3A_284 = tpu.memref_slice %arg3[%arg0, %add3A_54, %dma_wait3A_283] : memref<2x2560x128xi32, #tpu.memory_space<hbm>> -> memref<1x8x128xi32, #tpu.memory_space<hbm>>
        %dma_wait3A_285 = tpu.memref_squeeze %dma_wait3A_284 : memref<1x8x128xi32, #tpu.memory_space<hbm>> -> memref<8x128xi32, #tpu.memory_space<hbm>>
        %dma_wait3A_286 = arith.constant 0 : i32
        %dma_wait3A_287 = tpu.memref_slice %arg3[%arg0, %add3A_54, %dma_wait3A_286] : memref<2x2560x128xi32, #tpu.memory_space<hbm>> -> memref<1x8x128xi32, #tpu.memory_space<hbm>>
        %dma_wait3A_288 = tpu.memref_squeeze %dma_wait3A_287 : memref<1x8x128xi32, #tpu.memory_space<hbm>> -> memref<8x128xi32, #tpu.memory_space<hbm>>
        tpu.wait_dma2 semaphore(%run_scoped3A : memref<!tpu.dma_semaphore, #tpu.memory_space<semaphore_mem>>) src(%dma_wait3A_288 : memref<8x128xi32, #tpu.memory_space<hbm>>) dst(%arg7 : memref<8x128xi32, #tpu.memory_space<vmem>>)
        tpu.yield
      }) : () -> ()
      "tpu.region"() ({
        %run_scoped3A = tpu.sem_alloc : memref<!tpu.dma_semaphore, #tpu.memory_space<semaphore_mem>>
        %dma_start3A_277 = arith.constant 0 : i32
        %dma_start3A_278 = tpu.memref_slice %arg4[%add3A_54, %dma_start3A_277] : memref<2560x128xi32, #tpu.memory_space<hbm>> -> memref<8x128xi32, #tpu.memory_space<hbm>>
        %dma_start3A_279 = arith.constant 0 : i32
        %dma_start3A_280 = tpu.memref_slice %arg4[%add3A_54, %dma_start3A_279] : memref<2560x128xi32, #tpu.memory_space<hbm>> -> memref<8x128xi32, #tpu.memory_space<hbm>>
        tpu.enqueue_dma source(%dma_start3A_280 : memref<8x128xi32, #tpu.memory_space<hbm>>) target(%arg8 : memref<8x128xi32, #tpu.memory_space<vmem>>) target_semaphore(%run_scoped3A : memref<!tpu.dma_semaphore, #tpu.memory_space<semaphore_mem>>)
        %dma_wait3A_281 = arith.constant 0 : i32
        %dma_wait3A_282 = tpu.memref_slice %arg4[%add3A_54, %dma_wait3A_281] : memref<2560x128xi32, #tpu.memory_space<hbm>> -> memref<8x128xi32, #tpu.memory_space<hbm>>
        %dma_wait3A_283 = arith.constant 0 : i32
        %dma_wait3A_284 = tpu.memref_slice %arg4[%add3A_54, %dma_wait3A_283] : memref<2560x128xi32, #tpu.memory_space<hbm>> -> memref<8x128xi32, #tpu.memory_space<hbm>>
        tpu.wait_dma2 semaphore(%run_scoped3A : memref<!tpu.dma_semaphore, #tpu.memory_space<semaphore_mem>>) src(%dma_wait3A_284 : memref<8x128xi32, #tpu.memory_space<hbm>>) dst(%arg8 : memref<8x128xi32, #tpu.memory_space<vmem>>)
        tpu.yield
      }) : () -> ()
      %dma_start3A = arith.constant 0 : i32
      %dma_start3A_55 = arith.constant 0 : i32
      %dma_start3A_56 = tpu.memref_slice %arg7[%dma_start3A, %dma_start3A_55] : memref<8x128xi32, #tpu.memory_space<vmem>> -> memref<1x128xi32, #tpu.memory_space<vmem>>
      %dma_start3A_57 = tpu.memref_squeeze %dma_start3A_56 : memref<1x128xi32, #tpu.memory_space<vmem>> -> memref<128xi32, #tpu.memory_space<vmem>>
      %dma_start3A_58 = arith.constant 0 : i32
      %dma_start3A_59 = arith.constant 0 : i32
      %dma_start3A_60 = tpu.memref_slice %arg2[%dma_start3A_58, %dma_start3A_59] : memref<20000x64xf32, #tpu.memory_space<hbm>> -> memref<20000x64xf32, #tpu.memory_space<hbm>>
      tpu.enqueue_indirect_dma source(%dma_start3A_60 : memref<20000x64xf32, #tpu.memory_space<hbm>>) target(%arg9 : memref<128x64xf32, #tpu.memory_space<vmem>>) offsets(%dma_start3A_57 : memref<128xi32, #tpu.memory_space<vmem>>) semaphore(%arg14 : memref<!tpu.dma_semaphore, #tpu.memory_space<semaphore_mem>>)
      %dma_start3A_61 = arith.constant 1 : i32
      %dma_start3A_62 = arith.constant 0 : i32
      %dma_start3A_63 = tpu.memref_slice %arg7[%dma_start3A_61, %dma_start3A_62] : memref<8x128xi32, #tpu.memory_space<vmem>> -> memref<1x128xi32, #tpu.memory_space<vmem>>
      %dma_start3A_64 = tpu.memref_squeeze %dma_start3A_63 : memref<1x128xi32, #tpu.memory_space<vmem>> -> memref<128xi32, #tpu.memory_space<vmem>>
      %dma_start3A_65 = arith.constant 0 : i32
      %dma_start3A_66 = arith.constant 0 : i32
      %dma_start3A_67 = tpu.memref_slice %arg2[%dma_start3A_65, %dma_start3A_66] : memref<20000x64xf32, #tpu.memory_space<hbm>> -> memref<20000x64xf32, #tpu.memory_space<hbm>>
      tpu.enqueue_indirect_dma source(%dma_start3A_67 : memref<20000x64xf32, #tpu.memory_space<hbm>>) target(%arg10 : memref<128x64xf32, #tpu.memory_space<vmem>>) offsets(%dma_start3A_64 : memref<128xi32, #tpu.memory_space<vmem>>) semaphore(%arg15 : memref<!tpu.dma_semaphore, #tpu.memory_space<semaphore_mem>>)
      %dma_start3A_68 = arith.constant 2 : i32
      %dma_start3A_69 = arith.constant 0 : i32
      %dma_start3A_70 = tpu.memref_slice %arg7[%dma_start3A_68, %dma_start3A_69] : memref<8x128xi32, #tpu.memory_space<vmem>> -> memref<1x128xi32, #tpu.memory_space<vmem>>
      %dma_start3A_71 = tpu.memref_squeeze %dma_start3A_70 : memref<1x128xi32, #tpu.memory_space<vmem>> -> memref<128xi32, #tpu.memory_space<vmem>>
      %dma_start3A_72 = arith.constant 0 : i32
      %dma_start3A_73 = arith.constant 0 : i32
      %dma_start3A_74 = tpu.memref_slice %arg2[%dma_start3A_72, %dma_start3A_73] : memref<20000x64xf32, #tpu.memory_space<hbm>> -> memref<20000x64xf32, #tpu.memory_space<hbm>>
      tpu.enqueue_indirect_dma source(%dma_start3A_74 : memref<20000x64xf32, #tpu.memory_space<hbm>>) target(%arg11 : memref<128x64xf32, #tpu.memory_space<vmem>>) offsets(%dma_start3A_71 : memref<128xi32, #tpu.memory_space<vmem>>) semaphore(%arg16 : memref<!tpu.dma_semaphore, #tpu.memory_space<semaphore_mem>>)
      %dma_wait3A = arith.constant 0 : i32
      %dma_wait3A_75 = arith.constant 0 : i32
      %dma_wait3A_76 = tpu.memref_slice %arg7[%dma_wait3A, %dma_wait3A_75] : memref<8x128xi32, #tpu.memory_space<vmem>> -> memref<1x128xi32, #tpu.memory_space<vmem>>
      %dma_wait3A_77 = tpu.memref_squeeze %dma_wait3A_76 : memref<1x128xi32, #tpu.memory_space<vmem>> -> memref<128xi32, #tpu.memory_space<vmem>>
      %dma_wait3A_78 = arith.constant 0 : i32
      %dma_wait3A_79 = arith.constant 0 : i32
      %dma_wait3A_80 = tpu.memref_slice %arg2[%dma_wait3A_78, %dma_wait3A_79] : memref<20000x64xf32, #tpu.memory_space<hbm>> -> memref<20000x64xf32, #tpu.memory_space<hbm>>
      tpu.wait_indirect_dma semaphore(%arg14 : memref<!tpu.dma_semaphore, #tpu.memory_space<semaphore_mem>>) src(%dma_wait3A_80 : memref<20000x64xf32, #tpu.memory_space<hbm>>) dst(%arg9 : memref<128x64xf32, #tpu.memory_space<vmem>>)
      %dma_start3A_81 = arith.constant 0 : i32
      %dma_start3A_82 = arith.constant 0 : i32
      %dma_start3A_83 = tpu.memref_slice %arg8[%dma_start3A_81, %dma_start3A_82] : memref<8x128xi32, #tpu.memory_space<vmem>> -> memref<1x128xi32, #tpu.memory_space<vmem>>
      %dma_start3A_84 = tpu.memref_squeeze %dma_start3A_83 : memref<1x128xi32, #tpu.memory_space<vmem>> -> memref<128xi32, #tpu.memory_space<vmem>>
      %dma_start3A_85 = arith.constant 0 : i32
      %dma_start3A_86 = arith.constant 0 : i32
      %dma_start3A_87 = tpu.memref_slice %arg13[%dma_start3A_85, %dma_start3A_86] : memref<20480x64xf32, #tpu.memory_space<vmem_shared>> -> memref<20480x64xf32, #tpu.memory_space<vmem_shared>>
      tpu.enqueue_indirect_dma source(%arg9 : memref<128x64xf32, #tpu.memory_space<vmem>>) target(%dma_start3A_87 : memref<20480x64xf32, #tpu.memory_space<vmem_shared>>) offsets(%dma_start3A_84 : memref<128xi32, #tpu.memory_space<vmem>>) semaphore(%arg18 : memref<!tpu.dma_semaphore, #tpu.memory_space<semaphore_mem>>) {add = true}
      %dma_start3A_88 = arith.constant 3 : i32
      %dma_start3A_89 = arith.constant 0 : i32
      %dma_start3A_90 = tpu.memref_slice %arg7[%dma_start3A_88, %dma_start3A_89] : memref<8x128xi32, #tpu.memory_space<vmem>> -> memref<1x128xi32, #tpu.memory_space<vmem>>
      %dma_start3A_91 = tpu.memref_squeeze %dma_start3A_90 : memref<1x128xi32, #tpu.memory_space<vmem>> -> memref<128xi32, #tpu.memory_space<vmem>>
      %dma_start3A_92 = arith.constant 0 : i32
      %dma_start3A_93 = arith.constant 0 : i32
      %dma_start3A_94 = tpu.memref_slice %arg2[%dma_start3A_92, %dma_start3A_93] : memref<20000x64xf32, #tpu.memory_space<hbm>> -> memref<20000x64xf32, #tpu.memory_space<hbm>>
      tpu.enqueue_indirect_dma source(%dma_start3A_94 : memref<20000x64xf32, #tpu.memory_space<hbm>>) target(%arg12 : memref<128x64xf32, #tpu.memory_space<vmem>>) offsets(%dma_start3A_91 : memref<128xi32, #tpu.memory_space<vmem>>) semaphore(%arg17 : memref<!tpu.dma_semaphore, #tpu.memory_space<semaphore_mem>>)
      %dma_wait3A_95 = arith.constant 1 : i32
      %dma_wait3A_96 = arith.constant 0 : i32
      %dma_wait3A_97 = tpu.memref_slice %arg7[%dma_wait3A_95, %dma_wait3A_96] : memref<8x128xi32, #tpu.memory_space<vmem>> -> memref<1x128xi32, #tpu.memory_space<vmem>>
      %dma_wait3A_98 = tpu.memref_squeeze %dma_wait3A_97 : memref<1x128xi32, #tpu.memory_space<vmem>> -> memref<128xi32, #tpu.memory_space<vmem>>
      %dma_wait3A_99 = arith.constant 0 : i32
      %dma_wait3A_100 = arith.constant 0 : i32
      %dma_wait3A_101 = tpu.memref_slice %arg2[%dma_wait3A_99, %dma_wait3A_100] : memref<20000x64xf32, #tpu.memory_space<hbm>> -> memref<20000x64xf32, #tpu.memory_space<hbm>>
      tpu.wait_indirect_dma semaphore(%arg15 : memref<!tpu.dma_semaphore, #tpu.memory_space<semaphore_mem>>) src(%dma_wait3A_101 : memref<20000x64xf32, #tpu.memory_space<hbm>>) dst(%arg10 : memref<128x64xf32, #tpu.memory_space<vmem>>)
      %dma_start3A_102 = arith.constant 1 : i32
      %dma_start3A_103 = arith.constant 0 : i32
      %dma_start3A_104 = tpu.memref_slice %arg8[%dma_start3A_102, %dma_start3A_103] : memref<8x128xi32, #tpu.memory_space<vmem>> -> memref<1x128xi32, #tpu.memory_space<vmem>>
      %dma_start3A_105 = tpu.memref_squeeze %dma_start3A_104 : memref<1x128xi32, #tpu.memory_space<vmem>> -> memref<128xi32, #tpu.memory_space<vmem>>
      %dma_start3A_106 = arith.constant 0 : i32
      %dma_start3A_107 = arith.constant 0 : i32
      %dma_start3A_108 = tpu.memref_slice %arg13[%dma_start3A_106, %dma_start3A_107] : memref<20480x64xf32, #tpu.memory_space<vmem_shared>> -> memref<20480x64xf32, #tpu.memory_space<vmem_shared>>
      tpu.enqueue_indirect_dma source(%arg10 : memref<128x64xf32, #tpu.memory_space<vmem>>) target(%dma_start3A_108 : memref<20480x64xf32, #tpu.memory_space<vmem_shared>>) offsets(%dma_start3A_105 : memref<128xi32, #tpu.memory_space<vmem>>) semaphore(%arg19 : memref<!tpu.dma_semaphore, #tpu.memory_space<semaphore_mem>>) {add = true}
      %dma_wait3A_109 = arith.constant 0 : i32
      %dma_wait3A_110 = arith.constant 0 : i32
      %dma_wait3A_111 = tpu.memref_slice %arg8[%dma_wait3A_109, %dma_wait3A_110] : memref<8x128xi32, #tpu.memory_space<vmem>> -> memref<1x128xi32, #tpu.memory_space<vmem>>
      %dma_wait3A_112 = tpu.memref_squeeze %dma_wait3A_111 : memref<1x128xi32, #tpu.memory_space<vmem>> -> memref<128xi32, #tpu.memory_space<vmem>>
      %dma_wait3A_113 = arith.constant 0 : i32
      %dma_wait3A_114 = arith.constant 0 : i32
      %dma_wait3A_115 = tpu.memref_slice %arg13[%dma_wait3A_113, %dma_wait3A_114] : memref<20480x64xf32, #tpu.memory_space<vmem_shared>> -> memref<20480x64xf32, #tpu.memory_space<vmem_shared>>
      tpu.wait_indirect_dma semaphore(%arg18 : memref<!tpu.dma_semaphore, #tpu.memory_space<semaphore_mem>>) src(%arg9 : memref<128x64xf32, #tpu.memory_space<vmem>>) dst(%dma_wait3A_115 : memref<20480x64xf32, #tpu.memory_space<vmem_shared>>)
      %dma_start3A_116 = arith.constant 4 : i32
      %dma_start3A_117 = arith.constant 0 : i32
      %dma_start3A_118 = tpu.memref_slice %arg7[%dma_start3A_116, %dma_start3A_117] : memref<8x128xi32, #tpu.memory_space<vmem>> -> memref<1x128xi32, #tpu.memory_space<vmem>>
      %dma_start3A_119 = tpu.memref_squeeze %dma_start3A_118 : memref<1x128xi32, #tpu.memory_space<vmem>> -> memref<128xi32, #tpu.memory_space<vmem>>
      %dma_start3A_120 = arith.constant 0 : i32
      %dma_start3A_121 = arith.constant 0 : i32
      %dma_start3A_122 = tpu.memref_slice %arg2[%dma_start3A_120, %dma_start3A_121] : memref<20000x64xf32, #tpu.memory_space<hbm>> -> memref<20000x64xf32, #tpu.memory_space<hbm>>
      tpu.enqueue_indirect_dma source(%dma_start3A_122 : memref<20000x64xf32, #tpu.memory_space<hbm>>) target(%arg9 : memref<128x64xf32, #tpu.memory_space<vmem>>) offsets(%dma_start3A_119 : memref<128xi32, #tpu.memory_space<vmem>>) semaphore(%arg14 : memref<!tpu.dma_semaphore, #tpu.memory_space<semaphore_mem>>)
      %dma_wait3A_123 = arith.constant 2 : i32
      %dma_wait3A_124 = arith.constant 0 : i32
      %dma_wait3A_125 = tpu.memref_slice %arg7[%dma_wait3A_123, %dma_wait3A_124] : memref<8x128xi32, #tpu.memory_space<vmem>> -> memref<1x128xi32, #tpu.memory_space<vmem>>
      %dma_wait3A_126 = tpu.memref_squeeze %dma_wait3A_125 : memref<1x128xi32, #tpu.memory_space<vmem>> -> memref<128xi32, #tpu.memory_space<vmem>>
      %dma_wait3A_127 = arith.constant 0 : i32
      %dma_wait3A_128 = arith.constant 0 : i32
      %dma_wait3A_129 = tpu.memref_slice %arg2[%dma_wait3A_127, %dma_wait3A_128] : memref<20000x64xf32, #tpu.memory_space<hbm>> -> memref<20000x64xf32, #tpu.memory_space<hbm>>
      tpu.wait_indirect_dma semaphore(%arg16 : memref<!tpu.dma_semaphore, #tpu.memory_space<semaphore_mem>>) src(%dma_wait3A_129 : memref<20000x64xf32, #tpu.memory_space<hbm>>) dst(%arg11 : memref<128x64xf32, #tpu.memory_space<vmem>>)
      %dma_start3A_130 = arith.constant 2 : i32
      %dma_start3A_131 = arith.constant 0 : i32
      %dma_start3A_132 = tpu.memref_slice %arg8[%dma_start3A_130, %dma_start3A_131] : memref<8x128xi32, #tpu.memory_space<vmem>> -> memref<1x128xi32, #tpu.memory_space<vmem>>
      %dma_start3A_133 = tpu.memref_squeeze %dma_start3A_132 : memref<1x128xi32, #tpu.memory_space<vmem>> -> memref<128xi32, #tpu.memory_space<vmem>>
      %dma_start3A_134 = arith.constant 0 : i32
      %dma_start3A_135 = arith.constant 0 : i32
      %dma_start3A_136 = tpu.memref_slice %arg13[%dma_start3A_134, %dma_start3A_135] : memref<20480x64xf32, #tpu.memory_space<vmem_shared>> -> memref<20480x64xf32, #tpu.memory_space<vmem_shared>>
      tpu.enqueue_indirect_dma source(%arg11 : memref<128x64xf32, #tpu.memory_space<vmem>>) target(%dma_start3A_136 : memref<20480x64xf32, #tpu.memory_space<vmem_shared>>) offsets(%dma_start3A_133 : memref<128xi32, #tpu.memory_space<vmem>>) semaphore(%arg20 : memref<!tpu.dma_semaphore, #tpu.memory_space<semaphore_mem>>) {add = true}
      %dma_wait3A_137 = arith.constant 1 : i32
      %dma_wait3A_138 = arith.constant 0 : i32
      %dma_wait3A_139 = tpu.memref_slice %arg8[%dma_wait3A_137, %dma_wait3A_138] : memref<8x128xi32, #tpu.memory_space<vmem>> -> memref<1x128xi32, #tpu.memory_space<vmem>>
      %dma_wait3A_140 = tpu.memref_squeeze %dma_wait3A_139 : memref<1x128xi32, #tpu.memory_space<vmem>> -> memref<128xi32, #tpu.memory_space<vmem>>
      %dma_wait3A_141 = arith.constant 0 : i32
      %dma_wait3A_142 = arith.constant 0 : i32
      %dma_wait3A_143 = tpu.memref_slice %arg13[%dma_wait3A_141, %dma_wait3A_142] : memref<20480x64xf32, #tpu.memory_space<vmem_shared>> -> memref<20480x64xf32, #tpu.memory_space<vmem_shared>>
      tpu.wait_indirect_dma semaphore(%arg19 : memref<!tpu.dma_semaphore, #tpu.memory_space<semaphore_mem>>) src(%arg10 : memref<128x64xf32, #tpu.memory_space<vmem>>) dst(%dma_wait3A_143 : memref<20480x64xf32, #tpu.memory_space<vmem_shared>>)
      %dma_start3A_144 = arith.constant 5 : i32
      %dma_start3A_145 = arith.constant 0 : i32
      %dma_start3A_146 = tpu.memref_slice %arg7[%dma_start3A_144, %dma_start3A_145] : memref<8x128xi32, #tpu.memory_space<vmem>> -> memref<1x128xi32, #tpu.memory_space<vmem>>
      %dma_start3A_147 = tpu.memref_squeeze %dma_start3A_146 : memref<1x128xi32, #tpu.memory_space<vmem>> -> memref<128xi32, #tpu.memory_space<vmem>>
      %dma_start3A_148 = arith.constant 0 : i32
      %dma_start3A_149 = arith.constant 0 : i32
      %dma_start3A_150 = tpu.memref_slice %arg2[%dma_start3A_148, %dma_start3A_149] : memref<20000x64xf32, #tpu.memory_space<hbm>> -> memref<20000x64xf32, #tpu.memory_space<hbm>>
      tpu.enqueue_indirect_dma source(%dma_start3A_150 : memref<20000x64xf32, #tpu.memory_space<hbm>>) target(%arg10 : memref<128x64xf32, #tpu.memory_space<vmem>>) offsets(%dma_start3A_147 : memref<128xi32, #tpu.memory_space<vmem>>) semaphore(%arg15 : memref<!tpu.dma_semaphore, #tpu.memory_space<semaphore_mem>>)
      %dma_wait3A_151 = arith.constant 3 : i32
      %dma_wait3A_152 = arith.constant 0 : i32
      %dma_wait3A_153 = tpu.memref_slice %arg7[%dma_wait3A_151, %dma_wait3A_152] : memref<8x128xi32, #tpu.memory_space<vmem>> -> memref<1x128xi32, #tpu.memory_space<vmem>>
      %dma_wait3A_154 = tpu.memref_squeeze %dma_wait3A_153 : memref<1x128xi32, #tpu.memory_space<vmem>> -> memref<128xi32, #tpu.memory_space<vmem>>
      %dma_wait3A_155 = arith.constant 0 : i32
      %dma_wait3A_156 = arith.constant 0 : i32
      %dma_wait3A_157 = tpu.memref_slice %arg2[%dma_wait3A_155, %dma_wait3A_156] : memref<20000x64xf32, #tpu.memory_space<hbm>> -> memref<20000x64xf32, #tpu.memory_space<hbm>>
      tpu.wait_indirect_dma semaphore(%arg17 : memref<!tpu.dma_semaphore, #tpu.memory_space<semaphore_mem>>) src(%dma_wait3A_157 : memref<20000x64xf32, #tpu.memory_space<hbm>>) dst(%arg12 : memref<128x64xf32, #tpu.memory_space<vmem>>)
      %dma_start3A_158 = arith.constant 3 : i32
      %dma_start3A_159 = arith.constant 0 : i32
      %dma_start3A_160 = tpu.memref_slice %arg8[%dma_start3A_158, %dma_start3A_159] : memref<8x128xi32, #tpu.memory_space<vmem>> -> memref<1x128xi32, #tpu.memory_space<vmem>>
      %dma_start3A_161 = tpu.memref_squeeze %dma_start3A_160 : memref<1x128xi32, #tpu.memory_space<vmem>> -> memref<128xi32, #tpu.memory_space<vmem>>
      %dma_start3A_162 = arith.constant 0 : i32
      %dma_start3A_163 = arith.constant 0 : i32
      %dma_start3A_164 = tpu.memref_slice %arg13[%dma_start3A_162, %dma_start3A_163] : memref<20480x64xf32, #tpu.memory_space<vmem_shared>> -> memref<20480x64xf32, #tpu.memory_space<vmem_shared>>
      tpu.enqueue_indirect_dma source(%arg12 : memref<128x64xf32, #tpu.memory_space<vmem>>) target(%dma_start3A_164 : memref<20480x64xf32, #tpu.memory_space<vmem_shared>>) offsets(%dma_start3A_161 : memref<128xi32, #tpu.memory_space<vmem>>) semaphore(%arg21 : memref<!tpu.dma_semaphore, #tpu.memory_space<semaphore_mem>>) {add = true}
      %dma_wait3A_165 = arith.constant 2 : i32
      %dma_wait3A_166 = arith.constant 0 : i32
      %dma_wait3A_167 = tpu.memref_slice %arg8[%dma_wait3A_165, %dma_wait3A_166] : memref<8x128xi32, #tpu.memory_space<vmem>> -> memref<1x128xi32, #tpu.memory_space<vmem>>
      %dma_wait3A_168 = tpu.memref_squeeze %dma_wait3A_167 : memref<1x128xi32, #tpu.memory_space<vmem>> -> memref<128xi32, #tpu.memory_space<vmem>>
      %dma_wait3A_169 = arith.constant 0 : i32
      %dma_wait3A_170 = arith.constant 0 : i32
      %dma_wait3A_171 = tpu.memref_slice %arg13[%dma_wait3A_169, %dma_wait3A_170] : memref<20480x64xf32, #tpu.memory_space<vmem_shared>> -> memref<20480x64xf32, #tpu.memory_space<vmem_shared>>
      tpu.wait_indirect_dma semaphore(%arg20 : memref<!tpu.dma_semaphore, #tpu.memory_space<semaphore_mem>>) src(%arg11 : memref<128x64xf32, #tpu.memory_space<vmem>>) dst(%dma_wait3A_171 : memref<20480x64xf32, #tpu.memory_space<vmem_shared>>)
      %dma_start3A_172 = arith.constant 6 : i32
      %dma_start3A_173 = arith.constant 0 : i32
      %dma_start3A_174 = tpu.memref_slice %arg7[%dma_start3A_172, %dma_start3A_173] : memref<8x128xi32, #tpu.memory_space<vmem>> -> memref<1x128xi32, #tpu.memory_space<vmem>>
      %dma_start3A_175 = tpu.memref_squeeze %dma_start3A_174 : memref<1x128xi32, #tpu.memory_space<vmem>> -> memref<128xi32, #tpu.memory_space<vmem>>
      %dma_start3A_176 = arith.constant 0 : i32
      %dma_start3A_177 = arith.constant 0 : i32
      %dma_start3A_178 = tpu.memref_slice %arg2[%dma_start3A_176, %dma_start3A_177] : memref<20000x64xf32, #tpu.memory_space<hbm>> -> memref<20000x64xf32, #tpu.memory_space<hbm>>
      tpu.enqueue_indirect_dma source(%dma_start3A_178 : memref<20000x64xf32, #tpu.memory_space<hbm>>) target(%arg11 : memref<128x64xf32, #tpu.memory_space<vmem>>) offsets(%dma_start3A_175 : memref<128xi32, #tpu.memory_space<vmem>>) semaphore(%arg16 : memref<!tpu.dma_semaphore, #tpu.memory_space<semaphore_mem>>)
      %dma_wait3A_179 = arith.constant 4 : i32
      %dma_wait3A_180 = arith.constant 0 : i32
      %dma_wait3A_181 = tpu.memref_slice %arg7[%dma_wait3A_179, %dma_wait3A_180] : memref<8x128xi32, #tpu.memory_space<vmem>> -> memref<1x128xi32, #tpu.memory_space<vmem>>
      %dma_wait3A_182 = tpu.memref_squeeze %dma_wait3A_181 : memref<1x128xi32, #tpu.memory_space<vmem>> -> memref<128xi32, #tpu.memory_space<vmem>>
      %dma_wait3A_183 = arith.constant 0 : i32
      %dma_wait3A_184 = arith.constant 0 : i32
      %dma_wait3A_185 = tpu.memref_slice %arg2[%dma_wait3A_183, %dma_wait3A_184] : memref<20000x64xf32, #tpu.memory_space<hbm>> -> memref<20000x64xf32, #tpu.memory_space<hbm>>
      tpu.wait_indirect_dma semaphore(%arg14 : memref<!tpu.dma_semaphore, #tpu.memory_space<semaphore_mem>>) src(%dma_wait3A_185 : memref<20000x64xf32, #tpu.memory_space<hbm>>) dst(%arg9 : memref<128x64xf32, #tpu.memory_space<vmem>>)
      %dma_start3A_186 = arith.constant 4 : i32
      %dma_start3A_187 = arith.constant 0 : i32
      %dma_start3A_188 = tpu.memref_slice %arg8[%dma_start3A_186, %dma_start3A_187] : memref<8x128xi32, #tpu.memory_space<vmem>> -> memref<1x128xi32, #tpu.memory_space<vmem>>
      %dma_start3A_189 = tpu.memref_squeeze %dma_start3A_188 : memref<1x128xi32, #tpu.memory_space<vmem>> -> memref<128xi32, #tpu.memory_space<vmem>>
      %dma_start3A_190 = arith.constant 0 : i32
      %dma_start3A_191 = arith.constant 0 : i32
      %dma_start3A_192 = tpu.memref_slice %arg13[%dma_start3A_190, %dma_start3A_191] : memref<20480x64xf32, #tpu.memory_space<vmem_shared>> -> memref<20480x64xf32, #tpu.memory_space<vmem_shared>>
      tpu.enqueue_indirect_dma source(%arg9 : memref<128x64xf32, #tpu.memory_space<vmem>>) target(%dma_start3A_192 : memref<20480x64xf32, #tpu.memory_space<vmem_shared>>) offsets(%dma_start3A_189 : memref<128xi32, #tpu.memory_space<vmem>>) semaphore(%arg18 : memref<!tpu.dma_semaphore, #tpu.memory_space<semaphore_mem>>) {add = true}
      %dma_wait3A_193 = arith.constant 3 : i32
      %dma_wait3A_194 = arith.constant 0 : i32
      %dma_wait3A_195 = tpu.memref_slice %arg8[%dma_wait3A_193, %dma_wait3A_194] : memref<8x128xi32, #tpu.memory_space<vmem>> -> memref<1x128xi32, #tpu.memory_space<vmem>>
      %dma_wait3A_196 = tpu.memref_squeeze %dma_wait3A_195 : memref<1x128xi32, #tpu.memory_space<vmem>> -> memref<128xi32, #tpu.memory_space<vmem>>
      %dma_wait3A_197 = arith.constant 0 : i32
      %dma_wait3A_198 = arith.constant 0 : i32
      %dma_wait3A_199 = tpu.memref_slice %arg13[%dma_wait3A_197, %dma_wait3A_198] : memref<20480x64xf32, #tpu.memory_space<vmem_shared>> -> memref<20480x64xf32, #tpu.memory_space<vmem_shared>>
      tpu.wait_indirect_dma semaphore(%arg21 : memref<!tpu.dma_semaphore, #tpu.memory_space<semaphore_mem>>) src(%arg12 : memref<128x64xf32, #tpu.memory_space<vmem>>) dst(%dma_wait3A_199 : memref<20480x64xf32, #tpu.memory_space<vmem_shared>>)
      %dma_start3A_200 = arith.constant 7 : i32
      %dma_start3A_201 = arith.constant 0 : i32
      %dma_start3A_202 = tpu.memref_slice %arg7[%dma_start3A_200, %dma_start3A_201] : memref<8x128xi32, #tpu.memory_space<vmem>> -> memref<1x128xi32, #tpu.memory_space<vmem>>
      %dma_start3A_203 = tpu.memref_squeeze %dma_start3A_202 : memref<1x128xi32, #tpu.memory_space<vmem>> -> memref<128xi32, #tpu.memory_space<vmem>>
      %dma_start3A_204 = arith.constant 0 : i32
      %dma_start3A_205 = arith.constant 0 : i32
      %dma_start3A_206 = tpu.memref_slice %arg2[%dma_start3A_204, %dma_start3A_205] : memref<20000x64xf32, #tpu.memory_space<hbm>> -> memref<20000x64xf32, #tpu.memory_space<hbm>>
      tpu.enqueue_indirect_dma source(%dma_start3A_206 : memref<20000x64xf32, #tpu.memory_space<hbm>>) target(%arg12 : memref<128x64xf32, #tpu.memory_space<vmem>>) offsets(%dma_start3A_203 : memref<128xi32, #tpu.memory_space<vmem>>) semaphore(%arg17 : memref<!tpu.dma_semaphore, #tpu.memory_space<semaphore_mem>>)
      %dma_wait3A_207 = arith.constant 5 : i32
      %dma_wait3A_208 = arith.constant 0 : i32
      %dma_wait3A_209 = tpu.memref_slice %arg7[%dma_wait3A_207, %dma_wait3A_208] : memref<8x128xi32, #tpu.memory_space<vmem>> -> memref<1x128xi32, #tpu.memory_space<vmem>>
      %dma_wait3A_210 = tpu.memref_squeeze %dma_wait3A_209 : memref<1x128xi32, #tpu.memory_space<vmem>> -> memref<128xi32, #tpu.memory_space<vmem>>
      %dma_wait3A_211 = arith.constant 0 : i32
      %dma_wait3A_212 = arith.constant 0 : i32
      %dma_wait3A_213 = tpu.memref_slice %arg2[%dma_wait3A_211, %dma_wait3A_212] : memref<20000x64xf32, #tpu.memory_space<hbm>> -> memref<20000x64xf32, #tpu.memory_space<hbm>>
      tpu.wait_indirect_dma semaphore(%arg15 : memref<!tpu.dma_semaphore, #tpu.memory_space<semaphore_mem>>) src(%dma_wait3A_213 : memref<20000x64xf32, #tpu.memory_space<hbm>>) dst(%arg10 : memref<128x64xf32, #tpu.memory_space<vmem>>)
      %dma_start3A_214 = arith.constant 5 : i32
      %dma_start3A_215 = arith.constant 0 : i32
      %dma_start3A_216 = tpu.memref_slice %arg8[%dma_start3A_214, %dma_start3A_215] : memref<8x128xi32, #tpu.memory_space<vmem>> -> memref<1x128xi32, #tpu.memory_space<vmem>>
      %dma_start3A_217 = tpu.memref_squeeze %dma_start3A_216 : memref<1x128xi32, #tpu.memory_space<vmem>> -> memref<128xi32, #tpu.memory_space<vmem>>
      %dma_start3A_218 = arith.constant 0 : i32
      %dma_start3A_219 = arith.constant 0 : i32
      %dma_start3A_220 = tpu.memref_slice %arg13[%dma_start3A_218, %dma_start3A_219] : memref<20480x64xf32, #tpu.memory_space<vmem_shared>> -> memref<20480x64xf32, #tpu.memory_space<vmem_shared>>
      tpu.enqueue_indirect_dma source(%arg10 : memref<128x64xf32, #tpu.memory_space<vmem>>) target(%dma_start3A_220 : memref<20480x64xf32, #tpu.memory_space<vmem_shared>>) offsets(%dma_start3A_217 : memref<128xi32, #tpu.memory_space<vmem>>) semaphore(%arg19 : memref<!tpu.dma_semaphore, #tpu.memory_space<semaphore_mem>>) {add = true}
      %dma_wait3A_221 = arith.constant 6 : i32
      %dma_wait3A_222 = arith.constant 0 : i32
      %dma_wait3A_223 = tpu.memref_slice %arg7[%dma_wait3A_221, %dma_wait3A_222] : memref<8x128xi32, #tpu.memory_space<vmem>> -> memref<1x128xi32, #tpu.memory_space<vmem>>
      %dma_wait3A_224 = tpu.memref_squeeze %dma_wait3A_223 : memref<1x128xi32, #tpu.memory_space<vmem>> -> memref<128xi32, #tpu.memory_space<vmem>>
      %dma_wait3A_225 = arith.constant 0 : i32
      %dma_wait3A_226 = arith.constant 0 : i32
      %dma_wait3A_227 = tpu.memref_slice %arg2[%dma_wait3A_225, %dma_wait3A_226] : memref<20000x64xf32, #tpu.memory_space<hbm>> -> memref<20000x64xf32, #tpu.memory_space<hbm>>
      tpu.wait_indirect_dma semaphore(%arg16 : memref<!tpu.dma_semaphore, #tpu.memory_space<semaphore_mem>>) src(%dma_wait3A_227 : memref<20000x64xf32, #tpu.memory_space<hbm>>) dst(%arg11 : memref<128x64xf32, #tpu.memory_space<vmem>>)
      %dma_start3A_228 = arith.constant 6 : i32
      %dma_start3A_229 = arith.constant 0 : i32
      %dma_start3A_230 = tpu.memref_slice %arg8[%dma_start3A_228, %dma_start3A_229] : memref<8x128xi32, #tpu.memory_space<vmem>> -> memref<1x128xi32, #tpu.memory_space<vmem>>
      %dma_start3A_231 = tpu.memref_squeeze %dma_start3A_230 : memref<1x128xi32, #tpu.memory_space<vmem>> -> memref<128xi32, #tpu.memory_space<vmem>>
      %dma_start3A_232 = arith.constant 0 : i32
      %dma_start3A_233 = arith.constant 0 : i32
      %dma_start3A_234 = tpu.memref_slice %arg13[%dma_start3A_232, %dma_start3A_233] : memref<20480x64xf32, #tpu.memory_space<vmem_shared>> -> memref<20480x64xf32, #tpu.memory_space<vmem_shared>>
      tpu.enqueue_indirect_dma source(%arg11 : memref<128x64xf32, #tpu.memory_space<vmem>>) target(%dma_start3A_234 : memref<20480x64xf32, #tpu.memory_space<vmem_shared>>) offsets(%dma_start3A_231 : memref<128xi32, #tpu.memory_space<vmem>>) semaphore(%arg20 : memref<!tpu.dma_semaphore, #tpu.memory_space<semaphore_mem>>) {add = true}
      %dma_wait3A_235 = arith.constant 7 : i32
      %dma_wait3A_236 = arith.constant 0 : i32
      %dma_wait3A_237 = tpu.memref_slice %arg7[%dma_wait3A_235, %dma_wait3A_236] : memref<8x128xi32, #tpu.memory_space<vmem>> -> memref<1x128xi32, #tpu.memory_space<vmem>>
      %dma_wait3A_238 = tpu.memref_squeeze %dma_wait3A_237 : memref<1x128xi32, #tpu.memory_space<vmem>> -> memref<128xi32, #tpu.memory_space<vmem>>
      %dma_wait3A_239 = arith.constant 0 : i32
      %dma_wait3A_240 = arith.constant 0 : i32
      %dma_wait3A_241 = tpu.memref_slice %arg2[%dma_wait3A_239, %dma_wait3A_240] : memref<20000x64xf32, #tpu.memory_space<hbm>> -> memref<20000x64xf32, #tpu.memory_space<hbm>>
      tpu.wait_indirect_dma semaphore(%arg17 : memref<!tpu.dma_semaphore, #tpu.memory_space<semaphore_mem>>) src(%dma_wait3A_241 : memref<20000x64xf32, #tpu.memory_space<hbm>>) dst(%arg12 : memref<128x64xf32, #tpu.memory_space<vmem>>)
      %dma_start3A_242 = arith.constant 7 : i32
      %dma_start3A_243 = arith.constant 0 : i32
      %dma_start3A_244 = tpu.memref_slice %arg8[%dma_start3A_242, %dma_start3A_243] : memref<8x128xi32, #tpu.memory_space<vmem>> -> memref<1x128xi32, #tpu.memory_space<vmem>>
      %dma_start3A_245 = tpu.memref_squeeze %dma_start3A_244 : memref<1x128xi32, #tpu.memory_space<vmem>> -> memref<128xi32, #tpu.memory_space<vmem>>
      %dma_start3A_246 = arith.constant 0 : i32
      %dma_start3A_247 = arith.constant 0 : i32
      %dma_start3A_248 = tpu.memref_slice %arg13[%dma_start3A_246, %dma_start3A_247] : memref<20480x64xf32, #tpu.memory_space<vmem_shared>> -> memref<20480x64xf32, #tpu.memory_space<vmem_shared>>
      tpu.enqueue_indirect_dma source(%arg12 : memref<128x64xf32, #tpu.memory_space<vmem>>) target(%dma_start3A_248 : memref<20480x64xf32, #tpu.memory_space<vmem_shared>>) offsets(%dma_start3A_245 : memref<128xi32, #tpu.memory_space<vmem>>) semaphore(%arg21 : memref<!tpu.dma_semaphore, #tpu.memory_space<semaphore_mem>>) {add = true}
      %dma_wait3A_249 = arith.constant 4 : i32
      %dma_wait3A_250 = arith.constant 0 : i32
      %dma_wait3A_251 = tpu.memref_slice %arg8[%dma_wait3A_249, %dma_wait3A_250] : memref<8x128xi32, #tpu.memory_space<vmem>> -> memref<1x128xi32, #tpu.memory_space<vmem>>
      %dma_wait3A_252 = tpu.memref_squeeze %dma_wait3A_251 : memref<1x128xi32, #tpu.memory_space<vmem>> -> memref<128xi32, #tpu.memory_space<vmem>>
      %dma_wait3A_253 = arith.constant 0 : i32
      %dma_wait3A_254 = arith.constant 0 : i32
      %dma_wait3A_255 = tpu.memref_slice %arg13[%dma_wait3A_253, %dma_wait3A_254] : memref<20480x64xf32, #tpu.memory_space<vmem_shared>> -> memref<20480x64xf32, #tpu.memory_space<vmem_shared>>
      tpu.wait_indirect_dma semaphore(%arg18 : memref<!tpu.dma_semaphore, #tpu.memory_space<semaphore_mem>>) src(%arg9 : memref<128x64xf32, #tpu.memory_space<vmem>>) dst(%dma_wait3A_255 : memref<20480x64xf32, #tpu.memory_space<vmem_shared>>)
      %dma_wait3A_256 = arith.constant 5 : i32
      %dma_wait3A_257 = arith.constant 0 : i32
      %dma_wait3A_258 = tpu.memref_slice %arg8[%dma_wait3A_256, %dma_wait3A_257] : memref<8x128xi32, #tpu.memory_space<vmem>> -> memref<1x128xi32, #tpu.memory_space<vmem>>
      %dma_wait3A_259 = tpu.memref_squeeze %dma_wait3A_258 : memref<1x128xi32, #tpu.memory_space<vmem>> -> memref<128xi32, #tpu.memory_space<vmem>>
      %dma_wait3A_260 = arith.constant 0 : i32
      %dma_wait3A_261 = arith.constant 0 : i32
      %dma_wait3A_262 = tpu.memref_slice %arg13[%dma_wait3A_260, %dma_wait3A_261] : memref<20480x64xf32, #tpu.memory_space<vmem_shared>> -> memref<20480x64xf32, #tpu.memory_space<vmem_shared>>
      tpu.wait_indirect_dma semaphore(%arg19 : memref<!tpu.dma_semaphore, #tpu.memory_space<semaphore_mem>>) src(%arg10 : memref<128x64xf32, #tpu.memory_space<vmem>>) dst(%dma_wait3A_262 : memref<20480x64xf32, #tpu.memory_space<vmem_shared>>)
      %dma_wait3A_263 = arith.constant 6 : i32
      %dma_wait3A_264 = arith.constant 0 : i32
      %dma_wait3A_265 = tpu.memref_slice %arg8[%dma_wait3A_263, %dma_wait3A_264] : memref<8x128xi32, #tpu.memory_space<vmem>> -> memref<1x128xi32, #tpu.memory_space<vmem>>
      %dma_wait3A_266 = tpu.memref_squeeze %dma_wait3A_265 : memref<1x128xi32, #tpu.memory_space<vmem>> -> memref<128xi32, #tpu.memory_space<vmem>>
      %dma_wait3A_267 = arith.constant 0 : i32
      %dma_wait3A_268 = arith.constant 0 : i32
      %dma_wait3A_269 = tpu.memref_slice %arg13[%dma_wait3A_267, %dma_wait3A_268] : memref<20480x64xf32, #tpu.memory_space<vmem_shared>> -> memref<20480x64xf32, #tpu.memory_space<vmem_shared>>
      tpu.wait_indirect_dma semaphore(%arg20 : memref<!tpu.dma_semaphore, #tpu.memory_space<semaphore_mem>>) src(%arg11 : memref<128x64xf32, #tpu.memory_space<vmem>>) dst(%dma_wait3A_269 : memref<20480x64xf32, #tpu.memory_space<vmem_shared>>)
      %dma_wait3A_270 = arith.constant 7 : i32
      %dma_wait3A_271 = arith.constant 0 : i32
      %dma_wait3A_272 = tpu.memref_slice %arg8[%dma_wait3A_270, %dma_wait3A_271] : memref<8x128xi32, #tpu.memory_space<vmem>> -> memref<1x128xi32, #tpu.memory_space<vmem>>
      %dma_wait3A_273 = tpu.memref_squeeze %dma_wait3A_272 : memref<1x128xi32, #tpu.memory_space<vmem>> -> memref<128xi32, #tpu.memory_space<vmem>>
      %dma_wait3A_274 = arith.constant 0 : i32
      %dma_wait3A_275 = arith.constant 0 : i32
      %dma_wait3A_276 = tpu.memref_slice %arg13[%dma_wait3A_274, %dma_wait3A_275] : memref<20480x64xf32, #tpu.memory_space<vmem_shared>> -> memref<20480x64xf32, #tpu.memory_space<vmem_shared>>
      tpu.wait_indirect_dma semaphore(%arg21 : memref<!tpu.dma_semaphore, #tpu.memory_space<semaphore_mem>>) src(%arg12 : memref<128x64xf32, #tpu.memory_space<vmem>>) dst(%dma_wait3A_276 : memref<20480x64xf32, #tpu.memory_space<vmem_shared>>)
    }
    %scan3A_25 = arith.constant 20 : i32
    %barrier3A_26 = arith.constant 0 : index
    tpu.barrier barrier_id(%barrier3A_26)
    %add3A_27 = arith.constant 0 : i32
    %add3A_28 = arith.addi %mul3A_0, %add3A_27 : i32
    "tpu.region"() ({
      %run_scoped3A = tpu.sem_alloc : memref<!tpu.dma_semaphore, #tpu.memory_space<semaphore_mem>>
      %dma_start3A = arith.constant 0 : i32
      %dma_start3A_47 = tpu.memref_slice %arg13[%add3A_28, %dma_start3A] : memref<20480x64xf32, #tpu.memory_space<vmem_shared>> -> memref<128x64xf32, #tpu.memory_space<vmem_shared>>
      %dma_start3A_48 = arith.constant 0 : i32
      %dma_start3A_49 = tpu.memref_slice %arg13[%add3A_28, %dma_start3A_48] : memref<20480x64xf32, #tpu.memory_space<vmem_shared>> -> memref<128x64xf32, #tpu.memory_space<vmem_shared>>
      tpu.enqueue_dma source(%dma_start3A_49 : memref<128x64xf32, #tpu.memory_space<vmem_shared>>) target(%arg9 : memref<128x64xf32, #tpu.memory_space<vmem>>) target_semaphore(%run_scoped3A : memref<!tpu.dma_semaphore, #tpu.memory_space<semaphore_mem>>)
      %dma_wait3A = arith.constant 0 : i32
      %dma_wait3A_50 = tpu.memref_slice %arg13[%add3A_28, %dma_wait3A] : memref<20480x64xf32, #tpu.memory_space<vmem_shared>> -> memref<128x64xf32, #tpu.memory_space<vmem_shared>>
      %dma_wait3A_51 = arith.constant 0 : i32
      %dma_wait3A_52 = tpu.memref_slice %arg13[%add3A_28, %dma_wait3A_51] : memref<20480x64xf32, #tpu.memory_space<vmem_shared>> -> memref<128x64xf32, #tpu.memory_space<vmem_shared>>
      tpu.wait_dma2 semaphore(%run_scoped3A : memref<!tpu.dma_semaphore, #tpu.memory_space<semaphore_mem>>) src(%dma_wait3A_52 : memref<128x64xf32, #tpu.memory_space<vmem_shared>>) dst(%arg9 : memref<128x64xf32, #tpu.memory_space<vmem>>)
      tpu.yield
    }) : () -> ()
    "tpu.region"() ({
      %run_scoped3A = tpu.sem_alloc : memref<!tpu.dma_semaphore, #tpu.memory_space<semaphore_mem>>
      %dma_start3A = arith.constant 0 : i32
      %dma_start3A_47 = tpu.memref_slice %arg6[%arg0, %add3A_28, %dma_start3A] : memref<2x20480x64xf32, #tpu.memory_space<hbm>> -> memref<1x128x64xf32, #tpu.memory_space<hbm>>
      %dma_start3A_48 = tpu.memref_squeeze %dma_start3A_47 : memref<1x128x64xf32, #tpu.memory_space<hbm>> -> memref<128x64xf32, #tpu.memory_space<hbm>>
      %dma_start3A_49 = arith.constant 0 : i32
      %dma_start3A_50 = tpu.memref_slice %arg6[%arg0, %add3A_28, %dma_start3A_49] : memref<2x20480x64xf32, #tpu.memory_space<hbm>> -> memref<1x128x64xf32, #tpu.memory_space<hbm>>
      %dma_start3A_51 = tpu.memref_squeeze %dma_start3A_50 : memref<1x128x64xf32, #tpu.memory_space<hbm>> -> memref<128x64xf32, #tpu.memory_space<hbm>>
      tpu.enqueue_dma source(%arg9 : memref<128x64xf32, #tpu.memory_space<vmem>>) target(%dma_start3A_51 : memref<128x64xf32, #tpu.memory_space<hbm>>) target_semaphore(%run_scoped3A : memref<!tpu.dma_semaphore, #tpu.memory_space<semaphore_mem>>)
      %dma_wait3A = arith.constant 0 : i32
      %dma_wait3A_52 = tpu.memref_slice %arg6[%arg0, %add3A_28, %dma_wait3A] : memref<2x20480x64xf32, #tpu.memory_space<hbm>> -> memref<1x128x64xf32, #tpu.memory_space<hbm>>
      %dma_wait3A_53 = tpu.memref_squeeze %dma_wait3A_52 : memref<1x128x64xf32, #tpu.memory_space<hbm>> -> memref<128x64xf32, #tpu.memory_space<hbm>>
      %dma_wait3A_54 = arith.constant 0 : i32
      %dma_wait3A_55 = tpu.memref_slice %arg6[%arg0, %add3A_28, %dma_wait3A_54] : memref<2x20480x64xf32, #tpu.memory_space<hbm>> -> memref<1x128x64xf32, #tpu.memory_space<hbm>>
      %dma_wait3A_56 = tpu.memref_squeeze %dma_wait3A_55 : memref<1x128x64xf32, #tpu.memory_space<hbm>> -> memref<128x64xf32, #tpu.memory_space<hbm>>
      tpu.wait_dma2 semaphore(%run_scoped3A : memref<!tpu.dma_semaphore, #tpu.memory_space<semaphore_mem>>) src(%arg9 : memref<128x64xf32, #tpu.memory_space<vmem>>) dst(%dma_wait3A_56 : memref<128x64xf32, #tpu.memory_space<hbm>>)
      tpu.yield
    }) : () -> ()
    %add3A_29 = arith.constant 128 : i32
    %add3A_30 = arith.addi %mul3A_0, %add3A_29 : i32
    "tpu.region"() ({
      %run_scoped3A = tpu.sem_alloc : memref<!tpu.dma_semaphore, #tpu.memory_space<semaphore_mem>>
      %dma_start3A = arith.constant 0 : i32
      %dma_start3A_47 = tpu.memref_slice %arg13[%add3A_30, %dma_start3A] : memref<20480x64xf32, #tpu.memory_space<vmem_shared>> -> memref<128x64xf32, #tpu.memory_space<vmem_shared>>
      %dma_start3A_48 = arith.constant 0 : i32
      %dma_start3A_49 = tpu.memref_slice %arg13[%add3A_30, %dma_start3A_48] : memref<20480x64xf32, #tpu.memory_space<vmem_shared>> -> memref<128x64xf32, #tpu.memory_space<vmem_shared>>
      tpu.enqueue_dma source(%dma_start3A_49 : memref<128x64xf32, #tpu.memory_space<vmem_shared>>) target(%arg9 : memref<128x64xf32, #tpu.memory_space<vmem>>) target_semaphore(%run_scoped3A : memref<!tpu.dma_semaphore, #tpu.memory_space<semaphore_mem>>)
      %dma_wait3A = arith.constant 0 : i32
      %dma_wait3A_50 = tpu.memref_slice %arg13[%add3A_30, %dma_wait3A] : memref<20480x64xf32, #tpu.memory_space<vmem_shared>> -> memref<128x64xf32, #tpu.memory_space<vmem_shared>>
      %dma_wait3A_51 = arith.constant 0 : i32
      %dma_wait3A_52 = tpu.memref_slice %arg13[%add3A_30, %dma_wait3A_51] : memref<20480x64xf32, #tpu.memory_space<vmem_shared>> -> memref<128x64xf32, #tpu.memory_space<vmem_shared>>
      tpu.wait_dma2 semaphore(%run_scoped3A : memref<!tpu.dma_semaphore, #tpu.memory_space<semaphore_mem>>) src(%dma_wait3A_52 : memref<128x64xf32, #tpu.memory_space<vmem_shared>>) dst(%arg9 : memref<128x64xf32, #tpu.memory_space<vmem>>)
      tpu.yield
    }) : () -> ()
    "tpu.region"() ({
      %run_scoped3A = tpu.sem_alloc : memref<!tpu.dma_semaphore, #tpu.memory_space<semaphore_mem>>
      %dma_start3A = arith.constant 0 : i32
      %dma_start3A_47 = tpu.memref_slice %arg6[%arg0, %add3A_30, %dma_start3A] : memref<2x20480x64xf32, #tpu.memory_space<hbm>> -> memref<1x128x64xf32, #tpu.memory_space<hbm>>
      %dma_start3A_48 = tpu.memref_squeeze %dma_start3A_47 : memref<1x128x64xf32, #tpu.memory_space<hbm>> -> memref<128x64xf32, #tpu.memory_space<hbm>>
      %dma_start3A_49 = arith.constant 0 : i32
      %dma_start3A_50 = tpu.memref_slice %arg6[%arg0, %add3A_30, %dma_start3A_49] : memref<2x20480x64xf32, #tpu.memory_space<hbm>> -> memref<1x128x64xf32, #tpu.memory_space<hbm>>
      %dma_start3A_51 = tpu.memref_squeeze %dma_start3A_50 : memref<1x128x64xf32, #tpu.memory_space<hbm>> -> memref<128x64xf32, #tpu.memory_space<hbm>>
      tpu.enqueue_dma source(%arg9 : memref<128x64xf32, #tpu.memory_space<vmem>>) target(%dma_start3A_51 : memref<128x64xf32, #tpu.memory_space<hbm>>) target_semaphore(%run_scoped3A : memref<!tpu.dma_semaphore, #tpu.memory_space<semaphore_mem>>)
      %dma_wait3A = arith.constant 0 : i32
      %dma_wait3A_52 = tpu.memref_slice %arg6[%arg0, %add3A_30, %dma_wait3A] : memref<2x20480x64xf32, #tpu.memory_space<hbm>> -> memref<1x128x64xf32, #tpu.memory_space<hbm>>
      %dma_wait3A_53 = tpu.memref_squeeze %dma_wait3A_52 : memref<1x128x64xf32, #tpu.memory_space<hbm>> -> memref<128x64xf32, #tpu.memory_space<hbm>>
      %dma_wait3A_54 = arith.constant 0 : i32
      %dma_wait3A_55 = tpu.memref_slice %arg6[%arg0, %add3A_30, %dma_wait3A_54] : memref<2x20480x64xf32, #tpu.memory_space<hbm>> -> memref<1x128x64xf32, #tpu.memory_space<hbm>>
      %dma_wait3A_56 = tpu.memref_squeeze %dma_wait3A_55 : memref<1x128x64xf32, #tpu.memory_space<hbm>> -> memref<128x64xf32, #tpu.memory_space<hbm>>
      tpu.wait_dma2 semaphore(%run_scoped3A : memref<!tpu.dma_semaphore, #tpu.memory_space<semaphore_mem>>) src(%arg9 : memref<128x64xf32, #tpu.memory_space<vmem>>) dst(%dma_wait3A_56 : memref<128x64xf32, #tpu.memory_space<hbm>>)
      tpu.yield
    }) : () -> ()
    %add3A_31 = arith.constant 256 : i32
    %add3A_32 = arith.addi %mul3A_0, %add3A_31 : i32
    "tpu.region"() ({
      %run_scoped3A = tpu.sem_alloc : memref<!tpu.dma_semaphore, #tpu.memory_space<semaphore_mem>>
      %dma_start3A = arith.constant 0 : i32
      %dma_start3A_47 = tpu.memref_slice %arg13[%add3A_32, %dma_start3A] : memref<20480x64xf32, #tpu.memory_space<vmem_shared>> -> memref<128x64xf32, #tpu.memory_space<vmem_shared>>
      %dma_start3A_48 = arith.constant 0 : i32
      %dma_start3A_49 = tpu.memref_slice %arg13[%add3A_32, %dma_start3A_48] : memref<20480x64xf32, #tpu.memory_space<vmem_shared>> -> memref<128x64xf32, #tpu.memory_space<vmem_shared>>
      tpu.enqueue_dma source(%dma_start3A_49 : memref<128x64xf32, #tpu.memory_space<vmem_shared>>) target(%arg9 : memref<128x64xf32, #tpu.memory_space<vmem>>) target_semaphore(%run_scoped3A : memref<!tpu.dma_semaphore, #tpu.memory_space<semaphore_mem>>)
      %dma_wait3A = arith.constant 0 : i32
      %dma_wait3A_50 = tpu.memref_slice %arg13[%add3A_32, %dma_wait3A] : memref<20480x64xf32, #tpu.memory_space<vmem_shared>> -> memref<128x64xf32, #tpu.memory_space<vmem_shared>>
      %dma_wait3A_51 = arith.constant 0 : i32
      %dma_wait3A_52 = tpu.memref_slice %arg13[%add3A_32, %dma_wait3A_51] : memref<20480x64xf32, #tpu.memory_space<vmem_shared>> -> memref<128x64xf32, #tpu.memory_space<vmem_shared>>
      tpu.wait_dma2 semaphore(%run_scoped3A : memref<!tpu.dma_semaphore, #tpu.memory_space<semaphore_mem>>) src(%dma_wait3A_52 : memref<128x64xf32, #tpu.memory_space<vmem_shared>>) dst(%arg9 : memref<128x64xf32, #tpu.memory_space<vmem>>)
      tpu.yield
    }) : () -> ()
    "tpu.region"() ({
      %run_scoped3A = tpu.sem_alloc : memref<!tpu.dma_semaphore, #tpu.memory_space<semaphore_mem>>
      %dma_start3A = arith.constant 0 : i32
      %dma_start3A_47 = tpu.memref_slice %arg6[%arg0, %add3A_32, %dma_start3A] : memref<2x20480x64xf32, #tpu.memory_space<hbm>> -> memref<1x128x64xf32, #tpu.memory_space<hbm>>
      %dma_start3A_48 = tpu.memref_squeeze %dma_start3A_47 : memref<1x128x64xf32, #tpu.memory_space<hbm>> -> memref<128x64xf32, #tpu.memory_space<hbm>>
      %dma_start3A_49 = arith.constant 0 : i32
      %dma_start3A_50 = tpu.memref_slice %arg6[%arg0, %add3A_32, %dma_start3A_49] : memref<2x20480x64xf32, #tpu.memory_space<hbm>> -> memref<1x128x64xf32, #tpu.memory_space<hbm>>
      %dma_start3A_51 = tpu.memref_squeeze %dma_start3A_50 : memref<1x128x64xf32, #tpu.memory_space<hbm>> -> memref<128x64xf32, #tpu.memory_space<hbm>>
      tpu.enqueue_dma source(%arg9 : memref<128x64xf32, #tpu.memory_space<vmem>>) target(%dma_start3A_51 : memref<128x64xf32, #tpu.memory_space<hbm>>) target_semaphore(%run_scoped3A : memref<!tpu.dma_semaphore, #tpu.memory_space<semaphore_mem>>)
      %dma_wait3A = arith.constant 0 : i32
      %dma_wait3A_52 = tpu.memref_slice %arg6[%arg0, %add3A_32, %dma_wait3A] : memref<2x20480x64xf32, #tpu.memory_space<hbm>> -> memref<1x128x64xf32, #tpu.memory_space<hbm>>
      %dma_wait3A_53 = tpu.memref_squeeze %dma_wait3A_52 : memref<1x128x64xf32, #tpu.memory_space<hbm>> -> memref<128x64xf32, #tpu.memory_space<hbm>>
      %dma_wait3A_54 = arith.constant 0 : i32
      %dma_wait3A_55 = tpu.memref_slice %arg6[%arg0, %add3A_32, %dma_wait3A_54] : memref<2x20480x64xf32, #tpu.memory_space<hbm>> -> memref<1x128x64xf32, #tpu.memory_space<hbm>>
      %dma_wait3A_56 = tpu.memref_squeeze %dma_wait3A_55 : memref<1x128x64xf32, #tpu.memory_space<hbm>> -> memref<128x64xf32, #tpu.memory_space<hbm>>
      tpu.wait_dma2 semaphore(%run_scoped3A : memref<!tpu.dma_semaphore, #tpu.memory_space<semaphore_mem>>) src(%arg9 : memref<128x64xf32, #tpu.memory_space<vmem>>) dst(%dma_wait3A_56 : memref<128x64xf32, #tpu.memory_space<hbm>>)
      tpu.yield
    }) : () -> ()
    %add3A_33 = arith.constant 384 : i32
    %add3A_34 = arith.addi %mul3A_0, %add3A_33 : i32
    "tpu.region"() ({
      %run_scoped3A = tpu.sem_alloc : memref<!tpu.dma_semaphore, #tpu.memory_space<semaphore_mem>>
      %dma_start3A = arith.constant 0 : i32
      %dma_start3A_47 = tpu.memref_slice %arg13[%add3A_34, %dma_start3A] : memref<20480x64xf32, #tpu.memory_space<vmem_shared>> -> memref<128x64xf32, #tpu.memory_space<vmem_shared>>
      %dma_start3A_48 = arith.constant 0 : i32
      %dma_start3A_49 = tpu.memref_slice %arg13[%add3A_34, %dma_start3A_48] : memref<20480x64xf32, #tpu.memory_space<vmem_shared>> -> memref<128x64xf32, #tpu.memory_space<vmem_shared>>
      tpu.enqueue_dma source(%dma_start3A_49 : memref<128x64xf32, #tpu.memory_space<vmem_shared>>) target(%arg9 : memref<128x64xf32, #tpu.memory_space<vmem>>) target_semaphore(%run_scoped3A : memref<!tpu.dma_semaphore, #tpu.memory_space<semaphore_mem>>)
      %dma_wait3A = arith.constant 0 : i32
      %dma_wait3A_50 = tpu.memref_slice %arg13[%add3A_34, %dma_wait3A] : memref<20480x64xf32, #tpu.memory_space<vmem_shared>> -> memref<128x64xf32, #tpu.memory_space<vmem_shared>>
      %dma_wait3A_51 = arith.constant 0 : i32
      %dma_wait3A_52 = tpu.memref_slice %arg13[%add3A_34, %dma_wait3A_51] : memref<20480x64xf32, #tpu.memory_space<vmem_shared>> -> memref<128x64xf32, #tpu.memory_space<vmem_shared>>
      tpu.wait_dma2 semaphore(%run_scoped3A : memref<!tpu.dma_semaphore, #tpu.memory_space<semaphore_mem>>) src(%dma_wait3A_52 : memref<128x64xf32, #tpu.memory_space<vmem_shared>>) dst(%arg9 : memref<128x64xf32, #tpu.memory_space<vmem>>)
      tpu.yield
    }) : () -> ()
    "tpu.region"() ({
      %run_scoped3A = tpu.sem_alloc : memref<!tpu.dma_semaphore, #tpu.memory_space<semaphore_mem>>
      %dma_start3A = arith.constant 0 : i32
      %dma_start3A_47 = tpu.memref_slice %arg6[%arg0, %add3A_34, %dma_start3A] : memref<2x20480x64xf32, #tpu.memory_space<hbm>> -> memref<1x128x64xf32, #tpu.memory_space<hbm>>
      %dma_start3A_48 = tpu.memref_squeeze %dma_start3A_47 : memref<1x128x64xf32, #tpu.memory_space<hbm>> -> memref<128x64xf32, #tpu.memory_space<hbm>>
      %dma_start3A_49 = arith.constant 0 : i32
      %dma_start3A_50 = tpu.memref_slice %arg6[%arg0, %add3A_34, %dma_start3A_49] : memref<2x20480x64xf32, #tpu.memory_space<hbm>> -> memref<1x128x64xf32, #tpu.memory_space<hbm>>
      %dma_start3A_51 = tpu.memref_squeeze %dma_start3A_50 : memref<1x128x64xf32, #tpu.memory_space<hbm>> -> memref<128x64xf32, #tpu.memory_space<hbm>>
      tpu.enqueue_dma source(%arg9 : memref<128x64xf32, #tpu.memory_space<vmem>>) target(%dma_start3A_51 : memref<128x64xf32, #tpu.memory_space<hbm>>) target_semaphore(%run_scoped3A : memref<!tpu.dma_semaphore, #tpu.memory_space<semaphore_mem>>)
      %dma_wait3A = arith.constant 0 : i32
      %dma_wait3A_52 = tpu.memref_slice %arg6[%arg0, %add3A_34, %dma_wait3A] : memref<2x20480x64xf32, #tpu.memory_space<hbm>> -> memref<1x128x64xf32, #tpu.memory_space<hbm>>
      %dma_wait3A_53 = tpu.memref_squeeze %dma_wait3A_52 : memref<1x128x64xf32, #tpu.memory_space<hbm>> -> memref<128x64xf32, #tpu.memory_space<hbm>>
      %dma_wait3A_54 = arith.constant 0 : i32
      %dma_wait3A_55 = tpu.memref_slice %arg6[%arg0, %add3A_34, %dma_wait3A_54] : memref<2x20480x64xf32, #tpu.memory_space<hbm>> -> memref<1x128x64xf32, #tpu.memory_space<hbm>>
      %dma_wait3A_56 = tpu.memref_squeeze %dma_wait3A_55 : memref<1x128x64xf32, #tpu.memory_space<hbm>> -> memref<128x64xf32, #tpu.memory_space<hbm>>
      tpu.wait_dma2 semaphore(%run_scoped3A : memref<!tpu.dma_semaphore, #tpu.memory_space<semaphore_mem>>) src(%arg9 : memref<128x64xf32, #tpu.memory_space<vmem>>) dst(%dma_wait3A_56 : memref<128x64xf32, #tpu.memory_space<hbm>>)
      tpu.yield
    }) : () -> ()
    %add3A_35 = arith.constant 512 : i32
    %add3A_36 = arith.addi %mul3A_0, %add3A_35 : i32
    "tpu.region"() ({
      %run_scoped3A = tpu.sem_alloc : memref<!tpu.dma_semaphore, #tpu.memory_space<semaphore_mem>>
      %dma_start3A = arith.constant 0 : i32
      %dma_start3A_47 = tpu.memref_slice %arg13[%add3A_36, %dma_start3A] : memref<20480x64xf32, #tpu.memory_space<vmem_shared>> -> memref<128x64xf32, #tpu.memory_space<vmem_shared>>
      %dma_start3A_48 = arith.constant 0 : i32
      %dma_start3A_49 = tpu.memref_slice %arg13[%add3A_36, %dma_start3A_48] : memref<20480x64xf32, #tpu.memory_space<vmem_shared>> -> memref<128x64xf32, #tpu.memory_space<vmem_shared>>
      tpu.enqueue_dma source(%dma_start3A_49 : memref<128x64xf32, #tpu.memory_space<vmem_shared>>) target(%arg9 : memref<128x64xf32, #tpu.memory_space<vmem>>) target_semaphore(%run_scoped3A : memref<!tpu.dma_semaphore, #tpu.memory_space<semaphore_mem>>)
      %dma_wait3A = arith.constant 0 : i32
      %dma_wait3A_50 = tpu.memref_slice %arg13[%add3A_36, %dma_wait3A] : memref<20480x64xf32, #tpu.memory_space<vmem_shared>> -> memref<128x64xf32, #tpu.memory_space<vmem_shared>>
      %dma_wait3A_51 = arith.constant 0 : i32
      %dma_wait3A_52 = tpu.memref_slice %arg13[%add3A_36, %dma_wait3A_51] : memref<20480x64xf32, #tpu.memory_space<vmem_shared>> -> memref<128x64xf32, #tpu.memory_space<vmem_shared>>
      tpu.wait_dma2 semaphore(%run_scoped3A : memref<!tpu.dma_semaphore, #tpu.memory_space<semaphore_mem>>) src(%dma_wait3A_52 : memref<128x64xf32, #tpu.memory_space<vmem_shared>>) dst(%arg9 : memref<128x64xf32, #tpu.memory_space<vmem>>)
      tpu.yield
    }) : () -> ()
    "tpu.region"() ({
      %run_scoped3A = tpu.sem_alloc : memref<!tpu.dma_semaphore, #tpu.memory_space<semaphore_mem>>
      %dma_start3A = arith.constant 0 : i32
      %dma_start3A_47 = tpu.memref_slice %arg6[%arg0, %add3A_36, %dma_start3A] : memref<2x20480x64xf32, #tpu.memory_space<hbm>> -> memref<1x128x64xf32, #tpu.memory_space<hbm>>
      %dma_start3A_48 = tpu.memref_squeeze %dma_start3A_47 : memref<1x128x64xf32, #tpu.memory_space<hbm>> -> memref<128x64xf32, #tpu.memory_space<hbm>>
      %dma_start3A_49 = arith.constant 0 : i32
      %dma_start3A_50 = tpu.memref_slice %arg6[%arg0, %add3A_36, %dma_start3A_49] : memref<2x20480x64xf32, #tpu.memory_space<hbm>> -> memref<1x128x64xf32, #tpu.memory_space<hbm>>
      %dma_start3A_51 = tpu.memref_squeeze %dma_start3A_50 : memref<1x128x64xf32, #tpu.memory_space<hbm>> -> memref<128x64xf32, #tpu.memory_space<hbm>>
      tpu.enqueue_dma source(%arg9 : memref<128x64xf32, #tpu.memory_space<vmem>>) target(%dma_start3A_51 : memref<128x64xf32, #tpu.memory_space<hbm>>) target_semaphore(%run_scoped3A : memref<!tpu.dma_semaphore, #tpu.memory_space<semaphore_mem>>)
      %dma_wait3A = arith.constant 0 : i32
      %dma_wait3A_52 = tpu.memref_slice %arg6[%arg0, %add3A_36, %dma_wait3A] : memref<2x20480x64xf32, #tpu.memory_space<hbm>> -> memref<1x128x64xf32, #tpu.memory_space<hbm>>
      %dma_wait3A_53 = tpu.memref_squeeze %dma_wait3A_52 : memref<1x128x64xf32, #tpu.memory_space<hbm>> -> memref<128x64xf32, #tpu.memory_space<hbm>>
      %dma_wait3A_54 = arith.constant 0 : i32
      %dma_wait3A_55 = tpu.memref_slice %arg6[%arg0, %add3A_36, %dma_wait3A_54] : memref<2x20480x64xf32, #tpu.memory_space<hbm>> -> memref<1x128x64xf32, #tpu.memory_space<hbm>>
      %dma_wait3A_56 = tpu.memref_squeeze %dma_wait3A_55 : memref<1x128x64xf32, #tpu.memory_space<hbm>> -> memref<128x64xf32, #tpu.memory_space<hbm>>
      tpu.wait_dma2 semaphore(%run_scoped3A : memref<!tpu.dma_semaphore, #tpu.memory_space<semaphore_mem>>) src(%arg9 : memref<128x64xf32, #tpu.memory_space<vmem>>) dst(%dma_wait3A_56 : memref<128x64xf32, #tpu.memory_space<hbm>>)
      tpu.yield
    }) : () -> ()
    %add3A_37 = arith.constant 640 : i32
    %add3A_38 = arith.addi %mul3A_0, %add3A_37 : i32
    "tpu.region"() ({
      %run_scoped3A = tpu.sem_alloc : memref<!tpu.dma_semaphore, #tpu.memory_space<semaphore_mem>>
      %dma_start3A = arith.constant 0 : i32
      %dma_start3A_47 = tpu.memref_slice %arg13[%add3A_38, %dma_start3A] : memref<20480x64xf32, #tpu.memory_space<vmem_shared>> -> memref<128x64xf32, #tpu.memory_space<vmem_shared>>
      %dma_start3A_48 = arith.constant 0 : i32
      %dma_start3A_49 = tpu.memref_slice %arg13[%add3A_38, %dma_start3A_48] : memref<20480x64xf32, #tpu.memory_space<vmem_shared>> -> memref<128x64xf32, #tpu.memory_space<vmem_shared>>
      tpu.enqueue_dma source(%dma_start3A_49 : memref<128x64xf32, #tpu.memory_space<vmem_shared>>) target(%arg9 : memref<128x64xf32, #tpu.memory_space<vmem>>) target_semaphore(%run_scoped3A : memref<!tpu.dma_semaphore, #tpu.memory_space<semaphore_mem>>)
      %dma_wait3A = arith.constant 0 : i32
      %dma_wait3A_50 = tpu.memref_slice %arg13[%add3A_38, %dma_wait3A] : memref<20480x64xf32, #tpu.memory_space<vmem_shared>> -> memref<128x64xf32, #tpu.memory_space<vmem_shared>>
      %dma_wait3A_51 = arith.constant 0 : i32
      %dma_wait3A_52 = tpu.memref_slice %arg13[%add3A_38, %dma_wait3A_51] : memref<20480x64xf32, #tpu.memory_space<vmem_shared>> -> memref<128x64xf32, #tpu.memory_space<vmem_shared>>
      tpu.wait_dma2 semaphore(%run_scoped3A : memref<!tpu.dma_semaphore, #tpu.memory_space<semaphore_mem>>) src(%dma_wait3A_52 : memref<128x64xf32, #tpu.memory_space<vmem_shared>>) dst(%arg9 : memref<128x64xf32, #tpu.memory_space<vmem>>)
      tpu.yield
    }) : () -> ()
    "tpu.region"() ({
      %run_scoped3A = tpu.sem_alloc : memref<!tpu.dma_semaphore, #tpu.memory_space<semaphore_mem>>
      %dma_start3A = arith.constant 0 : i32
      %dma_start3A_47 = tpu.memref_slice %arg6[%arg0, %add3A_38, %dma_start3A] : memref<2x20480x64xf32, #tpu.memory_space<hbm>> -> memref<1x128x64xf32, #tpu.memory_space<hbm>>
      %dma_start3A_48 = tpu.memref_squeeze %dma_start3A_47 : memref<1x128x64xf32, #tpu.memory_space<hbm>> -> memref<128x64xf32, #tpu.memory_space<hbm>>
      %dma_start3A_49 = arith.constant 0 : i32
      %dma_start3A_50 = tpu.memref_slice %arg6[%arg0, %add3A_38, %dma_start3A_49] : memref<2x20480x64xf32, #tpu.memory_space<hbm>> -> memref<1x128x64xf32, #tpu.memory_space<hbm>>
      %dma_start3A_51 = tpu.memref_squeeze %dma_start3A_50 : memref<1x128x64xf32, #tpu.memory_space<hbm>> -> memref<128x64xf32, #tpu.memory_space<hbm>>
      tpu.enqueue_dma source(%arg9 : memref<128x64xf32, #tpu.memory_space<vmem>>) target(%dma_start3A_51 : memref<128x64xf32, #tpu.memory_space<hbm>>) target_semaphore(%run_scoped3A : memref<!tpu.dma_semaphore, #tpu.memory_space<semaphore_mem>>)
      %dma_wait3A = arith.constant 0 : i32
      %dma_wait3A_52 = tpu.memref_slice %arg6[%arg0, %add3A_38, %dma_wait3A] : memref<2x20480x64xf32, #tpu.memory_space<hbm>> -> memref<1x128x64xf32, #tpu.memory_space<hbm>>
      %dma_wait3A_53 = tpu.memref_squeeze %dma_wait3A_52 : memref<1x128x64xf32, #tpu.memory_space<hbm>> -> memref<128x64xf32, #tpu.memory_space<hbm>>
      %dma_wait3A_54 = arith.constant 0 : i32
      %dma_wait3A_55 = tpu.memref_slice %arg6[%arg0, %add3A_38, %dma_wait3A_54] : memref<2x20480x64xf32, #tpu.memory_space<hbm>> -> memref<1x128x64xf32, #tpu.memory_space<hbm>>
      %dma_wait3A_56 = tpu.memref_squeeze %dma_wait3A_55 : memref<1x128x64xf32, #tpu.memory_space<hbm>> -> memref<128x64xf32, #tpu.memory_space<hbm>>
      tpu.wait_dma2 semaphore(%run_scoped3A : memref<!tpu.dma_semaphore, #tpu.memory_space<semaphore_mem>>) src(%arg9 : memref<128x64xf32, #tpu.memory_space<vmem>>) dst(%dma_wait3A_56 : memref<128x64xf32, #tpu.memory_space<hbm>>)
      tpu.yield
    }) : () -> ()
    %add3A_39 = arith.constant 768 : i32
    %add3A_40 = arith.addi %mul3A_0, %add3A_39 : i32
    "tpu.region"() ({
      %run_scoped3A = tpu.sem_alloc : memref<!tpu.dma_semaphore, #tpu.memory_space<semaphore_mem>>
      %dma_start3A = arith.constant 0 : i32
      %dma_start3A_47 = tpu.memref_slice %arg13[%add3A_40, %dma_start3A] : memref<20480x64xf32, #tpu.memory_space<vmem_shared>> -> memref<128x64xf32, #tpu.memory_space<vmem_shared>>
      %dma_start3A_48 = arith.constant 0 : i32
      %dma_start3A_49 = tpu.memref_slice %arg13[%add3A_40, %dma_start3A_48] : memref<20480x64xf32, #tpu.memory_space<vmem_shared>> -> memref<128x64xf32, #tpu.memory_space<vmem_shared>>
      tpu.enqueue_dma source(%dma_start3A_49 : memref<128x64xf32, #tpu.memory_space<vmem_shared>>) target(%arg9 : memref<128x64xf32, #tpu.memory_space<vmem>>) target_semaphore(%run_scoped3A : memref<!tpu.dma_semaphore, #tpu.memory_space<semaphore_mem>>)
      %dma_wait3A = arith.constant 0 : i32
      %dma_wait3A_50 = tpu.memref_slice %arg13[%add3A_40, %dma_wait3A] : memref<20480x64xf32, #tpu.memory_space<vmem_shared>> -> memref<128x64xf32, #tpu.memory_space<vmem_shared>>
      %dma_wait3A_51 = arith.constant 0 : i32
      %dma_wait3A_52 = tpu.memref_slice %arg13[%add3A_40, %dma_wait3A_51] : memref<20480x64xf32, #tpu.memory_space<vmem_shared>> -> memref<128x64xf32, #tpu.memory_space<vmem_shared>>
      tpu.wait_dma2 semaphore(%run_scoped3A : memref<!tpu.dma_semaphore, #tpu.memory_space<semaphore_mem>>) src(%dma_wait3A_52 : memref<128x64xf32, #tpu.memory_space<vmem_shared>>) dst(%arg9 : memref<128x64xf32, #tpu.memory_space<vmem>>)
      tpu.yield
    }) : () -> ()
    "tpu.region"() ({
      %run_scoped3A = tpu.sem_alloc : memref<!tpu.dma_semaphore, #tpu.memory_space<semaphore_mem>>
      %dma_start3A = arith.constant 0 : i32
      %dma_start3A_47 = tpu.memref_slice %arg6[%arg0, %add3A_40, %dma_start3A] : memref<2x20480x64xf32, #tpu.memory_space<hbm>> -> memref<1x128x64xf32, #tpu.memory_space<hbm>>
      %dma_start3A_48 = tpu.memref_squeeze %dma_start3A_47 : memref<1x128x64xf32, #tpu.memory_space<hbm>> -> memref<128x64xf32, #tpu.memory_space<hbm>>
      %dma_start3A_49 = arith.constant 0 : i32
      %dma_start3A_50 = tpu.memref_slice %arg6[%arg0, %add3A_40, %dma_start3A_49] : memref<2x20480x64xf32, #tpu.memory_space<hbm>> -> memref<1x128x64xf32, #tpu.memory_space<hbm>>
      %dma_start3A_51 = tpu.memref_squeeze %dma_start3A_50 : memref<1x128x64xf32, #tpu.memory_space<hbm>> -> memref<128x64xf32, #tpu.memory_space<hbm>>
      tpu.enqueue_dma source(%arg9 : memref<128x64xf32, #tpu.memory_space<vmem>>) target(%dma_start3A_51 : memref<128x64xf32, #tpu.memory_space<hbm>>) target_semaphore(%run_scoped3A : memref<!tpu.dma_semaphore, #tpu.memory_space<semaphore_mem>>)
      %dma_wait3A = arith.constant 0 : i32
      %dma_wait3A_52 = tpu.memref_slice %arg6[%arg0, %add3A_40, %dma_wait3A] : memref<2x20480x64xf32, #tpu.memory_space<hbm>> -> memref<1x128x64xf32, #tpu.memory_space<hbm>>
      %dma_wait3A_53 = tpu.memref_squeeze %dma_wait3A_52 : memref<1x128x64xf32, #tpu.memory_space<hbm>> -> memref<128x64xf32, #tpu.memory_space<hbm>>
      %dma_wait3A_54 = arith.constant 0 : i32
      %dma_wait3A_55 = tpu.memref_slice %arg6[%arg0, %add3A_40, %dma_wait3A_54] : memref<2x20480x64xf32, #tpu.memory_space<hbm>> -> memref<1x128x64xf32, #tpu.memory_space<hbm>>
      %dma_wait3A_56 = tpu.memref_squeeze %dma_wait3A_55 : memref<1x128x64xf32, #tpu.memory_space<hbm>> -> memref<128x64xf32, #tpu.memory_space<hbm>>
      tpu.wait_dma2 semaphore(%run_scoped3A : memref<!tpu.dma_semaphore, #tpu.memory_space<semaphore_mem>>) src(%arg9 : memref<128x64xf32, #tpu.memory_space<vmem>>) dst(%dma_wait3A_56 : memref<128x64xf32, #tpu.memory_space<hbm>>)
      tpu.yield
    }) : () -> ()
    %add3A_41 = arith.constant 896 : i32
    %add3A_42 = arith.addi %mul3A_0, %add3A_41 : i32
    "tpu.region"() ({
      %run_scoped3A = tpu.sem_alloc : memref<!tpu.dma_semaphore, #tpu.memory_space<semaphore_mem>>
      %dma_start3A = arith.constant 0 : i32
      %dma_start3A_47 = tpu.memref_slice %arg13[%add3A_42, %dma_start3A] : memref<20480x64xf32, #tpu.memory_space<vmem_shared>> -> memref<128x64xf32, #tpu.memory_space<vmem_shared>>
      %dma_start3A_48 = arith.constant 0 : i32
      %dma_start3A_49 = tpu.memref_slice %arg13[%add3A_42, %dma_start3A_48] : memref<20480x64xf32, #tpu.memory_space<vmem_shared>> -> memref<128x64xf32, #tpu.memory_space<vmem_shared>>
      tpu.enqueue_dma source(%dma_start3A_49 : memref<128x64xf32, #tpu.memory_space<vmem_shared>>) target(%arg9 : memref<128x64xf32, #tpu.memory_space<vmem>>) target_semaphore(%run_scoped3A : memref<!tpu.dma_semaphore, #tpu.memory_space<semaphore_mem>>)
      %dma_wait3A = arith.constant 0 : i32
      %dma_wait3A_50 = tpu.memref_slice %arg13[%add3A_42, %dma_wait3A] : memref<20480x64xf32, #tpu.memory_space<vmem_shared>> -> memref<128x64xf32, #tpu.memory_space<vmem_shared>>
      %dma_wait3A_51 = arith.constant 0 : i32
      %dma_wait3A_52 = tpu.memref_slice %arg13[%add3A_42, %dma_wait3A_51] : memref<20480x64xf32, #tpu.memory_space<vmem_shared>> -> memref<128x64xf32, #tpu.memory_space<vmem_shared>>
      tpu.wait_dma2 semaphore(%run_scoped3A : memref<!tpu.dma_semaphore, #tpu.memory_space<semaphore_mem>>) src(%dma_wait3A_52 : memref<128x64xf32, #tpu.memory_space<vmem_shared>>) dst(%arg9 : memref<128x64xf32, #tpu.memory_space<vmem>>)
      tpu.yield
    }) : () -> ()
    "tpu.region"() ({
      %run_scoped3A = tpu.sem_alloc : memref<!tpu.dma_semaphore, #tpu.memory_space<semaphore_mem>>
      %dma_start3A = arith.constant 0 : i32
      %dma_start3A_47 = tpu.memref_slice %arg6[%arg0, %add3A_42, %dma_start3A] : memref<2x20480x64xf32, #tpu.memory_space<hbm>> -> memref<1x128x64xf32, #tpu.memory_space<hbm>>
      %dma_start3A_48 = tpu.memref_squeeze %dma_start3A_47 : memref<1x128x64xf32, #tpu.memory_space<hbm>> -> memref<128x64xf32, #tpu.memory_space<hbm>>
      %dma_start3A_49 = arith.constant 0 : i32
      %dma_start3A_50 = tpu.memref_slice %arg6[%arg0, %add3A_42, %dma_start3A_49] : memref<2x20480x64xf32, #tpu.memory_space<hbm>> -> memref<1x128x64xf32, #tpu.memory_space<hbm>>
      %dma_start3A_51 = tpu.memref_squeeze %dma_start3A_50 : memref<1x128x64xf32, #tpu.memory_space<hbm>> -> memref<128x64xf32, #tpu.memory_space<hbm>>
      tpu.enqueue_dma source(%arg9 : memref<128x64xf32, #tpu.memory_space<vmem>>) target(%dma_start3A_51 : memref<128x64xf32, #tpu.memory_space<hbm>>) target_semaphore(%run_scoped3A : memref<!tpu.dma_semaphore, #tpu.memory_space<semaphore_mem>>)
      %dma_wait3A = arith.constant 0 : i32
      %dma_wait3A_52 = tpu.memref_slice %arg6[%arg0, %add3A_42, %dma_wait3A] : memref<2x20480x64xf32, #tpu.memory_space<hbm>> -> memref<1x128x64xf32, #tpu.memory_space<hbm>>
      %dma_wait3A_53 = tpu.memref_squeeze %dma_wait3A_52 : memref<1x128x64xf32, #tpu.memory_space<hbm>> -> memref<128x64xf32, #tpu.memory_space<hbm>>
      %dma_wait3A_54 = arith.constant 0 : i32
      %dma_wait3A_55 = tpu.memref_slice %arg6[%arg0, %add3A_42, %dma_wait3A_54] : memref<2x20480x64xf32, #tpu.memory_space<hbm>> -> memref<1x128x64xf32, #tpu.memory_space<hbm>>
      %dma_wait3A_56 = tpu.memref_squeeze %dma_wait3A_55 : memref<1x128x64xf32, #tpu.memory_space<hbm>> -> memref<128x64xf32, #tpu.memory_space<hbm>>
      tpu.wait_dma2 semaphore(%run_scoped3A : memref<!tpu.dma_semaphore, #tpu.memory_space<semaphore_mem>>) src(%arg9 : memref<128x64xf32, #tpu.memory_space<vmem>>) dst(%dma_wait3A_56 : memref<128x64xf32, #tpu.memory_space<hbm>>)
      tpu.yield
    }) : () -> ()
    %add3A_43 = arith.constant 1024 : i32
    %add3A_44 = arith.addi %mul3A_0, %add3A_43 : i32
    "tpu.region"() ({
      %run_scoped3A = tpu.sem_alloc : memref<!tpu.dma_semaphore, #tpu.memory_space<semaphore_mem>>
      %dma_start3A = arith.constant 0 : i32
      %dma_start3A_47 = tpu.memref_slice %arg13[%add3A_44, %dma_start3A] : memref<20480x64xf32, #tpu.memory_space<vmem_shared>> -> memref<128x64xf32, #tpu.memory_space<vmem_shared>>
      %dma_start3A_48 = arith.constant 0 : i32
      %dma_start3A_49 = tpu.memref_slice %arg13[%add3A_44, %dma_start3A_48] : memref<20480x64xf32, #tpu.memory_space<vmem_shared>> -> memref<128x64xf32, #tpu.memory_space<vmem_shared>>
      tpu.enqueue_dma source(%dma_start3A_49 : memref<128x64xf32, #tpu.memory_space<vmem_shared>>) target(%arg9 : memref<128x64xf32, #tpu.memory_space<vmem>>) target_semaphore(%run_scoped3A : memref<!tpu.dma_semaphore, #tpu.memory_space<semaphore_mem>>)
      %dma_wait3A = arith.constant 0 : i32
      %dma_wait3A_50 = tpu.memref_slice %arg13[%add3A_44, %dma_wait3A] : memref<20480x64xf32, #tpu.memory_space<vmem_shared>> -> memref<128x64xf32, #tpu.memory_space<vmem_shared>>
      %dma_wait3A_51 = arith.constant 0 : i32
      %dma_wait3A_52 = tpu.memref_slice %arg13[%add3A_44, %dma_wait3A_51] : memref<20480x64xf32, #tpu.memory_space<vmem_shared>> -> memref<128x64xf32, #tpu.memory_space<vmem_shared>>
      tpu.wait_dma2 semaphore(%run_scoped3A : memref<!tpu.dma_semaphore, #tpu.memory_space<semaphore_mem>>) src(%dma_wait3A_52 : memref<128x64xf32, #tpu.memory_space<vmem_shared>>) dst(%arg9 : memref<128x64xf32, #tpu.memory_space<vmem>>)
      tpu.yield
    }) : () -> ()
    "tpu.region"() ({
      %run_scoped3A = tpu.sem_alloc : memref<!tpu.dma_semaphore, #tpu.memory_space<semaphore_mem>>
      %dma_start3A = arith.constant 0 : i32
      %dma_start3A_47 = tpu.memref_slice %arg6[%arg0, %add3A_44, %dma_start3A] : memref<2x20480x64xf32, #tpu.memory_space<hbm>> -> memref<1x128x64xf32, #tpu.memory_space<hbm>>
      %dma_start3A_48 = tpu.memref_squeeze %dma_start3A_47 : memref<1x128x64xf32, #tpu.memory_space<hbm>> -> memref<128x64xf32, #tpu.memory_space<hbm>>
      %dma_start3A_49 = arith.constant 0 : i32
      %dma_start3A_50 = tpu.memref_slice %arg6[%arg0, %add3A_44, %dma_start3A_49] : memref<2x20480x64xf32, #tpu.memory_space<hbm>> -> memref<1x128x64xf32, #tpu.memory_space<hbm>>
      %dma_start3A_51 = tpu.memref_squeeze %dma_start3A_50 : memref<1x128x64xf32, #tpu.memory_space<hbm>> -> memref<128x64xf32, #tpu.memory_space<hbm>>
      tpu.enqueue_dma source(%arg9 : memref<128x64xf32, #tpu.memory_space<vmem>>) target(%dma_start3A_51 : memref<128x64xf32, #tpu.memory_space<hbm>>) target_semaphore(%run_scoped3A : memref<!tpu.dma_semaphore, #tpu.memory_space<semaphore_mem>>)
      %dma_wait3A = arith.constant 0 : i32
      %dma_wait3A_52 = tpu.memref_slice %arg6[%arg0, %add3A_44, %dma_wait3A] : memref<2x20480x64xf32, #tpu.memory_space<hbm>> -> memref<1x128x64xf32, #tpu.memory_space<hbm>>
      %dma_wait3A_53 = tpu.memref_squeeze %dma_wait3A_52 : memref<1x128x64xf32, #tpu.memory_space<hbm>> -> memref<128x64xf32, #tpu.memory_space<hbm>>
      %dma_wait3A_54 = arith.constant 0 : i32
      %dma_wait3A_55 = tpu.memref_slice %arg6[%arg0, %add3A_44, %dma_wait3A_54] : memref<2x20480x64xf32, #tpu.memory_space<hbm>> -> memref<1x128x64xf32, #tpu.memory_space<hbm>>
      %dma_wait3A_56 = tpu.memref_squeeze %dma_wait3A_55 : memref<1x128x64xf32, #tpu.memory_space<hbm>> -> memref<128x64xf32, #tpu.memory_space<hbm>>
      tpu.wait_dma2 semaphore(%run_scoped3A : memref<!tpu.dma_semaphore, #tpu.memory_space<semaphore_mem>>) src(%arg9 : memref<128x64xf32, #tpu.memory_space<vmem>>) dst(%dma_wait3A_56 : memref<128x64xf32, #tpu.memory_space<hbm>>)
      tpu.yield
    }) : () -> ()
    %add3A_45 = arith.constant 1152 : i32
    %add3A_46 = arith.addi %mul3A_0, %add3A_45 : i32
    "tpu.region"() ({
      %run_scoped3A = tpu.sem_alloc : memref<!tpu.dma_semaphore, #tpu.memory_space<semaphore_mem>>
      %dma_start3A = arith.constant 0 : i32
      %dma_start3A_47 = tpu.memref_slice %arg13[%add3A_46, %dma_start3A] : memref<20480x64xf32, #tpu.memory_space<vmem_shared>> -> memref<128x64xf32, #tpu.memory_space<vmem_shared>>
      %dma_start3A_48 = arith.constant 0 : i32
      %dma_start3A_49 = tpu.memref_slice %arg13[%add3A_46, %dma_start3A_48] : memref<20480x64xf32, #tpu.memory_space<vmem_shared>> -> memref<128x64xf32, #tpu.memory_space<vmem_shared>>
      tpu.enqueue_dma source(%dma_start3A_49 : memref<128x64xf32, #tpu.memory_space<vmem_shared>>) target(%arg9 : memref<128x64xf32, #tpu.memory_space<vmem>>) target_semaphore(%run_scoped3A : memref<!tpu.dma_semaphore, #tpu.memory_space<semaphore_mem>>)
      %dma_wait3A = arith.constant 0 : i32
      %dma_wait3A_50 = tpu.memref_slice %arg13[%add3A_46, %dma_wait3A] : memref<20480x64xf32, #tpu.memory_space<vmem_shared>> -> memref<128x64xf32, #tpu.memory_space<vmem_shared>>
      %dma_wait3A_51 = arith.constant 0 : i32
      %dma_wait3A_52 = tpu.memref_slice %arg13[%add3A_46, %dma_wait3A_51] : memref<20480x64xf32, #tpu.memory_space<vmem_shared>> -> memref<128x64xf32, #tpu.memory_space<vmem_shared>>
      tpu.wait_dma2 semaphore(%run_scoped3A : memref<!tpu.dma_semaphore, #tpu.memory_space<semaphore_mem>>) src(%dma_wait3A_52 : memref<128x64xf32, #tpu.memory_space<vmem_shared>>) dst(%arg9 : memref<128x64xf32, #tpu.memory_space<vmem>>)
      tpu.yield
    }) : () -> ()
    "tpu.region"() ({
      %run_scoped3A = tpu.sem_alloc : memref<!tpu.dma_semaphore, #tpu.memory_space<semaphore_mem>>
      %dma_start3A = arith.constant 0 : i32
      %dma_start3A_47 = tpu.memref_slice %arg6[%arg0, %add3A_46, %dma_start3A] : memref<2x20480x64xf32, #tpu.memory_space<hbm>> -> memref<1x128x64xf32, #tpu.memory_space<hbm>>
      %dma_start3A_48 = tpu.memref_squeeze %dma_start3A_47 : memref<1x128x64xf32, #tpu.memory_space<hbm>> -> memref<128x64xf32, #tpu.memory_space<hbm>>
      %dma_start3A_49 = arith.constant 0 : i32
      %dma_start3A_50 = tpu.memref_slice %arg6[%arg0, %add3A_46, %dma_start3A_49] : memref<2x20480x64xf32, #tpu.memory_space<hbm>> -> memref<1x128x64xf32, #tpu.memory_space<hbm>>
      %dma_start3A_51 = tpu.memref_squeeze %dma_start3A_50 : memref<1x128x64xf32, #tpu.memory_space<hbm>> -> memref<128x64xf32, #tpu.memory_space<hbm>>
      tpu.enqueue_dma source(%arg9 : memref<128x64xf32, #tpu.memory_space<vmem>>) target(%dma_start3A_51 : memref<128x64xf32, #tpu.memory_space<hbm>>) target_semaphore(%run_scoped3A : memref<!tpu.dma_semaphore, #tpu.memory_space<semaphore_mem>>)
      %dma_wait3A = arith.constant 0 : i32
      %dma_wait3A_52 = tpu.memref_slice %arg6[%arg0, %add3A_46, %dma_wait3A] : memref<2x20480x64xf32, #tpu.memory_space<hbm>> -> memref<1x128x64xf32, #tpu.memory_space<hbm>>
      %dma_wait3A_53 = tpu.memref_squeeze %dma_wait3A_52 : memref<1x128x64xf32, #tpu.memory_space<hbm>> -> memref<128x64xf32, #tpu.memory_space<hbm>>
      %dma_wait3A_54 = arith.constant 0 : i32
      %dma_wait3A_55 = tpu.memref_slice %arg6[%arg0, %add3A_46, %dma_wait3A_54] : memref<2x20480x64xf32, #tpu.memory_space<hbm>> -> memref<1x128x64xf32, #tpu.memory_space<hbm>>
      %dma_wait3A_56 = tpu.memref_squeeze %dma_wait3A_55 : memref<1x128x64xf32, #tpu.memory_space<hbm>> -> memref<128x64xf32, #tpu.memory_space<hbm>>
      tpu.wait_dma2 semaphore(%run_scoped3A : memref<!tpu.dma_semaphore, #tpu.memory_space<semaphore_mem>>) src(%arg9 : memref<128x64xf32, #tpu.memory_space<vmem>>) dst(%dma_wait3A_56 : memref<128x64xf32, #tpu.memory_space<hbm>>)
      tpu.yield
    }) : () -> ()
    return
  }
}

module attributes {stable_mosaic.version = 14 : i64} {
  func.func @_tc_mix_body(%arg0: i32, %arg1: memref<2000x64xf32, #tpu.memory_space<vmem>>, %arg2: memref<2000x64xf32, #tpu.memory_space<vmem>>, %arg3: memref<2000x64xf32, #tpu.memory_space<vmem>>, %arg4: memref<2000x64xf32, #tpu.memory_space<vmem>>, %arg5: memref<2000x16xf32, #tpu.memory_space<vmem>>, %arg6: memref<2000x16xf32, #tpu.memory_space<vmem>>, %arg7: memref<128x128xf32, #tpu.memory_space<vmem>>, %arg8: memref<128x128xf32, #tpu.memory_space<vmem>>, %arg9: memref<1x128xf32, #tpu.memory_space<vmem>>, %arg10: memref<1x128xf32, #tpu.memory_space<vmem>>, %arg11: memref<1x2xf32, #tpu.memory_space<vmem>>, %arg12: memref<2000x128xf32, #tpu.memory_space<vmem>>) attributes {dimension_semantics = [#tpu.dimension_semantics<arbitrary>], iteration_bounds = array<i64: 5>, scalar_prefetch = 0 : i64, scratch_operands = 0 : i64, tpu.core_type = #tpu.core_type<tc>, window_params = [{transform_indices = @transform_0, window_bounds = array<i64: 2000, 64>}, {transform_indices = @transform_1, window_bounds = array<i64: 2000, 64>}, {transform_indices = @transform_2, window_bounds = array<i64: 2000, 64>}, {transform_indices = @transform_3, window_bounds = array<i64: 2000, 64>}, {transform_indices = @transform_4, window_bounds = array<i64: 2000, 16>}, {transform_indices = @transform_5, window_bounds = array<i64: 2000, 16>}, {pipeline_mode = #tpu.pipeline_mode<synchronous>, transform_indices = @transform_6, window_bounds = array<i64: 128, 128>}, {pipeline_mode = #tpu.pipeline_mode<synchronous>, transform_indices = @transform_7, window_bounds = array<i64: 128, 128>}, {pipeline_mode = #tpu.pipeline_mode<synchronous>, transform_indices = @transform_8, window_bounds = array<i64: 1, 128>}, {pipeline_mode = #tpu.pipeline_mode<synchronous>, transform_indices = @transform_9, window_bounds = array<i64: 1, 128>}, {pipeline_mode = #tpu.pipeline_mode<synchronous>, transform_indices = @transform_10, window_bounds = array<i64: 1, 2>}, {transform_indices = @transform_11, window_bounds = array<i64: 2000, 128>}]} {
    %get3A = arith.constant 0 : index
    %get3A_0 = arith.constant 0 : index
    %get3A_1 = vector.load %arg5[%get3A, %get3A_0] : memref<2000x16xf32, #tpu.memory_space<vmem>>, vector<2000x1xf32>
    %max3A = arith.constant 1.000000e+00 : f32
    %max3A_2 = vector.broadcast %max3A : f32 to vector<2000x1xf32>
    %max3A_3 = arith.maximumf %get3A_1, %max3A_2 : vector<2000x1xf32>
    %get3A_4 = arith.constant 0 : index
    %get3A_5 = arith.constant 0 : index
    %get3A_6 = vector.load %arg6[%get3A_4, %get3A_5] : memref<2000x16xf32, #tpu.memory_space<vmem>>, vector<2000x1xf32>
    %max3A_7 = arith.constant 1.000000e+00 : f32
    %max3A_8 = vector.broadcast %max3A_7 : f32 to vector<2000x1xf32>
    %max3A_9 = arith.maximumf %get3A_6, %max3A_8 : vector<2000x1xf32>
    %get3A_10 = arith.constant 0 : index
    %get3A_11 = arith.constant 0 : index
    %get3A_12 = vector.load %arg1[%get3A_10, %get3A_11] : memref<2000x64xf32, #tpu.memory_space<vmem>>, vector<2000x64xf32>
    %div3A = vector.broadcast %max3A_3 : vector<2000x1xf32> to vector<2000x64xf32>
    %div3A_13 = arith.divf %get3A_12, %div3A : vector<2000x64xf32>
    %get3A_14 = arith.constant 0 : index
    %get3A_15 = arith.constant 0 : index
    %get3A_16 = vector.load %arg7[%get3A_14, %get3A_15] : memref<128x128xf32, #tpu.memory_space<vmem>>, vector<64x128xf32>
    %dot_general3A = arith.constant dense<0.000000e+00> : vector<2000x128xf32>
    %dot_general3A_17 = tpu.matmul %div3A_13, %get3A_16, %dot_general3A {dimension_numbers = #tpu.dot_dimension_numbers<[1], [0], [0], [1], [0, 0, 1, 1], [], []>, transpose_lhs_hint = false} : vector<2000x64xf32>, vector<64x128xf32>, vector<2000x128xf32> -> vector<2000x128xf32>
    %get3A_18 = arith.constant 0 : index
    %get3A_19 = arith.constant 0 : index
    %get3A_20 = vector.load %arg2[%get3A_18, %get3A_19] : memref<2000x64xf32, #tpu.memory_space<vmem>>, vector<2000x64xf32>
    %div3A_21 = vector.broadcast %max3A_3 : vector<2000x1xf32> to vector<2000x64xf32>
    %div3A_22 = arith.divf %get3A_20, %div3A_21 : vector<2000x64xf32>
    %get3A_23 = arith.constant 64 : index
    %get3A_24 = arith.constant 0 : index
    %get3A_25 = vector.load %arg7[%get3A_23, %get3A_24] : memref<128x128xf32, #tpu.memory_space<vmem>>, vector<64x128xf32>
    %dot_general3A_26 = arith.constant dense<0.000000e+00> : vector<2000x128xf32>
    %dot_general3A_27 = tpu.matmul %div3A_22, %get3A_25, %dot_general3A_26 {dimension_numbers = #tpu.dot_dimension_numbers<[1], [0], [0], [1], [0, 0, 1, 1], [], []>, transpose_lhs_hint = false} : vector<2000x64xf32>, vector<64x128xf32>, vector<2000x128xf32> -> vector<2000x128xf32>
    %add3A = arith.addf %dot_general3A_17, %dot_general3A_27 : vector<2000x128xf32>
    %get3A_28 = arith.constant 0 : index
    %get3A_29 = arith.constant 0 : index
    %get3A_30 = vector.load %arg9[%get3A_28, %get3A_29] : memref<1x128xf32, #tpu.memory_space<vmem>>, vector<1x128xf32>
    %add3A_31 = vector.broadcast %get3A_30 : vector<1x128xf32> to vector<2000x128xf32>
    %add3A_32 = arith.addf %add3A, %add3A_31 : vector<2000x128xf32>
    %get3A_33 = arith.constant 0 : index
    %get3A_34 = arith.constant 0 : index
    %get3A_35 = vector.load %arg3[%get3A_33, %get3A_34] : memref<2000x64xf32, #tpu.memory_space<vmem>>, vector<2000x64xf32>
    %div3A_36 = vector.broadcast %max3A_9 : vector<2000x1xf32> to vector<2000x64xf32>
    %div3A_37 = arith.divf %get3A_35, %div3A_36 : vector<2000x64xf32>
    %get3A_38 = arith.constant 0 : index
    %get3A_39 = arith.constant 0 : index
    %get3A_40 = vector.load %arg8[%get3A_38, %get3A_39] : memref<128x128xf32, #tpu.memory_space<vmem>>, vector<64x128xf32>
    %dot_general3A_41 = arith.constant dense<0.000000e+00> : vector<2000x128xf32>
    %dot_general3A_42 = tpu.matmul %div3A_37, %get3A_40, %dot_general3A_41 {dimension_numbers = #tpu.dot_dimension_numbers<[1], [0], [0], [1], [0, 0, 1, 1], [], []>, transpose_lhs_hint = false} : vector<2000x64xf32>, vector<64x128xf32>, vector<2000x128xf32> -> vector<2000x128xf32>
    %get3A_43 = arith.constant 0 : index
    %get3A_44 = arith.constant 0 : index
    %get3A_45 = vector.load %arg4[%get3A_43, %get3A_44] : memref<2000x64xf32, #tpu.memory_space<vmem>>, vector<2000x64xf32>
    %div3A_46 = vector.broadcast %max3A_9 : vector<2000x1xf32> to vector<2000x64xf32>
    %div3A_47 = arith.divf %get3A_45, %div3A_46 : vector<2000x64xf32>
    %get3A_48 = arith.constant 64 : index
    %get3A_49 = arith.constant 0 : index
    %get3A_50 = vector.load %arg8[%get3A_48, %get3A_49] : memref<128x128xf32, #tpu.memory_space<vmem>>, vector<64x128xf32>
    %dot_general3A_51 = arith.constant dense<0.000000e+00> : vector<2000x128xf32>
    %dot_general3A_52 = tpu.matmul %div3A_47, %get3A_50, %dot_general3A_51 {dimension_numbers = #tpu.dot_dimension_numbers<[1], [0], [0], [1], [0, 0, 1, 1], [], []>, transpose_lhs_hint = false} : vector<2000x64xf32>, vector<64x128xf32>, vector<2000x128xf32> -> vector<2000x128xf32>
    %add3A_53 = arith.addf %dot_general3A_42, %dot_general3A_52 : vector<2000x128xf32>
    %get3A_54 = arith.constant 0 : index
    %get3A_55 = arith.constant 0 : index
    %get3A_56 = vector.load %arg10[%get3A_54, %get3A_55] : memref<1x128xf32, #tpu.memory_space<vmem>>, vector<1x128xf32>
    %add3A_57 = vector.broadcast %get3A_56 : vector<1x128xf32> to vector<2000x128xf32>
    %add3A_58 = arith.addf %add3A_53, %add3A_57 : vector<2000x128xf32>
    %get3A_59 = arith.constant 0 : index
    %get3A_60 = arith.constant 0 : index
    %get3A_61 = vector.load %arg11[%get3A_59, %get3A_60] : memref<1x2xf32, #tpu.memory_space<vmem>>, vector<1x1xf32>
    %get3A_62 = vector.extract %get3A_61[0, 0] : f32 from vector<1x1xf32>
    %mul3A = vector.broadcast %get3A_62 : f32 to vector<2000x128xf32>
    %mul3A_63 = arith.mulf %mul3A, %add3A_32 : vector<2000x128xf32>
    %get3A_64 = arith.constant 0 : index
    %get3A_65 = arith.constant 1 : index
    %get3A_66 = vector.load %arg11[%get3A_64, %get3A_65] : memref<1x2xf32, #tpu.memory_space<vmem>>, vector<1x1xf32>
    %get3A_67 = vector.extract %get3A_66[0, 0] : f32 from vector<1x1xf32>
    %mul3A_68 = vector.broadcast %get3A_67 : f32 to vector<2000x128xf32>
    %mul3A_69 = arith.mulf %mul3A_68, %add3A_58 : vector<2000x128xf32>
    %add3A_70 = arith.addf %mul3A_63, %mul3A_69 : vector<2000x128xf32>
    %swap3A = arith.constant 0 : index
    %swap3A_71 = arith.constant 0 : index
    %swap3A_72 = vector.load %arg12[%swap3A, %swap3A_71] : memref<2000x128xf32, #tpu.memory_space<vmem>>, vector<2000x128xf32>
    tpu.vector_store %arg12[%swap3A, %swap3A_71], %add3A_70 {strides = array<i32>} : memref<2000x128xf32, #tpu.memory_space<vmem>>, vector<2000x128xf32>,
    return
  }
  func.func @transform_0(%arg0: i32) -> (i32, i32) {
    %c0_i32 = arith.constant 0 : i32
    %c0_i32_0 = arith.constant 0 : i32
    return %arg0, %c0_i32 : i32, i32
  }
  func.func @transform_1(%arg0: i32) -> (i32, i32) {
    %c0_i32 = arith.constant 0 : i32
    %c0_i32_0 = arith.constant 0 : i32
    return %arg0, %c0_i32 : i32, i32
  }
  func.func @transform_2(%arg0: i32) -> (i32, i32) {
    %add3A = arith.constant 5 : i32
    %add3A_0 = arith.addi %arg0, %add3A : i32
    %c0_i32 = arith.constant 0 : i32
    %c0_i32_1 = arith.constant 0 : i32
    return %add3A_0, %c0_i32 : i32, i32
  }
  func.func @transform_3(%arg0: i32) -> (i32, i32) {
    %add3A = arith.constant 5 : i32
    %add3A_0 = arith.addi %arg0, %add3A : i32
    %c0_i32 = arith.constant 0 : i32
    %c0_i32_1 = arith.constant 0 : i32
    return %add3A_0, %c0_i32 : i32, i32
  }
  func.func @transform_4(%arg0: i32) -> (i32, i32) {
    %c0_i32 = arith.constant 0 : i32
    %c0_i32_0 = arith.constant 0 : i32
    return %arg0, %c0_i32 : i32, i32
  }
  func.func @transform_5(%arg0: i32) -> (i32, i32) {
    %add3A = arith.constant 5 : i32
    %add3A_0 = arith.addi %arg0, %add3A : i32
    %c0_i32 = arith.constant 0 : i32
    %c0_i32_1 = arith.constant 0 : i32
    return %add3A_0, %c0_i32 : i32, i32
  }
  func.func @transform_6(%arg0: i32) -> (i32, i32) {
    %c0_i32 = arith.constant 0 : i32
    %c0_i32_0 = arith.constant 0 : i32
    %c0_i32_1 = arith.constant 0 : i32
    return %c0_i32, %c0_i32_0 : i32, i32
  }
  func.func @transform_7(%arg0: i32) -> (i32, i32) {
    %c0_i32 = arith.constant 0 : i32
    %c0_i32_0 = arith.constant 0 : i32
    %c0_i32_1 = arith.constant 0 : i32
    return %c0_i32, %c0_i32_0 : i32, i32
  }
  func.func @transform_8(%arg0: i32) -> (i32, i32) {
    %c0_i32 = arith.constant 0 : i32
    %c0_i32_0 = arith.constant 0 : i32
    %c0_i32_1 = arith.constant 0 : i32
    return %c0_i32, %c0_i32_0 : i32, i32
  }
  func.func @transform_9(%arg0: i32) -> (i32, i32) {
    %c0_i32 = arith.constant 0 : i32
    %c0_i32_0 = arith.constant 0 : i32
    %c0_i32_1 = arith.constant 0 : i32
    return %c0_i32, %c0_i32_0 : i32, i32
  }
  func.func @transform_10(%arg0: i32) -> (i32, i32) {
    %c0_i32 = arith.constant 0 : i32
    %c0_i32_0 = arith.constant 0 : i32
    %c0_i32_1 = arith.constant 0 : i32
    return %c0_i32, %c0_i32_0 : i32, i32
  }
  func.func @transform_11(%arg0: i32) -> (i32, i32) {
    %c0_i32 = arith.constant 0 : i32
    %c0_i32_0 = arith.constant 0 : i32
    return %arg0, %c0_i32 : i32, i32
  }
}

module attributes {stable_mosaic.version = 14 : i64} {
  func.func @_tc_bn_body(%arg0: memref<10000x128xf32, #tpu.memory_space<vmem>>, %arg1: memref<1x128xf32, #tpu.memory_space<vmem>>, %arg2: memref<1x128xf32, #tpu.memory_space<vmem>>, %arg3: memref<2x10000x64xf32, #tpu.memory_space<vmem>>) attributes {dimension_semantics = [], scalar_prefetch = 0 : i64, scratch_operands = 0 : i64, tpu.core_type = #tpu.core_type<tc>} {
    %get3A = arith.constant 0 : index
    %get3A_0 = arith.constant 0 : index
    %get3A_1 = vector.load %arg0[%get3A, %get3A_0] : memref<10000x128xf32, #tpu.memory_space<vmem>>, vector<10000x128xf32>
    %reduce_sum3A = arith.constant dense<0.000000e+00> : vector<128xf32>
    %reduce_sum3A_2 = vector.multi_reduction <add>, %get3A_1, %reduce_sum3A [0] : vector<10000x128xf32> to vector<128xf32>
    %broadcast_in_dim3A = vector.shape_cast %reduce_sum3A_2 : vector<128xf32> to vector<1x128xf32>
    %div3A = arith.constant 1.000000e+04 : f32
    %div3A_3 = vector.broadcast %div3A : f32 to vector<1x128xf32>
    %div3A_4 = arith.divf %broadcast_in_dim3A, %div3A_3 : vector<1x128xf32>
    %sub3A = vector.broadcast %div3A_4 : vector<1x128xf32> to vector<10000x128xf32>
    %sub3A_5 = arith.subf %get3A_1, %sub3A : vector<10000x128xf32>
    %sub3A_6 = vector.broadcast %div3A_4 : vector<1x128xf32> to vector<10000x128xf32>
    %sub3A_7 = arith.subf %get3A_1, %sub3A_6 : vector<10000x128xf32>
    %mul3A = arith.mulf %sub3A_5, %sub3A_7 : vector<10000x128xf32>
    %reduce_sum3A_8 = arith.constant dense<0.000000e+00> : vector<128xf32>
    %reduce_sum3A_9 = vector.multi_reduction <add>, %mul3A, %reduce_sum3A_8 [0] : vector<10000x128xf32> to vector<128xf32>
    %broadcast_in_dim3A_10 = vector.shape_cast %reduce_sum3A_9 : vector<128xf32> to vector<1x128xf32>
    %div3A_11 = arith.constant 1.000000e+04 : f32
    %div3A_12 = vector.broadcast %div3A_11 : f32 to vector<1x128xf32>
    %div3A_13 = arith.divf %broadcast_in_dim3A_10, %div3A_12 : vector<1x128xf32>
    %sub3A_14 = vector.broadcast %div3A_4 : vector<1x128xf32> to vector<10000x128xf32>
    %sub3A_15 = arith.subf %get3A_1, %sub3A_14 : vector<10000x128xf32>
    %add3A = arith.constant 9.99999974E-6 : f32
    %add3A_16 = vector.broadcast %add3A : f32 to vector<1x128xf32>
    %add3A_17 = arith.addf %div3A_13, %add3A_16 : vector<1x128xf32>
    %rsqrt3A = math.rsqrt %add3A_17 : vector<1x128xf32>
    %mul3A_18 = vector.broadcast %rsqrt3A : vector<1x128xf32> to vector<10000x128xf32>
    %mul3A_19 = arith.mulf %sub3A_15, %mul3A_18 : vector<10000x128xf32>
    %get3A_20 = arith.constant 0 : index
    %get3A_21 = arith.constant 0 : index
    %get3A_22 = vector.load %arg1[%get3A_20, %get3A_21] : memref<1x128xf32, #tpu.memory_space<vmem>>, vector<1x128xf32>
    %mul3A_23 = vector.broadcast %get3A_22 : vector<1x128xf32> to vector<10000x128xf32>
    %mul3A_24 = arith.mulf %mul3A_19, %mul3A_23 : vector<10000x128xf32>
    %get3A_25 = arith.constant 0 : index
    %get3A_26 = arith.constant 0 : index
    %get3A_27 = vector.load %arg2[%get3A_25, %get3A_26] : memref<1x128xf32, #tpu.memory_space<vmem>>, vector<1x128xf32>
    %add3A_28 = vector.broadcast %get3A_27 : vector<1x128xf32> to vector<10000x128xf32>
    %add3A_29 = arith.addf %mul3A_24, %add3A_28 : vector<10000x128xf32>
    %max3A = arith.constant 0.000000e+00 : f32
    %max3A_30 = vector.broadcast %max3A : f32 to vector<10000x128xf32>
    %max3A_31 = arith.maximumf %add3A_29, %max3A_30 : vector<10000x128xf32>
    %slice3A = vector.extract_strided_slice %max3A_31 {offsets = [0, 0], sizes = [10000, 64], strides = [1, 1]} : vector<10000x128xf32> to vector<10000x64xf32>
    %swap3A = arith.constant 0 : index
    %swap3A_32 = arith.constant 0 : index
    %swap3A_33 = arith.constant 0 : index
    %swap3A_34 = vector.load %arg3[%swap3A, %swap3A_32, %swap3A_33] : memref<2x10000x64xf32, #tpu.memory_space<vmem>>, vector<1x10000x64xf32>
    %swap3A_35 = vector.shape_cast %swap3A_34 : vector<1x10000x64xf32> to vector<10000x64xf32>
    %swap3A_36 = vector.shape_cast %slice3A : vector<10000x64xf32> to vector<1x10000x64xf32>
    tpu.vector_store %arg3[%swap3A, %swap3A_32, %swap3A_33], %swap3A_36 {strides = array<i32>} : memref<2x10000x64xf32, #tpu.memory_space<vmem>>, vector<1x10000x64xf32>,
    %slice3A_37 = vector.extract_strided_slice %max3A_31 {offsets = [0, 64], sizes = [10000, 64], strides = [1, 1]} : vector<10000x128xf32> to vector<10000x64xf32>
    %swap3A_38 = arith.constant 1 : index
    %swap3A_39 = arith.constant 0 : index
    %swap3A_40 = arith.constant 0 : index
    %swap3A_41 = vector.load %arg3[%swap3A_38, %swap3A_39, %swap3A_40] : memref<2x10000x64xf32, #tpu.memory_space<vmem>>, vector<1x10000x64xf32>
    %swap3A_42 = vector.shape_cast %swap3A_41 : vector<1x10000x64xf32> to vector<10000x64xf32>
    %swap3A_43 = vector.shape_cast %slice3A_37 : vector<10000x64xf32> to vector<1x10000x64xf32>
    tpu.vector_store %arg3[%swap3A_38, %swap3A_39, %swap3A_40], %swap3A_43 {strides = array<i32>} : memref<2x10000x64xf32, #tpu.memory_space<vmem>>, vector<1x10000x64xf32>,
    return
  }
}

module attributes {stable_mosaic.version = 14 : i64} {
  func.func @_tc_mix_body(%arg0: i32, %arg1: memref<2000x64xf32, #tpu.memory_space<vmem>>, %arg2: memref<2000x64xf32, #tpu.memory_space<vmem>>, %arg3: memref<2000x64xf32, #tpu.memory_space<vmem>>, %arg4: memref<2000x64xf32, #tpu.memory_space<vmem>>, %arg5: memref<2000x16xf32, #tpu.memory_space<vmem>>, %arg6: memref<2000x16xf32, #tpu.memory_space<vmem>>, %arg7: memref<128x128xf32, #tpu.memory_space<vmem>>, %arg8: memref<128x128xf32, #tpu.memory_space<vmem>>, %arg9: memref<1x128xf32, #tpu.memory_space<vmem>>, %arg10: memref<1x128xf32, #tpu.memory_space<vmem>>, %arg11: memref<1x2xf32, #tpu.memory_space<vmem>>, %arg12: memref<2000x128xf32, #tpu.memory_space<vmem>>) attributes {dimension_semantics = [#tpu.dimension_semantics<arbitrary>], iteration_bounds = array<i64: 5>, scalar_prefetch = 0 : i64, scratch_operands = 0 : i64, tpu.core_type = #tpu.core_type<tc>, window_params = [{transform_indices = @transform_0, window_bounds = array<i64: 2000, 64>}, {transform_indices = @transform_1, window_bounds = array<i64: 2000, 64>}, {transform_indices = @transform_2, window_bounds = array<i64: 2000, 64>}, {transform_indices = @transform_3, window_bounds = array<i64: 2000, 64>}, {transform_indices = @transform_4, window_bounds = array<i64: 2000, 16>}, {transform_indices = @transform_5, window_bounds = array<i64: 2000, 16>}, {pipeline_mode = #tpu.pipeline_mode<synchronous>, transform_indices = @transform_6, window_bounds = array<i64: 128, 128>}, {pipeline_mode = #tpu.pipeline_mode<synchronous>, transform_indices = @transform_7, window_bounds = array<i64: 128, 128>}, {pipeline_mode = #tpu.pipeline_mode<synchronous>, transform_indices = @transform_8, window_bounds = array<i64: 1, 128>}, {pipeline_mode = #tpu.pipeline_mode<synchronous>, transform_indices = @transform_9, window_bounds = array<i64: 1, 128>}, {pipeline_mode = #tpu.pipeline_mode<synchronous>, transform_indices = @transform_10, window_bounds = array<i64: 1, 2>}, {transform_indices = @transform_11, window_bounds = array<i64: 2000, 128>}]} {
    %get3A = arith.constant 0 : index
    %get3A_0 = arith.constant 0 : index
    %get3A_1 = vector.load %arg5[%get3A, %get3A_0] : memref<2000x16xf32, #tpu.memory_space<vmem>>, vector<2000x1xf32>
    %max3A = arith.constant 1.000000e+00 : f32
    %max3A_2 = vector.broadcast %max3A : f32 to vector<2000x1xf32>
    %max3A_3 = arith.maximumf %get3A_1, %max3A_2 : vector<2000x1xf32>
    %get3A_4 = arith.constant 0 : index
    %get3A_5 = arith.constant 0 : index
    %get3A_6 = vector.load %arg6[%get3A_4, %get3A_5] : memref<2000x16xf32, #tpu.memory_space<vmem>>, vector<2000x1xf32>
    %max3A_7 = arith.constant 1.000000e+00 : f32
    %max3A_8 = vector.broadcast %max3A_7 : f32 to vector<2000x1xf32>
    %max3A_9 = arith.maximumf %get3A_6, %max3A_8 : vector<2000x1xf32>
    %get3A_10 = arith.constant 0 : index
    %get3A_11 = arith.constant 0 : index
    %get3A_12 = vector.load %arg1[%get3A_10, %get3A_11] : memref<2000x64xf32, #tpu.memory_space<vmem>>, vector<2000x64xf32>
    %div3A = vector.broadcast %max3A_3 : vector<2000x1xf32> to vector<2000x64xf32>
    %div3A_13 = arith.divf %get3A_12, %div3A : vector<2000x64xf32>
    %get3A_14 = arith.constant 0 : index
    %get3A_15 = arith.constant 0 : index
    %get3A_16 = vector.load %arg7[%get3A_14, %get3A_15] : memref<128x128xf32, #tpu.memory_space<vmem>>, vector<64x128xf32>
    %dot_general3A = arith.constant dense<0.000000e+00> : vector<2000x128xf32>
    %dot_general3A_17 = tpu.matmul %div3A_13, %get3A_16, %dot_general3A {dimension_numbers = #tpu.dot_dimension_numbers<[1], [0], [0], [1], [0, 0, 1, 1], [], []>, transpose_lhs_hint = false} : vector<2000x64xf32>, vector<64x128xf32>, vector<2000x128xf32> -> vector<2000x128xf32>
    %get3A_18 = arith.constant 0 : index
    %get3A_19 = arith.constant 0 : index
    %get3A_20 = vector.load %arg2[%get3A_18, %get3A_19] : memref<2000x64xf32, #tpu.memory_space<vmem>>, vector<2000x64xf32>
    %div3A_21 = vector.broadcast %max3A_3 : vector<2000x1xf32> to vector<2000x64xf32>
    %div3A_22 = arith.divf %get3A_20, %div3A_21 : vector<2000x64xf32>
    %get3A_23 = arith.constant 64 : index
    %get3A_24 = arith.constant 0 : index
    %get3A_25 = vector.load %arg7[%get3A_23, %get3A_24] : memref<128x128xf32, #tpu.memory_space<vmem>>, vector<64x128xf32>
    %dot_general3A_26 = arith.constant dense<0.000000e+00> : vector<2000x128xf32>
    %dot_general3A_27 = tpu.matmul %div3A_22, %get3A_25, %dot_general3A_26 {dimension_numbers = #tpu.dot_dimension_numbers<[1], [0], [0], [1], [0, 0, 1, 1], [], []>, transpose_lhs_hint = false} : vector<2000x64xf32>, vector<64x128xf32>, vector<2000x128xf32> -> vector<2000x128xf32>
    %add3A = arith.addf %dot_general3A_17, %dot_general3A_27 : vector<2000x128xf32>
    %get3A_28 = arith.constant 0 : index
    %get3A_29 = arith.constant 0 : index
    %get3A_30 = vector.load %arg9[%get3A_28, %get3A_29] : memref<1x128xf32, #tpu.memory_space<vmem>>, vector<1x128xf32>
    %add3A_31 = vector.broadcast %get3A_30 : vector<1x128xf32> to vector<2000x128xf32>
    %add3A_32 = arith.addf %add3A, %add3A_31 : vector<2000x128xf32>
    %get3A_33 = arith.constant 0 : index
    %get3A_34 = arith.constant 0 : index
    %get3A_35 = vector.load %arg3[%get3A_33, %get3A_34] : memref<2000x64xf32, #tpu.memory_space<vmem>>, vector<2000x64xf32>
    %div3A_36 = vector.broadcast %max3A_9 : vector<2000x1xf32> to vector<2000x64xf32>
    %div3A_37 = arith.divf %get3A_35, %div3A_36 : vector<2000x64xf32>
    %get3A_38 = arith.constant 0 : index
    %get3A_39 = arith.constant 0 : index
    %get3A_40 = vector.load %arg8[%get3A_38, %get3A_39] : memref<128x128xf32, #tpu.memory_space<vmem>>, vector<64x128xf32>
    %dot_general3A_41 = arith.constant dense<0.000000e+00> : vector<2000x128xf32>
    %dot_general3A_42 = tpu.matmul %div3A_37, %get3A_40, %dot_general3A_41 {dimension_numbers = #tpu.dot_dimension_numbers<[1], [0], [0], [1], [0, 0, 1, 1], [], []>, transpose_lhs_hint = false} : vector<2000x64xf32>, vector<64x128xf32>, vector<2000x128xf32> -> vector<2000x128xf32>
    %get3A_43 = arith.constant 0 : index
    %get3A_44 = arith.constant 0 : index
    %get3A_45 = vector.load %arg4[%get3A_43, %get3A_44] : memref<2000x64xf32, #tpu.memory_space<vmem>>, vector<2000x64xf32>
    %div3A_46 = vector.broadcast %max3A_9 : vector<2000x1xf32> to vector<2000x64xf32>
    %div3A_47 = arith.divf %get3A_45, %div3A_46 : vector<2000x64xf32>
    %get3A_48 = arith.constant 64 : index
    %get3A_49 = arith.constant 0 : index
    %get3A_50 = vector.load %arg8[%get3A_48, %get3A_49] : memref<128x128xf32, #tpu.memory_space<vmem>>, vector<64x128xf32>
    %dot_general3A_51 = arith.constant dense<0.000000e+00> : vector<2000x128xf32>
    %dot_general3A_52 = tpu.matmul %div3A_47, %get3A_50, %dot_general3A_51 {dimension_numbers = #tpu.dot_dimension_numbers<[1], [0], [0], [1], [0, 0, 1, 1], [], []>, transpose_lhs_hint = false} : vector<2000x64xf32>, vector<64x128xf32>, vector<2000x128xf32> -> vector<2000x128xf32>
    %add3A_53 = arith.addf %dot_general3A_42, %dot_general3A_52 : vector<2000x128xf32>
    %get3A_54 = arith.constant 0 : index
    %get3A_55 = arith.constant 0 : index
    %get3A_56 = vector.load %arg10[%get3A_54, %get3A_55] : memref<1x128xf32, #tpu.memory_space<vmem>>, vector<1x128xf32>
    %add3A_57 = vector.broadcast %get3A_56 : vector<1x128xf32> to vector<2000x128xf32>
    %add3A_58 = arith.addf %add3A_53, %add3A_57 : vector<2000x128xf32>
    %get3A_59 = arith.constant 0 : index
    %get3A_60 = arith.constant 0 : index
    %get3A_61 = vector.load %arg11[%get3A_59, %get3A_60] : memref<1x2xf32, #tpu.memory_space<vmem>>, vector<1x1xf32>
    %get3A_62 = vector.extract %get3A_61[0, 0] : f32 from vector<1x1xf32>
    %mul3A = vector.broadcast %get3A_62 : f32 to vector<2000x128xf32>
    %mul3A_63 = arith.mulf %mul3A, %add3A_32 : vector<2000x128xf32>
    %get3A_64 = arith.constant 0 : index
    %get3A_65 = arith.constant 1 : index
    %get3A_66 = vector.load %arg11[%get3A_64, %get3A_65] : memref<1x2xf32, #tpu.memory_space<vmem>>, vector<1x1xf32>
    %get3A_67 = vector.extract %get3A_66[0, 0] : f32 from vector<1x1xf32>
    %mul3A_68 = vector.broadcast %get3A_67 : f32 to vector<2000x128xf32>
    %mul3A_69 = arith.mulf %mul3A_68, %add3A_58 : vector<2000x128xf32>
    %add3A_70 = arith.addf %mul3A_63, %mul3A_69 : vector<2000x128xf32>
    %swap3A = arith.constant 0 : index
    %swap3A_71 = arith.constant 0 : index
    %swap3A_72 = vector.load %arg12[%swap3A, %swap3A_71] : memref<2000x128xf32, #tpu.memory_space<vmem>>, vector<2000x128xf32>
    tpu.vector_store %arg12[%swap3A, %swap3A_71], %add3A_70 {strides = array<i32>} : memref<2000x128xf32, #tpu.memory_space<vmem>>, vector<2000x128xf32>,
    return
  }
  func.func @transform_0(%arg0: i32) -> (i32, i32) {
    %c0_i32 = arith.constant 0 : i32
    %c0_i32_0 = arith.constant 0 : i32
    return %arg0, %c0_i32 : i32, i32
  }
  func.func @transform_1(%arg0: i32) -> (i32, i32) {
    %c0_i32 = arith.constant 0 : i32
    %c0_i32_0 = arith.constant 0 : i32
    return %arg0, %c0_i32 : i32, i32
  }
  func.func @transform_2(%arg0: i32) -> (i32, i32) {
    %add3A = arith.constant 5 : i32
    %add3A_0 = arith.addi %arg0, %add3A : i32
    %c0_i32 = arith.constant 0 : i32
    %c0_i32_1 = arith.constant 0 : i32
    return %add3A_0, %c0_i32 : i32, i32
  }
  func.func @transform_3(%arg0: i32) -> (i32, i32) {
    %add3A = arith.constant 5 : i32
    %add3A_0 = arith.addi %arg0, %add3A : i32
    %c0_i32 = arith.constant 0 : i32
    %c0_i32_1 = arith.constant 0 : i32
    return %add3A_0, %c0_i32 : i32, i32
  }
  func.func @transform_4(%arg0: i32) -> (i32, i32) {
    %c0_i32 = arith.constant 0 : i32
    %c0_i32_0 = arith.constant 0 : i32
    return %arg0, %c0_i32 : i32, i32
  }
  func.func @transform_5(%arg0: i32) -> (i32, i32) {
    %add3A = arith.constant 5 : i32
    %add3A_0 = arith.addi %arg0, %add3A : i32
    %c0_i32 = arith.constant 0 : i32
    %c0_i32_1 = arith.constant 0 : i32
    return %add3A_0, %c0_i32 : i32, i32
  }
  func.func @transform_6(%arg0: i32) -> (i32, i32) {
    %c0_i32 = arith.constant 0 : i32
    %c0_i32_0 = arith.constant 0 : i32
    %c0_i32_1 = arith.constant 0 : i32
    return %c0_i32, %c0_i32_0 : i32, i32
  }
  func.func @transform_7(%arg0: i32) -> (i32, i32) {
    %c0_i32 = arith.constant 0 : i32
    %c0_i32_0 = arith.constant 0 : i32
    %c0_i32_1 = arith.constant 0 : i32
    return %c0_i32, %c0_i32_0 : i32, i32
  }
  func.func @transform_8(%arg0: i32) -> (i32, i32) {
    %c0_i32 = arith.constant 0 : i32
    %c0_i32_0 = arith.constant 0 : i32
    %c0_i32_1 = arith.constant 0 : i32
    return %c0_i32, %c0_i32_0 : i32, i32
  }
  func.func @transform_9(%arg0: i32) -> (i32, i32) {
    %c0_i32 = arith.constant 0 : i32
    %c0_i32_0 = arith.constant 0 : i32
    %c0_i32_1 = arith.constant 0 : i32
    return %c0_i32, %c0_i32_0 : i32, i32
  }
  func.func @transform_10(%arg0: i32) -> (i32, i32) {
    %c0_i32 = arith.constant 0 : i32
    %c0_i32_0 = arith.constant 0 : i32
    %c0_i32_1 = arith.constant 0 : i32
    return %c0_i32, %c0_i32_0 : i32, i32
  }
  func.func @transform_11(%arg0: i32) -> (i32, i32) {
    %c0_i32 = arith.constant 0 : i32
    %c0_i32_0 = arith.constant 0 : i32
    return %arg0, %c0_i32 : i32, i32
  }
}

</mosaic_0001>

<sc_bundles>
// kernel: sc_curv_aggregate.4.cloned.1.call-start
scs
__scs_entry_jumppad:
0x0: {  	(pc) =	sbr.rel $0x88, $3  }
0x1: {  	(tag) =	ssettag $0x0;
	lr =	simm.s32 $0x1  }
0x2: {  	[smem:$0x3F92] =	sst lr;
	_ =	strace $0xD0000000  }
0x3: {  	_ = 	snop  }
0x4: {  	_ = 	snop  }
0x5: {  	_ = 	snop  }
0x6: {  	_ = 	snop  }
0x7: {  	_ = 	snop  }
__scs_overlays_trampoline_lowered:
0x8: {  	[smem:$0x3FA1] =	sst s0  }
0x9: {  	[smem:$0x3FA2] =	sst s1  }
0xa: {  	[smem:$0x3FA3] =	sst s2  }
0xb: {  	[smem:$0x3FA4] =	sst s3  }
0xc: {  	[smem:$0x3FA5] =	sst s4  }
0xd: {  	[smem:$0x3FA6] =	sst s5  }
0xe: {  	[smem:$0x3FA7] =	sst s6  }
0xf: {  	[smem:$0x3FA8] =	sst s7  }
0x10: {  	[smem:$0x3FA9] =	sst s8  }
0x11: {  	[smem:$0x3FAA] =	sst s9;
	s0 =	simm.s32 @!p0 $0x0  }
0x12: {  	s1 =	sld [smem:$0x3F90];
	s0 =	simm.s32 @p0 $0x1  }
0x13: {  	[smem:$0x3FAB] =	sst s0;
	s0 =	simm.s32 @!p1 $0x0  }
0x14: {  	s2 =	sld [smem:$0x3F8F];
	s0 =	simm.s32 @p1 $0x1  }
0x15: {  	[smem:$0x3FAC] =	sst s0;
	s0 =	simm.s32 @!p2 $0x0  }
0x16: {  	s3 =	sld [smem:$0x3FDB];
	s0 =	simm.s32 @p2 $0x1  }
0x17: {  	s4 =	simm.s32 $0x1BF5;
	[smem:$0x3FAE] =	sst s0  }
0x18: {  	s0 =	sld [smem:$0x3F91];
	_ =	swait.ge [sflag:s4], $0x0  }
0x19: {  	s7 =	sld [smem:$0x3F92]  }
0x1a: {  	s8 =	sadd.s32 $0xFFFFE003, lr  }
0x1b: {  	s9 =	sadd.s32 $0xFFFFFEF7, lr;
	s5 =	simm.s32 $0xFFFFFFFF;
	p2 =	slt.u32 s8, $0xFFFFF086  }
0x1c: {  	p1 =	slt.u32 s9, $0xF7A;
	s5 =	simm.s32 @!p2 $0x0  }
0x1d: {  	s5 =	simm.s32 @p1 $0x1;
	p0 =	seq.s32 s7, s2  }
0x1e: {  	s7 =	smul.u32 @!p0 $0xF7A, s2;
	p2 =	seq.s32 @!p0 s5, $0x0  }
0x1f: {  	s9 =	smul.u32 $0xF7A, s1;
	s8 =	simm.s32 @!p0 $0x1BF5;
	p2 =	por !p2, p0  }
0x20: {  	[sflag:s8] =	ssyncset.s32 @!p0 $0xFFFFF086;
	s6 =	sadd.s32 @!p0 s3, s7;
	s7 =	simm.s32 @!p0 $0x108  }
0x21: {  	s3 =	sadd.s32 s3, s9;
	s6 =	sadd.s32 @!p0 $0x88, s6;
	s7 =	simm.s32 @p2 $0x1082  }
0x22: {  	[simem:s7], [sflag:s8] =	dma.local @!p0 [hbm:s6], $0xF7A  }
0x23: {  	s9 =	sor.u32 $0xD0000000, s2;
	s6 =	simm.s32 $0x108;
	_ =	swait.ge @!p0 [sflag:s8], $0x0  }
0x24: {  	s3 =	sadd.s32 $0x88, s3;
	s6 =	simm.s32 @!p1 $0x1082;
	[sflag:s4] =	ssyncset.s32 $0xFFFFF086  }
0x25: {  	[simem:s6], [sflag:s4] =	dma.local [hbm:s3], $0xF7A  }
0x26: {  	[smem:$0x3F92] =	sst s1;
	(tag) =	ssettag s2;
	_ =	strace s9  }
0x27: {  	s1 =	sld [smem:$0x3FA2]  }
0x28: {  	s2 =	sld [smem:$0x3FA3]  }
0x29: {  	s4 =	sld [smem:$0x3FA5]  }
0x2a: {  	p0 =	seq.s32 s5, $0x0;
	s5 =	sld [smem:$0x3FA6]  }
0x2b: {  	s6 =	sld [smem:$0x3FA7]  }
0x2c: {  	s7 =	sld [smem:$0x3FA8]  }
0x2d: {  	s3 =	simm.s32 $0x108;
	s8 =	sld [smem:$0x3FA9]  }
0x2e: {  	s3 =	simm.s32 @!p0 $0x1082;
	s9 =	sld [smem:$0x3FAA]  }
0x2f: {  	lr =	sadd.s32 s0, s3;
	s0 =	sld [smem:$0x3FA1]  }
0x30: {  	s3 =	sld [smem:$0x3FA4]  }
0x31: {  	[smem:$0x3FAD] =	sst s10  }
0x32: {  	s10 =	sld [smem:$0x3FAB];
	_ =	sdelay $0x3  }
0x33: {  	p0 =	seq.s32 s10, $0x1;
	s10 =	sld [smem:$0x3FAD];
	_ =	sdelay $0x3  }
0x34: {  	[smem:$0x3FAD] =	sst s10  }
0x35: {  	s10 =	sld [smem:$0x3FAC];
	_ =	sdelay $0x3  }
0x36: {  	p1 =	seq.s32 s10, $0x1;
	s10 =	sld [smem:$0x3FAD];
	_ =	sdelay $0x3  }
0x37: {  	[smem:$0x3FAD] =	sst s10  }
0x38: {  	s10 =	sld [smem:$0x3FAE]  }
0x39: {  	_ = 	snop;
	(pc) =	sbr.ind lr, $3  }
0x3a: {  	_ = 	snop  }
0x3b: {  	_ = 	snop  }
0x3c: {  	p2 =	seq.s32 s10, $0x1;
	s10 =	sld [smem:$0x3FAD]  }
0x3d: {  	_ =	shalt  }
0x3e: {  	_ =	shalt  }
0x3f: {  	_ =	shalt  }
0x40: {  	_ =	shalt  }
0x41: {  	_ =	shalt  }
0x42: {  	_ =	shalt  }
0x43: {  	_ =	shalt  }
0x44: {  	_ =	shalt  }
0x45: {  	_ =	shalt  }
0x46: {  	_ =	shalt  }
0x47: {  	_ =	shalt  }
0x48: {  	_ =	shalt  }
0x49: {  	_ =	shalt  }
0x4a: {  	_ =	shalt  }
0x4b: {  	_ =	shalt  }
0x4c: {  	_ =	shalt  }
0x4d: {  	_ =	shalt  }
0x4e: {  	_ =	shalt  }
0x4f: {  	_ =	shalt  }
0x50: {  	_ =	shalt  }
0x51: {  	_ =	shalt  }
0x52: {  	_ =	shalt  }
0x53: {  	_ =	shalt  }
0x54: {  	_ =	shalt  }
0x55: {  	_ =	shalt  }
0x56: {  	_ =	shalt  }
0x57: {  	_ =	shalt  }
0x58: {  	_ =	shalt  }
0x59: {  	_ =	shalt  }
0x5a: {  	_ =	shalt  }
0x5b: {  	_ =	shalt  }
0x5c: {  	_ =	shalt  }
0x5d: {  	_ =	shalt  }
0x5e: {  	_ =	shalt  }
0x5f: {  	_ =	shalt  }
0x60: {  	_ =	shalt  }
0x61: {  	_ =	shalt  }
0x62: {  	_ =	shalt  }
0x63: {  	_ =	shalt  }
0x64: {  	_ =	shalt  }
0x65: {  	_ =	shalt  }
0x66: {  	_ =	shalt  }
0x67: {  	_ =	shalt  }
0x68: {  	_ =	shalt  }
0x69: {  	_ =	shalt  }
0x6a: {  	_ =	shalt  }
0x6b: {  	_ =	shalt  }
0x6c: {  	_ =	shalt  }
0x6d: {  	_ =	shalt  }
0x6e: {  	_ =	shalt  }
0x6f: {  	_ =	shalt  }
0x70: {  	_ =	shalt  }
0x71: {  	_ =	shalt  }
0x72: {  	_ =	shalt  }
0x73: {  	_ =	shalt  }
0x74: {  	_ =	shalt  }
0x75: {  	_ =	shalt  }
0x76: {  	_ =	shalt  }
0x77: {  	_ =	shalt  }
0x78: {  	_ =	shalt  }
0x79: {  	_ =	shalt  }
0x7a: {  	_ =	shalt  }
0x7b: {  	_ =	shalt  }
0x7c: {  	_ =	shalt  }
0x7d: {  	_ =	shalt  }
0x7e: {  	_ =	shalt  }
0x7f: {  	_ =	shalt  }
0x80: {  	_ =	shalt  }
0x81: {  	_ =	shalt  }
0x82: {  	_ =	shalt  }
0x83: {  	_ =	shalt  }
0x84: {  	_ =	shalt  }
0x85: {  	_ =	shalt  }
0x86: {  	_ =	shalt  }
0x87: {  	_ =	shalt  }
.Lfunc_end0:
.L_simem_size_0:
called_computation.1_lowered:
.L_overlay_start_0:
0x88: {  	s2 =	sld [smem:$0x3FD9]  }
0x89: {  	s3 =	sld [smem:$0x3FFE];
	_ =	sdelay $0x1  }
0x8a: {  	s1 =	srdreg.scid  }
0x8b: {  	s0 =	sand.u32 $0x1, s1  }
0x8c: {  	s17 =	sshll.u32 s0, $0xA;
	s2 =	sadd.s32 s3, s2  }
0x8d: {  	s2 =	sadd.s32 s2, s17  }
0x8e: {  	[smem:$0x3FB9] =	sst s2  }
0x8f: {  	_ = 	snop  }
0x90: {  	s2 =	sld [smem:$0x3FD0];
	(tm) =	ssettm $0x1  }
0x91: {  	s18 =	sld [smem:$0x3FFB];
	_ =	sdelay $0x3  }
0x92: {  	_ =	strace s18  }
0x93: {  	s3 =	sld [smem:$0x3FFC];
	_ =	sdelay $0x3  }
0x94: {  	_ =	strace s3  }
0x95: {  	s3 =	sld [smem:$0x3FFD];
	_ =	sdelay $0x3  }
0x96: {  	_ =	strace s3  }
0x97: {  	_ =	strace $0x8FFFFFFF  }
0x98: {  	s19 =	sld [smem:$0x3FDB];
	_ =	sdelay $0x1  }
0x99: {  	s4 =	simm.s32 $_scs_section_size  }
0x9a: {  	s5 =	simm.s32 $_size__tile_overlayer_lowered;
	s6 =	simm.s32 $_tile_overlayer_lowered  }
0x9b: {  	s22 =	simm.s32 $0x1BFF;
	s21 =	sshll.u32 s6, $0x1;
	s3 =	sadd.s32 s4, s19  }
0x9c: {  	s7 =	simm.s32 $0x0;
	s20 =	sshll.u32 s5, $0x1;
	s5 =	sadd.s32 s21, s3  }
0x9d: {  	[timem:s7], [sflag:s22] =	dma.local [hbm:s5], s20  }
0x9e: {  	_ =	swait.ge [sflag:s22], s20  }
0x9f: {  	s4 =	ssub.s32 $0x0, s20;
	[sflag:s22] =	ssyncset.done $0x0  }
0xa0: {  	[sflag:s22] =	ssyncadd.s32 s4;
	_ =	sdelay $0x1  }
0xa1: {  	s23 =	simm.s32 $0x1B8B  }
0xa2: {  	_ =	swait.ge [sflag:s23], $0x1  }
0xa3: {  	[sflag:s23] =	ssyncset.done $0x0  }
0xa4: {  	s25 =	simm.s32 $0x1B8E;
	s24 =	sld [smem:$0x3FFE];
	[sflag:s23] =	ssyncadd.s32 $0xFFFFFFFF  }
0xa5: {  	s26 =	simm.s32 $execute0_lowered;
	[smem:$0x3FD2] =	sst s25  }
0xa6: {  	s5 =	sshll.u32 s26, $0x1;
	_ =	strace $0x80000046;
	[dreg:$0x1] =	wrdreg $0xFFFFFFFF  }
0xa7: {  	s28 =	simm.s32 $_size_execute0_lowered;
	s3 =	sadd.s32 s3, s5;
	[dreg:$0x0] =	wrdreg $0x0  }
0xa8: {  	s5 =	sshll.u32 s28, $0x1;
	[dreg:$0x2] =	wrdreg s3  }
0xa9: {  	[dreg:$0x3] =	wrdreg s5  }
0xaa: {  	[dreg:$0x4] =	wrdreg $0xC0  }
0xab: {  	_ =	task [dreg:s7], $0x5FFFF  }
0xac: {  	[dreg:$0x1] =	wrdreg $0xFFFFFFFF  }
0xad: {  	[dreg:$0x0] =	wrdreg $0x60  }
0xae: {  	[dreg:$0x2] =	wrdreg s2  }
0xaf: {  	[dreg:$0x3] =	wrdreg s24  }
0xb0: {  	[dreg:$0x4] =	wrdreg $0x88000  }
0xb1: {  	[dreg:$0x5] =	wrdreg $0xA  }
0xb2: {  	_ =	task.clear_ibuf [dreg:s7], $0x6FFFF;
	_ =	strace $0x90000046  }
0xb3: {  	s29 =	simm.s32 $0xA;
	_ =	strace $0x80000048  }
0xb4: {  	_ =	swait.ge [sflag:s29], $0x1  }
0xb5: {  	[sflag:s29] =	ssyncadd.s32 $0xFFFFFFFF  }
0xb6: {  	_ =	strace $0x90000048  }
0xb7: {  	_ =	sfence  }
0xb8: {  	s30 =	sld [smem:$0x0];
	_ =	sdelay $0x2  }
0xb9: {  	s31 =	sshll.u32 s1, $0xD;
	s1 =	sshrl.u32 s1, $0x2  }
0xba: {  	s3 =	sand.u32 $0x4000, s31;
	s1 =	sadd.s32 s1, s30  }
0xbb: {  	s0 =	sor.u32 s3, s0;
	s1 =	sshll.u32 s1, $0x11  }
0xbc: {  	s0 =	sor.u32 s1, s0  }
0xbd: {  	s0 =	sadd.s32 $0x8F2B, s0  }
0xbe: {  	[sflag:s0] =	ssyncadd.remote.s32 $0x1  }
0xbf: {  	_ =	sfence.sel $0xFFFF  }
0xc0: {  	[dreg:$0x0] =	wrdreg $0xFFFFFFFF;
	(pc) =	sbr.abs _section_cstart, $3  }
0xc1: {  	[dreg:$0x1] =	wrdreg $0xFFFFFFFF  }
0xc2: {  	_ =	task.clear_ibuf [dreg:s7], $0x2FFFF;
	_ =	strace $0x9FFFFFFF  }
0xc3: {  	(tm) =	ssettm $0x7FFFFFFF  }
tec
execute0_lowered:
.L_overlay_start_1:
0x0: {  	(tag) =	ssettag $0x1  }
0x1: {  	s1 =	rddreg [dreg:$0x0];
	s2 =	srdreg.scid  }
0x2: {  	s8 =	stileid.u32;
	s0 =	rddreg [dreg:$0x1]  }
0x3: {  	s3 =	rddreg [dreg:$0x2];
	s4 =	simm.s32 $0x0;
	s28 =	simm.s32 $0x800  }
0x4: {  	s29 =	simm.s32 $0x9;
	s30 =	simm.s32 $0x400;
	s17 =	smul.u32 $0x5000, s8  }
0x5: {  	s31 =	simm.s32 $0x80;
	s5 =	sand.u32 $0x1, s2;
	s18 =	smul.u32 $0xA00, s8  }
0x6: {  	[smem:$0x7FF] =	sst s4;
	s8 =	smul.u32 $0x14000, s8;
	s9 =	sadd.s32 $0x1F000, s0  }
0x7: {  	s6 =	smul.u32 $0x50000, s5;
	_ =	strace $0x80000047;
	s19 =	ssub.s32 $0x2, s5  }
0x8: {  	s5 =	smul.u32 $0x140000, s5;
	s10 =	sshrl.u32 s19, $0x1;
	s11 =	sadd.s32 $0x4000, s8  }
0x9: {  	s12 =	sadd.s32 $0x6000, s8;
	s13 =	sadd.s32 $0x8000, s8;
	s14 =	sadd.s32 $0xA000, s8  }
0xa: {  	s15 =	sadd.s32 $0xC000, s8;
	s2 =	sadd.s32 s17, s6;
	s6 =	sadd.s32 s18, s0  }
0xb: {  	s16 =	sadd.s32 s8, s5;
	s17 =	sadd.s32 $0xE000, s8;
	s21 =	sadd.s32 s5, s11  }
0xc: {  	s22 =	sadd.s32 s5, s12;
	s25 =	sadd.s32 s5, s14;
	s2 =	sshrl.u32 s2, $0x3  }
0xd: {  	s16 =	sshrl.u32 s16, $0x3;
	s6 =	sadd.s32 $0x14C00, s6;
	s7 =	sadd.s32 s2, s0  }
0xe: {  	s2 =	ssub.s32 s19, s10;
	s10 =	sor.u32 $0x2000, s8;
	s19 =	sadd.s32 $0x10000, s8  }
0xf: {  	s16 =	sadd.s32 s9, s16;
	[dreg:$0x4] =	wrdreg s6;
	s0 =	sadd.s32 $0x1EC00, s0  }
0x10: {  	s18 =	sadd.s32 s5, s10;
	[dreg:$0xa] =	wrdreg s16;
	s26 =	sadd.s32 $0xC00, s7  }
0x11: {  	[dreg:$0x14] =	wrdreg s0;
	s0 =	simm.s32 $0x4800;
	s20 =	sshrl.u32 s18, $0x3  }
0x12: {  	s18 =	sshrl.u32 s22, $0x3;
	[dreg:$0x5] =	wrdreg s26;
	s22 =	simm.s32 $0x480  }
0x13: {  	s26 =	simm.s32 $0x200;
	s16 =	sadd.s32 s9, s20;
	s20 =	sadd.s32 s5, s13  }
0x14: {  	s23 =	sadd.s32 s9, s18;
	s18 =	simm.s32 $0x100;
	[dreg:$0x8] =	wrdreg s22  }
0x15: {  	[dreg:$0x9] =	wrdreg s26;
	s22 =	sadd.s32 s14, s3;
	s26 =	smax.u32 s2, $0x1  }
0x16: {  	s2 =	simm.s32 $0x2800;
	s14 =	simm.s32 $0x580;
	[dreg:$0xb] =	wrdreg s16  }
0x17: {  	s16 =	sshrl.u32 s21, $0x3;
	[dreg:$0xd] =	wrdreg s23;
	s24 =	sshrl.u32 s20, $0x3  }
0x18: {  	s20 =	sadd.s32 s5, s15;
	[dreg:$0x6] =	wrdreg s18;
	s21 =	simm.s32 $0x180  }
0x19: {  	s23 =	sadd.s32 s5, s17;
	s18 =	sadd.s32 s11, s3;
	[dreg:$0x1a] =	wrdreg s22  }
0x1a: {  	[dreg:$0x1f] =	wrdreg s26;
	s11 =	simm.s32 $0x6;
	s26 =	simm.s32 $0x300  }
0x1b: {  	s22 =	simm.s32 $0x0;
	s16 =	sadd.s32 s9, s16;
	[dreg:$0x7] =	wrdreg s21  }
0x1c: {  	s7 =	sshrl.u32 s20, $0x3;
	s6 =	sshrl.u32 s23, $0x3;
	[dreg:$0x17] =	wrdreg s18  }
0x1d: {  	s20 =	sadd.s32 s12, s3;
	s21 =	sadd.s32 s13, s3;
	[smem:$0x7FD] =	sst s22  }
0x1e: {  	s23 =	sadd.s32 s15, s3;
	s12 =	simm.s32 $0x280;
	[dreg:$0xc] =	wrdreg s16  }
0x1f: {  	s13 =	simm.s32 $0x4;
	s15 =	simm.s32 $0x7;
	[dreg:$0x18] =	wrdreg s20  }
0x20: {  	s18 =	simm.s32 $0x380;
	s16 =	sadd.s32 s9, s24;
	[dreg:$0x19] =	wrdreg s21  }
0x21: {  	s7 =	sadd.s32 s9, s7;
	s24 =	sadd.s32 s5, s19;
	[dreg:$0x1b] =	wrdreg s23  }
0x22: {  	s6 =	sadd.s32 s9, s6;
	s20 =	simm.s32 $0x700;
	[dreg:$0xe] =	wrdreg s16  }
0x23: {  	s21 =	simm.s32 $0x780;
	s16 =	sshrl.u32 s25, $0x3;
	[dreg:$0x10] =	wrdreg s7  }
0x24: {  	s7 =	sadd.s32 $0x12000, s8;
	[dreg:$0x11] =	wrdreg s6;
	s25 =	sshrl.u32 s24, $0x3  }
0x25: {  	s24 =	sadd.s32 s8, s3;
	s8 =	simm.s32 $0x5;
	s16 =	sadd.s32 s9, s16  }
0x26: {  	s5 =	sadd.s32 s5, s7;
	s6 =	sadd.s32 s9, s25;
	[dreg:$0x15] =	wrdreg s24  }
0x27: {  	s25 =	sadd.s32 s17, s3;
	s23 =	sadd.s32 s7, s3;
	[dreg:$0xf] =	wrdreg s16  }
0x28: {  	s7 =	simm.s32 $0x2;
	s17 =	simm.s32 $0x8;
	[dreg:$0x12] =	wrdreg s6  }
0x29: {  	s5 =	sshrl.u32 s5, $0x3;
	s16 =	sadd.s32 s10, s3;
	[dreg:$0x1c] =	wrdreg s25  }
0x2a: {  	s25 =	sadd.s32 s19, s3;
	s6 =	simm.s32 $0x6800;
	[dreg:$0x1e] =	wrdreg s23  }
0x2b: {  	s10 =	simm.s32 $0x500;
	s19 =	simm.s32 $0x680;
	[dreg:$0x16] =	wrdreg s16  }
0x2c: {  	s5 =	sadd.s32 s9, s5;
	s9 =	simm.s32 $0x3;
	[dreg:$0x1d] =	wrdreg s25  }
0x2d: {  	s16 =	simm.s32 $0x600;
	[dreg:$0x13] =	wrdreg s5;
	s5 =	simm.s32 $0x1  }
.LBB2_1:
0x2e: {  	s22 =	rddreg [dreg:$0x14]  }
0x2f: {  	[tilespmem:s28], [sflag:$0x9] =	stream.linear.gather [hbm4b:s22+s4], $0x2000, $0x38;
	[tilespmem:$0x1C800] =	vst v63  }
0x30: {  	_ =	swait.ge [sflag:s29], $0x2000  }
0x31: {  	[sflag:s29] =	ssyncset.done $0x0  }
0x32: {  	[sflag:s29] =	ssyncadd.s32 $0xFFFFE000  }
0x33: {  	[spmem:s24] =	stream.linear.scatter [tilespmem:s28], [sflag:$0x9], $0x2000, $0x38;
	[tilespmem:$0x1C800] =	vst v63  }
0x34: {  	_ =	swait.ge [sflag:s29], $0x2000  }
0x35: {  	[sflag:s29] =	ssyncset.done $0x0  }
0x36: {  	s24 =	rddreg [dreg:$0x16];
	[sflag:s29] =	ssyncadd.s32 $0xFFFFE000  }
0x37: {  	[spmem:s24] =	stream.linear.scatter [tilespmem:s28], [sflag:$0x9], $0x2000, $0x38;
	[tilespmem:$0x1C800] =	vst v63  }
0x38: {  	_ =	swait.ge [sflag:s29], $0x2000  }
0x39: {  	[sflag:s29] =	ssyncset.done $0x0  }
0x3a: {  	s24 =	rddreg [dreg:$0x17];
	[sflag:s29] =	ssyncadd.s32 $0xFFFFE000  }
0x3b: {  	[spmem:s24] =	stream.linear.scatter [tilespmem:s28], [sflag:$0x9], $0x2000, $0x38;
	[tilespmem:$0x1C800] =	vst v63  }
0x3c: {  	_ =	swait.ge [sflag:s29], $0x2000  }
0x3d: {  	[sflag:s29] =	ssyncset.done $0x0  }
0x3e: {  	s24 =	rddreg [dreg:$0x18];
	[sflag:s29] =	ssyncadd.s32 $0xFFFFE000  }
0x3f: {  	[spmem:s24] =	stream.linear.scatter [tilespmem:s28], [sflag:$0x9], $0x2000, $0x38;
	[tilespmem:$0x1C800] =	vst v63  }
0x40: {  	_ =	swait.ge [sflag:s29], $0x2000  }
0x41: {  	[sflag:s29] =	ssyncset.done $0x0  }
0x42: {  	s24 =	rddreg [dreg:$0x19];
	[sflag:s29] =	ssyncadd.s32 $0xFFFFE000  }
0x43: {  	[spmem:s24] =	stream.linear.scatter [tilespmem:s28], [sflag:$0x9], $0x2000, $0x38;
	[tilespmem:$0x1C800] =	vst v63  }
0x44: {  	_ =	swait.ge [sflag:s29], $0x2000  }
0x45: {  	[sflag:s29] =	ssyncset.done $0x0  }
0x46: {  	s24 =	rddreg [dreg:$0x1a];
	[sflag:s29] =	ssyncadd.s32 $0xFFFFE000  }
0x47: {  	[spmem:s24] =	stream.linear.scatter [tilespmem:s28], [sflag:$0x9], $0x2000, $0x38;
	[tilespmem:$0x1C800] =	vst v63  }
0x48: {  	_ =	swait.ge [sflag:s29], $0x2000  }
0x49: {  	[sflag:s29] =	ssyncset.done $0x0  }
0x4a: {  	s24 =	rddreg [dreg:$0x1b];
	[sflag:s29] =	ssyncadd.s32 $0xFFFFE000  }
0x4b: {  	[spmem:s24] =	stream.linear.scatter [tilespmem:s28], [sflag:$0x9], $0x2000, $0x38;
	[tilespmem:$0x1C800] =	vst v63  }
0x4c: {  	_ =	swait.ge [sflag:s29], $0x2000  }
0x4d: {  	[sflag:s29] =	ssyncset.done $0x0  }
0x4e: {  	s24 =	rddreg [dreg:$0x1c];
	[sflag:s29] =	ssyncadd.s32 $0xFFFFE000  }
0x4f: {  	[spmem:s24] =	stream.linear.scatter [tilespmem:s28], [sflag:$0x9], $0x2000, $0x38;
	[tilespmem:$0x1C800] =	vst v63  }
0x50: {  	_ =	swait.ge [sflag:s29], $0x2000  }
0x51: {  	[sflag:s29] =	ssyncset.done $0x0  }
0x52: {  	[sflag:s29] =	ssyncadd.s32 $0xFFFFE000  }
0x53: {  	[spmem:s25] =	stream.linear.scatter [tilespmem:s28], [sflag:$0x9], $0x2000, $0x38;
	[tilespmem:$0x1C800] =	vst v63  }
0x54: {  	_ =	swait.ge [sflag:s29], $0x2000  }
0x55: {  	[sflag:s29] =	ssyncset.done $0x0  }
0x56: {  	[sflag:s29] =	ssyncadd.s32 $0xFFFFE000  }
0x57: {  	[spmem:s23] =	stream.linear.scatter [tilespmem:s28], [sflag:$0x9], $0x2000, $0x38;
	[tilespmem:$0x1C800] =	vst v63  }
0x58: {  	_ =	swait.ge [sflag:s29], $0x2000  }
0x59: {  	[sflag:s29] =	ssyncset.done $0x0  }
0x5a: {  	[sflag:s29] =	ssyncadd.s32 $0xFFFFE000  }
0x5b: {  	[bflag:$0x0] =	sbarrier.arrive $0xFFFF  }
0x5c: {  	s22 =	rddreg [dreg:$0x5]  }
0x5d: {  	s23 =	sadd.s32 $0x0, s22  }
0x5e: {  	[tilespmem:s4], [sflag:$0x9] =	stream.linear.gather [hbm4b:s23+s4], $0x400, $0x38;
	[tilespmem:$0x1C800] =	vst v63  }
0x5f: {  	_ =	swait.ge [sflag:s29], $0x400  }
0x60: {  	s24 =	rddreg [dreg:$0x4];
	[sflag:s29] =	ssyncset.done $0x0  }
0x61: {  	[sflag:s29] =	ssyncadd.s32 $0xFFFFFC00;
	s23 =	sadd.s32 $0x0, s24  }
0x62: {  	[tilespmem:s30], [sflag:$0x9] =	stream.linear.gather [hbm4b:s23+s4], $0x400, $0x38;
	[tilespmem:$0x1C800] =	vst v63  }
0x63: {  	_ =	swait.ge [sflag:s29], $0x400  }
0x64: {  	[sflag:s29] =	ssyncset.done $0x0  }
0x65: {  	[sflag:s29] =	ssyncadd.s32 $0xFFFFFC00  }
0x66: {  	[tilespmem:s28], [sflag:$0x1] =	stream.indirect.gather [hbm4b:s1+s31], $0x40, s4, s31, $0xb8;
	[tilespmem:$0x1C800] =	vst v63  }
0x67: {  	_ = 	snop  }
0x68: {  	[tilespmem:s2], [sflag:$0x2] =	stream.indirect.gather [hbm4b:s1+s31], $0x40, s31, s31, $0xb8;
	[tilespmem:$0x1C800] =	vst v63  }
0x69: {  	s25 =	rddreg [dreg:$0x6]  }
0x6a: {  	[tilespmem:s0], [sflag:$0x3] =	stream.indirect.gather [hbm4b:s1+s31], $0x40, s25, s31, $0xb8;
	[tilespmem:$0x1C800] =	vst v63  }
0x6b: {  	_ =	swait.ge [sflag:s5], $0x2000  }
0x6c: {  	[sflag:s5] =	ssyncset.done $0x0  }
0x6d: {  	[sflag:s5] =	ssyncadd.s32 $0xFFFFE000  }
0x6e: {  	[spmem:s3] =	stream.indirect.scatter.add.f32 [tilespmem:s28], [sflag:$0x5], $0x40, s30, s31, $0xb8;
	[tilespmem:$0x1C800] =	vst v63  }
0x6f: {  	s22 =	rddreg [dreg:$0x7]  }
0x70: {  	[tilespmem:s6], [sflag:$0x4] =	stream.indirect.gather [hbm4b:s1+s31], $0x40, s22, s31, $0xb8;
	[tilespmem:$0x1C800] =	vst v63  }
0x71: {  	_ =	swait.ge [sflag:s7], $0x2000  }
0x72: {  	[sflag:s7] =	ssyncset.done $0x0  }
0x73: {  	s24 =	rddreg [dreg:$0x8];
	[sflag:s7] =	ssyncadd.s32 $0xFFFFE000  }
0x74: {  	[spmem:s3] =	stream.indirect.scatter.add.f32 [tilespmem:s2], [sflag:$0x6], $0x40, s24, s31, $0xb8;
	[tilespmem:$0x1C800] =	vst v63  }
0x75: {  	_ =	swait.ge [sflag:s8], $0x2000  }
0x76: {  	[sflag:s8] =	ssyncset.done $0x0  }
0x77: {  	s25 =	rddreg [dreg:$0x9];
	[sflag:s8] =	ssyncadd.s32 $0xFFFFE000  }
0x78: {  	[tilespmem:s28], [sflag:$0x1] =	stream.indirect.gather [hbm4b:s1+s31], $0x40, s25, s31, $0xb8;
	[tilespmem:$0x1C800] =	vst v63  }
0x79: {  	_ =	swait.ge [sflag:s9], $0x2000  }
0x7a: {  	[sflag:s9] =	ssyncset.done $0x0  }
0x7b: {  	[sflag:s9] =	ssyncadd.s32 $0xFFFFE000  }
0x7c: {  	[spmem:s3] =	stream.indirect.scatter.add.f32 [tilespmem:s0], [sflag:$0x7], $0x40, s10, s31, $0xb8;
	[tilespmem:$0x1C800] =	vst v63  }
0x7d: {  	_ =	swait.ge [sflag:s11], $0x2000  }
0x7e: {  	[sflag:s11] =	ssyncset.done $0x0  }
0x7f: {  	[sflag:s11] =	ssyncadd.s32 $0xFFFFE000  }
0x80: {  	[tilespmem:s2], [sflag:$0x2] =	stream.indirect.gather [hbm4b:s1+s31], $0x40, s12, s31, $0xb8;
	[tilespmem:$0x1C800] =	vst v63  }
0x81: {  	_ =	swait.ge [sflag:s13], $0x2000  }
0x82: {  	[sflag:s13] =	ssyncset.done $0x0  }
0x83: {  	[sflag:s13] =	ssyncadd.s32 $0xFFFFE000  }
0x84: {  	[spmem:s3] =	stream.indirect.scatter.add.f32 [tilespmem:s6], [sflag:$0x8], $0x40, s14, s31, $0xb8;
	[tilespmem:$0x1C800] =	vst v63  }
0x85: {  	_ =	swait.ge [sflag:s15], $0x2000  }
0x86: {  	[sflag:s15] =	ssyncset.done $0x0  }
0x87: {  	[sflag:s15] =	ssyncadd.s32 $0xFFFFE000  }
0x88: {  	[tilespmem:s0], [sflag:$0x3] =	stream.indirect.gather [hbm4b:s1+s31], $0x40, s26, s31, $0xb8;
	[tilespmem:$0x1C800] =	vst v63  }
0x89: {  	_ =	swait.ge [sflag:s5], $0x2000  }
0x8a: {  	[sflag:s5] =	ssyncset.done $0x0  }
0x8b: {  	[sflag:s5] =	ssyncadd.s32 $0xFFFFE000  }
0x8c: {  	[spmem:s3] =	stream.indirect.scatter.add.f32 [tilespmem:s28], [sflag:$0x5], $0x40, s16, s31, $0xb8;
	[tilespmem:$0x1C800] =	vst v63  }
0x8d: {  	_ =	swait.ge [sflag:s17], $0x2000  }
0x8e: {  	[sflag:s17] =	ssyncset.done $0x0  }
0x8f: {  	[sflag:s17] =	ssyncadd.s32 $0xFFFFE000  }
0x90: {  	[tilespmem:s6], [sflag:$0x4] =	stream.indirect.gather [hbm4b:s1+s31], $0x40, s18, s31, $0xb8;
	[tilespmem:$0x1C800] =	vst v63  }
0x91: {  	_ =	swait.ge [sflag:s7], $0x2000  }
0x92: {  	[sflag:s7] =	ssyncset.done $0x0  }
0x93: {  	[sflag:s7] =	ssyncadd.s32 $0xFFFFE000  }
0x94: {  	[spmem:s3] =	stream.indirect.scatter.add.f32 [tilespmem:s2], [sflag:$0x6], $0x40, s19, s31, $0xb8;
	[tilespmem:$0x1C800] =	vst v63  }
0x95: {  	_ =	swait.ge [sflag:s9], $0x2000  }
0x96: {  	[sflag:s9] =	ssyncset.done $0x0  }
0x97: {  	[sflag:s9] =	ssyncadd.s32 $0xFFFFE000  }
0x98: {  	[spmem:s3] =	stream.indirect.scatter.add.f32 [tilespmem:s0], [sflag:$0x7], $0x40, s20, s31, $0xb8;
	[tilespmem:$0x1C800] =	vst v63  }
0x99: {  	_ =	swait.ge [sflag:s13], $0x2000  }
0x9a: {  	[sflag:s13] =	ssyncset.done $0x0  }
0x9b: {  	[sflag:s13] =	ssyncadd.s32 $0xFFFFE000  }
0x9c: {  	[spmem:s3] =	stream.indirect.scatter.add.f32 [tilespmem:s6], [sflag:$0x8], $0x40, s21, s31, $0xb8;
	[tilespmem:$0x1C800] =	vst v63  }
0x9d: {  	_ =	swait.ge [sflag:s8], $0x2000  }
0x9e: {  	[sflag:s8] =	ssyncset.done $0x0  }
0x9f: {  	[sflag:s8] =	ssyncadd.s32 $0xFFFFE000  }
0xa0: {  	_ =	swait.ge [sflag:s11], $0x2000  }
0xa1: {  	[sflag:s11] =	ssyncset.done $0x0  }
0xa2: {  	[sflag:s11] =	ssyncadd.s32 $0xFFFFE000  }
0xa3: {  	_ =	swait.ge [sflag:s15], $0x2000  }
0xa4: {  	[sflag:s15] =	ssyncset.done $0x0  }
0xa5: {  	[sflag:s15] =	ssyncadd.s32 $0xFFFFE000  }
0xa6: {  	s23 =	simm.s32 $0x80;
	_ =	swait.ge [sflag:s17], $0x2000  }
0xa7: {  	s24 =	simm.s32 $0x100;
	s25 =	rddreg [dreg:$0x5];
	[sflag:s17] =	ssyncset.done $0x0  }
.LBB2_2:
0xa8: {  	[sflag:s17] =	ssyncadd.s32 $0xFFFFE000;
	s25 =	sadd.s32 s23, s25  }
0xa9: {  	[tilespmem:s4], [sflag:$0x9] =	stream.linear.gather [hbm4b:s25+s4], $0x400, $0x38;
	[tilespmem:$0x1C800] =	vst v63  }
0xaa: {  	_ =	swait.ge [sflag:s29], $0x400  }
0xab: {  	s25 =	rddreg [dreg:$0x4];
	[sflag:s29] =	ssyncset.done $0x0  }
0xac: {  	[sflag:s29] =	ssyncadd.s32 $0xFFFFFC00;
	s25 =	sadd.s32 s23, s25  }
0xad: {  	[tilespmem:s30], [sflag:$0x9] =	stream.linear.gather [hbm4b:s25+s4], $0x400, $0x38;
	[tilespmem:$0x1C800] =	vst v63  }
0xae: {  	_ =	swait.ge [sflag:s29], $0x400  }
0xaf: {  	[sflag:s29] =	ssyncset.done $0x0  }
0xb0: {  	[sflag:s29] =	ssyncadd.s32 $0xFFFFFC00  }
0xb1: {  	[tilespmem:s28], [sflag:$0x1] =	stream.indirect.gather [hbm4b:s1+s31], $0x40, s4, s31, $0xb8;
	[tilespmem:$0x1C800] =	vst v63  }
0xb2: {  	_ = 	snop  }
0xb3: {  	[tilespmem:s2], [sflag:$0x2] =	stream.indirect.gather [hbm4b:s1+s31], $0x40, s31, s31, $0xb8;
	[tilespmem:$0x1C800] =	vst v63  }
0xb4: {  	s25 =	rddreg [dreg:$0x6]  }
0xb5: {  	[tilespmem:s0], [sflag:$0x3] =	stream.indirect.gather [hbm4b:s1+s31], $0x40, s25, s31, $0xb8;
	[tilespmem:$0x1C800] =	vst v63  }
0xb6: {  	_ =	swait.ge [sflag:s5], $0x2000  }
0xb7: {  	[sflag:s5] =	ssyncset.done $0x0  }
0xb8: {  	[sflag:s5] =	ssyncadd.s32 $0xFFFFE000  }
0xb9: {  	[spmem:s3] =	stream.indirect.scatter.add.f32 [tilespmem:s28], [sflag:$0x5], $0x40, s30, s31, $0xb8;
	[tilespmem:$0x1C800] =	vst v63  }
0xba: {  	s25 =	rddreg [dreg:$0x7]  }
0xbb: {  	[tilespmem:s6], [sflag:$0x4] =	stream.indirect.gather [hbm4b:s1+s31], $0x40, s25, s31, $0xb8;
	[tilespmem:$0x1C800] =	vst v63  }
0xbc: {  	_ =	swait.ge [sflag:s7], $0x2000  }
0xbd: {  	[sflag:s7] =	ssyncset.done $0x0  }
0xbe: {  	s25 =	rddreg [dreg:$0x8];
	[sflag:s7] =	ssyncadd.s32 $0xFFFFE000  }
0xbf: {  	[spmem:s3] =	stream.indirect.scatter.add.f32 [tilespmem:s2], [sflag:$0x6], $0x40, s25, s31, $0xb8;
	[tilespmem:$0x1C800] =	vst v63  }
0xc0: {  	_ =	swait.ge [sflag:s8], $0x2000  }
0xc1: {  	[sflag:s8] =	ssyncset.done $0x0  }
0xc2: {  	s25 =	rddreg [dreg:$0x9];
	[sflag:s8] =	ssyncadd.s32 $0xFFFFE000  }
0xc3: {  	[tilespmem:s28], [sflag:$0x1] =	stream.indirect.gather [hbm4b:s1+s31], $0x40, s25, s31, $0xb8;
	[tilespmem:$0x1C800] =	vst v63  }
0xc4: {  	_ =	swait.ge [sflag:s9], $0x2000  }
0xc5: {  	[sflag:s9] =	ssyncset.done $0x0  }
0xc6: {  	[sflag:s9] =	ssyncadd.s32 $0xFFFFE000  }
0xc7: {  	[spmem:s3] =	stream.indirect.scatter.add.f32 [tilespmem:s0], [sflag:$0x7], $0x40, s10, s31, $0xb8;
	[tilespmem:$0x1C800] =	vst v63  }
0xc8: {  	_ =	swait.ge [sflag:s11], $0x2000  }
0xc9: {  	[sflag:s11] =	ssyncset.done $0x0  }
0xca: {  	[sflag:s11] =	ssyncadd.s32 $0xFFFFE000  }
0xcb: {  	[tilespmem:s2], [sflag:$0x2] =	stream.indirect.gather [hbm4b:s1+s31], $0x40, s12, s31, $0xb8;
	[tilespmem:$0x1C800] =	vst v63  }
0xcc: {  	_ =	swait.ge [sflag:s13], $0x2000  }
0xcd: {  	[sflag:s13] =	ssyncset.done $0x0  }
0xce: {  	[sflag:s13] =	ssyncadd.s32 $0xFFFFE000  }
0xcf: {  	[spmem:s3] =	stream.indirect.scatter.add.f32 [tilespmem:s6], [sflag:$0x8], $0x40, s14, s31, $0xb8;
	[tilespmem:$0x1C800] =	vst v63  }
0xd0: {  	_ =	swait.ge [sflag:s15], $0x2000  }
0xd1: {  	[sflag:s15] =	ssyncset.done $0x0  }
0xd2: {  	[sflag:s15] =	ssyncadd.s32 $0xFFFFE000  }
0xd3: {  	[tilespmem:s0], [sflag:$0x3] =	stream.indirect.gather [hbm4b:s1+s31], $0x40, s26, s31, $0xb8;
	[tilespmem:$0x1C800] =	vst v63  }
0xd4: {  	_ =	swait.ge [sflag:s5], $0x2000  }
0xd5: {  	[sflag:s5] =	ssyncset.done $0x0  }
0xd6: {  	[sflag:s5] =	ssyncadd.s32 $0xFFFFE000  }
0xd7: {  	[spmem:s3] =	stream.indirect.scatter.add.f32 [tilespmem:s28], [sflag:$0x5], $0x40, s16, s31, $0xb8;
	[tilespmem:$0x1C800] =	vst v63  }
0xd8: {  	_ =	swait.ge [sflag:s17], $0x2000  }
0xd9: {  	[sflag:s17] =	ssyncset.done $0x0  }
0xda: {  	[sflag:s17] =	ssyncadd.s32 $0xFFFFE000  }
0xdb: {  	[tilespmem:s6], [sflag:$0x4] =	stream.indirect.gather [hbm4b:s1+s31], $0x40, s18, s31, $0xb8;
	[tilespmem:$0x1C800] =	vst v63  }
0xdc: {  	_ =	swait.ge [sflag:s7], $0x2000  }
0xdd: {  	[sflag:s7] =	ssyncset.done $0x0  }
0xde: {  	[sflag:s7] =	ssyncadd.s32 $0xFFFFE000  }
0xdf: {  	[spmem:s3] =	stream.indirect.scatter.add.f32 [tilespmem:s2], [sflag:$0x6], $0x40, s19, s31, $0xb8;
	[tilespmem:$0x1C800] =	vst v63  }
0xe0: {  	_ =	swait.ge [sflag:s9], $0x2000  }
0xe1: {  	[sflag:s9] =	ssyncset.done $0x0  }
0xe2: {  	[sflag:s9] =	ssyncadd.s32 $0xFFFFE000  }
0xe3: {  	[spmem:s3] =	stream.indirect.scatter.add.f32 [tilespmem:s0], [sflag:$0x7], $0x40, s20, s31, $0xb8;
	[tilespmem:$0x1C800] =	vst v63  }
0xe4: {  	_ =	swait.ge [sflag:s13], $0x2000  }
0xe5: {  	[sflag:s13] =	ssyncset.done $0x0  }
0xe6: {  	[sflag:s13] =	ssyncadd.s32 $0xFFFFE000  }
0xe7: {  	[spmem:s3] =	stream.indirect.scatter.add.f32 [tilespmem:s6], [sflag:$0x8], $0x40, s21, s31, $0xb8;
	[tilespmem:$0x1C800] =	vst v63  }
0xe8: {  	_ =	swait.ge [sflag:s8], $0x2000  }
0xe9: {  	[sflag:s8] =	ssyncset.done $0x0  }
0xea: {  	[sflag:s8] =	ssyncadd.s32 $0xFFFFE000  }
0xeb: {  	_ =	swait.ge [sflag:s11], $0x2000  }
0xec: {  	[sflag:s11] =	ssyncset.done $0x0  }
0xed: {  	p0 =	sne.s32 s24, $0x980;
	[sflag:s11] =	ssyncadd.s32 $0xFFFFE000  }
.Ltmp0:
0xee: {  	_ =	swait.ge [sflag:s15], $0x2000;
	(pc) =	sbr.rel @p0 .LBB2_2-.Ltmp0, $4  }
0xef: {  	[sflag:s15] =	ssyncset.done $0x0  }
0xf0: {  	[sflag:s15] =	ssyncadd.s32 $0xFFFFE000  }
0xf1: {  	s22 =	smov.u32 s24;
	s24 =	sadd.s32 $0x80, s24;
	_ =	swait.ge [sflag:s17], $0x2000  }
0xf2: {  	s23 =	smov.u32 s22;
	s25 =	rddreg [dreg:$0x5];
	[sflag:s17] =	ssyncset.done $0x0  }
0xf3: {  	[sflag:s17] =	ssyncadd.s32 $0xFFFFE000;
	s22 =	sadd.s32 s23, s25  }
0xf4: {  	[tilespmem:s4], [sflag:$0x9] =	stream.linear.gather [hbm4b:s22+s4], $0x400, $0x38;
	[tilespmem:$0x1C800] =	vst v63  }
0xf5: {  	_ =	swait.ge [sflag:s29], $0x400  }
0xf6: {  	s25 =	rddreg [dreg:$0x4];
	[sflag:s29] =	ssyncset.done $0x0  }
0xf7: {  	s22 =	sadd.s32 s23, s25;
	[sflag:s29] =	ssyncadd.s32 $0xFFFFFC00  }
0xf8: {  	[tilespmem:s30], [sflag:$0x9] =	stream.linear.gather [hbm4b:s22+s4], $0x400, $0x38;
	[tilespmem:$0x1C800] =	vst v63  }
0xf9: {  	_ =	swait.ge [sflag:s29], $0x400  }
0xfa: {  	[sflag:s29] =	ssyncset.done $0x0  }
0xfb: {  	[sflag:s29] =	ssyncadd.s32 $0xFFFFFC00  }
0xfc: {  	[tilespmem:s28], [sflag:$0x1] =	stream.indirect.gather [hbm4b:s1+s31], $0x40, s4, s31, $0xb8;
	[tilespmem:$0x1C800] =	vst v63  }
0xfd: {  	_ = 	snop  }
0xfe: {  	[tilespmem:s2], [sflag:$0x2] =	stream.indirect.gather [hbm4b:s1+s31], $0x40, s31, s31, $0xb8;
	[tilespmem:$0x1C800] =	vst v63  }
0xff: {  	s24 =	rddreg [dreg:$0x6]  }
0x100: {  	[tilespmem:s0], [sflag:$0x3] =	stream.indirect.gather [hbm4b:s1+s31], $0x40, s24, s31, $0xb8;
	[tilespmem:$0x1C800] =	vst v63  }
0x101: {  	_ =	swait.ge [sflag:s5], $0x2000  }
0x102: {  	[sflag:s5] =	ssyncset.done $0x0  }
0x103: {  	[sflag:s5] =	ssyncadd.s32 $0xFFFFE000  }
0x104: {  	[spmem:s3] =	stream.indirect.scatter.add.f32 [tilespmem:s28], [sflag:$0x5], $0x40, s30, s31, $0xb8;
	[tilespmem:$0x1C800] =	vst v63  }
0x105: {  	s25 =	rddreg [dreg:$0x7]  }
0x106: {  	[tilespmem:s6], [sflag:$0x4] =	stream.indirect.gather [hbm4b:s1+s31], $0x40, s25, s31, $0xb8;
	[tilespmem:$0x1C800] =	vst v63  }
0x107: {  	_ =	swait.ge [sflag:s7], $0x2000  }
0x108: {  	[sflag:s7] =	ssyncset.done $0x0  }
0x109: {  	s23 =	rddreg [dreg:$0x8];
	[sflag:s7] =	ssyncadd.s32 $0xFFFFE000  }
0x10a: {  	[spmem:s3] =	stream.indirect.scatter.add.f32 [tilespmem:s2], [sflag:$0x6], $0x40, s23, s31, $0xb8;
	[tilespmem:$0x1C800] =	vst v63  }
0x10b: {  	_ =	swait.ge [sflag:s8], $0x2000  }
0x10c: {  	[sflag:s8] =	ssyncset.done $0x0  }
0x10d: {  	s24 =	rddreg [dreg:$0x9];
	[sflag:s8] =	ssyncadd.s32 $0xFFFFE000  }
0x10e: {  	[tilespmem:s28], [sflag:$0x1] =	stream.indirect.gather [hbm4b:s1+s31], $0x40, s24, s31, $0xb8;
	[tilespmem:$0x1C800] =	vst v63  }
0x10f: {  	_ =	swait.ge [sflag:s9], $0x2000  }
0x110: {  	[sflag:s9] =	ssyncset.done $0x0  }
0x111: {  	[sflag:s9] =	ssyncadd.s32 $0xFFFFE000  }
0x112: {  	[spmem:s3] =	stream.indirect.scatter.add.f32 [tilespmem:s0], [sflag:$0x7], $0x40, s10, s31, $0xb8;
	[tilespmem:$0x1C800] =	vst v63  }
0x113: {  	_ =	swait.ge [sflag:s11], $0x2000  }
0x114: {  	[sflag:s11] =	ssyncset.done $0x0  }
0x115: {  	[sflag:s11] =	ssyncadd.s32 $0xFFFFE000  }
0x116: {  	[tilespmem:s2], [sflag:$0x2] =	stream.indirect.gather [hbm4b:s1+s31], $0x40, s12, s31, $0xb8;
	[tilespmem:$0x1C800] =	vst v63  }
0x117: {  	_ =	swait.ge [sflag:s13], $0x2000  }
0x118: {  	[sflag:s13] =	ssyncset.done $0x0  }
0x119: {  	[sflag:s13] =	ssyncadd.s32 $0xFFFFE000  }
0x11a: {  	[spmem:s3] =	stream.indirect.scatter.add.f32 [tilespmem:s6], [sflag:$0x8], $0x40, s14, s31, $0xb8;
	[tilespmem:$0x1C800] =	vst v63  }
0x11b: {  	_ =	swait.ge [sflag:s15], $0x2000  }
0x11c: {  	[sflag:s15] =	ssyncset.done $0x0  }
0x11d: {  	[sflag:s15] =	ssyncadd.s32 $0xFFFFE000  }
0x11e: {  	[tilespmem:s0], [sflag:$0x3] =	stream.indirect.gather [hbm4b:s1+s31], $0x40, s26, s31, $0xb8;
	[tilespmem:$0x1C800] =	vst v63  }
0x11f: {  	_ =	swait.ge [sflag:s5], $0x2000  }
0x120: {  	[sflag:s5] =	ssyncset.done $0x0  }
0x121: {  	[sflag:s5] =	ssyncadd.s32 $0xFFFFE000  }
0x122: {  	[spmem:s3] =	stream.indirect.scatter.add.f32 [tilespmem:s28], [sflag:$0x5], $0x40, s16, s31, $0xb8;
	[tilespmem:$0x1C800] =	vst v63  }
0x123: {  	_ =	swait.ge [sflag:s17], $0x2000  }
0x124: {  	[sflag:s17] =	ssyncset.done $0x0  }
0x125: {  	[sflag:s17] =	ssyncadd.s32 $0xFFFFE000  }
0x126: {  	[tilespmem:s6], [sflag:$0x4] =	stream.indirect.gather [hbm4b:s1+s31], $0x40, s18, s31, $0xb8;
	[tilespmem:$0x1C800] =	vst v63  }
0x127: {  	_ =	swait.ge [sflag:s7], $0x2000  }
0x128: {  	[sflag:s7] =	ssyncset.done $0x0  }
0x129: {  	[sflag:s7] =	ssyncadd.s32 $0xFFFFE000  }
0x12a: {  	[spmem:s3] =	stream.indirect.scatter.add.f32 [tilespmem:s2], [sflag:$0x6], $0x40, s19, s31, $0xb8;
	[tilespmem:$0x1C800] =	vst v63  }
0x12b: {  	_ =	swait.ge [sflag:s9], $0x2000  }
0x12c: {  	[sflag:s9] =	ssyncset.done $0x0  }
0x12d: {  	[sflag:s9] =	ssyncadd.s32 $0xFFFFE000  }
0x12e: {  	[spmem:s3] =	stream.indirect.scatter.add.f32 [tilespmem:s0], [sflag:$0x7], $0x40, s20, s31, $0xb8;
	[tilespmem:$0x1C800] =	vst v63  }
0x12f: {  	_ =	swait.ge [sflag:s13], $0x2000  }
0x130: {  	[sflag:s13] =	ssyncset.done $0x0  }
0x131: {  	[sflag:s13] =	ssyncadd.s32 $0xFFFFE000  }
0x132: {  	[spmem:s3] =	stream.indirect.scatter.add.f32 [tilespmem:s6], [sflag:$0x8], $0x40, s21, s31, $0xb8;
	[tilespmem:$0x1C800] =	vst v63  }
0x133: {  	_ =	swait.ge [sflag:s8], $0x2000  }
0x134: {  	[sflag:s8] =	ssyncset.done $0x0  }
0x135: {  	[sflag:s8] =	ssyncadd.s32 $0xFFFFE000  }
0x136: {  	_ =	swait.ge [sflag:s11], $0x2000  }
0x137: {  	[sflag:s11] =	ssyncset.done $0x0  }
0x138: {  	[sflag:s11] =	ssyncadd.s32 $0xFFFFE000  }
0x139: {  	_ =	swait.ge [sflag:s15], $0x2000  }
0x13a: {  	[sflag:s15] =	ssyncset.done $0x0  }
0x13b: {  	[sflag:s15] =	ssyncadd.s32 $0xFFFFE000  }
0x13c: {  	_ =	swait.ge [sflag:s17], $0x2000  }
0x13d: {  	[sflag:s17] =	ssyncset.done $0x0  }
0x13e: {  	[sflag:s17] =	ssyncadd.s32 $0xFFFFE000  }
0x13f: {  	[bflag:$0x0] =	sbarrier.arrive $0xFFFF  }
0x140: {  	s25 =	rddreg [dreg:$0x15]  }
0x141: {  	[tilespmem:s28], [sflag:$0x9] =	stream.linear.gather [spmem:s25], $0x2000, $0x38;
	[tilespmem:$0x1C800] =	vst v63  }
0x142: {  	_ =	swait.ge [sflag:s29], $0x2000  }
0x143: {  	[sflag:s29] =	ssyncset.done $0x0  }
0x144: {  	s23 =	rddreg [dreg:$0xa];
	[sflag:s29] =	ssyncadd.s32 $0xFFFFE000  }
0x145: {  	[hbm4b:s23+s4] =	stream.linear.scatter [tilespmem:s28], [sflag:$0x9], $0x2000, $0x38;
	[tilespmem:$0x1C800] =	vst v63  }
0x146: {  	_ =	swait.ge [sflag:s29], $0x2000  }
0x147: {  	[sflag:s29] =	ssyncset.done $0x0  }
0x148: {  	s24 =	rddreg [dreg:$0x16];
	[sflag:s29] =	ssyncadd.s32 $0xFFFFE000  }
0x149: {  	[tilespmem:s28], [sflag:$0x9] =	stream.linear.gather [spmem:s24], $0x2000, $0x38;
	[tilespmem:$0x1C800] =	vst v63  }
0x14a: {  	_ =	swait.ge [sflag:s29], $0x2000  }
0x14b: {  	[sflag:s29] =	ssyncset.done $0x0  }
0x14c: {  	s25 =	rddreg [dreg:$0xb];
	[sflag:s29] =	ssyncadd.s32 $0xFFFFE000  }
0x14d: {  	[hbm4b:s25+s4] =	stream.linear.scatter [tilespmem:s28], [sflag:$0x9], $0x2000, $0x38;
	[tilespmem:$0x1C800] =	vst v63  }
0x14e: {  	_ =	swait.ge [sflag:s29], $0x2000  }
0x14f: {  	[sflag:s29] =	ssyncset.done $0x0  }
0x150: {  	s23 =	rddreg [dreg:$0x17];
	[sflag:s29] =	ssyncadd.s32 $0xFFFFE000  }
0x151: {  	[tilespmem:s28], [sflag:$0x9] =	stream.linear.gather [spmem:s23], $0x2000, $0x38;
	[tilespmem:$0x1C800] =	vst v63  }
0x152: {  	_ =	swait.ge [sflag:s29], $0x2000  }
0x153: {  	[sflag:s29] =	ssyncset.done $0x0  }
0x154: {  	s24 =	rddreg [dreg:$0xc];
	[sflag:s29] =	ssyncadd.s32 $0xFFFFE000  }
0x155: {  	[hbm4b:s24+s4] =	stream.linear.scatter [tilespmem:s28], [sflag:$0x9], $0x2000, $0x38;
	[tilespmem:$0x1C800] =	vst v63  }
0x156: {  	_ =	swait.ge [sflag:s29], $0x2000  }
0x157: {  	[sflag:s29] =	ssyncset.done $0x0  }
0x158: {  	s25 =	rddreg [dreg:$0x18];
	[sflag:s29] =	ssyncadd.s32 $0xFFFFE000  }
0x159: {  	[tilespmem:s28], [sflag:$0x9] =	stream.linear.gather [spmem:s25], $0x2000, $0x38;
	[tilespmem:$0x1C800] =	vst v63  }
0x15a: {  	_ =	swait.ge [sflag:s29], $0x2000  }
0x15b: {  	[sflag:s29] =	ssyncset.done $0x0  }
0x15c: {  	s23 =	rddreg [dreg:$0xd];
	[sflag:s29] =	ssyncadd.s32 $0xFFFFE000  }
0x15d: {  	[hbm4b:s23+s4] =	stream.linear.scatter [tilespmem:s28], [sflag:$0x9], $0x2000, $0x38;
	[tilespmem:$0x1C800] =	vst v63  }
0x15e: {  	_ =	swait.ge [sflag:s29], $0x2000  }
0x15f: {  	[sflag:s29] =	ssyncset.done $0x0  }
0x160: {  	s24 =	rddreg [dreg:$0x19];
	[sflag:s29] =	ssyncadd.s32 $0xFFFFE000  }
0x161: {  	[tilespmem:s28], [sflag:$0x9] =	stream.linear.gather [spmem:s24], $0x2000, $0x38;
	[tilespmem:$0x1C800] =	vst v63  }
0x162: {  	_ =	swait.ge [sflag:s29], $0x2000  }
0x163: {  	[sflag:s29] =	ssyncset.done $0x0  }
0x164: {  	s25 =	rddreg [dreg:$0xe];
	[sflag:s29] =	ssyncadd.s32 $0xFFFFE000  }
0x165: {  	[hbm4b:s25+s4] =	stream.linear.scatter [tilespmem:s28], [sflag:$0x9], $0x2000, $0x38;
	[tilespmem:$0x1C800] =	vst v63  }
0x166: {  	_ =	swait.ge [sflag:s29], $0x2000  }
0x167: {  	[sflag:s29] =	ssyncset.done $0x0  }
0x168: {  	s23 =	rddreg [dreg:$0x1a];
	[sflag:s29] =	ssyncadd.s32 $0xFFFFE000  }
0x169: {  	[tilespmem:s28], [sflag:$0x9] =	stream.linear.gather [spmem:s23], $0x2000, $0x38;
	[tilespmem:$0x1C800] =	vst v63  }
0x16a: {  	_ =	swait.ge [sflag:s29], $0x2000  }
0x16b: {  	[sflag:s29] =	ssyncset.done $0x0  }
0x16c: {  	s24 =	rddreg [dreg:$0xf];
	[sflag:s29] =	ssyncadd.s32 $0xFFFFE000  }
0x16d: {  	[hbm4b:s24+s4] =	stream.linear.scatter [tilespmem:s28], [sflag:$0x9], $0x2000, $0x38;
	[tilespmem:$0x1C800] =	vst v63  }
0x16e: {  	_ =	swait.ge [sflag:s29], $0x2000  }
0x16f: {  	[sflag:s29] =	ssyncset.done $0x0  }
0x170: {  	s25 =	rddreg [dreg:$0x1b];
	[sflag:s29] =	ssyncadd.s32 $0xFFFFE000  }
0x171: {  	[tilespmem:s28], [sflag:$0x9] =	stream.linear.gather [spmem:s25], $0x2000, $0x38;
	[tilespmem:$0x1C800] =	vst v63  }
0x172: {  	_ =	swait.ge [sflag:s29], $0x2000  }
0x173: {  	[sflag:s29] =	ssyncset.done $0x0  }
0x174: {  	s23 =	rddreg [dreg:$0x10];
	[sflag:s29] =	ssyncadd.s32 $0xFFFFE000  }
0x175: {  	[hbm4b:s23+s4] =	stream.linear.scatter [tilespmem:s28], [sflag:$0x9], $0x2000, $0x38;
	[tilespmem:$0x1C800] =	vst v63  }
0x176: {  	_ =	swait.ge [sflag:s29], $0x2000  }
0x177: {  	[sflag:s29] =	ssyncset.done $0x0  }
0x178: {  	s24 =	rddreg [dreg:$0x1c];
	[sflag:s29] =	ssyncadd.s32 $0xFFFFE000  }
0x179: {  	[tilespmem:s28], [sflag:$0x9] =	stream.linear.gather [spmem:s24], $0x2000, $0x38;
	[tilespmem:$0x1C800] =	vst v63  }
0x17a: {  	_ =	swait.ge [sflag:s29], $0x2000  }
0x17b: {  	[sflag:s29] =	ssyncset.done $0x0  }
0x17c: {  	s25 =	rddreg [dreg:$0x11];
	[sflag:s29] =	ssyncadd.s32 $0xFFFFE000  }
0x17d: {  	[hbm4b:s25+s4] =	stream.linear.scatter [tilespmem:s28], [sflag:$0x9], $0x2000, $0x38;
	[tilespmem:$0x1C800] =	vst v63  }
0x17e: {  	_ =	swait.ge [sflag:s29], $0x2000  }
0x17f: {  	[sflag:s29] =	ssyncset.done $0x0  }
0x180: {  	s25 =	rddreg [dreg:$0x1d];
	[sflag:s29] =	ssyncadd.s32 $0xFFFFE000  }
0x181: {  	[tilespmem:s28], [sflag:$0x9] =	stream.linear.gather [spmem:s25], $0x2000, $0x38;
	[tilespmem:$0x1C800] =	vst v63  }
0x182: {  	_ =	swait.ge [sflag:s29], $0x2000  }
0x183: {  	[sflag:s29] =	ssyncset.done $0x0  }
0x184: {  	s23 =	rddreg [dreg:$0x12];
	[sflag:s29] =	ssyncadd.s32 $0xFFFFE000  }
0x185: {  	[hbm4b:s23+s4] =	stream.linear.scatter [tilespmem:s28], [sflag:$0x9], $0x2000, $0x38;
	[tilespmem:$0x1C800] =	vst v63  }
0x186: {  	_ =	swait.ge [sflag:s29], $0x2000  }
0x187: {  	[sflag:s29] =	ssyncset.done $0x0  }
0x188: {  	s23 =	rddreg [dreg:$0x1e];
	[sflag:s29] =	ssyncadd.s32 $0xFFFFE000  }
0x189: {  	[tilespmem:s28], [sflag:$0x9] =	stream.linear.gather [spmem:s23], $0x2000, $0x38;
	[tilespmem:$0x1C800] =	vst v63  }
0x18a: {  	_ =	swait.ge [sflag:s29], $0x2000  }
0x18b: {  	[sflag:s29] =	ssyncset.done $0x0  }
0x18c: {  	s24 =	rddreg [dreg:$0x13];
	[sflag:s29] =	ssyncadd.s32 $0xFFFFE000  }
0x18d: {  	[hbm4b:s24+s4] =	stream.linear.scatter [tilespmem:s28], [sflag:$0x9], $0x2000, $0x38;
	[tilespmem:$0x1C800] =	vst v63  }
0x18e: {  	_ =	swait.ge [sflag:s29], $0x2000  }
0x18f: {  	s24 =	sld [smem:$0x7FD];
	_ =	sdelay $0x2  }
0x190: {  	s22 =	rddreg [dreg:$0x1f];
	s24 =	sadd.s32 $0x1, s24  }
0x191: {  	p0 =	sne.s32 s24, s22  }
.Ltmp1:
0x192: {  	_ = 	snop;
	(pc) =	sbr.rel @p0 .LBB2_1-.Ltmp1, $3  }
0x193: {  	_ =	sdelay $0x1  }
0x194: {  	[sflag:s29] =	ssyncset.done $0x0;
	[smem:$0x7FD] =	sst s24  }
0x195: {  	[sflag:s29] =	ssyncadd.s32 $0xFFFFE000;
	s24 =	rddreg [dreg:$0x15]  }
0x196: {  	_ =	sfence.sel $0x180000  }
0x197: {  	[bflag:$0x0] =	sbarrier.arrive $0xFFFF  }
0x198: {  	_ =	strace $0x90000047  }
0x199: {  	s0 =	stileid.u32;
	[bflag:$0x2] =	sbarrier.arrive $0xFFFF  }
0x19a: {  	p0 =	sne.s32 s0, $0x0;
	s0 =	rddreg [dreg:$0x3]  }
0x19b: {  	s0 =	sadd.s32 @!p0 $0x100000, s0  }
0x19c: {  	[sflag:s0] =	ssyncadd.tile.s32 @!p0 $0x1;
	_ =	shalt  }
.Lfunc_end2:
_tile_overlayer_lowered:
.L_overlay_start_2:
0x19d: {  	(tag) =	ssettag $0x2  }
0x19e: {  	s0 =	rddreg [dreg:$0x0];
	s2 =	stileid.u32  }
0x19f: {  	s1 =	rddreg [dreg:$0x1];
	p0 =	sne.s32 s2, $0x0  }
0x1a0: {  	s3 =	rddreg [dreg:$0x2];
	[bflag:$0x3] =	sbarrier.arrive $0xFFFF;
	s2 =	simm.s32 @!p0 $0x1C09  }
0x1a1: {  	[timem:s3], [sflag:s2] =	dma.local @!p0 [hbm:s0], s1  }
0x1a2: {  	s0 =	simm.s32 @!p0 $0x9  }
0x1a3: {  	_ =	swait.ge @!p0 [sflag:s0], s1  }
0x1a4: {  	s1 =	ssub.s32 @!p0 $0x0, s1;
	[sflag:s0] =	ssyncset.done @!p0 $0x0  }
0x1a5: {  	[sflag:s0] =	ssyncadd.s32 @!p0 s1  }
0x1a6: {  	[bflag:$0x3] =	sbarrier.arrive $0xFFFF  }
0x1a7: {  	_ =	shalt  }

// kernel: sc_curv_aggregate.7.cloned.1.call-start
scs
__scs_entry_jumppad:
0x0: {  	(pc) =	sbr.rel $0x88, $3  }
0x1: {  	(tag) =	ssettag $0x0;
	lr =	simm.s32 $0x1  }
0x2: {  	[smem:$0x3F92] =	sst lr;
	_ =	strace $0xD0000000  }
0x3: {  	_ = 	snop  }
0x4: {  	_ = 	snop  }
0x5: {  	_ = 	snop  }
0x6: {  	_ = 	snop  }
0x7: {  	_ = 	snop  }
__scs_overlays_trampoline_lowered:
0x8: {  	[smem:$0x3FA1] =	sst s0  }
0x9: {  	[smem:$0x3FA2] =	sst s1  }
0xa: {  	[smem:$0x3FA3] =	sst s2  }
0xb: {  	[smem:$0x3FA4] =	sst s3  }
0xc: {  	[smem:$0x3FA5] =	sst s4  }
0xd: {  	[smem:$0x3FA6] =	sst s5  }
0xe: {  	[smem:$0x3FA7] =	sst s6  }
0xf: {  	[smem:$0x3FA8] =	sst s7  }
0x10: {  	[smem:$0x3FA9] =	sst s8  }
0x11: {  	[smem:$0x3FAA] =	sst s9;
	s0 =	simm.s32 @!p0 $0x0  }
0x12: {  	s1 =	sld [smem:$0x3F90];
	s0 =	simm.s32 @p0 $0x1  }
0x13: {  	[smem:$0x3FAB] =	sst s0;
	s0 =	simm.s32 @!p1 $0x0  }
0x14: {  	s2 =	sld [smem:$0x3F8F];
	s0 =	simm.s32 @p1 $0x1  }
0x15: {  	[smem:$0x3FAC] =	sst s0;
	s0 =	simm.s32 @!p2 $0x0  }
0x16: {  	s3 =	sld [smem:$0x3FDB];
	s0 =	simm.s32 @p2 $0x1  }
0x17: {  	s4 =	simm.s32 $0x1BF5;
	[smem:$0x3FAE] =	sst s0  }
0x18: {  	s0 =	sld [smem:$0x3F91];
	_ =	swait.ge [sflag:s4], $0x0  }
0x19: {  	s7 =	sld [smem:$0x3F92]  }
0x1a: {  	s8 =	sadd.s32 $0xFFFFE003, lr  }
0x1b: {  	s9 =	sadd.s32 $0xFFFFFEF7, lr;
	s5 =	simm.s32 $0xFFFFFFFF;
	p2 =	slt.u32 s8, $0xFFFFF086  }
0x1c: {  	p1 =	slt.u32 s9, $0xF7A;
	s5 =	simm.s32 @!p2 $0x0  }
0x1d: {  	s5 =	simm.s32 @p1 $0x1;
	p0 =	seq.s32 s7, s2  }
0x1e: {  	s7 =	smul.u32 @!p0 $0xF7A, s2;
	p2 =	seq.s32 @!p0 s5, $0x0  }
0x1f: {  	s9 =	smul.u32 $0xF7A, s1;
	s8 =	simm.s32 @!p0 $0x1BF5;
	p2 =	por !p2, p0  }
0x20: {  	[sflag:s8] =	ssyncset.s32 @!p0 $0xFFFFF086;
	s6 =	sadd.s32 @!p0 s3, s7;
	s7 =	simm.s32 @!p0 $0x108  }
0x21: {  	s3 =	sadd.s32 s3, s9;
	s6 =	sadd.s32 @!p0 $0x88, s6;
	s7 =	simm.s32 @p2 $0x1082  }
0x22: {  	[simem:s7], [sflag:s8] =	dma.local @!p0 [hbm:s6], $0xF7A  }
0x23: {  	s9 =	sor.u32 $0xD0000000, s2;
	s6 =	simm.s32 $0x108;
	_ =	swait.ge @!p0 [sflag:s8], $0x0  }
0x24: {  	s3 =	sadd.s32 $0x88, s3;
	s6 =	simm.s32 @!p1 $0x1082;
	[sflag:s4] =	ssyncset.s32 $0xFFFFF086  }
0x25: {  	[simem:s6], [sflag:s4] =	dma.local [hbm:s3], $0xF7A  }
0x26: {  	[smem:$0x3F92] =	sst s1;
	(tag) =	ssettag s2;
	_ =	strace s9  }
0x27: {  	s1 =	sld [smem:$0x3FA2]  }
0x28: {  	s2 =	sld [smem:$0x3FA3]  }
0x29: {  	s4 =	sld [smem:$0x3FA5]  }
0x2a: {  	p0 =	seq.s32 s5, $0x0;
	s5 =	sld [smem:$0x3FA6]  }
0x2b: {  	s6 =	sld [smem:$0x3FA7]  }
0x2c: {  	s7 =	sld [smem:$0x3FA8]  }
0x2d: {  	s3 =	simm.s32 $0x108;
	s8 =	sld [smem:$0x3FA9]  }
0x2e: {  	s3 =	simm.s32 @!p0 $0x1082;
	s9 =	sld [smem:$0x3FAA]  }
0x2f: {  	lr =	sadd.s32 s0, s3;
	s0 =	sld [smem:$0x3FA1]  }
0x30: {  	s3 =	sld [smem:$0x3FA4]  }
0x31: {  	[smem:$0x3FAD] =	sst s10  }
0x32: {  	s10 =	sld [smem:$0x3FAB];
	_ =	sdelay $0x3  }
0x33: {  	p0 =	seq.s32 s10, $0x1;
	s10 =	sld [smem:$0x3FAD];
	_ =	sdelay $0x3  }
0x34: {  	[smem:$0x3FAD] =	sst s10  }
0x35: {  	s10 =	sld [smem:$0x3FAC];
	_ =	sdelay $0x3  }
0x36: {  	p1 =	seq.s32 s10, $0x1;
	s10 =	sld [smem:$0x3FAD];
	_ =	sdelay $0x3  }
0x37: {  	[smem:$0x3FAD] =	sst s10  }
0x38: {  	s10 =	sld [smem:$0x3FAE]  }
0x39: {  	_ = 	snop;
	(pc) =	sbr.ind lr, $3  }
0x3a: {  	_ = 	snop  }
0x3b: {  	_ = 	snop  }
0x3c: {  	p2 =	seq.s32 s10, $0x1;
	s10 =	sld [smem:$0x3FAD]  }
0x3d: {  	_ =	shalt  }
0x3e: {  	_ =	shalt  }
0x3f: {  	_ =	shalt  }
0x40: {  	_ =	shalt  }
0x41: {  	_ =	shalt  }
0x42: {  	_ =	shalt  }
0x43: {  	_ =	shalt  }
0x44: {  	_ =	shalt  }
0x45: {  	_ =	shalt  }
0x46: {  	_ =	shalt  }
0x47: {  	_ =	shalt  }
0x48: {  	_ =	shalt  }
0x49: {  	_ =	shalt  }
0x4a: {  	_ =	shalt  }
0x4b: {  	_ =	shalt  }
0x4c: {  	_ =	shalt  }
0x4d: {  	_ =	shalt  }
0x4e: {  	_ =	shalt  }
0x4f: {  	_ =	shalt  }
0x50: {  	_ =	shalt  }
0x51: {  	_ =	shalt  }
0x52: {  	_ =	shalt  }
0x53: {  	_ =	shalt  }
0x54: {  	_ =	shalt  }
0x55: {  	_ =	shalt  }
0x56: {  	_ =	shalt  }
0x57: {  	_ =	shalt  }
0x58: {  	_ =	shalt  }
0x59: {  	_ =	shalt  }
0x5a: {  	_ =	shalt  }
0x5b: {  	_ =	shalt  }
0x5c: {  	_ =	shalt  }
0x5d: {  	_ =	shalt  }
0x5e: {  	_ =	shalt  }
0x5f: {  	_ =	shalt  }
0x60: {  	_ =	shalt  }
0x61: {  	_ =	shalt  }
0x62: {  	_ =	shalt  }
0x63: {  	_ =	shalt  }
0x64: {  	_ =	shalt  }
0x65: {  	_ =	shalt  }
0x66: {  	_ =	shalt  }
0x67: {  	_ =	shalt  }
0x68: {  	_ =	shalt  }
0x69: {  	_ =	shalt  }
0x6a: {  	_ =	shalt  }
0x6b: {  	_ =	shalt  }
0x6c: {  	_ =	shalt  }
0x6d: {  	_ =	shalt  }
0x6e: {  	_ =	shalt  }
0x6f: {  	_ =	shalt  }
0x70: {  	_ =	shalt  }
0x71: {  	_ =	shalt  }
0x72: {  	_ =	shalt  }
0x73: {  	_ =	shalt  }
0x74: {  	_ =	shalt  }
0x75: {  	_ =	shalt  }
0x76: {  	_ =	shalt  }
0x77: {  	_ =	shalt  }
0x78: {  	_ =	shalt  }
0x79: {  	_ =	shalt  }
0x7a: {  	_ =	shalt  }
0x7b: {  	_ =	shalt  }
0x7c: {  	_ =	shalt  }
0x7d: {  	_ =	shalt  }
0x7e: {  	_ =	shalt  }
0x7f: {  	_ =	shalt  }
0x80: {  	_ =	shalt  }
0x81: {  	_ =	shalt  }
0x82: {  	_ =	shalt  }
0x83: {  	_ =	shalt  }
0x84: {  	_ =	shalt  }
0x85: {  	_ =	shalt  }
0x86: {  	_ =	shalt  }
0x87: {  	_ =	shalt  }
.Lfunc_end0:
.L_simem_size_0:
called_computation.2_lowered:
.L_overlay_start_0:
0x88: {  	s2 =	sld [smem:$0x3FD9]  }
0x89: {  	s3 =	sld [smem:$0x3FFE];
	_ =	sdelay $0x1  }
0x8a: {  	s1 =	srdreg.scid  }
0x8b: {  	s0 =	sand.u32 $0x1, s1  }
0x8c: {  	s17 =	sshll.u32 s0, $0xA;
	s2 =	sadd.s32 s3, s2  }
0x8d: {  	s2 =	sadd.s32 s2, s17  }
0x8e: {  	[smem:$0x3FB9] =	sst s2  }
0x8f: {  	_ = 	snop  }
0x90: {  	s2 =	sld [smem:$0x3FD0];
	(tm) =	ssettm $0x1  }
0x91: {  	s18 =	sld [smem:$0x3FFB];
	_ =	sdelay $0x3  }
0x92: {  	_ =	strace s18  }
0x93: {  	s3 =	sld [smem:$0x3FFC];
	_ =	sdelay $0x3  }
0x94: {  	_ =	strace s3  }
0x95: {  	s3 =	sld [smem:$0x3FFD];
	_ =	sdelay $0x3  }
0x96: {  	_ =	strace s3  }
0x97: {  	_ =	strace $0x8FFFFFFF  }
0x98: {  	s19 =	sld [smem:$0x3FDB];
	_ =	sdelay $0x1  }
0x99: {  	s4 =	simm.s32 $_scs_section_size  }
0x9a: {  	s5 =	simm.s32 $_size__tile_overlayer_lowered;
	s6 =	simm.s32 $_tile_overlayer_lowered  }
0x9b: {  	s22 =	simm.s32 $0x1BFF;
	s21 =	sshll.u32 s6, $0x1;
	s3 =	sadd.s32 s4, s19  }
0x9c: {  	s7 =	simm.s32 $0x0;
	s20 =	sshll.u32 s5, $0x1;
	s5 =	sadd.s32 s21, s3  }
0x9d: {  	[timem:s7], [sflag:s22] =	dma.local [hbm:s5], s20  }
0x9e: {  	_ =	swait.ge [sflag:s22], s20  }
0x9f: {  	s4 =	ssub.s32 $0x0, s20;
	[sflag:s22] =	ssyncset.done $0x0  }
0xa0: {  	[sflag:s22] =	ssyncadd.s32 s4;
	_ =	sdelay $0x1  }
0xa1: {  	s23 =	simm.s32 $0x1B8B  }
0xa2: {  	_ =	swait.ge [sflag:s23], $0x1  }
0xa3: {  	[sflag:s23] =	ssyncset.done $0x0  }
0xa4: {  	s25 =	simm.s32 $0x1B8E;
	s24 =	sld [smem:$0x3FFE];
	[sflag:s23] =	ssyncadd.s32 $0xFFFFFFFF  }
0xa5: {  	s26 =	simm.s32 $execute0_lowered;
	[smem:$0x3FD2] =	sst s25  }
0xa6: {  	s5 =	sshll.u32 s26, $0x1;
	_ =	strace $0x8000004C;
	[dreg:$0x1] =	wrdreg $0xFFFFFFFF  }
0xa7: {  	s28 =	simm.s32 $_size_execute0_lowered;
	s3 =	sadd.s32 s3, s5;
	[dreg:$0x0] =	wrdreg $0x0  }
0xa8: {  	s5 =	sshll.u32 s28, $0x1;
	[dreg:$0x2] =	wrdreg s3  }
0xa9: {  	[dreg:$0x3] =	wrdreg s5  }
0xaa: {  	[dreg:$0x4] =	wrdreg $0xC0  }
0xab: {  	_ =	task [dreg:s7], $0x5FFFF  }
0xac: {  	[dreg:$0x1] =	wrdreg $0xFFFFFFFF  }
0xad: {  	[dreg:$0x0] =	wrdreg $0x60  }
0xae: {  	[dreg:$0x2] =	wrdreg s2  }
0xaf: {  	[dreg:$0x3] =	wrdreg s24  }
0xb0: {  	[dreg:$0x4] =	wrdreg $0x88000  }
0xb1: {  	[dreg:$0x5] =	wrdreg $0x9  }
0xb2: {  	_ =	task.clear_ibuf [dreg:s7], $0x6FFFF;
	_ =	strace $0x9000004C  }
0xb3: {  	s29 =	simm.s32 $0x9;
	_ =	strace $0x8000004E  }
0xb4: {  	_ =	swait.ge [sflag:s29], $0x1  }
0xb5: {  	[sflag:s29] =	ssyncadd.s32 $0xFFFFFFFF  }
0xb6: {  	_ =	strace $0x9000004E  }
0xb7: {  	_ =	sfence  }
0xb8: {  	s30 =	sld [smem:$0x0];
	_ =	sdelay $0x2  }
0xb9: {  	s31 =	sshll.u32 s1, $0xD;
	s1 =	sshrl.u32 s1, $0x2  }
0xba: {  	s3 =	sand.u32 $0x4000, s31;
	s1 =	sadd.s32 s1, s30  }
0xbb: {  	s0 =	sor.u32 s3, s0;
	s1 =	sshll.u32 s1, $0x11  }
0xbc: {  	s0 =	sor.u32 s1, s0  }
0xbd: {  	s0 =	sadd.s32 $0x8F2B, s0  }
0xbe: {  	[sflag:s0] =	ssyncadd.remote.s32 $0x1  }
0xbf: {  	_ =	sfence.sel $0xFFFF  }
0xc0: {  	[dreg:$0x0] =	wrdreg $0xFFFFFFFF;
	(pc) =	sbr.abs _section_cstart, $3  }
0xc1: {  	[dreg:$0x1] =	wrdreg $0xFFFFFFFF  }
0xc2: {  	_ =	task.clear_ibuf [dreg:s7], $0x2FFFF;
	_ =	strace $0x9FFFFFFF  }
0xc3: {  	(tm) =	ssettm $0x7FFFFFFF  }
tec
execute0_lowered:
.L_overlay_start_1:
0x0: {  	(tag) =	ssettag $0x1  }
0x1: {  	s1 =	rddreg [dreg:$0x0];
	s2 =	srdreg.scid  }
0x2: {  	s8 =	stileid.u32;
	s0 =	rddreg [dreg:$0x1]  }
0x3: {  	s3 =	rddreg [dreg:$0x2];
	s4 =	simm.s32 $0x0;
	s28 =	simm.s32 $0x800  }
0x4: {  	s29 =	simm.s32 $0x9;
	s30 =	simm.s32 $0x400;
	s17 =	smul.u32 $0x5000, s8  }
0x5: {  	s31 =	simm.s32 $0x80;
	s5 =	sand.u32 $0x1, s2;
	s18 =	smul.u32 $0xA00, s8  }
0x6: {  	[smem:$0x7FF] =	sst s4;
	s8 =	smul.u32 $0x14000, s8;
	s9 =	sadd.s32 $0x1F000, s0  }
0x7: {  	s6 =	smul.u32 $0x50000, s5;
	_ =	strace $0x8000004D;
	s19 =	ssub.s32 $0x2, s5  }
0x8: {  	s5 =	smul.u32 $0x140000, s5;
	s10 =	sshrl.u32 s19, $0x1;
	s11 =	sadd.s32 $0x4000, s8  }
0x9: {  	s12 =	sadd.s32 $0x6000, s8;
	s13 =	sadd.s32 $0x8000, s8;
	s14 =	sadd.s32 $0xA000, s8  }
0xa: {  	s15 =	sadd.s32 $0xC000, s8;
	s2 =	sadd.s32 s17, s6;
	s6 =	sadd.s32 s18, s0  }
0xb: {  	s16 =	sadd.s32 s8, s5;
	s17 =	sadd.s32 $0xE000, s8;
	s21 =	sadd.s32 s5, s11  }
0xc: {  	s22 =	sadd.s32 s5, s12;
	s25 =	sadd.s32 s5, s14;
	s2 =	sshrl.u32 s2, $0x3  }
0xd: {  	s16 =	sshrl.u32 s16, $0x3;
	s6 =	sadd.s32 $0x14C00, s6;
	s7 =	sadd.s32 s2, s0  }
0xe: {  	s2 =	ssub.s32 s19, s10;
	s10 =	sor.u32 $0x2000, s8;
	s19 =	sadd.s32 $0x10000, s8  }
0xf: {  	s16 =	sadd.s32 s9, s16;
	[dreg:$0x4] =	wrdreg s6;
	s0 =	sadd.s32 $0x1EC00, s0  }
0x10: {  	s18 =	sadd.s32 s5, s10;
	[dreg:$0xa] =	wrdreg s16;
	s26 =	sadd.s32 $0xC00, s7  }
0x11: {  	[dreg:$0x14] =	wrdreg s0;
	s0 =	simm.s32 $0x4800;
	s20 =	sshrl.u32 s18, $0x3  }
0x12: {  	s18 =	sshrl.u32 s22, $0x3;
	[dreg:$0x5] =	wrdreg s26;
	s22 =	simm.s32 $0x480  }
0x13: {  	s26 =	simm.s32 $0x200;
	s16 =	sadd.s32 s9, s20;
	s20 =	sadd.s32 s5, s13  }
0x14: {  	s23 =	sadd.s32 s9, s18;
	s18 =	simm.s32 $0x100;
	[dreg:$0x8] =	wrdreg s22  }
0x15: {  	[dreg:$0x9] =	wrdreg s26;
	s22 =	sadd.s32 s14, s3;
	s26 =	smax.u32 s2, $0x1  }
0x16: {  	s2 =	simm.s32 $0x2800;
	s14 =	simm.s32 $0x580;
	[dreg:$0xb] =	wrdreg s16  }
0x17: {  	s16 =	sshrl.u32 s21, $0x3;
	[dreg:$0xd] =	wrdreg s23;
	s24 =	sshrl.u32 s20, $0x3  }
0x18: {  	s20 =	sadd.s32 s5, s15;
	[dreg:$0x6] =	wrdreg s18;
	s21 =	simm.s32 $0x180  }
0x19: {  	s23 =	sadd.s32 s5, s17;
	s18 =	sadd.s32 s11, s3;
	[dreg:$0x1a] =	wrdreg s22  }
0x1a: {  	[dreg:$0x1f] =	wrdreg s26;
	s11 =	simm.s32 $0x6;
	s26 =	simm.s32 $0x300  }
0x1b: {  	s22 =	simm.s32 $0x0;
	s16 =	sadd.s32 s9, s16;
	[dreg:$0x7] =	wrdreg s21  }
0x1c: {  	s7 =	sshrl.u32 s20, $0x3;
	s6 =	sshrl.u32 s23, $0x3;
	[dreg:$0x17] =	wrdreg s18  }
0x1d: {  	s20 =	sadd.s32 s12, s3;
	s21 =	sadd.s32 s13, s3;
	[smem:$0x7FD] =	sst s22  }
0x1e: {  	s23 =	sadd.s32 s15, s3;
	s12 =	simm.s32 $0x280;
	[dreg:$0xc] =	wrdreg s16  }
0x1f: {  	s13 =	simm.s32 $0x4;
	s15 =	simm.s32 $0x7;
	[dreg:$0x18] =	wrdreg s20  }
0x20: {  	s18 =	simm.s32 $0x380;
	s16 =	sadd.s32 s9, s24;
	[dreg:$0x19] =	wrdreg s21  }
0x21: {  	s7 =	sadd.s32 s9, s7;
	s24 =	sadd.s32 s5, s19;
	[dreg:$0x1b] =	wrdreg s23  }
0x22: {  	s6 =	sadd.s32 s9, s6;
	s20 =	simm.s32 $0x700;
	[dreg:$0xe] =	wrdreg s16  }
0x23: {  	s21 =	simm.s32 $0x780;
	s16 =	sshrl.u32 s25, $0x3;
	[dreg:$0x10] =	wrdreg s7  }
0x24: {  	s7 =	sadd.s32 $0x12000, s8;
	[dreg:$0x11] =	wrdreg s6;
	s25 =	sshrl.u32 s24, $0x3  }
0x25: {  	s24 =	sadd.s32 s8, s3;
	s8 =	simm.s32 $0x5;
	s16 =	sadd.s32 s9, s16  }
0x26: {  	s5 =	sadd.s32 s5, s7;
	s6 =	sadd.s32 s9, s25;
	[dreg:$0x15] =	wrdreg s24  }
0x27: {  	s25 =	sadd.s32 s17, s3;
	s23 =	sadd.s32 s7, s3;
	[dreg:$0xf] =	wrdreg s16  }
0x28: {  	s7 =	simm.s32 $0x2;
	s17 =	simm.s32 $0x8;
	[dreg:$0x12] =	wrdreg s6  }
0x29: {  	s5 =	sshrl.u32 s5, $0x3;
	s16 =	sadd.s32 s10, s3;
	[dreg:$0x1c] =	wrdreg s25  }
0x2a: {  	s25 =	sadd.s32 s19, s3;
	s6 =	simm.s32 $0x6800;
	[dreg:$0x1e] =	wrdreg s23  }
0x2b: {  	s10 =	simm.s32 $0x500;
	s19 =	simm.s32 $0x680;
	[dreg:$0x16] =	wrdreg s16  }
0x2c: {  	s5 =	sadd.s32 s9, s5;
	s9 =	simm.s32 $0x3;
	[dreg:$0x1d] =	wrdreg s25  }
0x2d: {  	s16 =	simm.s32 $0x600;
	[dreg:$0x13] =	wrdreg s5;
	s5 =	simm.s32 $0x1  }
.LBB2_1:
0x2e: {  	s22 =	rddreg [dreg:$0x14]  }
0x2f: {  	[tilespmem:s28], [sflag:$0x9] =	stream.linear.gather [hbm4b:s22+s4], $0x2000, $0x38;
	[tilespmem:$0x1C800] =	vst v63  }
0x30: {  	_ =	swait.ge [sflag:s29], $0x2000  }
0x31: {  	[sflag:s29] =	ssyncset.done $0x0  }
0x32: {  	[sflag:s29] =	ssyncadd.s32 $0xFFFFE000  }
0x33: {  	[spmem:s24] =	stream.linear.scatter [tilespmem:s28], [sflag:$0x9], $0x2000, $0x38;
	[tilespmem:$0x1C800] =	vst v63  }
0x34: {  	_ =	swait.ge [sflag:s29], $0x2000  }
0x35: {  	[sflag:s29] =	ssyncset.done $0x0  }
0x36: {  	s24 =	rddreg [dreg:$0x16];
	[sflag:s29] =	ssyncadd.s32 $0xFFFFE000  }
0x37: {  	[spmem:s24] =	stream.linear.scatter [tilespmem:s28], [sflag:$0x9], $0x2000, $0x38;
	[tilespmem:$0x1C800] =	vst v63  }
0x38: {  	_ =	swait.ge [sflag:s29], $0x2000  }
0x39: {  	[sflag:s29] =	ssyncset.done $0x0  }
0x3a: {  	s24 =	rddreg [dreg:$0x17];
	[sflag:s29] =	ssyncadd.s32 $0xFFFFE000  }
0x3b: {  	[spmem:s24] =	stream.linear.scatter [tilespmem:s28], [sflag:$0x9], $0x2000, $0x38;
	[tilespmem:$0x1C800] =	vst v63  }
0x3c: {  	_ =	swait.ge [sflag:s29], $0x2000  }
0x3d: {  	[sflag:s29] =	ssyncset.done $0x0  }
0x3e: {  	s24 =	rddreg [dreg:$0x18];
	[sflag:s29] =	ssyncadd.s32 $0xFFFFE000  }
0x3f: {  	[spmem:s24] =	stream.linear.scatter [tilespmem:s28], [sflag:$0x9], $0x2000, $0x38;
	[tilespmem:$0x1C800] =	vst v63  }
0x40: {  	_ =	swait.ge [sflag:s29], $0x2000  }
0x41: {  	[sflag:s29] =	ssyncset.done $0x0  }
0x42: {  	s24 =	rddreg [dreg:$0x19];
	[sflag:s29] =	ssyncadd.s32 $0xFFFFE000  }
0x43: {  	[spmem:s24] =	stream.linear.scatter [tilespmem:s28], [sflag:$0x9], $0x2000, $0x38;
	[tilespmem:$0x1C800] =	vst v63  }
0x44: {  	_ =	swait.ge [sflag:s29], $0x2000  }
0x45: {  	[sflag:s29] =	ssyncset.done $0x0  }
0x46: {  	s24 =	rddreg [dreg:$0x1a];
	[sflag:s29] =	ssyncadd.s32 $0xFFFFE000  }
0x47: {  	[spmem:s24] =	stream.linear.scatter [tilespmem:s28], [sflag:$0x9], $0x2000, $0x38;
	[tilespmem:$0x1C800] =	vst v63  }
0x48: {  	_ =	swait.ge [sflag:s29], $0x2000  }
0x49: {  	[sflag:s29] =	ssyncset.done $0x0  }
0x4a: {  	s24 =	rddreg [dreg:$0x1b];
	[sflag:s29] =	ssyncadd.s32 $0xFFFFE000  }
0x4b: {  	[spmem:s24] =	stream.linear.scatter [tilespmem:s28], [sflag:$0x9], $0x2000, $0x38;
	[tilespmem:$0x1C800] =	vst v63  }
0x4c: {  	_ =	swait.ge [sflag:s29], $0x2000  }
0x4d: {  	[sflag:s29] =	ssyncset.done $0x0  }
0x4e: {  	s24 =	rddreg [dreg:$0x1c];
	[sflag:s29] =	ssyncadd.s32 $0xFFFFE000  }
0x4f: {  	[spmem:s24] =	stream.linear.scatter [tilespmem:s28], [sflag:$0x9], $0x2000, $0x38;
	[tilespmem:$0x1C800] =	vst v63  }
0x50: {  	_ =	swait.ge [sflag:s29], $0x2000  }
0x51: {  	[sflag:s29] =	ssyncset.done $0x0  }
0x52: {  	[sflag:s29] =	ssyncadd.s32 $0xFFFFE000  }
0x53: {  	[spmem:s25] =	stream.linear.scatter [tilespmem:s28], [sflag:$0x9], $0x2000, $0x38;
	[tilespmem:$0x1C800] =	vst v63  }
0x54: {  	_ =	swait.ge [sflag:s29], $0x2000  }
0x55: {  	[sflag:s29] =	ssyncset.done $0x0  }
0x56: {  	[sflag:s29] =	ssyncadd.s32 $0xFFFFE000  }
0x57: {  	[spmem:s23] =	stream.linear.scatter [tilespmem:s28], [sflag:$0x9], $0x2000, $0x38;
	[tilespmem:$0x1C800] =	vst v63  }
0x58: {  	_ =	swait.ge [sflag:s29], $0x2000  }
0x59: {  	[sflag:s29] =	ssyncset.done $0x0  }
0x5a: {  	[sflag:s29] =	ssyncadd.s32 $0xFFFFE000  }
0x5b: {  	[bflag:$0x0] =	sbarrier.arrive $0xFFFF  }
0x5c: {  	s22 =	rddreg [dreg:$0x5]  }
0x5d: {  	s23 =	sadd.s32 $0x0, s22  }
0x5e: {  	[tilespmem:s4], [sflag:$0x9] =	stream.linear.gather [hbm4b:s23+s4], $0x400, $0x38;
	[tilespmem:$0x1C800] =	vst v63  }
0x5f: {  	_ =	swait.ge [sflag:s29], $0x400  }
0x60: {  	s24 =	rddreg [dreg:$0x4];
	[sflag:s29] =	ssyncset.done $0x0  }
0x61: {  	[sflag:s29] =	ssyncadd.s32 $0xFFFFFC00;
	s23 =	sadd.s32 $0x0, s24  }
0x62: {  	[tilespmem:s30], [sflag:$0x9] =	stream.linear.gather [hbm4b:s23+s4], $0x400, $0x38;
	[tilespmem:$0x1C800] =	vst v63  }
0x63: {  	_ =	swait.ge [sflag:s29], $0x400  }
0x64: {  	[sflag:s29] =	ssyncset.done $0x0  }
0x65: {  	[sflag:s29] =	ssyncadd.s32 $0xFFFFFC00  }
0x66: {  	[tilespmem:s28], [sflag:$0x1] =	stream.indirect.gather [hbm4b:s1+s31], $0x40, s4, s31, $0xb8;
	[tilespmem:$0x1C800] =	vst v63  }
0x67: {  	_ = 	snop  }
0x68: {  	[tilespmem:s2], [sflag:$0x2] =	stream.indirect.gather [hbm4b:s1+s31], $0x40, s31, s31, $0xb8;
	[tilespmem:$0x1C800] =	vst v63  }
0x69: {  	s25 =	rddreg [dreg:$0x6]  }
0x6a: {  	[tilespmem:s0], [sflag:$0x3] =	stream.indirect.gather [hbm4b:s1+s31], $0x40, s25, s31, $0xb8;
	[tilespmem:$0x1C800] =	vst v63  }
0x6b: {  	_ =	swait.ge [sflag:s5], $0x2000  }
0x6c: {  	[sflag:s5] =	ssyncset.done $0x0  }
0x6d: {  	[sflag:s5] =	ssyncadd.s32 $0xFFFFE000  }
0x6e: {  	[spmem:s3] =	stream.indirect.scatter.add.f32 [tilespmem:s28], [sflag:$0x5], $0x40, s30, s31, $0xb8;
	[tilespmem:$0x1C800] =	vst v63  }
0x6f: {  	s22 =	rddreg [dreg:$0x7]  }
0x70: {  	[tilespmem:s6], [sflag:$0x4] =	stream.indirect.gather [hbm4b:s1+s31], $0x40, s22, s31, $0xb8;
	[tilespmem:$0x1C800] =	vst v63  }
0x71: {  	_ =	swait.ge [sflag:s7], $0x2000  }
0x72: {  	[sflag:s7] =	ssyncset.done $0x0  }
0x73: {  	s24 =	rddreg [dreg:$0x8];
	[sflag:s7] =	ssyncadd.s32 $0xFFFFE000  }
0x74: {  	[spmem:s3] =	stream.indirect.scatter.add.f32 [tilespmem:s2], [sflag:$0x6], $0x40, s24, s31, $0xb8;
	[tilespmem:$0x1C800] =	vst v63  }
0x75: {  	_ =	swait.ge [sflag:s8], $0x2000  }
0x76: {  	[sflag:s8] =	ssyncset.done $0x0  }
0x77: {  	s25 =	rddreg [dreg:$0x9];
	[sflag:s8] =	ssyncadd.s32 $0xFFFFE000  }
0x78: {  	[tilespmem:s28], [sflag:$0x1] =	stream.indirect.gather [hbm4b:s1+s31], $0x40, s25, s31, $0xb8;
	[tilespmem:$0x1C800] =	vst v63  }
0x79: {  	_ =	swait.ge [sflag:s9], $0x2000  }
0x7a: {  	[sflag:s9] =	ssyncset.done $0x0  }
0x7b: {  	[sflag:s9] =	ssyncadd.s32 $0xFFFFE000  }
0x7c: {  	[spmem:s3] =	stream.indirect.scatter.add.f32 [tilespmem:s0], [sflag:$0x7], $0x40, s10, s31, $0xb8;
	[tilespmem:$0x1C800] =	vst v63  }
0x7d: {  	_ =	swait.ge [sflag:s11], $0x2000  }
0x7e: {  	[sflag:s11] =	ssyncset.done $0x0  }
0x7f: {  	[sflag:s11] =	ssyncadd.s32 $0xFFFFE000  }
0x80: {  	[tilespmem:s2], [sflag:$0x2] =	stream.indirect.gather [hbm4b:s1+s31], $0x40, s12, s31, $0xb8;
	[tilespmem:$0x1C800] =	vst v63  }
0x81: {  	_ =	swait.ge [sflag:s13], $0x2000  }
0x82: {  	[sflag:s13] =	ssyncset.done $0x0  }
0x83: {  	[sflag:s13] =	ssyncadd.s32 $0xFFFFE000  }
0x84: {  	[spmem:s3] =	stream.indirect.scatter.add.f32 [tilespmem:s6], [sflag:$0x8], $0x40, s14, s31, $0xb8;
	[tilespmem:$0x1C800] =	vst v63  }
0x85: {  	_ =	swait.ge [sflag:s15], $0x2000  }
0x86: {  	[sflag:s15] =	ssyncset.done $0x0  }
0x87: {  	[sflag:s15] =	ssyncadd.s32 $0xFFFFE000  }
0x88: {  	[tilespmem:s0], [sflag:$0x3] =	stream.indirect.gather [hbm4b:s1+s31], $0x40, s26, s31, $0xb8;
	[tilespmem:$0x1C800] =	vst v63  }
0x89: {  	_ =	swait.ge [sflag:s5], $0x2000  }
0x8a: {  	[sflag:s5] =	ssyncset.done $0x0  }
0x8b: {  	[sflag:s5] =	ssyncadd.s32 $0xFFFFE000  }
0x8c: {  	[spmem:s3] =	stream.indirect.scatter.add.f32 [tilespmem:s28], [sflag:$0x5], $0x40, s16, s31, $0xb8;
	[tilespmem:$0x1C800] =	vst v63  }
0x8d: {  	_ =	swait.ge [sflag:s17], $0x2000  }
0x8e: {  	[sflag:s17] =	ssyncset.done $0x0  }
0x8f: {  	[sflag:s17] =	ssyncadd.s32 $0xFFFFE000  }
0x90: {  	[tilespmem:s6], [sflag:$0x4] =	stream.indirect.gather [hbm4b:s1+s31], $0x40, s18, s31, $0xb8;
	[tilespmem:$0x1C800] =	vst v63  }
0x91: {  	_ =	swait.ge [sflag:s7], $0x2000  }
0x92: {  	[sflag:s7] =	ssyncset.done $0x0  }
0x93: {  	[sflag:s7] =	ssyncadd.s32 $0xFFFFE000  }
0x94: {  	[spmem:s3] =	stream.indirect.scatter.add.f32 [tilespmem:s2], [sflag:$0x6], $0x40, s19, s31, $0xb8;
	[tilespmem:$0x1C800] =	vst v63  }
0x95: {  	_ =	swait.ge [sflag:s9], $0x2000  }
0x96: {  	[sflag:s9] =	ssyncset.done $0x0  }
0x97: {  	[sflag:s9] =	ssyncadd.s32 $0xFFFFE000  }
0x98: {  	[spmem:s3] =	stream.indirect.scatter.add.f32 [tilespmem:s0], [sflag:$0x7], $0x40, s20, s31, $0xb8;
	[tilespmem:$0x1C800] =	vst v63  }
0x99: {  	_ =	swait.ge [sflag:s13], $0x2000  }
0x9a: {  	[sflag:s13] =	ssyncset.done $0x0  }
0x9b: {  	[sflag:s13] =	ssyncadd.s32 $0xFFFFE000  }
0x9c: {  	[spmem:s3] =	stream.indirect.scatter.add.f32 [tilespmem:s6], [sflag:$0x8], $0x40, s21, s31, $0xb8;
	[tilespmem:$0x1C800] =	vst v63  }
0x9d: {  	_ =	swait.ge [sflag:s8], $0x2000  }
0x9e: {  	[sflag:s8] =	ssyncset.done $0x0  }
0x9f: {  	[sflag:s8] =	ssyncadd.s32 $0xFFFFE000  }
0xa0: {  	_ =	swait.ge [sflag:s11], $0x2000  }
0xa1: {  	[sflag:s11] =	ssyncset.done $0x0  }
0xa2: {  	[sflag:s11] =	ssyncadd.s32 $0xFFFFE000  }
0xa3: {  	_ =	swait.ge [sflag:s15], $0x2000  }
0xa4: {  	[sflag:s15] =	ssyncset.done $0x0  }
0xa5: {  	[sflag:s15] =	ssyncadd.s32 $0xFFFFE000  }
0xa6: {  	s23 =	simm.s32 $0x80;
	_ =	swait.ge [sflag:s17], $0x2000  }
0xa7: {  	s24 =	simm.s32 $0x100;
	s25 =	rddreg [dreg:$0x5];
	[sflag:s17] =	ssyncset.done $0x0  }
.LBB2_2:
0xa8: {  	[sflag:s17] =	ssyncadd.s32 $0xFFFFE000;
	s25 =	sadd.s32 s23, s25  }
0xa9: {  	[tilespmem:s4], [sflag:$0x9] =	stream.linear.gather [hbm4b:s25+s4], $0x400, $0x38;
	[tilespmem:$0x1C800] =	vst v63  }
0xaa: {  	_ =	swait.ge [sflag:s29], $0x400  }
0xab: {  	s25 =	rddreg [dreg:$0x4];
	[sflag:s29] =	ssyncset.done $0x0  }
0xac: {  	[sflag:s29] =	ssyncadd.s32 $0xFFFFFC00;
	s25 =	sadd.s32 s23, s25  }
0xad: {  	[tilespmem:s30], [sflag:$0x9] =	stream.linear.gather [hbm4b:s25+s4], $0x400, $0x38;
	[tilespmem:$0x1C800] =	vst v63  }
0xae: {  	_ =	swait.ge [sflag:s29], $0x400  }
0xaf: {  	[sflag:s29] =	ssyncset.done $0x0  }
0xb0: {  	[sflag:s29] =	ssyncadd.s32 $0xFFFFFC00  }
0xb1: {  	[tilespmem:s28], [sflag:$0x1] =	stream.indirect.gather [hbm4b:s1+s31], $0x40, s4, s31, $0xb8;
	[tilespmem:$0x1C800] =	vst v63  }
0xb2: {  	_ = 	snop  }
0xb3: {  	[tilespmem:s2], [sflag:$0x2] =	stream.indirect.gather [hbm4b:s1+s31], $0x40, s31, s31, $0xb8;
	[tilespmem:$0x1C800] =	vst v63  }
0xb4: {  	s25 =	rddreg [dreg:$0x6]  }
0xb5: {  	[tilespmem:s0], [sflag:$0x3] =	stream.indirect.gather [hbm4b:s1+s31], $0x40, s25, s31, $0xb8;
	[tilespmem:$0x1C800] =	vst v63  }
0xb6: {  	_ =	swait.ge [sflag:s5], $0x2000  }
0xb7: {  	[sflag:s5] =	ssyncset.done $0x0  }
0xb8: {  	[sflag:s5] =	ssyncadd.s32 $0xFFFFE000  }
0xb9: {  	[spmem:s3] =	stream.indirect.scatter.add.f32 [tilespmem:s28], [sflag:$0x5], $0x40, s30, s31, $0xb8;
	[tilespmem:$0x1C800] =	vst v63  }
0xba: {  	s25 =	rddreg [dreg:$0x7]  }
0xbb: {  	[tilespmem:s6], [sflag:$0x4] =	stream.indirect.gather [hbm4b:s1+s31], $0x40, s25, s31, $0xb8;
	[tilespmem:$0x1C800] =	vst v63  }
0xbc: {  	_ =	swait.ge [sflag:s7], $0x2000  }
0xbd: {  	[sflag:s7] =	ssyncset.done $0x0  }
0xbe: {  	s25 =	rddreg [dreg:$0x8];
	[sflag:s7] =	ssyncadd.s32 $0xFFFFE000  }
0xbf: {  	[spmem:s3] =	stream.indirect.scatter.add.f32 [tilespmem:s2], [sflag:$0x6], $0x40, s25, s31, $0xb8;
	[tilespmem:$0x1C800] =	vst v63  }
0xc0: {  	_ =	swait.ge [sflag:s8], $0x2000  }
0xc1: {  	[sflag:s8] =	ssyncset.done $0x0  }
0xc2: {  	s25 =	rddreg [dreg:$0x9];
	[sflag:s8] =	ssyncadd.s32 $0xFFFFE000  }
0xc3: {  	[tilespmem:s28], [sflag:$0x1] =	stream.indirect.gather [hbm4b:s1+s31], $0x40, s25, s31, $0xb8;
	[tilespmem:$0x1C800] =	vst v63  }
0xc4: {  	_ =	swait.ge [sflag:s9], $0x2000  }
0xc5: {  	[sflag:s9] =	ssyncset.done $0x0  }
0xc6: {  	[sflag:s9] =	ssyncadd.s32 $0xFFFFE000  }
0xc7: {  	[spmem:s3] =	stream.indirect.scatter.add.f32 [tilespmem:s0], [sflag:$0x7], $0x40, s10, s31, $0xb8;
	[tilespmem:$0x1C800] =	vst v63  }
0xc8: {  	_ =	swait.ge [sflag:s11], $0x2000  }
0xc9: {  	[sflag:s11] =	ssyncset.done $0x0  }
0xca: {  	[sflag:s11] =	ssyncadd.s32 $0xFFFFE000  }
0xcb: {  	[tilespmem:s2], [sflag:$0x2] =	stream.indirect.gather [hbm4b:s1+s31], $0x40, s12, s31, $0xb8;
	[tilespmem:$0x1C800] =	vst v63  }
0xcc: {  	_ =	swait.ge [sflag:s13], $0x2000  }
0xcd: {  	[sflag:s13] =	ssyncset.done $0x0  }
0xce: {  	[sflag:s13] =	ssyncadd.s32 $0xFFFFE000  }
0xcf: {  	[spmem:s3] =	stream.indirect.scatter.add.f32 [tilespmem:s6], [sflag:$0x8], $0x40, s14, s31, $0xb8;
	[tilespmem:$0x1C800] =	vst v63  }
0xd0: {  	_ =	swait.ge [sflag:s15], $0x2000  }
0xd1: {  	[sflag:s15] =	ssyncset.done $0x0  }
0xd2: {  	[sflag:s15] =	ssyncadd.s32 $0xFFFFE000  }
0xd3: {  	[tilespmem:s0], [sflag:$0x3] =	stream.indirect.gather [hbm4b:s1+s31], $0x40, s26, s31, $0xb8;
	[tilespmem:$0x1C800] =	vst v63  }
0xd4: {  	_ =	swait.ge [sflag:s5], $0x2000  }
0xd5: {  	[sflag:s5] =	ssyncset.done $0x0  }
0xd6: {  	[sflag:s5] =	ssyncadd.s32 $0xFFFFE000  }
0xd7: {  	[spmem:s3] =	stream.indirect.scatter.add.f32 [tilespmem:s28], [sflag:$0x5], $0x40, s16, s31, $0xb8;
	[tilespmem:$0x1C800] =	vst v63  }
0xd8: {  	_ =	swait.ge [sflag:s17], $0x2000  }
0xd9: {  	[sflag:s17] =	ssyncset.done $0x0  }
0xda: {  	[sflag:s17] =	ssyncadd.s32 $0xFFFFE000  }
0xdb: {  	[tilespmem:s6], [sflag:$0x4] =	stream.indirect.gather [hbm4b:s1+s31], $0x40, s18, s31, $0xb8;
	[tilespmem:$0x1C800] =	vst v63  }
0xdc: {  	_ =	swait.ge [sflag:s7], $0x2000  }
0xdd: {  	[sflag:s7] =	ssyncset.done $0x0  }
0xde: {  	[sflag:s7] =	ssyncadd.s32 $0xFFFFE000  }
0xdf: {  	[spmem:s3] =	stream.indirect.scatter.add.f32 [tilespmem:s2], [sflag:$0x6], $0x40, s19, s31, $0xb8;
	[tilespmem:$0x1C800] =	vst v63  }
0xe0: {  	_ =	swait.ge [sflag:s9], $0x2000  }
0xe1: {  	[sflag:s9] =	ssyncset.done $0x0  }
0xe2: {  	[sflag:s9] =	ssyncadd.s32 $0xFFFFE000  }
0xe3: {  	[spmem:s3] =	stream.indirect.scatter.add.f32 [tilespmem:s0], [sflag:$0x7], $0x40, s20, s31, $0xb8;
	[tilespmem:$0x1C800] =	vst v63  }
0xe4: {  	_ =	swait.ge [sflag:s13], $0x2000  }
0xe5: {  	[sflag:s13] =	ssyncset.done $0x0  }
0xe6: {  	[sflag:s13] =	ssyncadd.s32 $0xFFFFE000  }
0xe7: {  	[spmem:s3] =	stream.indirect.scatter.add.f32 [tilespmem:s6], [sflag:$0x8], $0x40, s21, s31, $0xb8;
	[tilespmem:$0x1C800] =	vst v63  }
0xe8: {  	_ =	swait.ge [sflag:s8], $0x2000  }
0xe9: {  	[sflag:s8] =	ssyncset.done $0x0  }
0xea: {  	[sflag:s8] =	ssyncadd.s32 $0xFFFFE000  }
0xeb: {  	_ =	swait.ge [sflag:s11], $0x2000  }
0xec: {  	[sflag:s11] =	ssyncset.done $0x0  }
0xed: {  	p0 =	sne.s32 s24, $0x980;
	[sflag:s11] =	ssyncadd.s32 $0xFFFFE000  }
.Ltmp0:
0xee: {  	_ =	swait.ge [sflag:s15], $0x2000;
	(pc) =	sbr.rel @p0 .LBB2_2-.Ltmp0, $4  }
0xef: {  	[sflag:s15] =	ssyncset.done $0x0  }
0xf0: {  	[sflag:s15] =	ssyncadd.s32 $0xFFFFE000  }
0xf1: {  	s22 =	smov.u32 s24;
	s24 =	sadd.s32 $0x80, s24;
	_ =	swait.ge [sflag:s17], $0x2000  }
0xf2: {  	s23 =	smov.u32 s22;
	s25 =	rddreg [dreg:$0x5];
	[sflag:s17] =	ssyncset.done $0x0  }
0xf3: {  	[sflag:s17] =	ssyncadd.s32 $0xFFFFE000;
	s22 =	sadd.s32 s23, s25  }
0xf4: {  	[tilespmem:s4], [sflag:$0x9] =	stream.linear.gather [hbm4b:s22+s4], $0x400, $0x38;
	[tilespmem:$0x1C800] =	vst v63  }
0xf5: {  	_ =	swait.ge [sflag:s29], $0x400  }
0xf6: {  	s25 =	rddreg [dreg:$0x4];
	[sflag:s29] =	ssyncset.done $0x0  }
0xf7: {  	s22 =	sadd.s32 s23, s25;
	[sflag:s29] =	ssyncadd.s32 $0xFFFFFC00  }
0xf8: {  	[tilespmem:s30], [sflag:$0x9] =	stream.linear.gather [hbm4b:s22+s4], $0x400, $0x38;
	[tilespmem:$0x1C800] =	vst v63  }
0xf9: {  	_ =	swait.ge [sflag:s29], $0x400  }
0xfa: {  	[sflag:s29] =	ssyncset.done $0x0  }
0xfb: {  	[sflag:s29] =	ssyncadd.s32 $0xFFFFFC00  }
0xfc: {  	[tilespmem:s28], [sflag:$0x1] =	stream.indirect.gather [hbm4b:s1+s31], $0x40, s4, s31, $0xb8;
	[tilespmem:$0x1C800] =	vst v63  }
0xfd: {  	_ = 	snop  }
0xfe: {  	[tilespmem:s2], [sflag:$0x2] =	stream.indirect.gather [hbm4b:s1+s31], $0x40, s31, s31, $0xb8;
	[tilespmem:$0x1C800] =	vst v63  }
0xff: {  	s24 =	rddreg [dreg:$0x6]  }
0x100: {  	[tilespmem:s0], [sflag:$0x3] =	stream.indirect.gather [hbm4b:s1+s31], $0x40, s24, s31, $0xb8;
	[tilespmem:$0x1C800] =	vst v63  }
0x101: {  	_ =	swait.ge [sflag:s5], $0x2000  }
0x102: {  	[sflag:s5] =	ssyncset.done $0x0  }
0x103: {  	[sflag:s5] =	ssyncadd.s32 $0xFFFFE000  }
0x104: {  	[spmem:s3] =	stream.indirect.scatter.add.f32 [tilespmem:s28], [sflag:$0x5], $0x40, s30, s31, $0xb8;
	[tilespmem:$0x1C800] =	vst v63  }
0x105: {  	s25 =	rddreg [dreg:$0x7]  }
0x106: {  	[tilespmem:s6], [sflag:$0x4] =	stream.indirect.gather [hbm4b:s1+s31], $0x40, s25, s31, $0xb8;
	[tilespmem:$0x1C800] =	vst v63  }
0x107: {  	_ =	swait.ge [sflag:s7], $0x2000  }
0x108: {  	[sflag:s7] =	ssyncset.done $0x0  }
0x109: {  	s23 =	rddreg [dreg:$0x8];
	[sflag:s7] =	ssyncadd.s32 $0xFFFFE000  }
0x10a: {  	[spmem:s3] =	stream.indirect.scatter.add.f32 [tilespmem:s2], [sflag:$0x6], $0x40, s23, s31, $0xb8;
	[tilespmem:$0x1C800] =	vst v63  }
0x10b: {  	_ =	swait.ge [sflag:s8], $0x2000  }
0x10c: {  	[sflag:s8] =	ssyncset.done $0x0  }
0x10d: {  	s24 =	rddreg [dreg:$0x9];
	[sflag:s8] =	ssyncadd.s32 $0xFFFFE000  }
0x10e: {  	[tilespmem:s28], [sflag:$0x1] =	stream.indirect.gather [hbm4b:s1+s31], $0x40, s24, s31, $0xb8;
	[tilespmem:$0x1C800] =	vst v63  }
0x10f: {  	_ =	swait.ge [sflag:s9], $0x2000  }
0x110: {  	[sflag:s9] =	ssyncset.done $0x0  }
0x111: {  	[sflag:s9] =	ssyncadd.s32 $0xFFFFE000  }
0x112: {  	[spmem:s3] =	stream.indirect.scatter.add.f32 [tilespmem:s0], [sflag:$0x7], $0x40, s10, s31, $0xb8;
	[tilespmem:$0x1C800] =	vst v63  }
0x113: {  	_ =	swait.ge [sflag:s11], $0x2000  }
0x114: {  	[sflag:s11] =	ssyncset.done $0x0  }
0x115: {  	[sflag:s11] =	ssyncadd.s32 $0xFFFFE000  }
0x116: {  	[tilespmem:s2], [sflag:$0x2] =	stream.indirect.gather [hbm4b:s1+s31], $0x40, s12, s31, $0xb8;
	[tilespmem:$0x1C800] =	vst v63  }
0x117: {  	_ =	swait.ge [sflag:s13], $0x2000  }
0x118: {  	[sflag:s13] =	ssyncset.done $0x0  }
0x119: {  	[sflag:s13] =	ssyncadd.s32 $0xFFFFE000  }
0x11a: {  	[spmem:s3] =	stream.indirect.scatter.add.f32 [tilespmem:s6], [sflag:$0x8], $0x40, s14, s31, $0xb8;
	[tilespmem:$0x1C800] =	vst v63  }
0x11b: {  	_ =	swait.ge [sflag:s15], $0x2000  }
0x11c: {  	[sflag:s15] =	ssyncset.done $0x0  }
0x11d: {  	[sflag:s15] =	ssyncadd.s32 $0xFFFFE000  }
0x11e: {  	[tilespmem:s0], [sflag:$0x3] =	stream.indirect.gather [hbm4b:s1+s31], $0x40, s26, s31, $0xb8;
	[tilespmem:$0x1C800] =	vst v63  }
0x11f: {  	_ =	swait.ge [sflag:s5], $0x2000  }
0x120: {  	[sflag:s5] =	ssyncset.done $0x0  }
0x121: {  	[sflag:s5] =	ssyncadd.s32 $0xFFFFE000  }
0x122: {  	[spmem:s3] =	stream.indirect.scatter.add.f32 [tilespmem:s28], [sflag:$0x5], $0x40, s16, s31, $0xb8;
	[tilespmem:$0x1C800] =	vst v63  }
0x123: {  	_ =	swait.ge [sflag:s17], $0x2000  }
0x124: {  	[sflag:s17] =	ssyncset.done $0x0  }
0x125: {  	[sflag:s17] =	ssyncadd.s32 $0xFFFFE000  }
0x126: {  	[tilespmem:s6], [sflag:$0x4] =	stream.indirect.gather [hbm4b:s1+s31], $0x40, s18, s31, $0xb8;
	[tilespmem:$0x1C800] =	vst v63  }
0x127: {  	_ =	swait.ge [sflag:s7], $0x2000  }
0x128: {  	[sflag:s7] =	ssyncset.done $0x0  }
0x129: {  	[sflag:s7] =	ssyncadd.s32 $0xFFFFE000  }
0x12a: {  	[spmem:s3] =	stream.indirect.scatter.add.f32 [tilespmem:s2], [sflag:$0x6], $0x40, s19, s31, $0xb8;
	[tilespmem:$0x1C800] =	vst v63  }
0x12b: {  	_ =	swait.ge [sflag:s9], $0x2000  }
0x12c: {  	[sflag:s9] =	ssyncset.done $0x0  }
0x12d: {  	[sflag:s9] =	ssyncadd.s32 $0xFFFFE000  }
0x12e: {  	[spmem:s3] =	stream.indirect.scatter.add.f32 [tilespmem:s0], [sflag:$0x7], $0x40, s20, s31, $0xb8;
	[tilespmem:$0x1C800] =	vst v63  }
0x12f: {  	_ =	swait.ge [sflag:s13], $0x2000  }
0x130: {  	[sflag:s13] =	ssyncset.done $0x0  }
0x131: {  	[sflag:s13] =	ssyncadd.s32 $0xFFFFE000  }
0x132: {  	[spmem:s3] =	stream.indirect.scatter.add.f32 [tilespmem:s6], [sflag:$0x8], $0x40, s21, s31, $0xb8;
	[tilespmem:$0x1C800] =	vst v63  }
0x133: {  	_ =	swait.ge [sflag:s8], $0x2000  }
0x134: {  	[sflag:s8] =	ssyncset.done $0x0  }
0x135: {  	[sflag:s8] =	ssyncadd.s32 $0xFFFFE000  }
0x136: {  	_ =	swait.ge [sflag:s11], $0x2000  }
0x137: {  	[sflag:s11] =	ssyncset.done $0x0  }
0x138: {  	[sflag:s11] =	ssyncadd.s32 $0xFFFFE000  }
0x139: {  	_ =	swait.ge [sflag:s15], $0x2000  }
0x13a: {  	[sflag:s15] =	ssyncset.done $0x0  }
0x13b: {  	[sflag:s15] =	ssyncadd.s32 $0xFFFFE000  }
0x13c: {  	_ =	swait.ge [sflag:s17], $0x2000  }
0x13d: {  	[sflag:s17] =	ssyncset.done $0x0  }
0x13e: {  	[sflag:s17] =	ssyncadd.s32 $0xFFFFE000  }
0x13f: {  	[bflag:$0x0] =	sbarrier.arrive $0xFFFF  }
0x140: {  	s25 =	rddreg [dreg:$0x15]  }
0x141: {  	[tilespmem:s28], [sflag:$0x9] =	stream.linear.gather [spmem:s25], $0x2000, $0x38;
	[tilespmem:$0x1C800] =	vst v63  }
0x142: {  	_ =	swait.ge [sflag:s29], $0x2000  }
0x143: {  	[sflag:s29] =	ssyncset.done $0x0  }
0x144: {  	s23 =	rddreg [dreg:$0xa];
	[sflag:s29] =	ssyncadd.s32 $0xFFFFE000  }
0x145: {  	[hbm4b:s23+s4] =	stream.linear.scatter [tilespmem:s28], [sflag:$0x9], $0x2000, $0x38;
	[tilespmem:$0x1C800] =	vst v63  }
0x146: {  	_ =	swait.ge [sflag:s29], $0x2000  }
0x147: {  	[sflag:s29] =	ssyncset.done $0x0  }
0x148: {  	s24 =	rddreg [dreg:$0x16];
	[sflag:s29] =	ssyncadd.s32 $0xFFFFE000  }
0x149: {  	[tilespmem:s28], [sflag:$0x9] =	stream.linear.gather [spmem:s24], $0x2000, $0x38;
	[tilespmem:$0x1C800] =	vst v63  }
0x14a: {  	_ =	swait.ge [sflag:s29], $0x2000  }
0x14b: {  	[sflag:s29] =	ssyncset.done $0x0  }
0x14c: {  	s25 =	rddreg [dreg:$0xb];
	[sflag:s29] =	ssyncadd.s32 $0xFFFFE000  }
0x14d: {  	[hbm4b:s25+s4] =	stream.linear.scatter [tilespmem:s28], [sflag:$0x9], $0x2000, $0x38;
	[tilespmem:$0x1C800] =	vst v63  }
0x14e: {  	_ =	swait.ge [sflag:s29], $0x2000  }
0x14f: {  	[sflag:s29] =	ssyncset.done $0x0  }
0x150: {  	s23 =	rddreg [dreg:$0x17];
	[sflag:s29] =	ssyncadd.s32 $0xFFFFE000  }
0x151: {  	[tilespmem:s28], [sflag:$0x9] =	stream.linear.gather [spmem:s23], $0x2000, $0x38;
	[tilespmem:$0x1C800] =	vst v63  }
0x152: {  	_ =	swait.ge [sflag:s29], $0x2000  }
0x153: {  	[sflag:s29] =	ssyncset.done $0x0  }
0x154: {  	s24 =	rddreg [dreg:$0xc];
	[sflag:s29] =	ssyncadd.s32 $0xFFFFE000  }
0x155: {  	[hbm4b:s24+s4] =	stream.linear.scatter [tilespmem:s28], [sflag:$0x9], $0x2000, $0x38;
	[tilespmem:$0x1C800] =	vst v63  }
0x156: {  	_ =	swait.ge [sflag:s29], $0x2000  }
0x157: {  	[sflag:s29] =	ssyncset.done $0x0  }
0x158: {  	s25 =	rddreg [dreg:$0x18];
	[sflag:s29] =	ssyncadd.s32 $0xFFFFE000  }
0x159: {  	[tilespmem:s28], [sflag:$0x9] =	stream.linear.gather [spmem:s25], $0x2000, $0x38;
	[tilespmem:$0x1C800] =	vst v63  }
0x15a: {  	_ =	swait.ge [sflag:s29], $0x2000  }
0x15b: {  	[sflag:s29] =	ssyncset.done $0x0  }
0x15c: {  	s23 =	rddreg [dreg:$0xd];
	[sflag:s29] =	ssyncadd.s32 $0xFFFFE000  }
0x15d: {  	[hbm4b:s23+s4] =	stream.linear.scatter [tilespmem:s28], [sflag:$0x9], $0x2000, $0x38;
	[tilespmem:$0x1C800] =	vst v63  }
0x15e: {  	_ =	swait.ge [sflag:s29], $0x2000  }
0x15f: {  	[sflag:s29] =	ssyncset.done $0x0  }
0x160: {  	s24 =	rddreg [dreg:$0x19];
	[sflag:s29] =	ssyncadd.s32 $0xFFFFE000  }
0x161: {  	[tilespmem:s28], [sflag:$0x9] =	stream.linear.gather [spmem:s24], $0x2000, $0x38;
	[tilespmem:$0x1C800] =	vst v63  }
0x162: {  	_ =	swait.ge [sflag:s29], $0x2000  }
0x163: {  	[sflag:s29] =	ssyncset.done $0x0  }
0x164: {  	s25 =	rddreg [dreg:$0xe];
	[sflag:s29] =	ssyncadd.s32 $0xFFFFE000  }
0x165: {  	[hbm4b:s25+s4] =	stream.linear.scatter [tilespmem:s28], [sflag:$0x9], $0x2000, $0x38;
	[tilespmem:$0x1C800] =	vst v63  }
0x166: {  	_ =	swait.ge [sflag:s29], $0x2000  }
0x167: {  	[sflag:s29] =	ssyncset.done $0x0  }
0x168: {  	s23 =	rddreg [dreg:$0x1a];
	[sflag:s29] =	ssyncadd.s32 $0xFFFFE000  }
0x169: {  	[tilespmem:s28], [sflag:$0x9] =	stream.linear.gather [spmem:s23], $0x2000, $0x38;
	[tilespmem:$0x1C800] =	vst v63  }
0x16a: {  	_ =	swait.ge [sflag:s29], $0x2000  }
0x16b: {  	[sflag:s29] =	ssyncset.done $0x0  }
0x16c: {  	s24 =	rddreg [dreg:$0xf];
	[sflag:s29] =	ssyncadd.s32 $0xFFFFE000  }
0x16d: {  	[hbm4b:s24+s4] =	stream.linear.scatter [tilespmem:s28], [sflag:$0x9], $0x2000, $0x38;
	[tilespmem:$0x1C800] =	vst v63  }
0x16e: {  	_ =	swait.ge [sflag:s29], $0x2000  }
0x16f: {  	[sflag:s29] =	ssyncset.done $0x0  }
0x170: {  	s25 =	rddreg [dreg:$0x1b];
	[sflag:s29] =	ssyncadd.s32 $0xFFFFE000  }
0x171: {  	[tilespmem:s28], [sflag:$0x9] =	stream.linear.gather [spmem:s25], $0x2000, $0x38;
	[tilespmem:$0x1C800] =	vst v63  }
0x172: {  	_ =	swait.ge [sflag:s29], $0x2000  }
0x173: {  	[sflag:s29] =	ssyncset.done $0x0  }
0x174: {  	s23 =	rddreg [dreg:$0x10];
	[sflag:s29] =	ssyncadd.s32 $0xFFFFE000  }
0x175: {  	[hbm4b:s23+s4] =	stream.linear.scatter [tilespmem:s28], [sflag:$0x9], $0x2000, $0x38;
	[tilespmem:$0x1C800] =	vst v63  }
0x176: {  	_ =	swait.ge [sflag:s29], $0x2000  }
0x177: {  	[sflag:s29] =	ssyncset.done $0x0  }
0x178: {  	s24 =	rddreg [dreg:$0x1c];
	[sflag:s29] =	ssyncadd.s32 $0xFFFFE000  }
0x179: {  	[tilespmem:s28], [sflag:$0x9] =	stream.linear.gather [spmem:s24], $0x2000, $0x38;
	[tilespmem:$0x1C800] =	vst v63  }
0x17a: {  	_ =	swait.ge [sflag:s29], $0x2000  }
0x17b: {  	[sflag:s29] =	ssyncset.done $0x0  }
0x17c: {  	s25 =	rddreg [dreg:$0x11];
	[sflag:s29] =	ssyncadd.s32 $0xFFFFE000  }
0x17d: {  	[hbm4b:s25+s4] =	stream.linear.scatter [tilespmem:s28], [sflag:$0x9], $0x2000, $0x38;
	[tilespmem:$0x1C800] =	vst v63  }
0x17e: {  	_ =	swait.ge [sflag:s29], $0x2000  }
0x17f: {  	[sflag:s29] =	ssyncset.done $0x0  }
0x180: {  	s25 =	rddreg [dreg:$0x1d];
	[sflag:s29] =	ssyncadd.s32 $0xFFFFE000  }
0x181: {  	[tilespmem:s28], [sflag:$0x9] =	stream.linear.gather [spmem:s25], $0x2000, $0x38;
	[tilespmem:$0x1C800] =	vst v63  }
0x182: {  	_ =	swait.ge [sflag:s29], $0x2000  }
0x183: {  	[sflag:s29] =	ssyncset.done $0x0  }
0x184: {  	s23 =	rddreg [dreg:$0x12];
	[sflag:s29] =	ssyncadd.s32 $0xFFFFE000  }
0x185: {  	[hbm4b:s23+s4] =	stream.linear.scatter [tilespmem:s28], [sflag:$0x9], $0x2000, $0x38;
	[tilespmem:$0x1C800] =	vst v63  }
0x186: {  	_ =	swait.ge [sflag:s29], $0x2000  }
0x187: {  	[sflag:s29] =	ssyncset.done $0x0  }
0x188: {  	s23 =	rddreg [dreg:$0x1e];
	[sflag:s29] =	ssyncadd.s32 $0xFFFFE000  }
0x189: {  	[tilespmem:s28], [sflag:$0x9] =	stream.linear.gather [spmem:s23], $0x2000, $0x38;
	[tilespmem:$0x1C800] =	vst v63  }
0x18a: {  	_ =	swait.ge [sflag:s29], $0x2000  }
0x18b: {  	[sflag:s29] =	ssyncset.done $0x0  }
0x18c: {  	s24 =	rddreg [dreg:$0x13];
	[sflag:s29] =	ssyncadd.s32 $0xFFFFE000  }
0x18d: {  	[hbm4b:s24+s4] =	stream.linear.scatter [tilespmem:s28], [sflag:$0x9], $0x2000, $0x38;
	[tilespmem:$0x1C800] =	vst v63  }
0x18e: {  	_ =	swait.ge [sflag:s29], $0x2000  }
0x18f: {  	s24 =	sld [smem:$0x7FD];
	_ =	sdelay $0x2  }
0x190: {  	s22 =	rddreg [dreg:$0x1f];
	s24 =	sadd.s32 $0x1, s24  }
0x191: {  	p0 =	sne.s32 s24, s22  }
.Ltmp1:
0x192: {  	_ = 	snop;
	(pc) =	sbr.rel @p0 .LBB2_1-.Ltmp1, $3  }
0x193: {  	_ =	sdelay $0x1  }
0x194: {  	[sflag:s29] =	ssyncset.done $0x0;
	[smem:$0x7FD] =	sst s24  }
0x195: {  	[sflag:s29] =	ssyncadd.s32 $0xFFFFE000;
	s24 =	rddreg [dreg:$0x15]  }
0x196: {  	_ =	sfence.sel $0x180000  }
0x197: {  	[bflag:$0x0] =	sbarrier.arrive $0xFFFF  }
0x198: {  	_ =	strace $0x9000004D  }
0x199: {  	s0 =	stileid.u32;
	[bflag:$0x2] =	sbarrier.arrive $0xFFFF  }
0x19a: {  	p0 =	sne.s32 s0, $0x0;
	s0 =	rddreg [dreg:$0x3]  }
0x19b: {  	s0 =	sadd.s32 @!p0 $0x100000, s0  }
0x19c: {  	[sflag:s0] =	ssyncadd.tile.s32 @!p0 $0x1;
	_ =	shalt  }
.Lfunc_end2:
_tile_overlayer_lowered:
.L_overlay_start_2:
0x19d: {  	(tag) =	ssettag $0x2  }
0x19e: {  	s0 =	rddreg [dreg:$0x0];
	s2 =	stileid.u32  }
0x19f: {  	s1 =	rddreg [dreg:$0x1];
	p0 =	sne.s32 s2, $0x0  }
0x1a0: {  	s3 =	rddreg [dreg:$0x2];
	[bflag:$0x3] =	sbarrier.arrive $0xFFFF;
	s2 =	simm.s32 @!p0 $0x1C09  }
0x1a1: {  	[timem:s3], [sflag:s2] =	dma.local @!p0 [hbm:s0], s1  }
0x1a2: {  	s0 =	simm.s32 @!p0 $0x9  }
0x1a3: {  	_ =	swait.ge @!p0 [sflag:s0], s1  }
0x1a4: {  	s1 =	ssub.s32 @!p0 $0x0, s1;
	[sflag:s0] =	ssyncset.done @!p0 $0x0  }
0x1a5: {  	[sflag:s0] =	ssyncadd.s32 @!p0 s1  }
0x1a6: {  	[bflag:$0x3] =	sbarrier.arrive $0xFFFF  }
0x1a7: {  	_ =	shalt  }

// kernel: sc_curv_degree.3.cloned.1.call-start
scs
__scs_entry_jumppad:
0x0: {  	(pc) =	sbr.rel $0x88, $3  }
0x1: {  	(tag) =	ssettag $0x0;
	lr =	simm.s32 $0x1  }
0x2: {  	[smem:$0x3F92] =	sst lr;
	_ =	strace $0xD0000000  }
0x3: {  	_ = 	snop  }
0x4: {  	_ = 	snop  }
0x5: {  	_ = 	snop  }
0x6: {  	_ = 	snop  }
0x7: {  	_ = 	snop  }
__scs_overlays_trampoline_lowered:
0x8: {  	[smem:$0x3FA1] =	sst s0  }
0x9: {  	[smem:$0x3FA2] =	sst s1  }
0xa: {  	[smem:$0x3FA3] =	sst s2  }
0xb: {  	[smem:$0x3FA4] =	sst s3  }
0xc: {  	[smem:$0x3FA5] =	sst s4  }
0xd: {  	[smem:$0x3FA6] =	sst s5  }
0xe: {  	[smem:$0x3FA7] =	sst s6  }
0xf: {  	[smem:$0x3FA8] =	sst s7  }
0x10: {  	[smem:$0x3FA9] =	sst s8  }
0x11: {  	[smem:$0x3FAA] =	sst s9;
	s0 =	simm.s32 @!p0 $0x0  }
0x12: {  	s1 =	sld [smem:$0x3F90];
	s0 =	simm.s32 @p0 $0x1  }
0x13: {  	[smem:$0x3FAB] =	sst s0;
	s0 =	simm.s32 @!p1 $0x0  }
0x14: {  	s2 =	sld [smem:$0x3F8F];
	s0 =	simm.s32 @p1 $0x1  }
0x15: {  	[smem:$0x3FAC] =	sst s0;
	s0 =	simm.s32 @!p2 $0x0  }
0x16: {  	s3 =	sld [smem:$0x3FDB];
	s0 =	simm.s32 @p2 $0x1  }
0x17: {  	s4 =	simm.s32 $0x1BF5;
	[smem:$0x3FAE] =	sst s0  }
0x18: {  	s0 =	sld [smem:$0x3F91];
	_ =	swait.ge [sflag:s4], $0x0  }
0x19: {  	s7 =	sld [smem:$0x3F92]  }
0x1a: {  	s8 =	sadd.s32 $0xFFFFE003, lr  }
0x1b: {  	s9 =	sadd.s32 $0xFFFFFEF7, lr;
	s5 =	simm.s32 $0xFFFFFFFF;
	p2 =	slt.u32 s8, $0xFFFFF086  }
0x1c: {  	p1 =	slt.u32 s9, $0xF7A;
	s5 =	simm.s32 @!p2 $0x0  }
0x1d: {  	s5 =	simm.s32 @p1 $0x1;
	p0 =	seq.s32 s7, s2  }
0x1e: {  	s7 =	smul.u32 @!p0 $0xF7A, s2;
	p2 =	seq.s32 @!p0 s5, $0x0  }
0x1f: {  	s9 =	smul.u32 $0xF7A, s1;
	s8 =	simm.s32 @!p0 $0x1BF5;
	p2 =	por !p2, p0  }
0x20: {  	[sflag:s8] =	ssyncset.s32 @!p0 $0xFFFFF086;
	s6 =	sadd.s32 @!p0 s3, s7;
	s7 =	simm.s32 @!p0 $0x108  }
0x21: {  	s3 =	sadd.s32 s3, s9;
	s6 =	sadd.s32 @!p0 $0x88, s6;
	s7 =	simm.s32 @p2 $0x1082  }
0x22: {  	[simem:s7], [sflag:s8] =	dma.local @!p0 [hbm:s6], $0xF7A  }
0x23: {  	s9 =	sor.u32 $0xD0000000, s2;
	s6 =	simm.s32 $0x108;
	_ =	swait.ge @!p0 [sflag:s8], $0x0  }
0x24: {  	s3 =	sadd.s32 $0x88, s3;
	s6 =	simm.s32 @!p1 $0x1082;
	[sflag:s4] =	ssyncset.s32 $0xFFFFF086  }
0x25: {  	[simem:s6], [sflag:s4] =	dma.local [hbm:s3], $0xF7A  }
0x26: {  	[smem:$0x3F92] =	sst s1;
	(tag) =	ssettag s2;
	_ =	strace s9  }
0x27: {  	s1 =	sld [smem:$0x3FA2]  }
0x28: {  	s2 =	sld [smem:$0x3FA3]  }
0x29: {  	s4 =	sld [smem:$0x3FA5]  }
0x2a: {  	p0 =	seq.s32 s5, $0x0;
	s5 =	sld [smem:$0x3FA6]  }
0x2b: {  	s6 =	sld [smem:$0x3FA7]  }
0x2c: {  	s7 =	sld [smem:$0x3FA8]  }
0x2d: {  	s3 =	simm.s32 $0x108;
	s8 =	sld [smem:$0x3FA9]  }
0x2e: {  	s3 =	simm.s32 @!p0 $0x1082;
	s9 =	sld [smem:$0x3FAA]  }
0x2f: {  	lr =	sadd.s32 s0, s3;
	s0 =	sld [smem:$0x3FA1]  }
0x30: {  	s3 =	sld [smem:$0x3FA4]  }
0x31: {  	[smem:$0x3FAD] =	sst s10  }
0x32: {  	s10 =	sld [smem:$0x3FAB];
	_ =	sdelay $0x3  }
0x33: {  	p0 =	seq.s32 s10, $0x1;
	s10 =	sld [smem:$0x3FAD];
	_ =	sdelay $0x3  }
0x34: {  	[smem:$0x3FAD] =	sst s10  }
0x35: {  	s10 =	sld [smem:$0x3FAC];
	_ =	sdelay $0x3  }
0x36: {  	p1 =	seq.s32 s10, $0x1;
	s10 =	sld [smem:$0x3FAD];
	_ =	sdelay $0x3  }
0x37: {  	[smem:$0x3FAD] =	sst s10  }
0x38: {  	s10 =	sld [smem:$0x3FAE]  }
0x39: {  	_ = 	snop;
	(pc) =	sbr.ind lr, $3  }
0x3a: {  	_ = 	snop  }
0x3b: {  	_ = 	snop  }
0x3c: {  	p2 =	seq.s32 s10, $0x1;
	s10 =	sld [smem:$0x3FAD]  }
0x3d: {  	_ =	shalt  }
0x3e: {  	_ =	shalt  }
0x3f: {  	_ =	shalt  }
0x40: {  	_ =	shalt  }
0x41: {  	_ =	shalt  }
0x42: {  	_ =	shalt  }
0x43: {  	_ =	shalt  }
0x44: {  	_ =	shalt  }
0x45: {  	_ =	shalt  }
0x46: {  	_ =	shalt  }
0x47: {  	_ =	shalt  }
0x48: {  	_ =	shalt  }
0x49: {  	_ =	shalt  }
0x4a: {  	_ =	shalt  }
0x4b: {  	_ =	shalt  }
0x4c: {  	_ =	shalt  }
0x4d: {  	_ =	shalt  }
0x4e: {  	_ =	shalt  }
0x4f: {  	_ =	shalt  }
0x50: {  	_ =	shalt  }
0x51: {  	_ =	shalt  }
0x52: {  	_ =	shalt  }
0x53: {  	_ =	shalt  }
0x54: {  	_ =	shalt  }
0x55: {  	_ =	shalt  }
0x56: {  	_ =	shalt  }
0x57: {  	_ =	shalt  }
0x58: {  	_ =	shalt  }
0x59: {  	_ =	shalt  }
0x5a: {  	_ =	shalt  }
0x5b: {  	_ =	shalt  }
0x5c: {  	_ =	shalt  }
0x5d: {  	_ =	shalt  }
0x5e: {  	_ =	shalt  }
0x5f: {  	_ =	shalt  }
0x60: {  	_ =	shalt  }
0x61: {  	_ =	shalt  }
0x62: {  	_ =	shalt  }
0x63: {  	_ =	shalt  }
0x64: {  	_ =	shalt  }
0x65: {  	_ =	shalt  }
0x66: {  	_ =	shalt  }
0x67: {  	_ =	shalt  }
0x68: {  	_ =	shalt  }
0x69: {  	_ =	shalt  }
0x6a: {  	_ =	shalt  }
0x6b: {  	_ =	shalt  }
0x6c: {  	_ =	shalt  }
0x6d: {  	_ =	shalt  }
0x6e: {  	_ =	shalt  }
0x6f: {  	_ =	shalt  }
0x70: {  	_ =	shalt  }
0x71: {  	_ =	shalt  }
0x72: {  	_ =	shalt  }
0x73: {  	_ =	shalt  }
0x74: {  	_ =	shalt  }
0x75: {  	_ =	shalt  }
0x76: {  	_ =	shalt  }
0x77: {  	_ =	shalt  }
0x78: {  	_ =	shalt  }
0x79: {  	_ =	shalt  }
0x7a: {  	_ =	shalt  }
0x7b: {  	_ =	shalt  }
0x7c: {  	_ =	shalt  }
0x7d: {  	_ =	shalt  }
0x7e: {  	_ =	shalt  }
0x7f: {  	_ =	shalt  }
0x80: {  	_ =	shalt  }
0x81: {  	_ =	shalt  }
0x82: {  	_ =	shalt  }
0x83: {  	_ =	shalt  }
0x84: {  	_ =	shalt  }
0x85: {  	_ =	shalt  }
0x86: {  	_ =	shalt  }
0x87: {  	_ =	shalt  }
.Lfunc_end0:
.L_simem_size_0:
called_computation_lowered:
.L_overlay_start_0:
0x88: {  	s2 =	sld [smem:$0x3FD9]  }
0x89: {  	s3 =	sld [smem:$0x3FFE];
	_ =	sdelay $0x1  }
0x8a: {  	s1 =	srdreg.scid  }
0x8b: {  	s0 =	sand.u32 $0x1, s1  }
0x8c: {  	s17 =	sshll.u32 s0, $0xA;
	s2 =	sadd.s32 s3, s2  }
0x8d: {  	s2 =	sadd.s32 s2, s17  }
0x8e: {  	[smem:$0x3FB9] =	sst s2  }
0x8f: {  	_ = 	snop  }
0x90: {  	(tm) =	ssettm $0x1  }
0x91: {  	s18 =	sld [smem:$0x3FFB];
	_ =	sdelay $0x3  }
0x92: {  	_ =	strace s18  }
0x93: {  	s2 =	sld [smem:$0x3FFC];
	_ =	sdelay $0x3  }
0x94: {  	_ =	strace s2  }
0x95: {  	s2 =	sld [smem:$0x3FFD];
	_ =	sdelay $0x3  }
0x96: {  	_ =	strace s2  }
0x97: {  	_ =	strace $0x8FFFFFFF  }
0x98: {  	s19 =	sld [smem:$0x3FDB];
	_ =	sdelay $0x1  }
0x99: {  	s20 =	simm.s32 $_scs_section_size  }
0x9a: {  	s4 =	simm.s32 $_size__tile_overlayer_lowered;
	s5 =	simm.s32 $_tile_overlayer_lowered  }
0x9b: {  	s6 =	simm.s32 $0x1BFF;
	s21 =	sshll.u32 s5, $0x1;
	s3 =	sadd.s32 s20, s19  }
0x9c: {  	s22 =	simm.s32 $0x0;
	s4 =	sshll.u32 s4, $0x1;
	s5 =	sadd.s32 s21, s3  }
0x9d: {  	[timem:s22], [sflag:s6] =	dma.local [hbm:s5], s4  }
0x9e: {  	_ =	swait.ge [sflag:s6], s4  }
0x9f: {  	s4 =	ssub.s32 $0x0, s4;
	[sflag:s6] =	ssyncset.done $0x0  }
0xa0: {  	[sflag:s6] =	ssyncadd.s32 s4;
	_ =	sdelay $0x1  }
0xa1: {  	s23 =	simm.s32 $0x1B8B  }
0xa2: {  	_ =	swait.ge [sflag:s23], $0x1  }
0xa3: {  	[sflag:s23] =	ssyncset.done $0x0  }
0xa4: {  	[sflag:s23] =	ssyncadd.s32 $0xFFFFFFFF  }
0xa5: {  	s4 =	sld [smem:$0x0]  }
0xa6: {  	s5 =	sand.u32 $0xFFFFFFFE, s1  }
0xa7: {  	p0 =	sne.s32 s1, s5  }
0xa8: {  	s5 =	sshll.u32 @p0 s5, $0xE  }
0xa9: {  	s5 =	sadd.s32 @p0 $0x11B8D, s5;
	s6 =	sshll.u32 @p0 s4, $0x11  }
0xaa: {  	s5 =	sor.u32 @p0 s6, s5  }
0xab: {  	[sflag:s5] =	ssyncadd.remote.s32 @p0 $0x1;
	_ =	sdelay $0x1  }
0xac: {  	s5 =	simm.s32 @p0 $0x1B8D  }
0xad: {  	_ =	swait.eq @p0 [sflag:s5], $0x1  }
0xae: {  	[sflag:s5] =	ssyncadd.s32 @p0 $0xFFFFFFFF  }
0xaf: {  	s6 =	sshll.u32 @!p0 s1, $0xE  }
0xb0: {  	s6 =	sor.u32 @!p0 $0x4000, s6;
	s5 =	simm.s32 @!p0 $0x1B8D  }
0xb1: {  	s4 =	sshll.u32 @!p0 s4, $0x11;
	s6 =	sadd.s32 @!p0 $0x11B8D, s6;
	_ =	swait.eq @!p0 [sflag:s5], $0x1  }
0xb2: {  	s4 =	sor.u32 @!p0 s4, s6;
	[sflag:s5] =	ssyncadd.s32 @!p0 $0xFFFFFFFF  }
0xb3: {  	s25 =	simm.s32 $0x1B8E;
	s24 =	sld [smem:$0x3FFE];
	[sflag:s4] =	ssyncadd.remote.s32 @!p0 $0x1  }
0xb4: {  	s26 =	simm.s32 $execute0_lowered;
	[smem:$0x3FD2] =	sst s25  }
0xb5: {  	s5 =	sshll.u32 s26, $0x1;
	_ =	strace $0x80000049;
	[dreg:$0x1] =	wrdreg $0xFFFFFFFF  }
0xb6: {  	s28 =	simm.s32 $_size_execute0_lowered;
	s3 =	sadd.s32 s3, s5;
	[dreg:$0x0] =	wrdreg $0x0  }
0xb7: {  	s5 =	sshll.u32 s28, $0x1;
	[dreg:$0x2] =	wrdreg s3  }
0xb8: {  	[dreg:$0x3] =	wrdreg s5  }
0xb9: {  	[dreg:$0x4] =	wrdreg $0xC0  }
0xba: {  	_ =	task [dreg:s22], $0x5FFFF  }
0xbb: {  	[dreg:$0x1] =	wrdreg $0xFFFFFFFF  }
0xbc: {  	[dreg:$0x0] =	wrdreg $0x60  }
0xbd: {  	[dreg:$0x2] =	wrdreg s24  }
0xbe: {  	[dreg:$0x3] =	wrdreg $0x14000  }
0xbf: {  	[dreg:$0x4] =	wrdreg $0x9  }
0xc0: {  	_ =	task.clear_ibuf [dreg:s22], $0x5FFFF;
	_ =	strace $0x90000049  }
0xc1: {  	s29 =	simm.s32 $0x9;
	_ =	strace $0x8000004B  }
0xc2: {  	_ =	swait.ge [sflag:s29], $0x1  }
0xc3: {  	[sflag:s29] =	ssyncadd.s32 $0xFFFFFFFF  }
0xc4: {  	_ =	strace $0x9000004B  }
0xc5: {  	_ =	sfence  }
0xc6: {  	s30 =	sld [smem:$0x0];
	_ =	sdelay $0x2  }
0xc7: {  	s31 =	sshll.u32 s1, $0xD;
	s1 =	sshrl.u32 s1, $0x2  }
0xc8: {  	s4 =	sand.u32 $0x4000, s31;
	s1 =	sadd.s32 s1, s30  }
0xc9: {  	s0 =	sor.u32 s4, s0;
	s1 =	sshll.u32 s1, $0x11  }
0xca: {  	s0 =	sor.u32 s1, s0  }
0xcb: {  	s0 =	sadd.s32 $0x8F2B, s0  }
0xcc: {  	[sflag:s0] =	ssyncadd.remote.s32 $0x1  }
0xcd: {  	_ =	sfence.sel $0xFFFF  }
0xce: {  	[dreg:$0x0] =	wrdreg $0xFFFFFFFF;
	(pc) =	sbr.abs _section_cstart, $3  }
0xcf: {  	[dreg:$0x1] =	wrdreg $0xFFFFFFFF  }
0xd0: {  	_ =	task.clear_ibuf [dreg:s22], $0x2FFFF;
	_ =	strace $0x9FFFFFFF  }
0xd1: {  	(tm) =	ssettm $0x7FFFFFFF  }
tec
execute0_lowered:
.L_overlay_start_1:
0x0: {  	(tag) =	ssettag $0x1  }
0x1: {  	s0 =	rddreg [dreg:$0x0];
	s2 =	srdreg.scid  }
0x2: {  	s1 =	simm.s32 $0x0;
	s15 =	stileid.u32;
	s29 =	simm.s32 $0x400  }
0x3: {  	s30 =	simm.s32 $0x1;
	s2 =	sand.u32 $0x1, s2;
	s4 =	smul.u32 $0x5000, s15  }
0x4: {  	s31 =	simm.s32 $0xC00;
	[smem:$0x7FF] =	sst s1;
	s5 =	smul.u32 $0x5000, s2  }
0x5: {  	s6 =	sadd.s32 $0x6F400, s0;
	s3 =	ssub.s32 $0x2, s2;
	s2 =	smul.u32 $0x50000, s2  }
0x6: {  	s7 =	sshrl.u32 s3, $0x1;
	s8 =	sadd.s32 $0x1000, s4;
	s9 =	sadd.s32 $0x1800, s4  }
0x7: {  	s10 =	sadd.s32 $0x2000, s4;
	s11 =	sadd.s32 $0x2800, s4;
	s22 =	sadd.s32 $0x3000, s4  }
0x8: {  	s23 =	sadd.s32 $0x3800, s4;
	s24 =	sadd.s32 $0x4000, s4;
	s25 =	sadd.s32 $0x4800, s4  }
0x9: {  	s3 =	ssub.s32 s3, s7;
	s7 =	sor.u32 $0x800, s4;
	s12 =	sadd.s32 s4, s2  }
0xa: {  	s14 =	sadd.s32 s2, s8;
	s18 =	sadd.s32 s2, s9;
	s19 =	sadd.s32 s2, s10  }
0xb: {  	s20 =	sadd.s32 s2, s11;
	s12 =	sshrl.u32 s12, $0x3;
	s13 =	sadd.s32 s2, s7  }
0xc: {  	s16 =	sshrl.u32 s14, $0x3;
	s21 =	sshrl.u32 s19, $0x3;
	s26 =	sshrl.u32 s20, $0x3  }
0xd: {  	s14 =	sadd.s32 s2, s22;
	s12 =	sadd.s32 s6, s12;
	s13 =	sshrl.u32 s13, $0x3  }
0xe: {  	s17 =	sadd.s32 s6, s16;
	s16 =	sadd.s32 s2, s23;
	[dreg:$0x3] =	wrdreg s12  }
0xf: {  	s12 =	sadd.s32 s6, s13;
	[dreg:$0x5] =	wrdreg s17;
	s13 =	sadd.s32 s6, s26  }
0x10: {  	s17 =	sadd.s32 s2, s24;
	s2 =	sadd.s32 s2, s25;
	s26 =	sadd.s32 s5, s0  }
0x11: {  	s5 =	simm.s32 $0x300;
	[dreg:$0x4] =	wrdreg s12;
	s12 =	sshrl.u32 s18, $0x3  }
0x12: {  	[dreg:$0x8] =	wrdreg s13;
	s19 =	sshrl.u32 s17, $0x3;
	s12 =	sadd.s32 s6, s12  }
0x13: {  	s2 =	sshrl.u32 s2, $0x3;
	s20 =	sadd.s32 s6, s19;
	[dreg:$0x6] =	wrdreg s12  }
0x14: {  	s18 =	sshrl.u32 s16, $0x3;
	s2 =	sadd.s32 s6, s2;
	[dreg:$0xb] =	wrdreg s20  }
0x15: {  	s12 =	sadd.s32 s6, s21;
	s21 =	smul.u32 $0x500, s15;
	[dreg:$0xc] =	wrdreg s2  }
0x16: {  	s15 =	sadd.s32 $0x6F000, s0;
	[dreg:$0x7] =	wrdreg s12;
	s12 =	sshrl.u32 s14, $0x3  }
0x17: {  	s14 =	sadd.s32 $0x6F200, s0;
	s0 =	simm.s32 $0x100;
	s12 =	sadd.s32 s6, s12  }
0x18: {  	s2 =	sadd.s32 s21, s26;
	[dreg:$0x9] =	wrdreg s12;
	s12 =	sadd.s32 s6, s18  }
0x19: {  	s26 =	smax.u32 s3, $0x1;
	s3 =	simm.s32 $0x200;
	[dreg:$0xa] =	wrdreg s12  }
0x1a: {  	s28 =	sadd.s32 $0x14C00, s2;
	s2 =	simm.s32 $0x180;
	s12 =	rddreg [dreg:$0x1]  }
0x1b: {  	s6 =	simm.s32 $0x380;
	_ =	strace $0x8000004A;
	s16 =	sadd.s32 s4, s12  }
0x1c: {  	s17 =	sadd.s32 s7, s12;
	s18 =	sadd.s32 s8, s12;
	s19 =	sadd.s32 s9, s12  }
0x1d: {  	s20 =	sadd.s32 s10, s12;
	s21 =	sadd.s32 s11, s12;
	s22 =	sadd.s32 s22, s12  }
0x1e: {  	s23 =	sadd.s32 s23, s12;
	s24 =	sadd.s32 s24, s12;
	s25 =	sadd.s32 s25, s12  }
0x1f: {  	s11 =	simm.s32 $0x80;
	s4 =	simm.s32 $0x280;
	s7 =	simm.s32 $0x0  }
.LBB2_1:
0x20: {  	[tilespmem:s29], [sflag:$0x1] =	stream.linear.gather [hbm4b:s14+s1], $0x800, $0x38;
	[tilespmem:$0x6400] =	vst v63  }
0x21: {  	_ =	swait.ge [sflag:s30], $0x800  }
0x22: {  	[sflag:s30] =	ssyncset.done $0x0  }
0x23: {  	[sflag:s30] =	ssyncadd.s32 $0xFFFFF800  }
0x24: {  	[tilespmem:s31], [sflag:$0x1] =	stream.linear.gather [hbm4b:s15+s1], $0x800, $0x38;
	[tilespmem:$0x6400] =	vst v63  }
0x25: {  	_ =	swait.ge [sflag:s30], $0x800  }
0x26: {  	[sflag:s30] =	ssyncset.done $0x0  }
0x27: {  	[sflag:s30] =	ssyncadd.s32 $0xFFFFF800  }
0x28: {  	[spmem:s16] =	stream.linear.scatter [tilespmem:s29], [sflag:$0x1], $0x800, $0x38;
	[tilespmem:$0x6400] =	vst v63  }
0x29: {  	_ =	swait.ge [sflag:s30], $0x800  }
0x2a: {  	[sflag:s30] =	ssyncset.done $0x0  }
0x2b: {  	[sflag:s30] =	ssyncadd.s32 $0xFFFFF800  }
0x2c: {  	[spmem:s17] =	stream.linear.scatter [tilespmem:s29], [sflag:$0x1], $0x800, $0x38;
	[tilespmem:$0x6400] =	vst v63  }
0x2d: {  	_ =	swait.ge [sflag:s30], $0x800  }
0x2e: {  	[sflag:s30] =	ssyncset.done $0x0  }
0x2f: {  	[sflag:s30] =	ssyncadd.s32 $0xFFFFF800  }
0x30: {  	[spmem:s18] =	stream.linear.scatter [tilespmem:s29], [sflag:$0x1], $0x800, $0x38;
	[tilespmem:$0x6400] =	vst v63  }
0x31: {  	_ =	swait.ge [sflag:s30], $0x800  }
0x32: {  	[sflag:s30] =	ssyncset.done $0x0  }
0x33: {  	[sflag:s30] =	ssyncadd.s32 $0xFFFFF800  }
0x34: {  	[spmem:s19] =	stream.linear.scatter [tilespmem:s29], [sflag:$0x1], $0x800, $0x38;
	[tilespmem:$0x6400] =	vst v63  }
0x35: {  	_ =	swait.ge [sflag:s30], $0x800  }
0x36: {  	[sflag:s30] =	ssyncset.done $0x0  }
0x37: {  	[sflag:s30] =	ssyncadd.s32 $0xFFFFF800  }
0x38: {  	[spmem:s20] =	stream.linear.scatter [tilespmem:s29], [sflag:$0x1], $0x800, $0x38;
	[tilespmem:$0x6400] =	vst v63  }
0x39: {  	_ =	swait.ge [sflag:s30], $0x800  }
0x3a: {  	[sflag:s30] =	ssyncset.done $0x0  }
0x3b: {  	[sflag:s30] =	ssyncadd.s32 $0xFFFFF800  }
0x3c: {  	[spmem:s21] =	stream.linear.scatter [tilespmem:s29], [sflag:$0x1], $0x800, $0x38;
	[tilespmem:$0x6400] =	vst v63  }
0x3d: {  	_ =	swait.ge [sflag:s30], $0x800  }
0x3e: {  	[sflag:s30] =	ssyncset.done $0x0  }
0x3f: {  	[sflag:s30] =	ssyncadd.s32 $0xFFFFF800  }
0x40: {  	[spmem:s22] =	stream.linear.scatter [tilespmem:s29], [sflag:$0x1], $0x800, $0x38;
	[tilespmem:$0x6400] =	vst v63  }
0x41: {  	_ =	swait.ge [sflag:s30], $0x800  }
0x42: {  	[sflag:s30] =	ssyncset.done $0x0  }
0x43: {  	[sflag:s30] =	ssyncadd.s32 $0xFFFFF800  }
0x44: {  	[spmem:s23] =	stream.linear.scatter [tilespmem:s29], [sflag:$0x1], $0x800, $0x38;
	[tilespmem:$0x6400] =	vst v63  }
0x45: {  	_ =	swait.ge [sflag:s30], $0x800  }
0x46: {  	[sflag:s30] =	ssyncset.done $0x0  }
0x47: {  	[sflag:s30] =	ssyncadd.s32 $0xFFFFF800  }
0x48: {  	[spmem:s24] =	stream.linear.scatter [tilespmem:s29], [sflag:$0x1], $0x800, $0x38;
	[tilespmem:$0x6400] =	vst v63  }
0x49: {  	_ =	swait.ge [sflag:s30], $0x800  }
0x4a: {  	[sflag:s30] =	ssyncset.done $0x0  }
0x4b: {  	[sflag:s30] =	ssyncadd.s32 $0xFFFFF800  }
0x4c: {  	[spmem:s25] =	stream.linear.scatter [tilespmem:s29], [sflag:$0x1], $0x800, $0x38;
	[tilespmem:$0x6400] =	vst v63  }
0x4d: {  	_ =	swait.ge [sflag:s30], $0x800  }
0x4e: {  	[sflag:s30] =	ssyncset.done $0x0  }
0x4f: {  	[sflag:s30] =	ssyncadd.s32 $0xFFFFF800  }
0x50: {  	s8 =	sadd.s32 $0x0, s28;
	[bflag:$0x0] =	sbarrier.arrive $0xFFFF  }
0x51: {  	[tilespmem:s1], [sflag:$0x1] =	stream.linear.gather [hbm4b:s8+s1], $0x400, $0x38;
	[tilespmem:$0x6400] =	vst v63  }
0x52: {  	_ =	swait.ge [sflag:s30], $0x400  }
0x53: {  	[sflag:s30] =	ssyncset.done $0x0  }
0x54: {  	[sflag:s30] =	ssyncadd.s32 $0xFFFFFC00  }
0x55: {  	[spmem:s12] =	stream.indirect.scatter.add.f32 [tilespmem:s31], [sflag:$0x1], $0x10, s1, s11, $0xb8;
	[tilespmem:$0x6400] =	vst v63  }
0x56: {  	_ =	swait.ge [sflag:s30], $0x800  }
0x57: {  	[sflag:s30] =	ssyncset.done $0x0  }
0x58: {  	[sflag:s30] =	ssyncadd.s32 $0xFFFFF800  }
0x59: {  	[spmem:s12] =	stream.indirect.scatter.add.f32 [tilespmem:s31], [sflag:$0x1], $0x10, s11, s11, $0xb8;
	[tilespmem:$0x6400] =	vst v63  }
0x5a: {  	_ =	swait.ge [sflag:s30], $0x800  }
0x5b: {  	[sflag:s30] =	ssyncset.done $0x0  }
0x5c: {  	[sflag:s30] =	ssyncadd.s32 $0xFFFFF800  }
0x5d: {  	[spmem:s12] =	stream.indirect.scatter.add.f32 [tilespmem:s31], [sflag:$0x1], $0x10, s0, s11, $0xb8;
	[tilespmem:$0x6400] =	vst v63  }
0x5e: {  	_ =	swait.ge [sflag:s30], $0x800  }
0x5f: {  	[sflag:s30] =	ssyncset.done $0x0  }
0x60: {  	[sflag:s30] =	ssyncadd.s32 $0xFFFFF800  }
0x61: {  	[spmem:s12] =	stream.indirect.scatter.add.f32 [tilespmem:s31], [sflag:$0x1], $0x10, s2, s11, $0xb8;
	[tilespmem:$0x6400] =	vst v63  }
0x62: {  	_ =	swait.ge [sflag:s30], $0x800  }
0x63: {  	[sflag:s30] =	ssyncset.done $0x0  }
0x64: {  	[sflag:s30] =	ssyncadd.s32 $0xFFFFF800  }
0x65: {  	[spmem:s12] =	stream.indirect.scatter.add.f32 [tilespmem:s31], [sflag:$0x1], $0x10, s3, s11, $0xb8;
	[tilespmem:$0x6400] =	vst v63  }
0x66: {  	_ =	swait.ge [sflag:s30], $0x800  }
0x67: {  	[sflag:s30] =	ssyncset.done $0x0  }
0x68: {  	[sflag:s30] =	ssyncadd.s32 $0xFFFFF800  }
0x69: {  	[spmem:s12] =	stream.indirect.scatter.add.f32 [tilespmem:s31], [sflag:$0x1], $0x10, s4, s11, $0xb8;
	[tilespmem:$0x6400] =	vst v63  }
0x6a: {  	_ =	swait.ge [sflag:s30], $0x800  }
0x6b: {  	[sflag:s30] =	ssyncset.done $0x0  }
0x6c: {  	[sflag:s30] =	ssyncadd.s32 $0xFFFFF800  }
0x6d: {  	[spmem:s12] =	stream.indirect.scatter.add.f32 [tilespmem:s31], [sflag:$0x1], $0x10, s5, s11, $0xb8;
	[tilespmem:$0x6400] =	vst v63  }
0x6e: {  	_ =	swait.ge [sflag:s30], $0x800  }
0x6f: {  	[sflag:s30] =	ssyncset.done $0x0  }
0x70: {  	[sflag:s30] =	ssyncadd.s32 $0xFFFFF800  }
0x71: {  	[spmem:s12] =	stream.indirect.scatter.add.f32 [tilespmem:s31], [sflag:$0x1], $0x10, s6, s11, $0xb8;
	[tilespmem:$0x6400] =	vst v63  }
0x72: {  	_ =	swait.ge [sflag:s30], $0x800  }
0x73: {  	s9 =	simm.s32 $0x100;
	s8 =	simm.s32 $0x80;
	[sflag:s30] =	ssyncset.done $0x0  }
.LBB2_2:
0x74: {  	s13 =	sadd.s32 s8, s28  }
0x75: {  	[sflag:s30] =	ssyncadd.s32 $0xFFFFF800;
	s8 =	smov.u32 s9;
	s10 =	sadd.s32 $0x80, s9  }
0x76: {  	[tilespmem:s1], [sflag:$0x1] =	stream.linear.gather [hbm4b:s13+s1], $0x400, $0x38;
	[tilespmem:$0x6400] =	vst v63  }
0x77: {  	p0 =	sne.s32 s9, $0x480;
	_ =	swait.ge [sflag:s30], $0x400  }
0x78: {  	[sflag:s30] =	ssyncset.done $0x0  }
0x79: {  	[sflag:s30] =	ssyncadd.s32 $0xFFFFFC00  }
0x7a: {  	[spmem:s12] =	stream.indirect.scatter.add.f32 [tilespmem:s31], [sflag:$0x1], $0x10, s1, s11, $0xb8;
	[tilespmem:$0x6400] =	vst v63  }
0x7b: {  	_ =	swait.ge [sflag:s30], $0x800  }
0x7c: {  	[sflag:s30] =	ssyncset.done $0x0  }
0x7d: {  	[sflag:s30] =	ssyncadd.s32 $0xFFFFF800  }
0x7e: {  	[spmem:s12] =	stream.indirect.scatter.add.f32 [tilespmem:s31], [sflag:$0x1], $0x10, s11, s11, $0xb8;
	[tilespmem:$0x6400] =	vst v63  }
0x7f: {  	_ =	swait.ge [sflag:s30], $0x800  }
0x80: {  	[sflag:s30] =	ssyncset.done $0x0  }
0x81: {  	[sflag:s30] =	ssyncadd.s32 $0xFFFFF800  }
0x82: {  	[spmem:s12] =	stream.indirect.scatter.add.f32 [tilespmem:s31], [sflag:$0x1], $0x10, s0, s11, $0xb8;
	[tilespmem:$0x6400] =	vst v63  }
0x83: {  	_ =	swait.ge [sflag:s30], $0x800  }
0x84: {  	[sflag:s30] =	ssyncset.done $0x0  }
0x85: {  	[sflag:s30] =	ssyncadd.s32 $0xFFFFF800  }
0x86: {  	[spmem:s12] =	stream.indirect.scatter.add.f32 [tilespmem:s31], [sflag:$0x1], $0x10, s2, s11, $0xb8;
	[tilespmem:$0x6400] =	vst v63  }
0x87: {  	_ =	swait.ge [sflag:s30], $0x800  }
0x88: {  	[sflag:s30] =	ssyncset.done $0x0  }
0x89: {  	[sflag:s30] =	ssyncadd.s32 $0xFFFFF800  }
0x8a: {  	[spmem:s12] =	stream.indirect.scatter.add.f32 [tilespmem:s31], [sflag:$0x1], $0x10, s3, s11, $0xb8;
	[tilespmem:$0x6400] =	vst v63  }
0x8b: {  	_ =	swait.ge [sflag:s30], $0x800  }
0x8c: {  	[sflag:s30] =	ssyncset.done $0x0  }
0x8d: {  	[sflag:s30] =	ssyncadd.s32 $0xFFFFF800  }
0x8e: {  	[spmem:s12] =	stream.indirect.scatter.add.f32 [tilespmem:s31], [sflag:$0x1], $0x10, s4, s11, $0xb8;
	[tilespmem:$0x6400] =	vst v63  }
0x8f: {  	_ =	swait.ge [sflag:s30], $0x800  }
0x90: {  	[sflag:s30] =	ssyncset.done $0x0  }
0x91: {  	[sflag:s30] =	ssyncadd.s32 $0xFFFFF800  }
0x92: {  	[spmem:s12] =	stream.indirect.scatter.add.f32 [tilespmem:s31], [sflag:$0x1], $0x10, s5, s11, $0xb8;
	[tilespmem:$0x6400] =	vst v63  }
0x93: {  	_ =	swait.ge [sflag:s30], $0x800  }
.Ltmp0:
0x94: {  	[sflag:s30] =	ssyncset.done $0x0;
	(pc) =	sbr.rel @p0 .LBB2_2-.Ltmp0, $4  }
0x95: {  	[sflag:s30] =	ssyncadd.s32 $0xFFFFF800  }
0x96: {  	[spmem:s12] =	stream.indirect.scatter.add.f32 [tilespmem:s31], [sflag:$0x1], $0x10, s6, s11, $0xb8;
	[tilespmem:$0x6400] =	vst v63  }
0x97: {  	_ =	swait.ge [sflag:s30], $0x800  }
0x98: {  	s9 =	smov.u32 s10;
	[sflag:s30] =	ssyncset.done $0x0  }
0x99: {  	s8 =	sadd.s32 s8, s28;
	[sflag:s30] =	ssyncadd.s32 $0xFFFFF800  }
0x9a: {  	[tilespmem:s1], [sflag:$0x1] =	stream.linear.gather [hbm4b:s8+s1], $0x400, $0x38;
	[tilespmem:$0x6400] =	vst v63  }
0x9b: {  	_ =	swait.ge [sflag:s30], $0x400  }
0x9c: {  	[sflag:s30] =	ssyncset.done $0x0  }
0x9d: {  	[sflag:s30] =	ssyncadd.s32 $0xFFFFFC00  }
0x9e: {  	[spmem:s12] =	stream.indirect.scatter.add.f32 [tilespmem:s31], [sflag:$0x1], $0x10, s1, s11, $0xb8;
	[tilespmem:$0x6400] =	vst v63  }
0x9f: {  	_ =	swait.ge [sflag:s30], $0x800  }
0xa0: {  	[sflag:s30] =	ssyncset.done $0x0  }
0xa1: {  	[sflag:s30] =	ssyncadd.s32 $0xFFFFF800  }
0xa2: {  	[spmem:s12] =	stream.indirect.scatter.add.f32 [tilespmem:s31], [sflag:$0x1], $0x10, s11, s11, $0xb8;
	[tilespmem:$0x6400] =	vst v63  }
0xa3: {  	_ =	swait.ge [sflag:s30], $0x800  }
0xa4: {  	[sflag:s30] =	ssyncset.done $0x0  }
0xa5: {  	[sflag:s30] =	ssyncadd.s32 $0xFFFFF800  }
0xa6: {  	[spmem:s12] =	stream.indirect.scatter.add.f32 [tilespmem:s31], [sflag:$0x1], $0x10, s0, s11, $0xb8;
	[tilespmem:$0x6400] =	vst v63  }
0xa7: {  	_ =	swait.ge [sflag:s30], $0x800  }
0xa8: {  	[sflag:s30] =	ssyncset.done $0x0  }
0xa9: {  	[sflag:s30] =	ssyncadd.s32 $0xFFFFF800  }
0xaa: {  	[spmem:s12] =	stream.indirect.scatter.add.f32 [tilespmem:s31], [sflag:$0x1], $0x10, s2, s11, $0xb8;
	[tilespmem:$0x6400] =	vst v63  }
0xab: {  	_ =	swait.ge [sflag:s30], $0x800  }
0xac: {  	[sflag:s30] =	ssyncset.done $0x0  }
0xad: {  	[sflag:s30] =	ssyncadd.s32 $0xFFFFF800  }
0xae: {  	[spmem:s12] =	stream.indirect.scatter.add.f32 [tilespmem:s31], [sflag:$0x1], $0x10, s3, s11, $0xb8;
	[tilespmem:$0x6400] =	vst v63  }
0xaf: {  	_ =	swait.ge [sflag:s30], $0x800  }
0xb0: {  	[sflag:s30] =	ssyncset.done $0x0  }
0xb1: {  	[sflag:s30] =	ssyncadd.s32 $0xFFFFF800  }
0xb2: {  	[spmem:s12] =	stream.indirect.scatter.add.f32 [tilespmem:s31], [sflag:$0x1], $0x10, s4, s11, $0xb8;
	[tilespmem:$0x6400] =	vst v63  }
0xb3: {  	_ =	swait.ge [sflag:s30], $0x800  }
0xb4: {  	[sflag:s30] =	ssyncset.done $0x0  }
0xb5: {  	[sflag:s30] =	ssyncadd.s32 $0xFFFFF800  }
0xb6: {  	[spmem:s12] =	stream.indirect.scatter.add.f32 [tilespmem:s31], [sflag:$0x1], $0x10, s5, s11, $0xb8;
	[tilespmem:$0x6400] =	vst v63  }
0xb7: {  	_ =	swait.ge [sflag:s30], $0x800  }
0xb8: {  	[sflag:s30] =	ssyncset.done $0x0  }
0xb9: {  	[sflag:s30] =	ssyncadd.s32 $0xFFFFF800  }
0xba: {  	[spmem:s12] =	stream.indirect.scatter.add.f32 [tilespmem:s31], [sflag:$0x1], $0x10, s6, s11, $0xb8;
	[tilespmem:$0x6400] =	vst v63  }
0xbb: {  	_ =	swait.ge [sflag:s30], $0x800  }
0xbc: {  	[sflag:s30] =	ssyncset.done $0x0  }
0xbd: {  	[sflag:s30] =	ssyncadd.s32 $0xFFFFF800  }
0xbe: {  	[bflag:$0x0] =	sbarrier.arrive $0xFFFF  }
0xbf: {  	[tilespmem:s29], [sflag:$0x1] =	stream.linear.gather [spmem:s16], $0x800, $0x38;
	[tilespmem:$0x6400] =	vst v63  }
0xc0: {  	_ =	swait.ge [sflag:s30], $0x800  }
0xc1: {  	[sflag:s30] =	ssyncset.done $0x0  }
0xc2: {  	s13 =	rddreg [dreg:$0x3];
	[sflag:s30] =	ssyncadd.s32 $0xFFFFF800  }
0xc3: {  	[hbm4b:s13+s1] =	stream.linear.scatter [tilespmem:s29], [sflag:$0x1], $0x800, $0x38;
	[tilespmem:$0x6400] =	vst v63  }
0xc4: {  	_ =	swait.ge [sflag:s30], $0x800  }
0xc5: {  	[sflag:s30] =	ssyncset.done $0x0  }
0xc6: {  	[sflag:s30] =	ssyncadd.s32 $0xFFFFF800  }
0xc7: {  	[tilespmem:s29], [sflag:$0x1] =	stream.linear.gather [spmem:s17], $0x800, $0x38;
	[tilespmem:$0x6400] =	vst v63  }
0xc8: {  	_ =	swait.ge [sflag:s30], $0x800  }
0xc9: {  	[sflag:s30] =	ssyncset.done $0x0  }
0xca: {  	s9 =	rddreg [dreg:$0x4];
	[sflag:s30] =	ssyncadd.s32 $0xFFFFF800  }
0xcb: {  	[hbm4b:s9+s1] =	stream.linear.scatter [tilespmem:s29], [sflag:$0x1], $0x800, $0x38;
	[tilespmem:$0x6400] =	vst v63  }
0xcc: {  	_ =	swait.ge [sflag:s30], $0x800  }
0xcd: {  	[sflag:s30] =	ssyncset.done $0x0  }
0xce: {  	[sflag:s30] =	ssyncadd.s32 $0xFFFFF800  }
0xcf: {  	[tilespmem:s29], [sflag:$0x1] =	stream.linear.gather [spmem:s18], $0x800, $0x38;
	[tilespmem:$0x6400] =	vst v63  }
0xd0: {  	_ =	swait.ge [sflag:s30], $0x800  }
0xd1: {  	[sflag:s30] =	ssyncset.done $0x0  }
0xd2: {  	s10 =	rddreg [dreg:$0x5];
	[sflag:s30] =	ssyncadd.s32 $0xFFFFF800  }
0xd3: {  	[hbm4b:s10+s1] =	stream.linear.scatter [tilespmem:s29], [sflag:$0x1], $0x800, $0x38;
	[tilespmem:$0x6400] =	vst v63  }
0xd4: {  	_ =	swait.ge [sflag:s30], $0x800  }
0xd5: {  	[sflag:s30] =	ssyncset.done $0x0  }
0xd6: {  	[sflag:s30] =	ssyncadd.s32 $0xFFFFF800  }
0xd7: {  	[tilespmem:s29], [sflag:$0x1] =	stream.linear.gather [spmem:s19], $0x800, $0x38;
	[tilespmem:$0x6400] =	vst v63  }
0xd8: {  	_ =	swait.ge [sflag:s30], $0x800  }
0xd9: {  	[sflag:s30] =	ssyncset.done $0x0  }
0xda: {  	s13 =	rddreg [dreg:$0x6];
	[sflag:s30] =	ssyncadd.s32 $0xFFFFF800  }
0xdb: {  	[hbm4b:s13+s1] =	stream.linear.scatter [tilespmem:s29], [sflag:$0x1], $0x800, $0x38;
	[tilespmem:$0x6400] =	vst v63  }
0xdc: {  	_ =	swait.ge [sflag:s30], $0x800  }
0xdd: {  	[sflag:s30] =	ssyncset.done $0x0  }
0xde: {  	[sflag:s30] =	ssyncadd.s32 $0xFFFFF800  }
0xdf: {  	[tilespmem:s29], [sflag:$0x1] =	stream.linear.gather [spmem:s20], $0x800, $0x38;
	[tilespmem:$0x6400] =	vst v63  }
0xe0: {  	_ =	swait.ge [sflag:s30], $0x800  }
0xe1: {  	[sflag:s30] =	ssyncset.done $0x0  }
0xe2: {  	s9 =	rddreg [dreg:$0x7];
	[sflag:s30] =	ssyncadd.s32 $0xFFFFF800  }
0xe3: {  	[hbm4b:s9+s1] =	stream.linear.scatter [tilespmem:s29], [sflag:$0x1], $0x800, $0x38;
	[tilespmem:$0x6400] =	vst v63  }
0xe4: {  	_ =	swait.ge [sflag:s30], $0x800  }
0xe5: {  	[sflag:s30] =	ssyncset.done $0x0  }
0xe6: {  	[sflag:s30] =	ssyncadd.s32 $0xFFFFF800  }
0xe7: {  	[tilespmem:s29], [sflag:$0x1] =	stream.linear.gather [spmem:s21], $0x800, $0x38;
	[tilespmem:$0x6400] =	vst v63  }
0xe8: {  	_ =	swait.ge [sflag:s30], $0x800  }
0xe9: {  	[sflag:s30] =	ssyncset.done $0x0  }
0xea: {  	s10 =	rddreg [dreg:$0x8];
	[sflag:s30] =	ssyncadd.s32 $0xFFFFF800  }
0xeb: {  	[hbm4b:s10+s1] =	stream.linear.scatter [tilespmem:s29], [sflag:$0x1], $0x800, $0x38;
	[tilespmem:$0x6400] =	vst v63  }
0xec: {  	_ =	swait.ge [sflag:s30], $0x800  }
0xed: {  	[sflag:s30] =	ssyncset.done $0x0  }
0xee: {  	[sflag:s30] =	ssyncadd.s32 $0xFFFFF800  }
0xef: {  	[tilespmem:s29], [sflag:$0x1] =	stream.linear.gather [spmem:s22], $0x800, $0x38;
	[tilespmem:$0x6400] =	vst v63  }
0xf0: {  	_ =	swait.ge [sflag:s30], $0x800  }
0xf1: {  	[sflag:s30] =	ssyncset.done $0x0  }
0xf2: {  	s13 =	rddreg [dreg:$0x9];
	[sflag:s30] =	ssyncadd.s32 $0xFFFFF800  }
0xf3: {  	[hbm4b:s13+s1] =	stream.linear.scatter [tilespmem:s29], [sflag:$0x1], $0x800, $0x38;
	[tilespmem:$0x6400] =	vst v63  }
0xf4: {  	_ =	swait.ge [sflag:s30], $0x800  }
0xf5: {  	[sflag:s30] =	ssyncset.done $0x0  }
0xf6: {  	[sflag:s30] =	ssyncadd.s32 $0xFFFFF800  }
0xf7: {  	[tilespmem:s29], [sflag:$0x1] =	stream.linear.gather [spmem:s23], $0x800, $0x38;
	[tilespmem:$0x6400] =	vst v63  }
0xf8: {  	_ =	swait.ge [sflag:s30], $0x800  }
0xf9: {  	[sflag:s30] =	ssyncset.done $0x0  }
0xfa: {  	s9 =	rddreg [dreg:$0xa];
	[sflag:s30] =	ssyncadd.s32 $0xFFFFF800  }
0xfb: {  	[hbm4b:s9+s1] =	stream.linear.scatter [tilespmem:s29], [sflag:$0x1], $0x800, $0x38;
	[tilespmem:$0x6400] =	vst v63  }
0xfc: {  	_ =	swait.ge [sflag:s30], $0x800  }
0xfd: {  	[sflag:s30] =	ssyncset.done $0x0  }
0xfe: {  	[sflag:s30] =	ssyncadd.s32 $0xFFFFF800  }
0xff: {  	[tilespmem:s29], [sflag:$0x1] =	stream.linear.gather [spmem:s24], $0x800, $0x38;
	[tilespmem:$0x6400] =	vst v63  }
0x100: {  	_ =	swait.ge [sflag:s30], $0x800  }
0x101: {  	[sflag:s30] =	ssyncset.done $0x0  }
0x102: {  	s10 =	rddreg [dreg:$0xb];
	[sflag:s30] =	ssyncadd.s32 $0xFFFFF800  }
0x103: {  	[hbm4b:s10+s1] =	stream.linear.scatter [tilespmem:s29], [sflag:$0x1], $0x800, $0x38;
	[tilespmem:$0x6400] =	vst v63  }
0x104: {  	_ =	swait.ge [sflag:s30], $0x800  }
0x105: {  	[sflag:s30] =	ssyncset.done $0x0  }
0x106: {  	[sflag:s30] =	ssyncadd.s32 $0xFFFFF800  }
0x107: {  	[tilespmem:s29], [sflag:$0x1] =	stream.linear.gather [spmem:s25], $0x800, $0x38;
	[tilespmem:$0x6400] =	vst v63  }
0x108: {  	s7 =	sadd.s32 $0x1, s7;
	_ =	swait.ge [sflag:s30], $0x800  }
0x109: {  	p0 =	sne.s32 s7, s26;
	[sflag:s30] =	ssyncset.done $0x0  }
.Ltmp1:
0x10a: {  	s13 =	rddreg [dreg:$0xc];
	[sflag:s30] =	ssyncadd.s32 $0xFFFFF800;
	(pc) =	sbr.rel @p0 .LBB2_1-.Ltmp1, $4  }
0x10b: {  	[hbm4b:s13+s1] =	stream.linear.scatter [tilespmem:s29], [sflag:$0x1], $0x800, $0x38;
	[tilespmem:$0x6400] =	vst v63  }
0x10c: {  	_ =	swait.ge [sflag:s30], $0x800  }
0x10d: {  	[sflag:s30] =	ssyncset.done $0x0  }
0x10e: {  	[sflag:s30] =	ssyncadd.s32 $0xFFFFF800  }
0x10f: {  	_ =	sfence.sel $0x180000  }
0x110: {  	[bflag:$0x0] =	sbarrier.arrive $0xFFFF  }
0x111: {  	_ =	strace $0x9000004A  }
0x112: {  	s0 =	stileid.u32;
	[bflag:$0x2] =	sbarrier.arrive $0xFFFF  }
0x113: {  	p0 =	sne.s32 s0, $0x0;
	s0 =	rddreg [dreg:$0x2]  }
0x114: {  	s0 =	sadd.s32 @!p0 $0x100000, s0  }
0x115: {  	[sflag:s0] =	ssyncadd.tile.s32 @!p0 $0x1;
	_ =	shalt  }
.Lfunc_end2:
_tile_overlayer_lowered:
.L_overlay_start_2:
0x116: {  	(tag) =	ssettag $0x2  }
0x117: {  	s0 =	rddreg [dreg:$0x0];
	s2 =	stileid.u32  }
0x118: {  	s1 =	rddreg [dreg:$0x1];
	p0 =	sne.s32 s2, $0x0  }
0x119: {  	s3 =	rddreg [dreg:$0x2];
	[bflag:$0x3] =	sbarrier.arrive $0xFFFF;
	s2 =	simm.s32 @!p0 $0x1C01  }
0x11a: {  	[timem:s3], [sflag:s2] =	dma.local @!p0 [hbm:s0], s1  }
0x11b: {  	s0 =	simm.s32 @!p0 $0x1  }
0x11c: {  	_ =	swait.ge @!p0 [sflag:s0], s1  }
0x11d: {  	s1 =	ssub.s32 @!p0 $0x0, s1;
	[sflag:s0] =	ssyncset.done @!p0 $0x0  }
0x11e: {  	[sflag:s0] =	ssyncadd.s32 @!p0 s1  }
0x11f: {  	[bflag:$0x3] =	sbarrier.arrive $0xFFFF  }
0x120: {  	_ =	shalt  }

</sc_bundles>
